<compile_context>
chip_gen: v7x
topology: tpu7x:2x2x1
jax: 0.10.2.dev20260603
libtpu: 0.0.44.dev20260713+nightly
codegen_flags: <defaults>
</compile_context>

<pallas_src>
import functools

import jax
import jax.numpy as jnp
from jax import lax
from jax.experimental import pallas as pl
from jax.experimental.pallas import tpu as pltpu
from jax.experimental.pallas import tpu_sc as plsc

B = 1024
L = 200
D = 128
PADTOK = 0
NC, NS = 2, 16
NW = NC * NS
SEQ_PER_W = B // NW
NBUF = 3
NROUND = SEQ_PER_W // NBUF


@functools.lru_cache(maxsize=1)
def _sc_embed_fn():
  mesh = plsc.VectorSubcoreMesh(
      core_axis_name="c", subcore_axis_name="s", num_cores=NC,
      num_subcores=NS)

  sems = [pltpu.SemaphoreType.DMA for _ in range(2 * NBUF)]

  @functools.partial(
      pl.kernel,
      out_type=jax.ShapeDtypeStruct((B, L, D), jnp.float32),
      mesh=mesh,
      compiler_params=pltpu.CompilerParams(use_tc_tiling_on_sc=True),
      scratch_types=[
          pltpu.VMEM((SEQ_PER_W, L), jnp.int32),
          pltpu.VMEM((L, D), jnp.float32),
          pltpu.VMEM((NBUF, L, D), jnp.float32),
      ] + sems,
  )
  def sc_embed(x_hbm, table_hbm, pe_hbm, out_hbm, idx_v, pe_v, buf_v,
               *all_sems):
    gsem = all_sems[:NBUF]
    osem = all_sems[NBUF:]
    wid = lax.axis_index("s") * NC + lax.axis_index("c")
    base = wid * SEQ_PER_W

    pltpu.sync_copy(x_hbm.at[pl.ds(base, SEQ_PER_W)], idx_v)
    pltpu.sync_copy(pe_hbm, pe_v)

    def gstart(j, b):
      pltpu.async_copy(table_hbm.at[idx_v.at[j, pl.ds(0, 128)]],
                       buf_v.at[b, pl.ds(0, 128)], gsem[b])
      pltpu.async_copy(table_hbm.at[idx_v.at[j, pl.ds(128, 72)]],
                       buf_v.at[b, pl.ds(128, 72)], gsem[b])

    def gwait(b):
      pltpu.make_async_copy(
          table_hbm.at[pl.ds(0, L)], buf_v.at[b], gsem[b]).wait()

    def ostart(j, b):
      pltpu.async_copy(buf_v.at[b], out_hbm.at[base + j], osem[b])

    def owait(b):
      pltpu.make_async_copy(buf_v.at[b], out_hbm.at[0], osem[b]).wait()

    def add_pe(b):
      def rows(r2, carry):
        for u in range(2):
          for c in range(D // 16):
            sl = pl.ds(c * 16, 16)
            buf_v[b, r2 * 2 + u, sl] = (
                buf_v[b, r2 * 2 + u, sl] + pe_v[r2 * 2 + u, sl])
        return carry
      lax.fori_loop(0, L // 2, rows, 0)

    def step(j, b, first, last):
      gwait(b)
      add_pe(b)
      ostart(j, b)
      if not first:
        owait((b + 2) % NBUF)
      if not last:
        gstart(j + 2, (b + 2) % NBUF)

    gstart(0, 0)
    gstart(1, 1)
    step(0, 0, True, False)
    step(1, 1, False, False)

    def round_body(r, carry):
      for i in range(NBUF):
        step(2 + NBUF * r + i, (2 + i) % NBUF, False, False)
      return carry

    lax.fori_loop(0, (SEQ_PER_W - 2) // NBUF - 1, round_body, 0)

    for j in range(SEQ_PER_W - NBUF, SEQ_PER_W):
      step(j, j % NBUF, False, j + 2 >= SEQ_PER_W)
    owait((SEQ_PER_W - 1) % NBUF)

  return sc_embed


def _tc_pad_body(xt_ref, pad_ref):
  xt = xt_ref[...]
  pad_ref[...] = (xt == PADTOK).astype(jnp.int8)[None, None]


def _tc_pad(xt):
  return pl.pallas_call(
      _tc_pad_body,
      in_specs=[pl.BlockSpec((L, B), lambda: (0, 0))],
      out_specs=pl.BlockSpec((1, 1, L, B), lambda: (0, 0, 0, 0)),
      out_shape=jax.ShapeDtypeStruct((1, 1, L, B), jnp.int8),
  )(xt)


@jax.jit
def kernel(x, table, pe):
  pe2 = pe[0, :L]
  emb = _sc_embed_fn()(x, table, pe2)
  pad8 = _tc_pad(x.T)
  pad = lax.transpose(pad8.view(jnp.bool_), (3, 0, 1, 2))
  caus = pad | jnp.triu(jnp.ones((L, L), dtype=bool), k=1)
  return emb, pad, caus

# --- scband reference (transcript-rebuilt; emitter-appended) ---
"""Pipeline reference for scband-embedding-38689065402730 (READ-ONLY COPY).

The authoritative reference and input builder live on the scoring server;
editing this copy changes nothing except your own understanding.
"""

import jax, jax.numpy as jnp
import numpy as np

VOCAB = 100000
DIM = 128
MAX_LEN = 512
B = 1024
L = 200
PAD = 0


def _make_pe():
    pe = np.zeros((MAX_LEN, DIM), dtype=np.float32)
    pos = np.arange(0, MAX_LEN, dtype=np.float32)[:, None]
    divider = np.exp(np.arange(0, DIM, 2).astype(np.float32) * (-np.log(10000.0) / DIM))
    pe[:, 0::2] = np.sin(pos * divider)
    pe[:, 1::2] = np.cos(pos * divider)
    return jnp.asarray(pe[None])  # [1, MAX_LEN, DIM]


def setup_inputs(seed: int = 0) -> dict:
    key = jax.random.key(seed)
    k1, k2 = jax.random.split(key)
    x = jax.random.randint(k1, (B, L), 0, VOCAB, dtype=jnp.int32)
    table = jax.random.normal(k2, (VOCAB, DIM), dtype=jnp.float32)
    # nn.Embedding with padding_idx zeroes the padding row at init
    table = table.at[PAD].set(0.0)
    pe = _make_pe()
    return {"x": x, "table": table, "pe": pe}


def reference(x, table, pe):
    # pad mask: [B, 1, 1, L]
    pad_mask = (x == PAD)[:, None, None, :]
    Lx = x.shape[1]
    causal = jnp.triu(jnp.ones((Lx, Lx), dtype=bool), k=1)
    causal_mask = pad_mask | causal  # [B, 1, L, L]
    emb = jnp.take(table, x, axis=0)  # [B, L, DIM] gather
    emb = emb + pe[:, :Lx]
    return (emb, pad_mask, causal_mask)

if __name__ == "__main__":
    import jax
    _d = setup_inputs()
    print(jax.jit(kernel)(*tuple(_d.values())))

</pallas_src>

<mosaic_0001>
#map = affine_map<(d0, d1) -> (0, 0)>
#map1 = affine_map<(d0, d1) -> (0, 0, 0)>
module attributes {stable_mosaic.version = 14 : i64} {
  func.func @sc_embed(%arg0: i32, %arg1: i32, %arg2: memref<1024x200xi32, #tpu.memory_space<hbm>>, %arg3: memref<100000x128xf32, #tpu.memory_space<hbm>>, %arg4: memref<200x128xf32, #tpu.memory_space<hbm>>, %arg5: memref<1024x200x128xf32, #tpu.memory_space<hbm>>, %arg6: memref<32x200xi32, #tpu.memory_space<vmem>>, %arg7: memref<200x128xf32, #tpu.memory_space<vmem>>, %arg8: memref<3x200x128xf32, #tpu.memory_space<vmem>>, %arg9: memref<!tpu.dma_semaphore, #tpu.memory_space<semaphore_mem>>, %arg10: memref<!tpu.dma_semaphore, #tpu.memory_space<semaphore_mem>>, %arg11: memref<!tpu.dma_semaphore, #tpu.memory_space<semaphore_mem>>, %arg12: memref<!tpu.dma_semaphore, #tpu.memory_space<semaphore_mem>>, %arg13: memref<!tpu.dma_semaphore, #tpu.memory_space<semaphore_mem>>, %arg14: memref<!tpu.dma_semaphore, #tpu.memory_space<semaphore_mem>>) attributes {dimension_semantics = [#tpu.dimension_semantics<core_parallel>, #tpu.dimension_semantics<subcore_parallel>], iteration_bounds = array<i64: 2, 16>, scalar_prefetch = 0 : i64, scratch_operands = 9 : i64, tpu.core_type = #tpu.core_type<sc_vector_subcore>, window_params = [{transform_indices = #map}, {transform_indices = #map}, {transform_indices = #map}, {transform_indices = #map1}]} {
    %mul3A = arith.constant 2 : i32
    %mul3A_0 = arith.muli %arg1, %mul3A : i32
    %add3A = arith.addi %mul3A_0, %arg0 : i32
    %mul3A_1 = arith.constant 32 : i32
    %mul3A_2 = arith.muli %add3A, %mul3A_1 : i32
    "tpu.region"() ({
      %run_scoped3A = tpu.sem_alloc : memref<!tpu.dma_semaphore, #tpu.memory_space<semaphore_mem>>
      %dma_start3A_416 = arith.constant 0 : i32
      %dma_start3A_417 = tpu.memref_slice %arg2[%mul3A_2, %dma_start3A_416] : memref<1024x200xi32, #tpu.memory_space<hbm>> -> memref<32x200xi32, #tpu.memory_space<hbm>>
      %dma_start3A_418 = arith.constant 0 : i32
      %dma_start3A_419 = tpu.memref_slice %arg2[%mul3A_2, %dma_start3A_418] : memref<1024x200xi32, #tpu.memory_space<hbm>> -> memref<32x200xi32, #tpu.memory_space<hbm>>
      tpu.enqueue_dma source(%dma_start3A_419 : memref<32x200xi32, #tpu.memory_space<hbm>>) target(%arg6 : memref<32x200xi32, #tpu.memory_space<vmem>>) target_semaphore(%run_scoped3A : memref<!tpu.dma_semaphore, #tpu.memory_space<semaphore_mem>>)
      %dma_wait3A_420 = arith.constant 0 : i32
      %dma_wait3A_421 = tpu.memref_slice %arg2[%mul3A_2, %dma_wait3A_420] : memref<1024x200xi32, #tpu.memory_space<hbm>> -> memref<32x200xi32, #tpu.memory_space<hbm>>
      %dma_wait3A_422 = arith.constant 0 : i32
      %dma_wait3A_423 = tpu.memref_slice %arg2[%mul3A_2, %dma_wait3A_422] : memref<1024x200xi32, #tpu.memory_space<hbm>> -> memref<32x200xi32, #tpu.memory_space<hbm>>
      tpu.wait_dma2 semaphore(%run_scoped3A : memref<!tpu.dma_semaphore, #tpu.memory_space<semaphore_mem>>) src(%dma_wait3A_423 : memref<32x200xi32, #tpu.memory_space<hbm>>) dst(%arg6 : memref<32x200xi32, #tpu.memory_space<vmem>>)
      tpu.yield
    }) : () -> ()
    "tpu.region"() ({
      %run_scoped3A = tpu.sem_alloc : memref<!tpu.dma_semaphore, #tpu.memory_space<semaphore_mem>>
      tpu.enqueue_dma source(%arg4 : memref<200x128xf32, #tpu.memory_space<hbm>>) target(%arg7 : memref<200x128xf32, #tpu.memory_space<vmem>>) target_semaphore(%run_scoped3A : memref<!tpu.dma_semaphore, #tpu.memory_space<semaphore_mem>>)
      tpu.wait_dma2 semaphore(%run_scoped3A : memref<!tpu.dma_semaphore, #tpu.memory_space<semaphore_mem>>) src(%arg4 : memref<200x128xf32, #tpu.memory_space<hbm>>) dst(%arg7 : memref<200x128xf32, #tpu.memory_space<vmem>>)
      tpu.yield
    }) : () -> ()
    %dma_start3A = arith.constant 0 : i32
    %dma_start3A_3 = arith.constant 0 : i32
    %dma_start3A_4 = arith.constant 0 : i32
    %dma_start3A_5 = arith.constant 0 : i32
    %dma_start3A_6 = tpu.memref_slice %arg8[%dma_start3A_3, %dma_start3A_4, %dma_start3A_5] : memref<3x200x128xf32, #tpu.memory_space<vmem>> -> memref<1x128x128xf32, #tpu.memory_space<vmem>>
    %dma_start3A_7 = tpu.memref_squeeze %dma_start3A_6 : memref<1x128x128xf32, #tpu.memory_space<vmem>> -> memref<128x128xf32, #tpu.memory_space<vmem>>
    %dma_start3A_8 = arith.constant 0 : i32
    %dma_start3A_9 = tpu.memref_slice %arg6[%dma_start3A, %dma_start3A_8] : memref<32x200xi32, #tpu.memory_space<vmem>> -> memref<1x128xi32, #tpu.memory_space<vmem>>
    %dma_start3A_10 = tpu.memref_squeeze %dma_start3A_9 : memref<1x128xi32, #tpu.memory_space<vmem>> -> memref<128xi32, #tpu.memory_space<vmem>>
    %dma_start3A_11 = arith.constant 0 : i32
    %dma_start3A_12 = arith.constant 0 : i32
    %dma_start3A_13 = tpu.memref_slice %arg3[%dma_start3A_11, %dma_start3A_12] : memref<100000x128xf32, #tpu.memory_space<hbm>> -> memref<100000x128xf32, #tpu.memory_space<hbm>>
    tpu.enqueue_indirect_dma source(%dma_start3A_13 : memref<100000x128xf32, #tpu.memory_space<hbm>>) target(%dma_start3A_7 : memref<128x128xf32, #tpu.memory_space<vmem>>) offsets(%dma_start3A_10 : memref<128xi32, #tpu.memory_space<vmem>>) semaphore(%arg9 : memref<!tpu.dma_semaphore, #tpu.memory_space<semaphore_mem>>)
    %dma_start3A_14 = arith.constant 0 : i32
    %dma_start3A_15 = arith.constant 0 : i32
    %dma_start3A_16 = arith.constant 128 : i32
    %dma_start3A_17 = arith.constant 0 : i32
    %dma_start3A_18 = tpu.memref_slice %arg8[%dma_start3A_15, %dma_start3A_16, %dma_start3A_17] : memref<3x200x128xf32, #tpu.memory_space<vmem>> -> memref<1x72x128xf32, #tpu.memory_space<vmem>>
    %dma_start3A_19 = tpu.memref_squeeze %dma_start3A_18 : memref<1x72x128xf32, #tpu.memory_space<vmem>> -> memref<72x128xf32, #tpu.memory_space<vmem>>
    %dma_start3A_20 = arith.constant 128 : i32
    %dma_start3A_21 = tpu.memref_slice %arg6[%dma_start3A_14, %dma_start3A_20] : memref<32x200xi32, #tpu.memory_space<vmem>> -> memref<1x72xi32, #tpu.memory_space<vmem>>
    %dma_start3A_22 = tpu.memref_squeeze %dma_start3A_21 : memref<1x72xi32, #tpu.memory_space<vmem>> -> memref<72xi32, #tpu.memory_space<vmem>>
    %dma_start3A_23 = arith.constant 0 : i32
    %dma_start3A_24 = arith.constant 0 : i32
    %dma_start3A_25 = tpu.memref_slice %arg3[%dma_start3A_23, %dma_start3A_24] : memref<100000x128xf32, #tpu.memory_space<hbm>> -> memref<100000x128xf32, #tpu.memory_space<hbm>>
    tpu.enqueue_indirect_dma source(%dma_start3A_25 : memref<100000x128xf32, #tpu.memory_space<hbm>>) target(%dma_start3A_19 : memref<72x128xf32, #tpu.memory_space<vmem>>) offsets(%dma_start3A_22 : memref<72xi32, #tpu.memory_space<vmem>>) semaphore(%arg9 : memref<!tpu.dma_semaphore, #tpu.memory_space<semaphore_mem>>)
    %dma_start3A_26 = arith.constant 1 : i32
    %dma_start3A_27 = arith.constant 1 : i32
    %dma_start3A_28 = arith.constant 0 : i32
    %dma_start3A_29 = arith.constant 0 : i32
    %dma_start3A_30 = tpu.memref_slice %arg8[%dma_start3A_27, %dma_start3A_28, %dma_start3A_29] : memref<3x200x128xf32, #tpu.memory_space<vmem>> -> memref<1x128x128xf32, #tpu.memory_space<vmem>>
    %dma_start3A_31 = tpu.memref_squeeze %dma_start3A_30 : memref<1x128x128xf32, #tpu.memory_space<vmem>> -> memref<128x128xf32, #tpu.memory_space<vmem>>
    %dma_start3A_32 = arith.constant 0 : i32
    %dma_start3A_33 = tpu.memref_slice %arg6[%dma_start3A_26, %dma_start3A_32] : memref<32x200xi32, #tpu.memory_space<vmem>> -> memref<1x128xi32, #tpu.memory_space<vmem>>
    %dma_start3A_34 = tpu.memref_squeeze %dma_start3A_33 : memref<1x128xi32, #tpu.memory_space<vmem>> -> memref<128xi32, #tpu.memory_space<vmem>>
    %dma_start3A_35 = arith.constant 0 : i32
    %dma_start3A_36 = arith.constant 0 : i32
    %dma_start3A_37 = tpu.memref_slice %arg3[%dma_start3A_35, %dma_start3A_36] : memref<100000x128xf32, #tpu.memory_space<hbm>> -> memref<100000x128xf32, #tpu.memory_space<hbm>>
    tpu.enqueue_indirect_dma source(%dma_start3A_37 : memref<100000x128xf32, #tpu.memory_space<hbm>>) target(%dma_start3A_31 : memref<128x128xf32, #tpu.memory_space<vmem>>) offsets(%dma_start3A_34 : memref<128xi32, #tpu.memory_space<vmem>>) semaphore(%arg10 : memref<!tpu.dma_semaphore, #tpu.memory_space<semaphore_mem>>)
    %dma_start3A_38 = arith.constant 1 : i32
    %dma_start3A_39 = arith.constant 1 : i32
    %dma_start3A_40 = arith.constant 128 : i32
    %dma_start3A_41 = arith.constant 0 : i32
    %dma_start3A_42 = tpu.memref_slice %arg8[%dma_start3A_39, %dma_start3A_40, %dma_start3A_41] : memref<3x200x128xf32, #tpu.memory_space<vmem>> -> memref<1x72x128xf32, #tpu.memory_space<vmem>>
    %dma_start3A_43 = tpu.memref_squeeze %dma_start3A_42 : memref<1x72x128xf32, #tpu.memory_space<vmem>> -> memref<72x128xf32, #tpu.memory_space<vmem>>
    %dma_start3A_44 = arith.constant 128 : i32
    %dma_start3A_45 = tpu.memref_slice %arg6[%dma_start3A_38, %dma_start3A_44] : memref<32x200xi32, #tpu.memory_space<vmem>> -> memref<1x72xi32, #tpu.memory_space<vmem>>
    %dma_start3A_46 = tpu.memref_squeeze %dma_start3A_45 : memref<1x72xi32, #tpu.memory_space<vmem>> -> memref<72xi32, #tpu.memory_space<vmem>>
    %dma_start3A_47 = arith.constant 0 : i32
    %dma_start3A_48 = arith.constant 0 : i32
    %dma_start3A_49 = tpu.memref_slice %arg3[%dma_start3A_47, %dma_start3A_48] : memref<100000x128xf32, #tpu.memory_space<hbm>> -> memref<100000x128xf32, #tpu.memory_space<hbm>>
    tpu.enqueue_indirect_dma source(%dma_start3A_49 : memref<100000x128xf32, #tpu.memory_space<hbm>>) target(%dma_start3A_43 : memref<72x128xf32, #tpu.memory_space<vmem>>) offsets(%dma_start3A_46 : memref<72xi32, #tpu.memory_space<vmem>>) semaphore(%arg10 : memref<!tpu.dma_semaphore, #tpu.memory_space<semaphore_mem>>)
    %dma_wait3A = arith.constant 0 : i32
    %dma_wait3A_50 = arith.constant 0 : i32
    %dma_wait3A_51 = arith.constant 0 : i32
    %dma_wait3A_52 = tpu.memref_slice %arg8[%dma_wait3A, %dma_wait3A_50, %dma_wait3A_51] : memref<3x200x128xf32, #tpu.memory_space<vmem>> -> memref<1x200x128xf32, #tpu.memory_space<vmem>>
    %dma_wait3A_53 = tpu.memref_squeeze %dma_wait3A_52 : memref<1x200x128xf32, #tpu.memory_space<vmem>> -> memref<200x128xf32, #tpu.memory_space<vmem>>
    %dma_wait3A_54 = arith.constant 0 : i32
    %dma_wait3A_55 = arith.constant 0 : i32
    %dma_wait3A_56 = tpu.memref_slice %arg3[%dma_wait3A_54, %dma_wait3A_55] : memref<100000x128xf32, #tpu.memory_space<hbm>> -> memref<200x128xf32, #tpu.memory_space<hbm>>
    %dma_wait3A_57 = arith.constant 0 : i32
    %dma_wait3A_58 = arith.constant 0 : i32
    %dma_wait3A_59 = tpu.memref_slice %arg8[%dma_wait3A, %dma_wait3A_57, %dma_wait3A_58] : memref<3x200x128xf32, #tpu.memory_space<vmem>> -> memref<1x200x128xf32, #tpu.memory_space<vmem>>
    %dma_wait3A_60 = tpu.memref_squeeze %dma_wait3A_59 : memref<1x200x128xf32, #tpu.memory_space<vmem>> -> memref<200x128xf32, #tpu.memory_space<vmem>>
    %dma_wait3A_61 = arith.constant 0 : i32
    %dma_wait3A_62 = arith.constant 0 : i32
    %dma_wait3A_63 = tpu.memref_slice %arg3[%dma_wait3A_61, %dma_wait3A_62] : memref<100000x128xf32, #tpu.memory_space<hbm>> -> memref<200x128xf32, #tpu.memory_space<hbm>>
    tpu.wait_dma2 semaphore(%arg9 : memref<!tpu.dma_semaphore, #tpu.memory_space<semaphore_mem>>) src(%dma_wait3A_63 : memref<200x128xf32, #tpu.memory_space<hbm>>) dst(%dma_wait3A_60 : memref<200x128xf32, #tpu.memory_space<vmem>>)
    %scan3A = arith.constant 0 : i32
    %scan3A_64 = arith.constant 0 : i32
    %scan3A_65 = arith.constant 100 : i32
    %scan3A_66 = arith.addi %scan3A_64, %scan3A_65 : i32
    %scan3A_67 = arith.constant 1 : i32
    scf.for %scan3A_416 = %scan3A_64 to %scan3A_66 step %scan3A_67  : i32 {
      %mul3A_417 = arith.constant 2 : i32
      %mul3A_418 = arith.muli %scan3A_416, %mul3A_417 : i32
      %add3A_419 = arith.constant 0 : i32
      %add3A_420 = arith.addi %mul3A_418, %add3A_419 : i32
      %get3A = arith.constant 0 : i32
      %get3A_421 = arith.index_cast %get3A : i32 to index
      %get3A_422 = arith.index_cast %add3A_420 : i32 to index
      %get3A_423 = arith.constant 0 : index
      %get3A_424 = tpu.vector_load %arg8[%get3A_421, %get3A_422, %get3A_423] {strides = array<i32>} : memref<3x200x128xf32, #tpu.memory_space<vmem>>, vector<1x1x16xf32>,
      %get3A_425 = vector.shape_cast %get3A_424 : vector<1x1x16xf32> to vector<16xf32>
      %mul3A_426 = arith.constant 2 : i32
      %mul3A_427 = arith.muli %scan3A_416, %mul3A_426 : i32
      %add3A_428 = arith.constant 0 : i32
      %add3A_429 = arith.addi %mul3A_427, %add3A_428 : i32
      %get3A_430 = arith.index_cast %add3A_429 : i32 to index
      %get3A_431 = arith.constant 0 : index
      %get3A_432 = tpu.vector_load %arg7[%get3A_430, %get3A_431] {strides = array<i32>} : memref<200x128xf32, #tpu.memory_space<vmem>>, vector<1x16xf32>,
      %get3A_433 = vector.shape_cast %get3A_432 : vector<1x16xf32> to vector<16xf32>
      %add3A_434 = arith.addf %get3A_425, %get3A_433 : vector<16xf32>
      %mul3A_435 = arith.constant 2 : i32
      %mul3A_436 = arith.muli %scan3A_416, %mul3A_435 : i32
      %add3A_437 = arith.constant 0 : i32
      %add3A_438 = arith.addi %mul3A_436, %add3A_437 : i32
      %swap3A = arith.constant 0 : i32
      %swap3A_439 = arith.index_cast %swap3A : i32 to index
      %swap3A_440 = arith.index_cast %add3A_438 : i32 to index
      %swap3A_441 = arith.constant 0 : index
      %swap3A_442 = tpu.vector_load %arg8[%swap3A_439, %swap3A_440, %swap3A_441] {strides = array<i32>} : memref<3x200x128xf32, #tpu.memory_space<vmem>>, vector<1x1x16xf32>,
      %swap3A_443 = vector.shape_cast %swap3A_442 : vector<1x1x16xf32> to vector<16xf32>
      %swap3A_444 = vector.shape_cast %add3A_434 : vector<16xf32> to vector<1x1x16xf32>
      tpu.vector_store %arg8[%swap3A_439, %swap3A_440, %swap3A_441], %swap3A_444 {strides = array<i32>} : memref<3x200x128xf32, #tpu.memory_space<vmem>>, vector<1x1x16xf32>,
      %mul3A_445 = arith.constant 2 : i32
      %mul3A_446 = arith.muli %scan3A_416, %mul3A_445 : i32
      %add3A_447 = arith.constant 0 : i32
      %add3A_448 = arith.addi %mul3A_446, %add3A_447 : i32
      %get3A_449 = arith.constant 0 : i32
      %get3A_450 = arith.index_cast %get3A_449 : i32 to index
      %get3A_451 = arith.index_cast %add3A_448 : i32 to index
      %get3A_452 = arith.constant 16 : index
      %get3A_453 = tpu.vector_load %arg8[%get3A_450, %get3A_451, %get3A_452] {strides = array<i32>} : memref<3x200x128xf32, #tpu.memory_space<vmem>>, vector<1x1x16xf32>,
      %get3A_454 = vector.shape_cast %get3A_453 : vector<1x1x16xf32> to vector<16xf32>
      %mul3A_455 = arith.constant 2 : i32
      %mul3A_456 = arith.muli %scan3A_416, %mul3A_455 : i32
      %add3A_457 = arith.constant 0 : i32
      %add3A_458 = arith.addi %mul3A_456, %add3A_457 : i32
      %get3A_459 = arith.index_cast %add3A_458 : i32 to index
      %get3A_460 = arith.constant 16 : index
      %get3A_461 = tpu.vector_load %arg7[%get3A_459, %get3A_460] {strides = array<i32>} : memref<200x128xf32, #tpu.memory_space<vmem>>, vector<1x16xf32>,
      %get3A_462 = vector.shape_cast %get3A_461 : vector<1x16xf32> to vector<16xf32>
      %add3A_463 = arith.addf %get3A_454, %get3A_462 : vector<16xf32>
      %mul3A_464 = arith.constant 2 : i32
      %mul3A_465 = arith.muli %scan3A_416, %mul3A_464 : i32
      %add3A_466 = arith.constant 0 : i32
      %add3A_467 = arith.addi %mul3A_465, %add3A_466 : i32
      %swap3A_468 = arith.constant 0 : i32
      %swap3A_469 = arith.index_cast %swap3A_468 : i32 to index
      %swap3A_470 = arith.index_cast %add3A_467 : i32 to index
      %swap3A_471 = arith.constant 16 : index
      %swap3A_472 = tpu.vector_load %arg8[%swap3A_469, %swap3A_470, %swap3A_471] {strides = array<i32>} : memref<3x200x128xf32, #tpu.memory_space<vmem>>, vector<1x1x16xf32>,
      %swap3A_473 = vector.shape_cast %swap3A_472 : vector<1x1x16xf32> to vector<16xf32>
      %swap3A_474 = vector.shape_cast %add3A_463 : vector<16xf32> to vector<1x1x16xf32>
      tpu.vector_store %arg8[%swap3A_469, %swap3A_470, %swap3A_471], %swap3A_474 {strides = array<i32>} : memref<3x200x128xf32, #tpu.memory_space<vmem>>, vector<1x1x16xf32>,
      %mul3A_475 = arith.constant 2 : i32
      %mul3A_476 = arith.muli %scan3A_416, %mul3A_475 : i32
      %add3A_477 = arith.constant 0 : i32
      %add3A_478 = arith.addi %mul3A_476, %add3A_477 : i32
      %get3A_479 = arith.constant 0 : i32
      %get3A_480 = arith.index_cast %get3A_479 : i32 to index
      %get3A_481 = arith.index_cast %add3A_478 : i32 to index
      %get3A_482 = arith.constant 32 : index
      %get3A_483 = tpu.vector_load %arg8[%get3A_480, %get3A_481, %get3A_482] {strides = array<i32>} : memref<3x200x128xf32, #tpu.memory_space<vmem>>, vector<1x1x16xf32>,
      %get3A_484 = vector.shape_cast %get3A_483 : vector<1x1x16xf32> to vector<16xf32>
      %mul3A_485 = arith.constant 2 : i32
      %mul3A_486 = arith.muli %scan3A_416, %mul3A_485 : i32
      %add3A_487 = arith.constant 0 : i32
      %add3A_488 = arith.addi %mul3A_486, %add3A_487 : i32
      %get3A_489 = arith.index_cast %add3A_488 : i32 to index
      %get3A_490 = arith.constant 32 : index
      %get3A_491 = tpu.vector_load %arg7[%get3A_489, %get3A_490] {strides = array<i32>} : memref<200x128xf32, #tpu.memory_space<vmem>>, vector<1x16xf32>,
      %get3A_492 = vector.shape_cast %get3A_491 : vector<1x16xf32> to vector<16xf32>
      %add3A_493 = arith.addf %get3A_484, %get3A_492 : vector<16xf32>
      %mul3A_494 = arith.constant 2 : i32
      %mul3A_495 = arith.muli %scan3A_416, %mul3A_494 : i32
      %add3A_496 = arith.constant 0 : i32
      %add3A_497 = arith.addi %mul3A_495, %add3A_496 : i32
      %swap3A_498 = arith.constant 0 : i32
      %swap3A_499 = arith.index_cast %swap3A_498 : i32 to index
      %swap3A_500 = arith.index_cast %add3A_497 : i32 to index
      %swap3A_501 = arith.constant 32 : index
      %swap3A_502 = tpu.vector_load %arg8[%swap3A_499, %swap3A_500, %swap3A_501] {strides = array<i32>} : memref<3x200x128xf32, #tpu.memory_space<vmem>>, vector<1x1x16xf32>,
      %swap3A_503 = vector.shape_cast %swap3A_502 : vector<1x1x16xf32> to vector<16xf32>
      %swap3A_504 = vector.shape_cast %add3A_493 : vector<16xf32> to vector<1x1x16xf32>
      tpu.vector_store %arg8[%swap3A_499, %swap3A_500, %swap3A_501], %swap3A_504 {strides = array<i32>} : memref<3x200x128xf32, #tpu.memory_space<vmem>>, vector<1x1x16xf32>,
      %mul3A_505 = arith.constant 2 : i32
      %mul3A_506 = arith.muli %scan3A_416, %mul3A_505 : i32
      %add3A_507 = arith.constant 0 : i32
      %add3A_508 = arith.addi %mul3A_506, %add3A_507 : i32
      %get3A_509 = arith.constant 0 : i32
      %get3A_510 = arith.index_cast %get3A_509 : i32 to index
      %get3A_511 = arith.index_cast %add3A_508 : i32 to index
      %get3A_512 = arith.constant 48 : index
      %get3A_513 = tpu.vector_load %arg8[%get3A_510, %get3A_511, %get3A_512] {strides = array<i32>} : memref<3x200x128xf32, #tpu.memory_space<vmem>>, vector<1x1x16xf32>,
      %get3A_514 = vector.shape_cast %get3A_513 : vector<1x1x16xf32> to vector<16xf32>
      %mul3A_515 = arith.constant 2 : i32
      %mul3A_516 = arith.muli %scan3A_416, %mul3A_515 : i32
      %add3A_517 = arith.constant 0 : i32
      %add3A_518 = arith.addi %mul3A_516, %add3A_517 : i32
      %get3A_519 = arith.index_cast %add3A_518 : i32 to index
      %get3A_520 = arith.constant 48 : index
      %get3A_521 = tpu.vector_load %arg7[%get3A_519, %get3A_520] {strides = array<i32>} : memref<200x128xf32, #tpu.memory_space<vmem>>, vector<1x16xf32>,
      %get3A_522 = vector.shape_cast %get3A_521 : vector<1x16xf32> to vector<16xf32>
      %add3A_523 = arith.addf %get3A_514, %get3A_522 : vector<16xf32>
      %mul3A_524 = arith.constant 2 : i32
      %mul3A_525 = arith.muli %scan3A_416, %mul3A_524 : i32
      %add3A_526 = arith.constant 0 : i32
      %add3A_527 = arith.addi %mul3A_525, %add3A_526 : i32
      %swap3A_528 = arith.constant 0 : i32
      %swap3A_529 = arith.index_cast %swap3A_528 : i32 to index
      %swap3A_530 = arith.index_cast %add3A_527 : i32 to index
      %swap3A_531 = arith.constant 48 : index
      %swap3A_532 = tpu.vector_load %arg8[%swap3A_529, %swap3A_530, %swap3A_531] {strides = array<i32>} : memref<3x200x128xf32, #tpu.memory_space<vmem>>, vector<1x1x16xf32>,
      %swap3A_533 = vector.shape_cast %swap3A_532 : vector<1x1x16xf32> to vector<16xf32>
      %swap3A_534 = vector.shape_cast %add3A_523 : vector<16xf32> to vector<1x1x16xf32>
      tpu.vector_store %arg8[%swap3A_529, %swap3A_530, %swap3A_531], %swap3A_534 {strides = array<i32>} : memref<3x200x128xf32, #tpu.memory_space<vmem>>, vector<1x1x16xf32>,
      %mul3A_535 = arith.constant 2 : i32
      %mul3A_536 = arith.muli %scan3A_416, %mul3A_535 : i32
      %add3A_537 = arith.constant 0 : i32
      %add3A_538 = arith.addi %mul3A_536, %add3A_537 : i32
      %get3A_539 = arith.constant 0 : i32
      %get3A_540 = arith.index_cast %get3A_539 : i32 to index
      %get3A_541 = arith.index_cast %add3A_538 : i32 to index
      %get3A_542 = arith.constant 64 : index
      %get3A_543 = tpu.vector_load %arg8[%get3A_540, %get3A_541, %get3A_542] {strides = array<i32>} : memref<3x200x128xf32, #tpu.memory_space<vmem>>, vector<1x1x16xf32>,
      %get3A_544 = vector.shape_cast %get3A_543 : vector<1x1x16xf32> to vector<16xf32>
      %mul3A_545 = arith.constant 2 : i32
      %mul3A_546 = arith.muli %scan3A_416, %mul3A_545 : i32
      %add3A_547 = arith.constant 0 : i32
      %add3A_548 = arith.addi %mul3A_546, %add3A_547 : i32
      %get3A_549 = arith.index_cast %add3A_548 : i32 to index
      %get3A_550 = arith.constant 64 : index
      %get3A_551 = tpu.vector_load %arg7[%get3A_549, %get3A_550] {strides = array<i32>} : memref<200x128xf32, #tpu.memory_space<vmem>>, vector<1x16xf32>,
      %get3A_552 = vector.shape_cast %get3A_551 : vector<1x16xf32> to vector<16xf32>
      %add3A_553 = arith.addf %get3A_544, %get3A_552 : vector<16xf32>
      %mul3A_554 = arith.constant 2 : i32
      %mul3A_555 = arith.muli %scan3A_416, %mul3A_554 : i32
      %add3A_556 = arith.constant 0 : i32
      %add3A_557 = arith.addi %mul3A_555, %add3A_556 : i32
      %swap3A_558 = arith.constant 0 : i32
      %swap3A_559 = arith.index_cast %swap3A_558 : i32 to index
      %swap3A_560 = arith.index_cast %add3A_557 : i32 to index
      %swap3A_561 = arith.constant 64 : index
      %swap3A_562 = tpu.vector_load %arg8[%swap3A_559, %swap3A_560, %swap3A_561] {strides = array<i32>} : memref<3x200x128xf32, #tpu.memory_space<vmem>>, vector<1x1x16xf32>,
      %swap3A_563 = vector.shape_cast %swap3A_562 : vector<1x1x16xf32> to vector<16xf32>
      %swap3A_564 = vector.shape_cast %add3A_553 : vector<16xf32> to vector<1x1x16xf32>
      tpu.vector_store %arg8[%swap3A_559, %swap3A_560, %swap3A_561], %swap3A_564 {strides = array<i32>} : memref<3x200x128xf32, #tpu.memory_space<vmem>>, vector<1x1x16xf32>,
      %mul3A_565 = arith.constant 2 : i32
      %mul3A_566 = arith.muli %scan3A_416, %mul3A_565 : i32
      %add3A_567 = arith.constant 0 : i32
      %add3A_568 = arith.addi %mul3A_566, %add3A_567 : i32
      %get3A_569 = arith.constant 0 : i32
      %get3A_570 = arith.index_cast %get3A_569 : i32 to index
      %get3A_571 = arith.index_cast %add3A_568 : i32 to index
      %get3A_572 = arith.constant 80 : index
      %get3A_573 = tpu.vector_load %arg8[%get3A_570, %get3A_571, %get3A_572] {strides = array<i32>} : memref<3x200x128xf32, #tpu.memory_space<vmem>>, vector<1x1x16xf32>,
      %get3A_574 = vector.shape_cast %get3A_573 : vector<1x1x16xf32> to vector<16xf32>
      %mul3A_575 = arith.constant 2 : i32
      %mul3A_576 = arith.muli %scan3A_416, %mul3A_575 : i32
      %add3A_577 = arith.constant 0 : i32
      %add3A_578 = arith.addi %mul3A_576, %add3A_577 : i32
      %get3A_579 = arith.index_cast %add3A_578 : i32 to index
      %get3A_580 = arith.constant 80 : index
      %get3A_581 = tpu.vector_load %arg7[%get3A_579, %get3A_580] {strides = array<i32>} : memref<200x128xf32, #tpu.memory_space<vmem>>, vector<1x16xf32>,
      %get3A_582 = vector.shape_cast %get3A_581 : vector<1x16xf32> to vector<16xf32>
      %add3A_583 = arith.addf %get3A_574, %get3A_582 : vector<16xf32>
      %mul3A_584 = arith.constant 2 : i32
      %mul3A_585 = arith.muli %scan3A_416, %mul3A_584 : i32
      %add3A_586 = arith.constant 0 : i32
      %add3A_587 = arith.addi %mul3A_585, %add3A_586 : i32
      %swap3A_588 = arith.constant 0 : i32
      %swap3A_589 = arith.index_cast %swap3A_588 : i32 to index
      %swap3A_590 = arith.index_cast %add3A_587 : i32 to index
      %swap3A_591 = arith.constant 80 : index
      %swap3A_592 = tpu.vector_load %arg8[%swap3A_589, %swap3A_590, %swap3A_591] {strides = array<i32>} : memref<3x200x128xf32, #tpu.memory_space<vmem>>, vector<1x1x16xf32>,
      %swap3A_593 = vector.shape_cast %swap3A_592 : vector<1x1x16xf32> to vector<16xf32>
      %swap3A_594 = vector.shape_cast %add3A_583 : vector<16xf32> to vector<1x1x16xf32>
      tpu.vector_store %arg8[%swap3A_589, %swap3A_590, %swap3A_591], %swap3A_594 {strides = array<i32>} : memref<3x200x128xf32, #tpu.memory_space<vmem>>, vector<1x1x16xf32>,
      %mul3A_595 = arith.constant 2 : i32
      %mul3A_596 = arith.muli %scan3A_416, %mul3A_595 : i32
      %add3A_597 = arith.constant 0 : i32
      %add3A_598 = arith.addi %mul3A_596, %add3A_597 : i32
      %get3A_599 = arith.constant 0 : i32
      %get3A_600 = arith.index_cast %get3A_599 : i32 to index
      %get3A_601 = arith.index_cast %add3A_598 : i32 to index
      %get3A_602 = arith.constant 96 : index
      %get3A_603 = tpu.vector_load %arg8[%get3A_600, %get3A_601, %get3A_602] {strides = array<i32>} : memref<3x200x128xf32, #tpu.memory_space<vmem>>, vector<1x1x16xf32>,
      %get3A_604 = vector.shape_cast %get3A_603 : vector<1x1x16xf32> to vector<16xf32>
      %mul3A_605 = arith.constant 2 : i32
      %mul3A_606 = arith.muli %scan3A_416, %mul3A_605 : i32
      %add3A_607 = arith.constant 0 : i32
      %add3A_608 = arith.addi %mul3A_606, %add3A_607 : i32
      %get3A_609 = arith.index_cast %add3A_608 : i32 to index
      %get3A_610 = arith.constant 96 : index
      %get3A_611 = tpu.vector_load %arg7[%get3A_609, %get3A_610] {strides = array<i32>} : memref<200x128xf32, #tpu.memory_space<vmem>>, vector<1x16xf32>,
      %get3A_612 = vector.shape_cast %get3A_611 : vector<1x16xf32> to vector<16xf32>
      %add3A_613 = arith.addf %get3A_604, %get3A_612 : vector<16xf32>
      %mul3A_614 = arith.constant 2 : i32
      %mul3A_615 = arith.muli %scan3A_416, %mul3A_614 : i32
      %add3A_616 = arith.constant 0 : i32
      %add3A_617 = arith.addi %mul3A_615, %add3A_616 : i32
      %swap3A_618 = arith.constant 0 : i32
      %swap3A_619 = arith.index_cast %swap3A_618 : i32 to index
      %swap3A_620 = arith.index_cast %add3A_617 : i32 to index
      %swap3A_621 = arith.constant 96 : index
      %swap3A_622 = tpu.vector_load %arg8[%swap3A_619, %swap3A_620, %swap3A_621] {strides = array<i32>} : memref<3x200x128xf32, #tpu.memory_space<vmem>>, vector<1x1x16xf32>,
      %swap3A_623 = vector.shape_cast %swap3A_622 : vector<1x1x16xf32> to vector<16xf32>
      %swap3A_624 = vector.shape_cast %add3A_613 : vector<16xf32> to vector<1x1x16xf32>
      tpu.vector_store %arg8[%swap3A_619, %swap3A_620, %swap3A_621], %swap3A_624 {strides = array<i32>} : memref<3x200x128xf32, #tpu.memory_space<vmem>>, vector<1x1x16xf32>,
      %mul3A_625 = arith.constant 2 : i32
      %mul3A_626 = arith.muli %scan3A_416, %mul3A_625 : i32
      %add3A_627 = arith.constant 0 : i32
      %add3A_628 = arith.addi %mul3A_626, %add3A_627 : i32
      %get3A_629 = arith.constant 0 : i32
      %get3A_630 = arith.index_cast %get3A_629 : i32 to index
      %get3A_631 = arith.index_cast %add3A_628 : i32 to index
      %get3A_632 = arith.constant 112 : index
      %get3A_633 = tpu.vector_load %arg8[%get3A_630, %get3A_631, %get3A_632] {strides = array<i32>} : memref<3x200x128xf32, #tpu.memory_space<vmem>>, vector<1x1x16xf32>,
      %get3A_634 = vector.shape_cast %get3A_633 : vector<1x1x16xf32> to vector<16xf32>
      %mul3A_635 = arith.constant 2 : i32
      %mul3A_636 = arith.muli %scan3A_416, %mul3A_635 : i32
      %add3A_637 = arith.constant 0 : i32
      %add3A_638 = arith.addi %mul3A_636, %add3A_637 : i32
      %get3A_639 = arith.index_cast %add3A_638 : i32 to index
      %get3A_640 = arith.constant 112 : index
      %get3A_641 = tpu.vector_load %arg7[%get3A_639, %get3A_640] {strides = array<i32>} : memref<200x128xf32, #tpu.memory_space<vmem>>, vector<1x16xf32>,
      %get3A_642 = vector.shape_cast %get3A_641 : vector<1x16xf32> to vector<16xf32>
      %add3A_643 = arith.addf %get3A_634, %get3A_642 : vector<16xf32>
      %mul3A_644 = arith.constant 2 : i32
      %mul3A_645 = arith.muli %scan3A_416, %mul3A_644 : i32
      %add3A_646 = arith.constant 0 : i32
      %add3A_647 = arith.addi %mul3A_645, %add3A_646 : i32
      %swap3A_648 = arith.constant 0 : i32
      %swap3A_649 = arith.index_cast %swap3A_648 : i32 to index
      %swap3A_650 = arith.index_cast %add3A_647 : i32 to index
      %swap3A_651 = arith.constant 112 : index
      %swap3A_652 = tpu.vector_load %arg8[%swap3A_649, %swap3A_650, %swap3A_651] {strides = array<i32>} : memref<3x200x128xf32, #tpu.memory_space<vmem>>, vector<1x1x16xf32>,
      %swap3A_653 = vector.shape_cast %swap3A_652 : vector<1x1x16xf32> to vector<16xf32>
      %swap3A_654 = vector.shape_cast %add3A_643 : vector<16xf32> to vector<1x1x16xf32>
      tpu.vector_store %arg8[%swap3A_649, %swap3A_650, %swap3A_651], %swap3A_654 {strides = array<i32>} : memref<3x200x128xf32, #tpu.memory_space<vmem>>, vector<1x1x16xf32>,
      %mul3A_655 = arith.constant 2 : i32
      %mul3A_656 = arith.muli %scan3A_416, %mul3A_655 : i32
      %add3A_657 = arith.constant 1 : i32
      %add3A_658 = arith.addi %mul3A_656, %add3A_657 : i32
      %get3A_659 = arith.constant 0 : i32
      %get3A_660 = arith.index_cast %get3A_659 : i32 to index
      %get3A_661 = arith.index_cast %add3A_658 : i32 to index
      %get3A_662 = arith.constant 0 : index
      %get3A_663 = tpu.vector_load %arg8[%get3A_660, %get3A_661, %get3A_662] {strides = array<i32>} : memref<3x200x128xf32, #tpu.memory_space<vmem>>, vector<1x1x16xf32>,
      %get3A_664 = vector.shape_cast %get3A_663 : vector<1x1x16xf32> to vector<16xf32>
      %mul3A_665 = arith.constant 2 : i32
      %mul3A_666 = arith.muli %scan3A_416, %mul3A_665 : i32
      %add3A_667 = arith.constant 1 : i32
      %add3A_668 = arith.addi %mul3A_666, %add3A_667 : i32
      %get3A_669 = arith.index_cast %add3A_668 : i32 to index
      %get3A_670 = arith.constant 0 : index
      %get3A_671 = tpu.vector_load %arg7[%get3A_669, %get3A_670] {strides = array<i32>} : memref<200x128xf32, #tpu.memory_space<vmem>>, vector<1x16xf32>,
      %get3A_672 = vector.shape_cast %get3A_671 : vector<1x16xf32> to vector<16xf32>
      %add3A_673 = arith.addf %get3A_664, %get3A_672 : vector<16xf32>
      %mul3A_674 = arith.constant 2 : i32
      %mul3A_675 = arith.muli %scan3A_416, %mul3A_674 : i32
      %add3A_676 = arith.constant 1 : i32
      %add3A_677 = arith.addi %mul3A_675, %add3A_676 : i32
      %swap3A_678 = arith.constant 0 : i32
      %swap3A_679 = arith.index_cast %swap3A_678 : i32 to index
      %swap3A_680 = arith.index_cast %add3A_677 : i32 to index
      %swap3A_681 = arith.constant 0 : index
      %swap3A_682 = tpu.vector_load %arg8[%swap3A_679, %swap3A_680, %swap3A_681] {strides = array<i32>} : memref<3x200x128xf32, #tpu.memory_space<vmem>>, vector<1x1x16xf32>,
      %swap3A_683 = vector.shape_cast %swap3A_682 : vector<1x1x16xf32> to vector<16xf32>
      %swap3A_684 = vector.shape_cast %add3A_673 : vector<16xf32> to vector<1x1x16xf32>
      tpu.vector_store %arg8[%swap3A_679, %swap3A_680, %swap3A_681], %swap3A_684 {strides = array<i32>} : memref<3x200x128xf32, #tpu.memory_space<vmem>>, vector<1x1x16xf32>,
      %mul3A_685 = arith.constant 2 : i32
      %mul3A_686 = arith.muli %scan3A_416, %mul3A_685 : i32
      %add3A_687 = arith.constant 1 : i32
      %add3A_688 = arith.addi %mul3A_686, %add3A_687 : i32
      %get3A_689 = arith.constant 0 : i32
      %get3A_690 = arith.index_cast %get3A_689 : i32 to index
      %get3A_691 = arith.index_cast %add3A_688 : i32 to index
      %get3A_692 = arith.constant 16 : index
      %get3A_693 = tpu.vector_load %arg8[%get3A_690, %get3A_691, %get3A_692] {strides = array<i32>} : memref<3x200x128xf32, #tpu.memory_space<vmem>>, vector<1x1x16xf32>,
      %get3A_694 = vector.shape_cast %get3A_693 : vector<1x1x16xf32> to vector<16xf32>
      %mul3A_695 = arith.constant 2 : i32
      %mul3A_696 = arith.muli %scan3A_416, %mul3A_695 : i32
      %add3A_697 = arith.constant 1 : i32
      %add3A_698 = arith.addi %mul3A_696, %add3A_697 : i32
      %get3A_699 = arith.index_cast %add3A_698 : i32 to index
      %get3A_700 = arith.constant 16 : index
      %get3A_701 = tpu.vector_load %arg7[%get3A_699, %get3A_700] {strides = array<i32>} : memref<200x128xf32, #tpu.memory_space<vmem>>, vector<1x16xf32>,
      %get3A_702 = vector.shape_cast %get3A_701 : vector<1x16xf32> to vector<16xf32>
      %add3A_703 = arith.addf %get3A_694, %get3A_702 : vector<16xf32>
      %mul3A_704 = arith.constant 2 : i32
      %mul3A_705 = arith.muli %scan3A_416, %mul3A_704 : i32
      %add3A_706 = arith.constant 1 : i32
      %add3A_707 = arith.addi %mul3A_705, %add3A_706 : i32
      %swap3A_708 = arith.constant 0 : i32
      %swap3A_709 = arith.index_cast %swap3A_708 : i32 to index
      %swap3A_710 = arith.index_cast %add3A_707 : i32 to index
      %swap3A_711 = arith.constant 16 : index
      %swap3A_712 = tpu.vector_load %arg8[%swap3A_709, %swap3A_710, %swap3A_711] {strides = array<i32>} : memref<3x200x128xf32, #tpu.memory_space<vmem>>, vector<1x1x16xf32>,
      %swap3A_713 = vector.shape_cast %swap3A_712 : vector<1x1x16xf32> to vector<16xf32>
      %swap3A_714 = vector.shape_cast %add3A_703 : vector<16xf32> to vector<1x1x16xf32>
      tpu.vector_store %arg8[%swap3A_709, %swap3A_710, %swap3A_711], %swap3A_714 {strides = array<i32>} : memref<3x200x128xf32, #tpu.memory_space<vmem>>, vector<1x1x16xf32>,
      %mul3A_715 = arith.constant 2 : i32
      %mul3A_716 = arith.muli %scan3A_416, %mul3A_715 : i32
      %add3A_717 = arith.constant 1 : i32
      %add3A_718 = arith.addi %mul3A_716, %add3A_717 : i32
      %get3A_719 = arith.constant 0 : i32
      %get3A_720 = arith.index_cast %get3A_719 : i32 to index
      %get3A_721 = arith.index_cast %add3A_718 : i32 to index
      %get3A_722 = arith.constant 32 : index
      %get3A_723 = tpu.vector_load %arg8[%get3A_720, %get3A_721, %get3A_722] {strides = array<i32>} : memref<3x200x128xf32, #tpu.memory_space<vmem>>, vector<1x1x16xf32>,
      %get3A_724 = vector.shape_cast %get3A_723 : vector<1x1x16xf32> to vector<16xf32>
      %mul3A_725 = arith.constant 2 : i32
      %mul3A_726 = arith.muli %scan3A_416, %mul3A_725 : i32
      %add3A_727 = arith.constant 1 : i32
      %add3A_728 = arith.addi %mul3A_726, %add3A_727 : i32
      %get3A_729 = arith.index_cast %add3A_728 : i32 to index
      %get3A_730 = arith.constant 32 : index
      %get3A_731 = tpu.vector_load %arg7[%get3A_729, %get3A_730] {strides = array<i32>} : memref<200x128xf32, #tpu.memory_space<vmem>>, vector<1x16xf32>,
      %get3A_732 = vector.shape_cast %get3A_731 : vector<1x16xf32> to vector<16xf32>
      %add3A_733 = arith.addf %get3A_724, %get3A_732 : vector<16xf32>
      %mul3A_734 = arith.constant 2 : i32
      %mul3A_735 = arith.muli %scan3A_416, %mul3A_734 : i32
      %add3A_736 = arith.constant 1 : i32
      %add3A_737 = arith.addi %mul3A_735, %add3A_736 : i32
      %swap3A_738 = arith.constant 0 : i32
      %swap3A_739 = arith.index_cast %swap3A_738 : i32 to index
      %swap3A_740 = arith.index_cast %add3A_737 : i32 to index
      %swap3A_741 = arith.constant 32 : index
      %swap3A_742 = tpu.vector_load %arg8[%swap3A_739, %swap3A_740, %swap3A_741] {strides = array<i32>} : memref<3x200x128xf32, #tpu.memory_space<vmem>>, vector<1x1x16xf32>,
      %swap3A_743 = vector.shape_cast %swap3A_742 : vector<1x1x16xf32> to vector<16xf32>
      %swap3A_744 = vector.shape_cast %add3A_733 : vector<16xf32> to vector<1x1x16xf32>
      tpu.vector_store %arg8[%swap3A_739, %swap3A_740, %swap3A_741], %swap3A_744 {strides = array<i32>} : memref<3x200x128xf32, #tpu.memory_space<vmem>>, vector<1x1x16xf32>,
      %mul3A_745 = arith.constant 2 : i32
      %mul3A_746 = arith.muli %scan3A_416, %mul3A_745 : i32
      %add3A_747 = arith.constant 1 : i32
      %add3A_748 = arith.addi %mul3A_746, %add3A_747 : i32
      %get3A_749 = arith.constant 0 : i32
      %get3A_750 = arith.index_cast %get3A_749 : i32 to index
      %get3A_751 = arith.index_cast %add3A_748 : i32 to index
      %get3A_752 = arith.constant 48 : index
      %get3A_753 = tpu.vector_load %arg8[%get3A_750, %get3A_751, %get3A_752] {strides = array<i32>} : memref<3x200x128xf32, #tpu.memory_space<vmem>>, vector<1x1x16xf32>,
      %get3A_754 = vector.shape_cast %get3A_753 : vector<1x1x16xf32> to vector<16xf32>
      %mul3A_755 = arith.constant 2 : i32
      %mul3A_756 = arith.muli %scan3A_416, %mul3A_755 : i32
      %add3A_757 = arith.constant 1 : i32
      %add3A_758 = arith.addi %mul3A_756, %add3A_757 : i32
      %get3A_759 = arith.index_cast %add3A_758 : i32 to index
      %get3A_760 = arith.constant 48 : index
      %get3A_761 = tpu.vector_load %arg7[%get3A_759, %get3A_760] {strides = array<i32>} : memref<200x128xf32, #tpu.memory_space<vmem>>, vector<1x16xf32>,
      %get3A_762 = vector.shape_cast %get3A_761 : vector<1x16xf32> to vector<16xf32>
      %add3A_763 = arith.addf %get3A_754, %get3A_762 : vector<16xf32>
      %mul3A_764 = arith.constant 2 : i32
      %mul3A_765 = arith.muli %scan3A_416, %mul3A_764 : i32
      %add3A_766 = arith.constant 1 : i32
      %add3A_767 = arith.addi %mul3A_765, %add3A_766 : i32
      %swap3A_768 = arith.constant 0 : i32
      %swap3A_769 = arith.index_cast %swap3A_768 : i32 to index
      %swap3A_770 = arith.index_cast %add3A_767 : i32 to index
      %swap3A_771 = arith.constant 48 : index
      %swap3A_772 = tpu.vector_load %arg8[%swap3A_769, %swap3A_770, %swap3A_771] {strides = array<i32>} : memref<3x200x128xf32, #tpu.memory_space<vmem>>, vector<1x1x16xf32>,
      %swap3A_773 = vector.shape_cast %swap3A_772 : vector<1x1x16xf32> to vector<16xf32>
      %swap3A_774 = vector.shape_cast %add3A_763 : vector<16xf32> to vector<1x1x16xf32>
      tpu.vector_store %arg8[%swap3A_769, %swap3A_770, %swap3A_771], %swap3A_774 {strides = array<i32>} : memref<3x200x128xf32, #tpu.memory_space<vmem>>, vector<1x1x16xf32>,
      %mul3A_775 = arith.constant 2 : i32
      %mul3A_776 = arith.muli %scan3A_416, %mul3A_775 : i32
      %add3A_777 = arith.constant 1 : i32
      %add3A_778 = arith.addi %mul3A_776, %add3A_777 : i32
      %get3A_779 = arith.constant 0 : i32
      %get3A_780 = arith.index_cast %get3A_779 : i32 to index
      %get3A_781 = arith.index_cast %add3A_778 : i32 to index
      %get3A_782 = arith.constant 64 : index
      %get3A_783 = tpu.vector_load %arg8[%get3A_780, %get3A_781, %get3A_782] {strides = array<i32>} : memref<3x200x128xf32, #tpu.memory_space<vmem>>, vector<1x1x16xf32>,
      %get3A_784 = vector.shape_cast %get3A_783 : vector<1x1x16xf32> to vector<16xf32>
      %mul3A_785 = arith.constant 2 : i32
      %mul3A_786 = arith.muli %scan3A_416, %mul3A_785 : i32
      %add3A_787 = arith.constant 1 : i32
      %add3A_788 = arith.addi %mul3A_786, %add3A_787 : i32
      %get3A_789 = arith.index_cast %add3A_788 : i32 to index
      %get3A_790 = arith.constant 64 : index
      %get3A_791 = tpu.vector_load %arg7[%get3A_789, %get3A_790] {strides = array<i32>} : memref<200x128xf32, #tpu.memory_space<vmem>>, vector<1x16xf32>,
      %get3A_792 = vector.shape_cast %get3A_791 : vector<1x16xf32> to vector<16xf32>
      %add3A_793 = arith.addf %get3A_784, %get3A_792 : vector<16xf32>
      %mul3A_794 = arith.constant 2 : i32
      %mul3A_795 = arith.muli %scan3A_416, %mul3A_794 : i32
      %add3A_796 = arith.constant 1 : i32
      %add3A_797 = arith.addi %mul3A_795, %add3A_796 : i32
      %swap3A_798 = arith.constant 0 : i32
      %swap3A_799 = arith.index_cast %swap3A_798 : i32 to index
      %swap3A_800 = arith.index_cast %add3A_797 : i32 to index
      %swap3A_801 = arith.constant 64 : index
      %swap3A_802 = tpu.vector_load %arg8[%swap3A_799, %swap3A_800, %swap3A_801] {strides = array<i32>} : memref<3x200x128xf32, #tpu.memory_space<vmem>>, vector<1x1x16xf32>,
      %swap3A_803 = vector.shape_cast %swap3A_802 : vector<1x1x16xf32> to vector<16xf32>
      %swap3A_804 = vector.shape_cast %add3A_793 : vector<16xf32> to vector<1x1x16xf32>
      tpu.vector_store %arg8[%swap3A_799, %swap3A_800, %swap3A_801], %swap3A_804 {strides = array<i32>} : memref<3x200x128xf32, #tpu.memory_space<vmem>>, vector<1x1x16xf32>,
      %mul3A_805 = arith.constant 2 : i32
      %mul3A_806 = arith.muli %scan3A_416, %mul3A_805 : i32
      %add3A_807 = arith.constant 1 : i32
      %add3A_808 = arith.addi %mul3A_806, %add3A_807 : i32
      %get3A_809 = arith.constant 0 : i32
      %get3A_810 = arith.index_cast %get3A_809 : i32 to index
      %get3A_811 = arith.index_cast %add3A_808 : i32 to index
      %get3A_812 = arith.constant 80 : index
      %get3A_813 = tpu.vector_load %arg8[%get3A_810, %get3A_811, %get3A_812] {strides = array<i32>} : memref<3x200x128xf32, #tpu.memory_space<vmem>>, vector<1x1x16xf32>,
      %get3A_814 = vector.shape_cast %get3A_813 : vector<1x1x16xf32> to vector<16xf32>
      %mul3A_815 = arith.constant 2 : i32
      %mul3A_816 = arith.muli %scan3A_416, %mul3A_815 : i32
      %add3A_817 = arith.constant 1 : i32
      %add3A_818 = arith.addi %mul3A_816, %add3A_817 : i32
      %get3A_819 = arith.index_cast %add3A_818 : i32 to index
      %get3A_820 = arith.constant 80 : index
      %get3A_821 = tpu.vector_load %arg7[%get3A_819, %get3A_820] {strides = array<i32>} : memref<200x128xf32, #tpu.memory_space<vmem>>, vector<1x16xf32>,
      %get3A_822 = vector.shape_cast %get3A_821 : vector<1x16xf32> to vector<16xf32>
      %add3A_823 = arith.addf %get3A_814, %get3A_822 : vector<16xf32>
      %mul3A_824 = arith.constant 2 : i32
      %mul3A_825 = arith.muli %scan3A_416, %mul3A_824 : i32
      %add3A_826 = arith.constant 1 : i32
      %add3A_827 = arith.addi %mul3A_825, %add3A_826 : i32
      %swap3A_828 = arith.constant 0 : i32
      %swap3A_829 = arith.index_cast %swap3A_828 : i32 to index
      %swap3A_830 = arith.index_cast %add3A_827 : i32 to index
      %swap3A_831 = arith.constant 80 : index
      %swap3A_832 = tpu.vector_load %arg8[%swap3A_829, %swap3A_830, %swap3A_831] {strides = array<i32>} : memref<3x200x128xf32, #tpu.memory_space<vmem>>, vector<1x1x16xf32>,
      %swap3A_833 = vector.shape_cast %swap3A_832 : vector<1x1x16xf32> to vector<16xf32>
      %swap3A_834 = vector.shape_cast %add3A_823 : vector<16xf32> to vector<1x1x16xf32>
      tpu.vector_store %arg8[%swap3A_829, %swap3A_830, %swap3A_831], %swap3A_834 {strides = array<i32>} : memref<3x200x128xf32, #tpu.memory_space<vmem>>, vector<1x1x16xf32>,
      %mul3A_835 = arith.constant 2 : i32
      %mul3A_836 = arith.muli %scan3A_416, %mul3A_835 : i32
      %add3A_837 = arith.constant 1 : i32
      %add3A_838 = arith.addi %mul3A_836, %add3A_837 : i32
      %get3A_839 = arith.constant 0 : i32
      %get3A_840 = arith.index_cast %get3A_839 : i32 to index
      %get3A_841 = arith.index_cast %add3A_838 : i32 to index
      %get3A_842 = arith.constant 96 : index
      %get3A_843 = tpu.vector_load %arg8[%get3A_840, %get3A_841, %get3A_842] {strides = array<i32>} : memref<3x200x128xf32, #tpu.memory_space<vmem>>, vector<1x1x16xf32>,
      %get3A_844 = vector.shape_cast %get3A_843 : vector<1x1x16xf32> to vector<16xf32>
      %mul3A_845 = arith.constant 2 : i32
      %mul3A_846 = arith.muli %scan3A_416, %mul3A_845 : i32
      %add3A_847 = arith.constant 1 : i32
      %add3A_848 = arith.addi %mul3A_846, %add3A_847 : i32
      %get3A_849 = arith.index_cast %add3A_848 : i32 to index
      %get3A_850 = arith.constant 96 : index
      %get3A_851 = tpu.vector_load %arg7[%get3A_849, %get3A_850] {strides = array<i32>} : memref<200x128xf32, #tpu.memory_space<vmem>>, vector<1x16xf32>,
      %get3A_852 = vector.shape_cast %get3A_851 : vector<1x16xf32> to vector<16xf32>
      %add3A_853 = arith.addf %get3A_844, %get3A_852 : vector<16xf32>
      %mul3A_854 = arith.constant 2 : i32
      %mul3A_855 = arith.muli %scan3A_416, %mul3A_854 : i32
      %add3A_856 = arith.constant 1 : i32
      %add3A_857 = arith.addi %mul3A_855, %add3A_856 : i32
      %swap3A_858 = arith.constant 0 : i32
      %swap3A_859 = arith.index_cast %swap3A_858 : i32 to index
      %swap3A_860 = arith.index_cast %add3A_857 : i32 to index
      %swap3A_861 = arith.constant 96 : index
      %swap3A_862 = tpu.vector_load %arg8[%swap3A_859, %swap3A_860, %swap3A_861] {strides = array<i32>} : memref<3x200x128xf32, #tpu.memory_space<vmem>>, vector<1x1x16xf32>,
      %swap3A_863 = vector.shape_cast %swap3A_862 : vector<1x1x16xf32> to vector<16xf32>
      %swap3A_864 = vector.shape_cast %add3A_853 : vector<16xf32> to vector<1x1x16xf32>
      tpu.vector_store %arg8[%swap3A_859, %swap3A_860, %swap3A_861], %swap3A_864 {strides = array<i32>} : memref<3x200x128xf32, #tpu.memory_space<vmem>>, vector<1x1x16xf32>,
      %mul3A_865 = arith.constant 2 : i32
      %mul3A_866 = arith.muli %scan3A_416, %mul3A_865 : i32
      %add3A_867 = arith.constant 1 : i32
      %add3A_868 = arith.addi %mul3A_866, %add3A_867 : i32
      %get3A_869 = arith.constant 0 : i32
      %get3A_870 = arith.index_cast %get3A_869 : i32 to index
      %get3A_871 = arith.index_cast %add3A_868 : i32 to index
      %get3A_872 = arith.constant 112 : index
      %get3A_873 = tpu.vector_load %arg8[%get3A_870, %get3A_871, %get3A_872] {strides = array<i32>} : memref<3x200x128xf32, #tpu.memory_space<vmem>>, vector<1x1x16xf32>,
      %get3A_874 = vector.shape_cast %get3A_873 : vector<1x1x16xf32> to vector<16xf32>
      %mul3A_875 = arith.constant 2 : i32
      %mul3A_876 = arith.muli %scan3A_416, %mul3A_875 : i32
      %add3A_877 = arith.constant 1 : i32
      %add3A_878 = arith.addi %mul3A_876, %add3A_877 : i32
      %get3A_879 = arith.index_cast %add3A_878 : i32 to index
      %get3A_880 = arith.constant 112 : index
      %get3A_881 = tpu.vector_load %arg7[%get3A_879, %get3A_880] {strides = array<i32>} : memref<200x128xf32, #tpu.memory_space<vmem>>, vector<1x16xf32>,
      %get3A_882 = vector.shape_cast %get3A_881 : vector<1x16xf32> to vector<16xf32>
      %add3A_883 = arith.addf %get3A_874, %get3A_882 : vector<16xf32>
      %mul3A_884 = arith.constant 2 : i32
      %mul3A_885 = arith.muli %scan3A_416, %mul3A_884 : i32
      %add3A_886 = arith.constant 1 : i32
      %add3A_887 = arith.addi %mul3A_885, %add3A_886 : i32
      %swap3A_888 = arith.constant 0 : i32
      %swap3A_889 = arith.index_cast %swap3A_888 : i32 to index
      %swap3A_890 = arith.index_cast %add3A_887 : i32 to index
      %swap3A_891 = arith.constant 112 : index
      %swap3A_892 = tpu.vector_load %arg8[%swap3A_889, %swap3A_890, %swap3A_891] {strides = array<i32>} : memref<3x200x128xf32, #tpu.memory_space<vmem>>, vector<1x1x16xf32>,
      %swap3A_893 = vector.shape_cast %swap3A_892 : vector<1x1x16xf32> to vector<16xf32>
      %swap3A_894 = vector.shape_cast %add3A_883 : vector<16xf32> to vector<1x1x16xf32>
      tpu.vector_store %arg8[%swap3A_889, %swap3A_890, %swap3A_891], %swap3A_894 {strides = array<i32>} : memref<3x200x128xf32, #tpu.memory_space<vmem>>, vector<1x1x16xf32>,
    }
    %scan3A_68 = arith.constant 100 : i32
    %add3A_69 = arith.constant 0 : i32
    %add3A_70 = arith.addi %mul3A_2, %add3A_69 : i32
    %dma_start3A_71 = arith.constant 0 : i32
    %dma_start3A_72 = arith.constant 0 : i32
    %dma_start3A_73 = arith.constant 0 : i32
    %dma_start3A_74 = tpu.memref_slice %arg8[%dma_start3A_71, %dma_start3A_72, %dma_start3A_73] : memref<3x200x128xf32, #tpu.memory_space<vmem>> -> memref<1x200x128xf32, #tpu.memory_space<vmem>>
    %dma_start3A_75 = tpu.memref_squeeze %dma_start3A_74 : memref<1x200x128xf32, #tpu.memory_space<vmem>> -> memref<200x128xf32, #tpu.memory_space<vmem>>
    %dma_start3A_76 = arith.constant 0 : i32
    %dma_start3A_77 = arith.constant 0 : i32
    %dma_start3A_78 = tpu.memref_slice %arg5[%add3A_70, %dma_start3A_76, %dma_start3A_77] : memref<1024x200x128xf32, #tpu.memory_space<hbm>> -> memref<1x200x128xf32, #tpu.memory_space<hbm>>
    %dma_start3A_79 = tpu.memref_squeeze %dma_start3A_78 : memref<1x200x128xf32, #tpu.memory_space<hbm>> -> memref<200x128xf32, #tpu.memory_space<hbm>>
    %dma_start3A_80 = arith.constant 0 : i32
    %dma_start3A_81 = arith.constant 0 : i32
    %dma_start3A_82 = tpu.memref_slice %arg5[%add3A_70, %dma_start3A_80, %dma_start3A_81] : memref<1024x200x128xf32, #tpu.memory_space<hbm>> -> memref<1x200x128xf32, #tpu.memory_space<hbm>>
    %dma_start3A_83 = tpu.memref_squeeze %dma_start3A_82 : memref<1x200x128xf32, #tpu.memory_space<hbm>> -> memref<200x128xf32, #tpu.memory_space<hbm>>
    %dma_start3A_84 = arith.constant 0 : i32
    %dma_start3A_85 = arith.constant 0 : i32
    %dma_start3A_86 = tpu.memref_slice %arg8[%dma_start3A_71, %dma_start3A_84, %dma_start3A_85] : memref<3x200x128xf32, #tpu.memory_space<vmem>> -> memref<1x200x128xf32, #tpu.memory_space<vmem>>
    %dma_start3A_87 = tpu.memref_squeeze %dma_start3A_86 : memref<1x200x128xf32, #tpu.memory_space<vmem>> -> memref<200x128xf32, #tpu.memory_space<vmem>>
    tpu.enqueue_dma source(%dma_start3A_87 : memref<200x128xf32, #tpu.memory_space<vmem>>) target(%dma_start3A_83 : memref<200x128xf32, #tpu.memory_space<hbm>>) target_semaphore(%arg12 : memref<!tpu.dma_semaphore, #tpu.memory_space<semaphore_mem>>)
    %dma_start3A_88 = arith.constant 2 : i32
    %dma_start3A_89 = arith.constant 2 : i32
    %dma_start3A_90 = arith.constant 0 : i32
    %dma_start3A_91 = arith.constant 0 : i32
    %dma_start3A_92 = tpu.memref_slice %arg8[%dma_start3A_89, %dma_start3A_90, %dma_start3A_91] : memref<3x200x128xf32, #tpu.memory_space<vmem>> -> memref<1x128x128xf32, #tpu.memory_space<vmem>>
    %dma_start3A_93 = tpu.memref_squeeze %dma_start3A_92 : memref<1x128x128xf32, #tpu.memory_space<vmem>> -> memref<128x128xf32, #tpu.memory_space<vmem>>
    %dma_start3A_94 = arith.constant 0 : i32
    %dma_start3A_95 = tpu.memref_slice %arg6[%dma_start3A_88, %dma_start3A_94] : memref<32x200xi32, #tpu.memory_space<vmem>> -> memref<1x128xi32, #tpu.memory_space<vmem>>
    %dma_start3A_96 = tpu.memref_squeeze %dma_start3A_95 : memref<1x128xi32, #tpu.memory_space<vmem>> -> memref<128xi32, #tpu.memory_space<vmem>>
    %dma_start3A_97 = arith.constant 0 : i32
    %dma_start3A_98 = arith.constant 0 : i32
    %dma_start3A_99 = tpu.memref_slice %arg3[%dma_start3A_97, %dma_start3A_98] : memref<100000x128xf32, #tpu.memory_space<hbm>> -> memref<100000x128xf32, #tpu.memory_space<hbm>>
    tpu.enqueue_indirect_dma source(%dma_start3A_99 : memref<100000x128xf32, #tpu.memory_space<hbm>>) target(%dma_start3A_93 : memref<128x128xf32, #tpu.memory_space<vmem>>) offsets(%dma_start3A_96 : memref<128xi32, #tpu.memory_space<vmem>>) semaphore(%arg11 : memref<!tpu.dma_semaphore, #tpu.memory_space<semaphore_mem>>)
    %dma_start3A_100 = arith.constant 2 : i32
    %dma_start3A_101 = arith.constant 2 : i32
    %dma_start3A_102 = arith.constant 128 : i32
    %dma_start3A_103 = arith.constant 0 : i32
    %dma_start3A_104 = tpu.memref_slice %arg8[%dma_start3A_101, %dma_start3A_102, %dma_start3A_103] : memref<3x200x128xf32, #tpu.memory_space<vmem>> -> memref<1x72x128xf32, #tpu.memory_space<vmem>>
    %dma_start3A_105 = tpu.memref_squeeze %dma_start3A_104 : memref<1x72x128xf32, #tpu.memory_space<vmem>> -> memref<72x128xf32, #tpu.memory_space<vmem>>
    %dma_start3A_106 = arith.constant 128 : i32
    %dma_start3A_107 = tpu.memref_slice %arg6[%dma_start3A_100, %dma_start3A_106] : memref<32x200xi32, #tpu.memory_space<vmem>> -> memref<1x72xi32, #tpu.memory_space<vmem>>
    %dma_start3A_108 = tpu.memref_squeeze %dma_start3A_107 : memref<1x72xi32, #tpu.memory_space<vmem>> -> memref<72xi32, #tpu.memory_space<vmem>>
    %dma_start3A_109 = arith.constant 0 : i32
    %dma_start3A_110 = arith.constant 0 : i32
    %dma_start3A_111 = tpu.memref_slice %arg3[%dma_start3A_109, %dma_start3A_110] : memref<100000x128xf32, #tpu.memory_space<hbm>> -> memref<100000x128xf32, #tpu.memory_space<hbm>>
    tpu.enqueue_indirect_dma source(%dma_start3A_111 : memref<100000x128xf32, #tpu.memory_space<hbm>>) target(%dma_start3A_105 : memref<72x128xf32, #tpu.memory_space<vmem>>) offsets(%dma_start3A_108 : memref<72xi32, #tpu.memory_space<vmem>>) semaphore(%arg11 : memref<!tpu.dma_semaphore, #tpu.memory_space<semaphore_mem>>)
    %dma_wait3A_112 = arith.constant 1 : i32
    %dma_wait3A_113 = arith.constant 0 : i32
    %dma_wait3A_114 = arith.constant 0 : i32
    %dma_wait3A_115 = tpu.memref_slice %arg8[%dma_wait3A_112, %dma_wait3A_113, %dma_wait3A_114] : memref<3x200x128xf32, #tpu.memory_space<vmem>> -> memref<1x200x128xf32, #tpu.memory_space<vmem>>
    %dma_wait3A_116 = tpu.memref_squeeze %dma_wait3A_115 : memref<1x200x128xf32, #tpu.memory_space<vmem>> -> memref<200x128xf32, #tpu.memory_space<vmem>>
    %dma_wait3A_117 = arith.constant 0 : i32
    %dma_wait3A_118 = arith.constant 0 : i32
    %dma_wait3A_119 = tpu.memref_slice %arg3[%dma_wait3A_117, %dma_wait3A_118] : memref<100000x128xf32, #tpu.memory_space<hbm>> -> memref<200x128xf32, #tpu.memory_space<hbm>>
    %dma_wait3A_120 = arith.constant 0 : i32
    %dma_wait3A_121 = arith.constant 0 : i32
    %dma_wait3A_122 = tpu.memref_slice %arg8[%dma_wait3A_112, %dma_wait3A_120, %dma_wait3A_121] : memref<3x200x128xf32, #tpu.memory_space<vmem>> -> memref<1x200x128xf32, #tpu.memory_space<vmem>>
    %dma_wait3A_123 = tpu.memref_squeeze %dma_wait3A_122 : memref<1x200x128xf32, #tpu.memory_space<vmem>> -> memref<200x128xf32, #tpu.memory_space<vmem>>
    %dma_wait3A_124 = arith.constant 0 : i32
    %dma_wait3A_125 = arith.constant 0 : i32
    %dma_wait3A_126 = tpu.memref_slice %arg3[%dma_wait3A_124, %dma_wait3A_125] : memref<100000x128xf32, #tpu.memory_space<hbm>> -> memref<200x128xf32, #tpu.memory_space<hbm>>
    tpu.wait_dma2 semaphore(%arg10 : memref<!tpu.dma_semaphore, #tpu.memory_space<semaphore_mem>>) src(%dma_wait3A_126 : memref<200x128xf32, #tpu.memory_space<hbm>>) dst(%dma_wait3A_123 : memref<200x128xf32, #tpu.memory_space<vmem>>)
    %scan3A_127 = arith.constant 0 : i32
    %scan3A_128 = arith.constant 0 : i32
    %scan3A_129 = arith.constant 100 : i32
    %scan3A_130 = arith.addi %scan3A_128, %scan3A_129 : i32
    %scan3A_131 = arith.constant 1 : i32
    scf.for %scan3A_416 = %scan3A_128 to %scan3A_130 step %scan3A_131  : i32 {
      %mul3A_417 = arith.constant 2 : i32
      %mul3A_418 = arith.muli %scan3A_416, %mul3A_417 : i32
      %add3A_419 = arith.constant 0 : i32
      %add3A_420 = arith.addi %mul3A_418, %add3A_419 : i32
      %get3A = arith.constant 1 : i32
      %get3A_421 = arith.index_cast %get3A : i32 to index
      %get3A_422 = arith.index_cast %add3A_420 : i32 to index
      %get3A_423 = arith.constant 0 : index
      %get3A_424 = tpu.vector_load %arg8[%get3A_421, %get3A_422, %get3A_423] {strides = array<i32>} : memref<3x200x128xf32, #tpu.memory_space<vmem>>, vector<1x1x16xf32>,
      %get3A_425 = vector.shape_cast %get3A_424 : vector<1x1x16xf32> to vector<16xf32>
      %mul3A_426 = arith.constant 2 : i32
      %mul3A_427 = arith.muli %scan3A_416, %mul3A_426 : i32
      %add3A_428 = arith.constant 0 : i32
      %add3A_429 = arith.addi %mul3A_427, %add3A_428 : i32
      %get3A_430 = arith.index_cast %add3A_429 : i32 to index
      %get3A_431 = arith.constant 0 : index
      %get3A_432 = tpu.vector_load %arg7[%get3A_430, %get3A_431] {strides = array<i32>} : memref<200x128xf32, #tpu.memory_space<vmem>>, vector<1x16xf32>,
      %get3A_433 = vector.shape_cast %get3A_432 : vector<1x16xf32> to vector<16xf32>
      %add3A_434 = arith.addf %get3A_425, %get3A_433 : vector<16xf32>
      %mul3A_435 = arith.constant 2 : i32
      %mul3A_436 = arith.muli %scan3A_416, %mul3A_435 : i32
      %add3A_437 = arith.constant 0 : i32
      %add3A_438 = arith.addi %mul3A_436, %add3A_437 : i32
      %swap3A = arith.constant 1 : i32
      %swap3A_439 = arith.index_cast %swap3A : i32 to index
      %swap3A_440 = arith.index_cast %add3A_438 : i32 to index
      %swap3A_441 = arith.constant 0 : index
      %swap3A_442 = tpu.vector_load %arg8[%swap3A_439, %swap3A_440, %swap3A_441] {strides = array<i32>} : memref<3x200x128xf32, #tpu.memory_space<vmem>>, vector<1x1x16xf32>,
      %swap3A_443 = vector.shape_cast %swap3A_442 : vector<1x1x16xf32> to vector<16xf32>
      %swap3A_444 = vector.shape_cast %add3A_434 : vector<16xf32> to vector<1x1x16xf32>
      tpu.vector_store %arg8[%swap3A_439, %swap3A_440, %swap3A_441], %swap3A_444 {strides = array<i32>} : memref<3x200x128xf32, #tpu.memory_space<vmem>>, vector<1x1x16xf32>,
      %mul3A_445 = arith.constant 2 : i32
      %mul3A_446 = arith.muli %scan3A_416, %mul3A_445 : i32
      %add3A_447 = arith.constant 0 : i32
      %add3A_448 = arith.addi %mul3A_446, %add3A_447 : i32
      %get3A_449 = arith.constant 1 : i32
      %get3A_450 = arith.index_cast %get3A_449 : i32 to index
      %get3A_451 = arith.index_cast %add3A_448 : i32 to index
      %get3A_452 = arith.constant 16 : index
      %get3A_453 = tpu.vector_load %arg8[%get3A_450, %get3A_451, %get3A_452] {strides = array<i32>} : memref<3x200x128xf32, #tpu.memory_space<vmem>>, vector<1x1x16xf32>,
      %get3A_454 = vector.shape_cast %get3A_453 : vector<1x1x16xf32> to vector<16xf32>
      %mul3A_455 = arith.constant 2 : i32
      %mul3A_456 = arith.muli %scan3A_416, %mul3A_455 : i32
      %add3A_457 = arith.constant 0 : i32
      %add3A_458 = arith.addi %mul3A_456, %add3A_457 : i32
      %get3A_459 = arith.index_cast %add3A_458 : i32 to index
      %get3A_460 = arith.constant 16 : index
      %get3A_461 = tpu.vector_load %arg7[%get3A_459, %get3A_460] {strides = array<i32>} : memref<200x128xf32, #tpu.memory_space<vmem>>, vector<1x16xf32>,
      %get3A_462 = vector.shape_cast %get3A_461 : vector<1x16xf32> to vector<16xf32>
      %add3A_463 = arith.addf %get3A_454, %get3A_462 : vector<16xf32>
      %mul3A_464 = arith.constant 2 : i32
      %mul3A_465 = arith.muli %scan3A_416, %mul3A_464 : i32
      %add3A_466 = arith.constant 0 : i32
      %add3A_467 = arith.addi %mul3A_465, %add3A_466 : i32
      %swap3A_468 = arith.constant 1 : i32
      %swap3A_469 = arith.index_cast %swap3A_468 : i32 to index
      %swap3A_470 = arith.index_cast %add3A_467 : i32 to index
      %swap3A_471 = arith.constant 16 : index
      %swap3A_472 = tpu.vector_load %arg8[%swap3A_469, %swap3A_470, %swap3A_471] {strides = array<i32>} : memref<3x200x128xf32, #tpu.memory_space<vmem>>, vector<1x1x16xf32>,
      %swap3A_473 = vector.shape_cast %swap3A_472 : vector<1x1x16xf32> to vector<16xf32>
      %swap3A_474 = vector.shape_cast %add3A_463 : vector<16xf32> to vector<1x1x16xf32>
      tpu.vector_store %arg8[%swap3A_469, %swap3A_470, %swap3A_471], %swap3A_474 {strides = array<i32>} : memref<3x200x128xf32, #tpu.memory_space<vmem>>, vector<1x1x16xf32>,
      %mul3A_475 = arith.constant 2 : i32
      %mul3A_476 = arith.muli %scan3A_416, %mul3A_475 : i32
      %add3A_477 = arith.constant 0 : i32
      %add3A_478 = arith.addi %mul3A_476, %add3A_477 : i32
      %get3A_479 = arith.constant 1 : i32
      %get3A_480 = arith.index_cast %get3A_479 : i32 to index
      %get3A_481 = arith.index_cast %add3A_478 : i32 to index
      %get3A_482 = arith.constant 32 : index
      %get3A_483 = tpu.vector_load %arg8[%get3A_480, %get3A_481, %get3A_482] {strides = array<i32>} : memref<3x200x128xf32, #tpu.memory_space<vmem>>, vector<1x1x16xf32>,
      %get3A_484 = vector.shape_cast %get3A_483 : vector<1x1x16xf32> to vector<16xf32>
      %mul3A_485 = arith.constant 2 : i32
      %mul3A_486 = arith.muli %scan3A_416, %mul3A_485 : i32
      %add3A_487 = arith.constant 0 : i32
      %add3A_488 = arith.addi %mul3A_486, %add3A_487 : i32
      %get3A_489 = arith.index_cast %add3A_488 : i32 to index
      %get3A_490 = arith.constant 32 : index
      %get3A_491 = tpu.vector_load %arg7[%get3A_489, %get3A_490] {strides = array<i32>} : memref<200x128xf32, #tpu.memory_space<vmem>>, vector<1x16xf32>,
      %get3A_492 = vector.shape_cast %get3A_491 : vector<1x16xf32> to vector<16xf32>
      %add3A_493 = arith.addf %get3A_484, %get3A_492 : vector<16xf32>
      %mul3A_494 = arith.constant 2 : i32
      %mul3A_495 = arith.muli %scan3A_416, %mul3A_494 : i32
      %add3A_496 = arith.constant 0 : i32
      %add3A_497 = arith.addi %mul3A_495, %add3A_496 : i32
      %swap3A_498 = arith.constant 1 : i32
      %swap3A_499 = arith.index_cast %swap3A_498 : i32 to index
      %swap3A_500 = arith.index_cast %add3A_497 : i32 to index
      %swap3A_501 = arith.constant 32 : index
      %swap3A_502 = tpu.vector_load %arg8[%swap3A_499, %swap3A_500, %swap3A_501] {strides = array<i32>} : memref<3x200x128xf32, #tpu.memory_space<vmem>>, vector<1x1x16xf32>,
      %swap3A_503 = vector.shape_cast %swap3A_502 : vector<1x1x16xf32> to vector<16xf32>
      %swap3A_504 = vector.shape_cast %add3A_493 : vector<16xf32> to vector<1x1x16xf32>
      tpu.vector_store %arg8[%swap3A_499, %swap3A_500, %swap3A_501], %swap3A_504 {strides = array<i32>} : memref<3x200x128xf32, #tpu.memory_space<vmem>>, vector<1x1x16xf32>,
      %mul3A_505 = arith.constant 2 : i32
      %mul3A_506 = arith.muli %scan3A_416, %mul3A_505 : i32
      %add3A_507 = arith.constant 0 : i32
      %add3A_508 = arith.addi %mul3A_506, %add3A_507 : i32
      %get3A_509 = arith.constant 1 : i32
      %get3A_510 = arith.index_cast %get3A_509 : i32 to index
      %get3A_511 = arith.index_cast %add3A_508 : i32 to index
      %get3A_512 = arith.constant 48 : index
      %get3A_513 = tpu.vector_load %arg8[%get3A_510, %get3A_511, %get3A_512] {strides = array<i32>} : memref<3x200x128xf32, #tpu.memory_space<vmem>>, vector<1x1x16xf32>,
      %get3A_514 = vector.shape_cast %get3A_513 : vector<1x1x16xf32> to vector<16xf32>
      %mul3A_515 = arith.constant 2 : i32
      %mul3A_516 = arith.muli %scan3A_416, %mul3A_515 : i32
      %add3A_517 = arith.constant 0 : i32
      %add3A_518 = arith.addi %mul3A_516, %add3A_517 : i32
      %get3A_519 = arith.index_cast %add3A_518 : i32 to index
      %get3A_520 = arith.constant 48 : index
      %get3A_521 = tpu.vector_load %arg7[%get3A_519, %get3A_520] {strides = array<i32>} : memref<200x128xf32, #tpu.memory_space<vmem>>, vector<1x16xf32>,
      %get3A_522 = vector.shape_cast %get3A_521 : vector<1x16xf32> to vector<16xf32>
      %add3A_523 = arith.addf %get3A_514, %get3A_522 : vector<16xf32>
      %mul3A_524 = arith.constant 2 : i32
      %mul3A_525 = arith.muli %scan3A_416, %mul3A_524 : i32
      %add3A_526 = arith.constant 0 : i32
      %add3A_527 = arith.addi %mul3A_525, %add3A_526 : i32
      %swap3A_528 = arith.constant 1 : i32
      %swap3A_529 = arith.index_cast %swap3A_528 : i32 to index
      %swap3A_530 = arith.index_cast %add3A_527 : i32 to index
      %swap3A_531 = arith.constant 48 : index
      %swap3A_532 = tpu.vector_load %arg8[%swap3A_529, %swap3A_530, %swap3A_531] {strides = array<i32>} : memref<3x200x128xf32, #tpu.memory_space<vmem>>, vector<1x1x16xf32>,
      %swap3A_533 = vector.shape_cast %swap3A_532 : vector<1x1x16xf32> to vector<16xf32>
      %swap3A_534 = vector.shape_cast %add3A_523 : vector<16xf32> to vector<1x1x16xf32>
      tpu.vector_store %arg8[%swap3A_529, %swap3A_530, %swap3A_531], %swap3A_534 {strides = array<i32>} : memref<3x200x128xf32, #tpu.memory_space<vmem>>, vector<1x1x16xf32>,
      %mul3A_535 = arith.constant 2 : i32
      %mul3A_536 = arith.muli %scan3A_416, %mul3A_535 : i32
      %add3A_537 = arith.constant 0 : i32
      %add3A_538 = arith.addi %mul3A_536, %add3A_537 : i32
      %get3A_539 = arith.constant 1 : i32
      %get3A_540 = arith.index_cast %get3A_539 : i32 to index
      %get3A_541 = arith.index_cast %add3A_538 : i32 to index
      %get3A_542 = arith.constant 64 : index
      %get3A_543 = tpu.vector_load %arg8[%get3A_540, %get3A_541, %get3A_542] {strides = array<i32>} : memref<3x200x128xf32, #tpu.memory_space<vmem>>, vector<1x1x16xf32>,
      %get3A_544 = vector.shape_cast %get3A_543 : vector<1x1x16xf32> to vector<16xf32>
      %mul3A_545 = arith.constant 2 : i32
      %mul3A_546 = arith.muli %scan3A_416, %mul3A_545 : i32
      %add3A_547 = arith.constant 0 : i32
      %add3A_548 = arith.addi %mul3A_546, %add3A_547 : i32
      %get3A_549 = arith.index_cast %add3A_548 : i32 to index
      %get3A_550 = arith.constant 64 : index
      %get3A_551 = tpu.vector_load %arg7[%get3A_549, %get3A_550] {strides = array<i32>} : memref<200x128xf32, #tpu.memory_space<vmem>>, vector<1x16xf32>,
      %get3A_552 = vector.shape_cast %get3A_551 : vector<1x16xf32> to vector<16xf32>
      %add3A_553 = arith.addf %get3A_544, %get3A_552 : vector<16xf32>
      %mul3A_554 = arith.constant 2 : i32
      %mul3A_555 = arith.muli %scan3A_416, %mul3A_554 : i32
      %add3A_556 = arith.constant 0 : i32
      %add3A_557 = arith.addi %mul3A_555, %add3A_556 : i32
      %swap3A_558 = arith.constant 1 : i32
      %swap3A_559 = arith.index_cast %swap3A_558 : i32 to index
      %swap3A_560 = arith.index_cast %add3A_557 : i32 to index
      %swap3A_561 = arith.constant 64 : index
      %swap3A_562 = tpu.vector_load %arg8[%swap3A_559, %swap3A_560, %swap3A_561] {strides = array<i32>} : memref<3x200x128xf32, #tpu.memory_space<vmem>>, vector<1x1x16xf32>,
      %swap3A_563 = vector.shape_cast %swap3A_562 : vector<1x1x16xf32> to vector<16xf32>
      %swap3A_564 = vector.shape_cast %add3A_553 : vector<16xf32> to vector<1x1x16xf32>
      tpu.vector_store %arg8[%swap3A_559, %swap3A_560, %swap3A_561], %swap3A_564 {strides = array<i32>} : memref<3x200x128xf32, #tpu.memory_space<vmem>>, vector<1x1x16xf32>,
      %mul3A_565 = arith.constant 2 : i32
      %mul3A_566 = arith.muli %scan3A_416, %mul3A_565 : i32
      %add3A_567 = arith.constant 0 : i32
      %add3A_568 = arith.addi %mul3A_566, %add3A_567 : i32
      %get3A_569 = arith.constant 1 : i32
      %get3A_570 = arith.index_cast %get3A_569 : i32 to index
      %get3A_571 = arith.index_cast %add3A_568 : i32 to index
      %get3A_572 = arith.constant 80 : index
      %get3A_573 = tpu.vector_load %arg8[%get3A_570, %get3A_571, %get3A_572] {strides = array<i32>} : memref<3x200x128xf32, #tpu.memory_space<vmem>>, vector<1x1x16xf32>,
      %get3A_574 = vector.shape_cast %get3A_573 : vector<1x1x16xf32> to vector<16xf32>
      %mul3A_575 = arith.constant 2 : i32
      %mul3A_576 = arith.muli %scan3A_416, %mul3A_575 : i32
      %add3A_577 = arith.constant 0 : i32
      %add3A_578 = arith.addi %mul3A_576, %add3A_577 : i32
      %get3A_579 = arith.index_cast %add3A_578 : i32 to index
      %get3A_580 = arith.constant 80 : index
      %get3A_581 = tpu.vector_load %arg7[%get3A_579, %get3A_580] {strides = array<i32>} : memref<200x128xf32, #tpu.memory_space<vmem>>, vector<1x16xf32>,
      %get3A_582 = vector.shape_cast %get3A_581 : vector<1x16xf32> to vector<16xf32>
      %add3A_583 = arith.addf %get3A_574, %get3A_582 : vector<16xf32>
      %mul3A_584 = arith.constant 2 : i32
      %mul3A_585 = arith.muli %scan3A_416, %mul3A_584 : i32
      %add3A_586 = arith.constant 0 : i32
      %add3A_587 = arith.addi %mul3A_585, %add3A_586 : i32
      %swap3A_588 = arith.constant 1 : i32
      %swap3A_589 = arith.index_cast %swap3A_588 : i32 to index
      %swap3A_590 = arith.index_cast %add3A_587 : i32 to index
      %swap3A_591 = arith.constant 80 : index
      %swap3A_592 = tpu.vector_load %arg8[%swap3A_589, %swap3A_590, %swap3A_591] {strides = array<i32>} : memref<3x200x128xf32, #tpu.memory_space<vmem>>, vector<1x1x16xf32>,
      %swap3A_593 = vector.shape_cast %swap3A_592 : vector<1x1x16xf32> to vector<16xf32>
      %swap3A_594 = vector.shape_cast %add3A_583 : vector<16xf32> to vector<1x1x16xf32>
      tpu.vector_store %arg8[%swap3A_589, %swap3A_590, %swap3A_591], %swap3A_594 {strides = array<i32>} : memref<3x200x128xf32, #tpu.memory_space<vmem>>, vector<1x1x16xf32>,
      %mul3A_595 = arith.constant 2 : i32
      %mul3A_596 = arith.muli %scan3A_416, %mul3A_595 : i32
      %add3A_597 = arith.constant 0 : i32
      %add3A_598 = arith.addi %mul3A_596, %add3A_597 : i32
      %get3A_599 = arith.constant 1 : i32
      %get3A_600 = arith.index_cast %get3A_599 : i32 to index
      %get3A_601 = arith.index_cast %add3A_598 : i32 to index
      %get3A_602 = arith.constant 96 : index
      %get3A_603 = tpu.vector_load %arg8[%get3A_600, %get3A_601, %get3A_602] {strides = array<i32>} : memref<3x200x128xf32, #tpu.memory_space<vmem>>, vector<1x1x16xf32>,
      %get3A_604 = vector.shape_cast %get3A_603 : vector<1x1x16xf32> to vector<16xf32>
      %mul3A_605 = arith.constant 2 : i32
      %mul3A_606 = arith.muli %scan3A_416, %mul3A_605 : i32
      %add3A_607 = arith.constant 0 : i32
      %add3A_608 = arith.addi %mul3A_606, %add3A_607 : i32
      %get3A_609 = arith.index_cast %add3A_608 : i32 to index
      %get3A_610 = arith.constant 96 : index
      %get3A_611 = tpu.vector_load %arg7[%get3A_609, %get3A_610] {strides = array<i32>} : memref<200x128xf32, #tpu.memory_space<vmem>>, vector<1x16xf32>,
      %get3A_612 = vector.shape_cast %get3A_611 : vector<1x16xf32> to vector<16xf32>
      %add3A_613 = arith.addf %get3A_604, %get3A_612 : vector<16xf32>
      %mul3A_614 = arith.constant 2 : i32
      %mul3A_615 = arith.muli %scan3A_416, %mul3A_614 : i32
      %add3A_616 = arith.constant 0 : i32
      %add3A_617 = arith.addi %mul3A_615, %add3A_616 : i32
      %swap3A_618 = arith.constant 1 : i32
      %swap3A_619 = arith.index_cast %swap3A_618 : i32 to index
      %swap3A_620 = arith.index_cast %add3A_617 : i32 to index
      %swap3A_621 = arith.constant 96 : index
      %swap3A_622 = tpu.vector_load %arg8[%swap3A_619, %swap3A_620, %swap3A_621] {strides = array<i32>} : memref<3x200x128xf32, #tpu.memory_space<vmem>>, vector<1x1x16xf32>,
      %swap3A_623 = vector.shape_cast %swap3A_622 : vector<1x1x16xf32> to vector<16xf32>
      %swap3A_624 = vector.shape_cast %add3A_613 : vector<16xf32> to vector<1x1x16xf32>
      tpu.vector_store %arg8[%swap3A_619, %swap3A_620, %swap3A_621], %swap3A_624 {strides = array<i32>} : memref<3x200x128xf32, #tpu.memory_space<vmem>>, vector<1x1x16xf32>,
      %mul3A_625 = arith.constant 2 : i32
      %mul3A_626 = arith.muli %scan3A_416, %mul3A_625 : i32
      %add3A_627 = arith.constant 0 : i32
      %add3A_628 = arith.addi %mul3A_626, %add3A_627 : i32
      %get3A_629 = arith.constant 1 : i32
      %get3A_630 = arith.index_cast %get3A_629 : i32 to index
      %get3A_631 = arith.index_cast %add3A_628 : i32 to index
      %get3A_632 = arith.constant 112 : index
      %get3A_633 = tpu.vector_load %arg8[%get3A_630, %get3A_631, %get3A_632] {strides = array<i32>} : memref<3x200x128xf32, #tpu.memory_space<vmem>>, vector<1x1x16xf32>,
      %get3A_634 = vector.shape_cast %get3A_633 : vector<1x1x16xf32> to vector<16xf32>
      %mul3A_635 = arith.constant 2 : i32
      %mul3A_636 = arith.muli %scan3A_416, %mul3A_635 : i32
      %add3A_637 = arith.constant 0 : i32
      %add3A_638 = arith.addi %mul3A_636, %add3A_637 : i32
      %get3A_639 = arith.index_cast %add3A_638 : i32 to index
      %get3A_640 = arith.constant 112 : index
      %get3A_641 = tpu.vector_load %arg7[%get3A_639, %get3A_640] {strides = array<i32>} : memref<200x128xf32, #tpu.memory_space<vmem>>, vector<1x16xf32>,
      %get3A_642 = vector.shape_cast %get3A_641 : vector<1x16xf32> to vector<16xf32>
      %add3A_643 = arith.addf %get3A_634, %get3A_642 : vector<16xf32>
      %mul3A_644 = arith.constant 2 : i32
      %mul3A_645 = arith.muli %scan3A_416, %mul3A_644 : i32
      %add3A_646 = arith.constant 0 : i32
      %add3A_647 = arith.addi %mul3A_645, %add3A_646 : i32
      %swap3A_648 = arith.constant 1 : i32
      %swap3A_649 = arith.index_cast %swap3A_648 : i32 to index
      %swap3A_650 = arith.index_cast %add3A_647 : i32 to index
      %swap3A_651 = arith.constant 112 : index
      %swap3A_652 = tpu.vector_load %arg8[%swap3A_649, %swap3A_650, %swap3A_651] {strides = array<i32>} : memref<3x200x128xf32, #tpu.memory_space<vmem>>, vector<1x1x16xf32>,
      %swap3A_653 = vector.shape_cast %swap3A_652 : vector<1x1x16xf32> to vector<16xf32>
      %swap3A_654 = vector.shape_cast %add3A_643 : vector<16xf32> to vector<1x1x16xf32>
      tpu.vector_store %arg8[%swap3A_649, %swap3A_650, %swap3A_651], %swap3A_654 {strides = array<i32>} : memref<3x200x128xf32, #tpu.memory_space<vmem>>, vector<1x1x16xf32>,
      %mul3A_655 = arith.constant 2 : i32
      %mul3A_656 = arith.muli %scan3A_416, %mul3A_655 : i32
      %add3A_657 = arith.constant 1 : i32
      %add3A_658 = arith.addi %mul3A_656, %add3A_657 : i32
      %get3A_659 = arith.constant 1 : i32
      %get3A_660 = arith.index_cast %get3A_659 : i32 to index
      %get3A_661 = arith.index_cast %add3A_658 : i32 to index
      %get3A_662 = arith.constant 0 : index
      %get3A_663 = tpu.vector_load %arg8[%get3A_660, %get3A_661, %get3A_662] {strides = array<i32>} : memref<3x200x128xf32, #tpu.memory_space<vmem>>, vector<1x1x16xf32>,
      %get3A_664 = vector.shape_cast %get3A_663 : vector<1x1x16xf32> to vector<16xf32>
      %mul3A_665 = arith.constant 2 : i32
      %mul3A_666 = arith.muli %scan3A_416, %mul3A_665 : i32
      %add3A_667 = arith.constant 1 : i32
      %add3A_668 = arith.addi %mul3A_666, %add3A_667 : i32
      %get3A_669 = arith.index_cast %add3A_668 : i32 to index
      %get3A_670 = arith.constant 0 : index
      %get3A_671 = tpu.vector_load %arg7[%get3A_669, %get3A_670] {strides = array<i32>} : memref<200x128xf32, #tpu.memory_space<vmem>>, vector<1x16xf32>,
      %get3A_672 = vector.shape_cast %get3A_671 : vector<1x16xf32> to vector<16xf32>
      %add3A_673 = arith.addf %get3A_664, %get3A_672 : vector<16xf32>
      %mul3A_674 = arith.constant 2 : i32
      %mul3A_675 = arith.muli %scan3A_416, %mul3A_674 : i32
      %add3A_676 = arith.constant 1 : i32
      %add3A_677 = arith.addi %mul3A_675, %add3A_676 : i32
      %swap3A_678 = arith.constant 1 : i32
      %swap3A_679 = arith.index_cast %swap3A_678 : i32 to index
      %swap3A_680 = arith.index_cast %add3A_677 : i32 to index
      %swap3A_681 = arith.constant 0 : index
      %swap3A_682 = tpu.vector_load %arg8[%swap3A_679, %swap3A_680, %swap3A_681] {strides = array<i32>} : memref<3x200x128xf32, #tpu.memory_space<vmem>>, vector<1x1x16xf32>,
      %swap3A_683 = vector.shape_cast %swap3A_682 : vector<1x1x16xf32> to vector<16xf32>
      %swap3A_684 = vector.shape_cast %add3A_673 : vector<16xf32> to vector<1x1x16xf32>
      tpu.vector_store %arg8[%swap3A_679, %swap3A_680, %swap3A_681], %swap3A_684 {strides = array<i32>} : memref<3x200x128xf32, #tpu.memory_space<vmem>>, vector<1x1x16xf32>,
      %mul3A_685 = arith.constant 2 : i32
      %mul3A_686 = arith.muli %scan3A_416, %mul3A_685 : i32
      %add3A_687 = arith.constant 1 : i32
      %add3A_688 = arith.addi %mul3A_686, %add3A_687 : i32
      %get3A_689 = arith.constant 1 : i32
      %get3A_690 = arith.index_cast %get3A_689 : i32 to index
      %get3A_691 = arith.index_cast %add3A_688 : i32 to index
      %get3A_692 = arith.constant 16 : index
      %get3A_693 = tpu.vector_load %arg8[%get3A_690, %get3A_691, %get3A_692] {strides = array<i32>} : memref<3x200x128xf32, #tpu.memory_space<vmem>>, vector<1x1x16xf32>,
      %get3A_694 = vector.shape_cast %get3A_693 : vector<1x1x16xf32> to vector<16xf32>
      %mul3A_695 = arith.constant 2 : i32
      %mul3A_696 = arith.muli %scan3A_416, %mul3A_695 : i32
      %add3A_697 = arith.constant 1 : i32
      %add3A_698 = arith.addi %mul3A_696, %add3A_697 : i32
      %get3A_699 = arith.index_cast %add3A_698 : i32 to index
      %get3A_700 = arith.constant 16 : index
      %get3A_701 = tpu.vector_load %arg7[%get3A_699, %get3A_700] {strides = array<i32>} : memref<200x128xf32, #tpu.memory_space<vmem>>, vector<1x16xf32>,
      %get3A_702 = vector.shape_cast %get3A_701 : vector<1x16xf32> to vector<16xf32>
      %add3A_703 = arith.addf %get3A_694, %get3A_702 : vector<16xf32>
      %mul3A_704 = arith.constant 2 : i32
      %mul3A_705 = arith.muli %scan3A_416, %mul3A_704 : i32
      %add3A_706 = arith.constant 1 : i32
      %add3A_707 = arith.addi %mul3A_705, %add3A_706 : i32
      %swap3A_708 = arith.constant 1 : i32
      %swap3A_709 = arith.index_cast %swap3A_708 : i32 to index
      %swap3A_710 = arith.index_cast %add3A_707 : i32 to index
      %swap3A_711 = arith.constant 16 : index
      %swap3A_712 = tpu.vector_load %arg8[%swap3A_709, %swap3A_710, %swap3A_711] {strides = array<i32>} : memref<3x200x128xf32, #tpu.memory_space<vmem>>, vector<1x1x16xf32>,
      %swap3A_713 = vector.shape_cast %swap3A_712 : vector<1x1x16xf32> to vector<16xf32>
      %swap3A_714 = vector.shape_cast %add3A_703 : vector<16xf32> to vector<1x1x16xf32>
      tpu.vector_store %arg8[%swap3A_709, %swap3A_710, %swap3A_711], %swap3A_714 {strides = array<i32>} : memref<3x200x128xf32, #tpu.memory_space<vmem>>, vector<1x1x16xf32>,
      %mul3A_715 = arith.constant 2 : i32
      %mul3A_716 = arith.muli %scan3A_416, %mul3A_715 : i32
      %add3A_717 = arith.constant 1 : i32
      %add3A_718 = arith.addi %mul3A_716, %add3A_717 : i32
      %get3A_719 = arith.constant 1 : i32
      %get3A_720 = arith.index_cast %get3A_719 : i32 to index
      %get3A_721 = arith.index_cast %add3A_718 : i32 to index
      %get3A_722 = arith.constant 32 : index
      %get3A_723 = tpu.vector_load %arg8[%get3A_720, %get3A_721, %get3A_722] {strides = array<i32>} : memref<3x200x128xf32, #tpu.memory_space<vmem>>, vector<1x1x16xf32>,
      %get3A_724 = vector.shape_cast %get3A_723 : vector<1x1x16xf32> to vector<16xf32>
      %mul3A_725 = arith.constant 2 : i32
      %mul3A_726 = arith.muli %scan3A_416, %mul3A_725 : i32
      %add3A_727 = arith.constant 1 : i32
      %add3A_728 = arith.addi %mul3A_726, %add3A_727 : i32
      %get3A_729 = arith.index_cast %add3A_728 : i32 to index
      %get3A_730 = arith.constant 32 : index
      %get3A_731 = tpu.vector_load %arg7[%get3A_729, %get3A_730] {strides = array<i32>} : memref<200x128xf32, #tpu.memory_space<vmem>>, vector<1x16xf32>,
      %get3A_732 = vector.shape_cast %get3A_731 : vector<1x16xf32> to vector<16xf32>
      %add3A_733 = arith.addf %get3A_724, %get3A_732 : vector<16xf32>
      %mul3A_734 = arith.constant 2 : i32
      %mul3A_735 = arith.muli %scan3A_416, %mul3A_734 : i32
      %add3A_736 = arith.constant 1 : i32
      %add3A_737 = arith.addi %mul3A_735, %add3A_736 : i32
      %swap3A_738 = arith.constant 1 : i32
      %swap3A_739 = arith.index_cast %swap3A_738 : i32 to index
      %swap3A_740 = arith.index_cast %add3A_737 : i32 to index
      %swap3A_741 = arith.constant 32 : index
      %swap3A_742 = tpu.vector_load %arg8[%swap3A_739, %swap3A_740, %swap3A_741] {strides = array<i32>} : memref<3x200x128xf32, #tpu.memory_space<vmem>>, vector<1x1x16xf32>,
      %swap3A_743 = vector.shape_cast %swap3A_742 : vector<1x1x16xf32> to vector<16xf32>
      %swap3A_744 = vector.shape_cast %add3A_733 : vector<16xf32> to vector<1x1x16xf32>
      tpu.vector_store %arg8[%swap3A_739, %swap3A_740, %swap3A_741], %swap3A_744 {strides = array<i32>} : memref<3x200x128xf32, #tpu.memory_space<vmem>>, vector<1x1x16xf32>,
      %mul3A_745 = arith.constant 2 : i32
      %mul3A_746 = arith.muli %scan3A_416, %mul3A_745 : i32
      %add3A_747 = arith.constant 1 : i32
      %add3A_748 = arith.addi %mul3A_746, %add3A_747 : i32
      %get3A_749 = arith.constant 1 : i32
      %get3A_750 = arith.index_cast %get3A_749 : i32 to index
      %get3A_751 = arith.index_cast %add3A_748 : i32 to index
      %get3A_752 = arith.constant 48 : index
      %get3A_753 = tpu.vector_load %arg8[%get3A_750, %get3A_751, %get3A_752] {strides = array<i32>} : memref<3x200x128xf32, #tpu.memory_space<vmem>>, vector<1x1x16xf32>,
      %get3A_754 = vector.shape_cast %get3A_753 : vector<1x1x16xf32> to vector<16xf32>
      %mul3A_755 = arith.constant 2 : i32
      %mul3A_756 = arith.muli %scan3A_416, %mul3A_755 : i32
      %add3A_757 = arith.constant 1 : i32
      %add3A_758 = arith.addi %mul3A_756, %add3A_757 : i32
      %get3A_759 = arith.index_cast %add3A_758 : i32 to index
      %get3A_760 = arith.constant 48 : index
      %get3A_761 = tpu.vector_load %arg7[%get3A_759, %get3A_760] {strides = array<i32>} : memref<200x128xf32, #tpu.memory_space<vmem>>, vector<1x16xf32>,
      %get3A_762 = vector.shape_cast %get3A_761 : vector<1x16xf32> to vector<16xf32>
      %add3A_763 = arith.addf %get3A_754, %get3A_762 : vector<16xf32>
      %mul3A_764 = arith.constant 2 : i32
      %mul3A_765 = arith.muli %scan3A_416, %mul3A_764 : i32
      %add3A_766 = arith.constant 1 : i32
      %add3A_767 = arith.addi %mul3A_765, %add3A_766 : i32
      %swap3A_768 = arith.constant 1 : i32
      %swap3A_769 = arith.index_cast %swap3A_768 : i32 to index
      %swap3A_770 = arith.index_cast %add3A_767 : i32 to index
      %swap3A_771 = arith.constant 48 : index
      %swap3A_772 = tpu.vector_load %arg8[%swap3A_769, %swap3A_770, %swap3A_771] {strides = array<i32>} : memref<3x200x128xf32, #tpu.memory_space<vmem>>, vector<1x1x16xf32>,
      %swap3A_773 = vector.shape_cast %swap3A_772 : vector<1x1x16xf32> to vector<16xf32>
      %swap3A_774 = vector.shape_cast %add3A_763 : vector<16xf32> to vector<1x1x16xf32>
      tpu.vector_store %arg8[%swap3A_769, %swap3A_770, %swap3A_771], %swap3A_774 {strides = array<i32>} : memref<3x200x128xf32, #tpu.memory_space<vmem>>, vector<1x1x16xf32>,
      %mul3A_775 = arith.constant 2 : i32
      %mul3A_776 = arith.muli %scan3A_416, %mul3A_775 : i32
      %add3A_777 = arith.constant 1 : i32
      %add3A_778 = arith.addi %mul3A_776, %add3A_777 : i32
      %get3A_779 = arith.constant 1 : i32
      %get3A_780 = arith.index_cast %get3A_779 : i32 to index
      %get3A_781 = arith.index_cast %add3A_778 : i32 to index
      %get3A_782 = arith.constant 64 : index
      %get3A_783 = tpu.vector_load %arg8[%get3A_780, %get3A_781, %get3A_782] {strides = array<i32>} : memref<3x200x128xf32, #tpu.memory_space<vmem>>, vector<1x1x16xf32>,
      %get3A_784 = vector.shape_cast %get3A_783 : vector<1x1x16xf32> to vector<16xf32>
      %mul3A_785 = arith.constant 2 : i32
      %mul3A_786 = arith.muli %scan3A_416, %mul3A_785 : i32
      %add3A_787 = arith.constant 1 : i32
      %add3A_788 = arith.addi %mul3A_786, %add3A_787 : i32
      %get3A_789 = arith.index_cast %add3A_788 : i32 to index
      %get3A_790 = arith.constant 64 : index
      %get3A_791 = tpu.vector_load %arg7[%get3A_789, %get3A_790] {strides = array<i32>} : memref<200x128xf32, #tpu.memory_space<vmem>>, vector<1x16xf32>,
      %get3A_792 = vector.shape_cast %get3A_791 : vector<1x16xf32> to vector<16xf32>
      %add3A_793 = arith.addf %get3A_784, %get3A_792 : vector<16xf32>
      %mul3A_794 = arith.constant 2 : i32
      %mul3A_795 = arith.muli %scan3A_416, %mul3A_794 : i32
      %add3A_796 = arith.constant 1 : i32
      %add3A_797 = arith.addi %mul3A_795, %add3A_796 : i32
      %swap3A_798 = arith.constant 1 : i32
      %swap3A_799 = arith.index_cast %swap3A_798 : i32 to index
      %swap3A_800 = arith.index_cast %add3A_797 : i32 to index
      %swap3A_801 = arith.constant 64 : index
      %swap3A_802 = tpu.vector_load %arg8[%swap3A_799, %swap3A_800, %swap3A_801] {strides = array<i32>} : memref<3x200x128xf32, #tpu.memory_space<vmem>>, vector<1x1x16xf32>,
      %swap3A_803 = vector.shape_cast %swap3A_802 : vector<1x1x16xf32> to vector<16xf32>
      %swap3A_804 = vector.shape_cast %add3A_793 : vector<16xf32> to vector<1x1x16xf32>
      tpu.vector_store %arg8[%swap3A_799, %swap3A_800, %swap3A_801], %swap3A_804 {strides = array<i32>} : memref<3x200x128xf32, #tpu.memory_space<vmem>>, vector<1x1x16xf32>,
      %mul3A_805 = arith.constant 2 : i32
      %mul3A_806 = arith.muli %scan3A_416, %mul3A_805 : i32
      %add3A_807 = arith.constant 1 : i32
      %add3A_808 = arith.addi %mul3A_806, %add3A_807 : i32
      %get3A_809 = arith.constant 1 : i32
      %get3A_810 = arith.index_cast %get3A_809 : i32 to index
      %get3A_811 = arith.index_cast %add3A_808 : i32 to index
      %get3A_812 = arith.constant 80 : index
      %get3A_813 = tpu.vector_load %arg8[%get3A_810, %get3A_811, %get3A_812] {strides = array<i32>} : memref<3x200x128xf32, #tpu.memory_space<vmem>>, vector<1x1x16xf32>,
      %get3A_814 = vector.shape_cast %get3A_813 : vector<1x1x16xf32> to vector<16xf32>
      %mul3A_815 = arith.constant 2 : i32
      %mul3A_816 = arith.muli %scan3A_416, %mul3A_815 : i32
      %add3A_817 = arith.constant 1 : i32
      %add3A_818 = arith.addi %mul3A_816, %add3A_817 : i32
      %get3A_819 = arith.index_cast %add3A_818 : i32 to index
      %get3A_820 = arith.constant 80 : index
      %get3A_821 = tpu.vector_load %arg7[%get3A_819, %get3A_820] {strides = array<i32>} : memref<200x128xf32, #tpu.memory_space<vmem>>, vector<1x16xf32>,
      %get3A_822 = vector.shape_cast %get3A_821 : vector<1x16xf32> to vector<16xf32>
      %add3A_823 = arith.addf %get3A_814, %get3A_822 : vector<16xf32>
      %mul3A_824 = arith.constant 2 : i32
      %mul3A_825 = arith.muli %scan3A_416, %mul3A_824 : i32
      %add3A_826 = arith.constant 1 : i32
      %add3A_827 = arith.addi %mul3A_825, %add3A_826 : i32
      %swap3A_828 = arith.constant 1 : i32
      %swap3A_829 = arith.index_cast %swap3A_828 : i32 to index
      %swap3A_830 = arith.index_cast %add3A_827 : i32 to index
      %swap3A_831 = arith.constant 80 : index
      %swap3A_832 = tpu.vector_load %arg8[%swap3A_829, %swap3A_830, %swap3A_831] {strides = array<i32>} : memref<3x200x128xf32, #tpu.memory_space<vmem>>, vector<1x1x16xf32>,
      %swap3A_833 = vector.shape_cast %swap3A_832 : vector<1x1x16xf32> to vector<16xf32>
      %swap3A_834 = vector.shape_cast %add3A_823 : vector<16xf32> to vector<1x1x16xf32>
      tpu.vector_store %arg8[%swap3A_829, %swap3A_830, %swap3A_831], %swap3A_834 {strides = array<i32>} : memref<3x200x128xf32, #tpu.memory_space<vmem>>, vector<1x1x16xf32>,
      %mul3A_835 = arith.constant 2 : i32
      %mul3A_836 = arith.muli %scan3A_416, %mul3A_835 : i32
      %add3A_837 = arith.constant 1 : i32
      %add3A_838 = arith.addi %mul3A_836, %add3A_837 : i32
      %get3A_839 = arith.constant 1 : i32
      %get3A_840 = arith.index_cast %get3A_839 : i32 to index
      %get3A_841 = arith.index_cast %add3A_838 : i32 to index
      %get3A_842 = arith.constant 96 : index
      %get3A_843 = tpu.vector_load %arg8[%get3A_840, %get3A_841, %get3A_842] {strides = array<i32>} : memref<3x200x128xf32, #tpu.memory_space<vmem>>, vector<1x1x16xf32>,
      %get3A_844 = vector.shape_cast %get3A_843 : vector<1x1x16xf32> to vector<16xf32>
      %mul3A_845 = arith.constant 2 : i32
      %mul3A_846 = arith.muli %scan3A_416, %mul3A_845 : i32
      %add3A_847 = arith.constant 1 : i32
      %add3A_848 = arith.addi %mul3A_846, %add3A_847 : i32
      %get3A_849 = arith.index_cast %add3A_848 : i32 to index
      %get3A_850 = arith.constant 96 : index
      %get3A_851 = tpu.vector_load %arg7[%get3A_849, %get3A_850] {strides = array<i32>} : memref<200x128xf32, #tpu.memory_space<vmem>>, vector<1x16xf32>,
      %get3A_852 = vector.shape_cast %get3A_851 : vector<1x16xf32> to vector<16xf32>
      %add3A_853 = arith.addf %get3A_844, %get3A_852 : vector<16xf32>
      %mul3A_854 = arith.constant 2 : i32
      %mul3A_855 = arith.muli %scan3A_416, %mul3A_854 : i32
      %add3A_856 = arith.constant 1 : i32
      %add3A_857 = arith.addi %mul3A_855, %add3A_856 : i32
      %swap3A_858 = arith.constant 1 : i32
      %swap3A_859 = arith.index_cast %swap3A_858 : i32 to index
      %swap3A_860 = arith.index_cast %add3A_857 : i32 to index
      %swap3A_861 = arith.constant 96 : index
      %swap3A_862 = tpu.vector_load %arg8[%swap3A_859, %swap3A_860, %swap3A_861] {strides = array<i32>} : memref<3x200x128xf32, #tpu.memory_space<vmem>>, vector<1x1x16xf32>,
      %swap3A_863 = vector.shape_cast %swap3A_862 : vector<1x1x16xf32> to vector<16xf32>
      %swap3A_864 = vector.shape_cast %add3A_853 : vector<16xf32> to vector<1x1x16xf32>
      tpu.vector_store %arg8[%swap3A_859, %swap3A_860, %swap3A_861], %swap3A_864 {strides = array<i32>} : memref<3x200x128xf32, #tpu.memory_space<vmem>>, vector<1x1x16xf32>,
      %mul3A_865 = arith.constant 2 : i32
      %mul3A_866 = arith.muli %scan3A_416, %mul3A_865 : i32
      %add3A_867 = arith.constant 1 : i32
      %add3A_868 = arith.addi %mul3A_866, %add3A_867 : i32
      %get3A_869 = arith.constant 1 : i32
      %get3A_870 = arith.index_cast %get3A_869 : i32 to index
      %get3A_871 = arith.index_cast %add3A_868 : i32 to index
      %get3A_872 = arith.constant 112 : index
      %get3A_873 = tpu.vector_load %arg8[%get3A_870, %get3A_871, %get3A_872] {strides = array<i32>} : memref<3x200x128xf32, #tpu.memory_space<vmem>>, vector<1x1x16xf32>,
      %get3A_874 = vector.shape_cast %get3A_873 : vector<1x1x16xf32> to vector<16xf32>
      %mul3A_875 = arith.constant 2 : i32
      %mul3A_876 = arith.muli %scan3A_416, %mul3A_875 : i32
      %add3A_877 = arith.constant 1 : i32
      %add3A_878 = arith.addi %mul3A_876, %add3A_877 : i32
      %get3A_879 = arith.index_cast %add3A_878 : i32 to index
      %get3A_880 = arith.constant 112 : index
      %get3A_881 = tpu.vector_load %arg7[%get3A_879, %get3A_880] {strides = array<i32>} : memref<200x128xf32, #tpu.memory_space<vmem>>, vector<1x16xf32>,
      %get3A_882 = vector.shape_cast %get3A_881 : vector<1x16xf32> to vector<16xf32>
      %add3A_883 = arith.addf %get3A_874, %get3A_882 : vector<16xf32>
      %mul3A_884 = arith.constant 2 : i32
      %mul3A_885 = arith.muli %scan3A_416, %mul3A_884 : i32
      %add3A_886 = arith.constant 1 : i32
      %add3A_887 = arith.addi %mul3A_885, %add3A_886 : i32
      %swap3A_888 = arith.constant 1 : i32
      %swap3A_889 = arith.index_cast %swap3A_888 : i32 to index
      %swap3A_890 = arith.index_cast %add3A_887 : i32 to index
      %swap3A_891 = arith.constant 112 : index
      %swap3A_892 = tpu.vector_load %arg8[%swap3A_889, %swap3A_890, %swap3A_891] {strides = array<i32>} : memref<3x200x128xf32, #tpu.memory_space<vmem>>, vector<1x1x16xf32>,
      %swap3A_893 = vector.shape_cast %swap3A_892 : vector<1x1x16xf32> to vector<16xf32>
      %swap3A_894 = vector.shape_cast %add3A_883 : vector<16xf32> to vector<1x1x16xf32>
      tpu.vector_store %arg8[%swap3A_889, %swap3A_890, %swap3A_891], %swap3A_894 {strides = array<i32>} : memref<3x200x128xf32, #tpu.memory_space<vmem>>, vector<1x1x16xf32>,
    }
    %scan3A_132 = arith.constant 100 : i32
    %add3A_133 = arith.constant 1 : i32
    %add3A_134 = arith.addi %mul3A_2, %add3A_133 : i32
    %dma_start3A_135 = arith.constant 1 : i32
    %dma_start3A_136 = arith.constant 0 : i32
    %dma_start3A_137 = arith.constant 0 : i32
    %dma_start3A_138 = tpu.memref_slice %arg8[%dma_start3A_135, %dma_start3A_136, %dma_start3A_137] : memref<3x200x128xf32, #tpu.memory_space<vmem>> -> memref<1x200x128xf32, #tpu.memory_space<vmem>>
    %dma_start3A_139 = tpu.memref_squeeze %dma_start3A_138 : memref<1x200x128xf32, #tpu.memory_space<vmem>> -> memref<200x128xf32, #tpu.memory_space<vmem>>
    %dma_start3A_140 = arith.constant 0 : i32
    %dma_start3A_141 = arith.constant 0 : i32
    %dma_start3A_142 = tpu.memref_slice %arg5[%add3A_134, %dma_start3A_140, %dma_start3A_141] : memref<1024x200x128xf32, #tpu.memory_space<hbm>> -> memref<1x200x128xf32, #tpu.memory_space<hbm>>
    %dma_start3A_143 = tpu.memref_squeeze %dma_start3A_142 : memref<1x200x128xf32, #tpu.memory_space<hbm>> -> memref<200x128xf32, #tpu.memory_space<hbm>>
    %dma_start3A_144 = arith.constant 0 : i32
    %dma_start3A_145 = arith.constant 0 : i32
    %dma_start3A_146 = tpu.memref_slice %arg5[%add3A_134, %dma_start3A_144, %dma_start3A_145] : memref<1024x200x128xf32, #tpu.memory_space<hbm>> -> memref<1x200x128xf32, #tpu.memory_space<hbm>>
    %dma_start3A_147 = tpu.memref_squeeze %dma_start3A_146 : memref<1x200x128xf32, #tpu.memory_space<hbm>> -> memref<200x128xf32, #tpu.memory_space<hbm>>
    %dma_start3A_148 = arith.constant 0 : i32
    %dma_start3A_149 = arith.constant 0 : i32
    %dma_start3A_150 = tpu.memref_slice %arg8[%dma_start3A_135, %dma_start3A_148, %dma_start3A_149] : memref<3x200x128xf32, #tpu.memory_space<vmem>> -> memref<1x200x128xf32, #tpu.memory_space<vmem>>
    %dma_start3A_151 = tpu.memref_squeeze %dma_start3A_150 : memref<1x200x128xf32, #tpu.memory_space<vmem>> -> memref<200x128xf32, #tpu.memory_space<vmem>>
    tpu.enqueue_dma source(%dma_start3A_151 : memref<200x128xf32, #tpu.memory_space<vmem>>) target(%dma_start3A_147 : memref<200x128xf32, #tpu.memory_space<hbm>>) target_semaphore(%arg13 : memref<!tpu.dma_semaphore, #tpu.memory_space<semaphore_mem>>)
    %dma_wait3A_152 = arith.constant 0 : i32
    %dma_wait3A_153 = arith.constant 0 : i32
    %dma_wait3A_154 = arith.constant 0 : i32
    %dma_wait3A_155 = arith.constant 0 : i32
    %dma_wait3A_156 = tpu.memref_slice %arg8[%dma_wait3A_152, %dma_wait3A_154, %dma_wait3A_155] : memref<3x200x128xf32, #tpu.memory_space<vmem>> -> memref<1x200x128xf32, #tpu.memory_space<vmem>>
    %dma_wait3A_157 = tpu.memref_squeeze %dma_wait3A_156 : memref<1x200x128xf32, #tpu.memory_space<vmem>> -> memref<200x128xf32, #tpu.memory_space<vmem>>
    %dma_wait3A_158 = arith.constant 0 : i32
    %dma_wait3A_159 = arith.constant 0 : i32
    %dma_wait3A_160 = tpu.memref_slice %arg5[%dma_wait3A_153, %dma_wait3A_158, %dma_wait3A_159] : memref<1024x200x128xf32, #tpu.memory_space<hbm>> -> memref<1x200x128xf32, #tpu.memory_space<hbm>>
    %dma_wait3A_161 = tpu.memref_squeeze %dma_wait3A_160 : memref<1x200x128xf32, #tpu.memory_space<hbm>> -> memref<200x128xf32, #tpu.memory_space<hbm>>
    %dma_wait3A_162 = arith.constant 0 : i32
    %dma_wait3A_163 = arith.constant 0 : i32
    %dma_wait3A_164 = tpu.memref_slice %arg5[%dma_wait3A_153, %dma_wait3A_162, %dma_wait3A_163] : memref<1024x200x128xf32, #tpu.memory_space<hbm>> -> memref<1x200x128xf32, #tpu.memory_space<hbm>>
    %dma_wait3A_165 = tpu.memref_squeeze %dma_wait3A_164 : memref<1x200x128xf32, #tpu.memory_space<hbm>> -> memref<200x128xf32, #tpu.memory_space<hbm>>
    %dma_wait3A_166 = arith.constant 0 : i32
    %dma_wait3A_167 = arith.constant 0 : i32
    %dma_wait3A_168 = tpu.memref_slice %arg8[%dma_wait3A_152, %dma_wait3A_166, %dma_wait3A_167] : memref<3x200x128xf32, #tpu.memory_space<vmem>> -> memref<1x200x128xf32, #tpu.memory_space<vmem>>
    %dma_wait3A_169 = tpu.memref_squeeze %dma_wait3A_168 : memref<1x200x128xf32, #tpu.memory_space<vmem>> -> memref<200x128xf32, #tpu.memory_space<vmem>>
    tpu.wait_dma2 semaphore(%arg12 : memref<!tpu.dma_semaphore, #tpu.memory_space<semaphore_mem>>) src(%dma_wait3A_169 : memref<200x128xf32, #tpu.memory_space<vmem>>) dst(%dma_wait3A_165 : memref<200x128xf32, #tpu.memory_space<hbm>>)
    %dma_start3A_170 = arith.constant 3 : i32
    %dma_start3A_171 = arith.constant 0 : i32
    %dma_start3A_172 = arith.constant 0 : i32
    %dma_start3A_173 = arith.constant 0 : i32
    %dma_start3A_174 = tpu.memref_slice %arg8[%dma_start3A_171, %dma_start3A_172, %dma_start3A_173] : memref<3x200x128xf32, #tpu.memory_space<vmem>> -> memref<1x128x128xf32, #tpu.memory_space<vmem>>
    %dma_start3A_175 = tpu.memref_squeeze %dma_start3A_174 : memref<1x128x128xf32, #tpu.memory_space<vmem>> -> memref<128x128xf32, #tpu.memory_space<vmem>>
    %dma_start3A_176 = arith.constant 0 : i32
    %dma_start3A_177 = tpu.memref_slice %arg6[%dma_start3A_170, %dma_start3A_176] : memref<32x200xi32, #tpu.memory_space<vmem>> -> memref<1x128xi32, #tpu.memory_space<vmem>>
    %dma_start3A_178 = tpu.memref_squeeze %dma_start3A_177 : memref<1x128xi32, #tpu.memory_space<vmem>> -> memref<128xi32, #tpu.memory_space<vmem>>
    %dma_start3A_179 = arith.constant 0 : i32
    %dma_start3A_180 = arith.constant 0 : i32
    %dma_start3A_181 = tpu.memref_slice %arg3[%dma_start3A_179, %dma_start3A_180] : memref<100000x128xf32, #tpu.memory_space<hbm>> -> memref<100000x128xf32, #tpu.memory_space<hbm>>
    tpu.enqueue_indirect_dma source(%dma_start3A_181 : memref<100000x128xf32, #tpu.memory_space<hbm>>) target(%dma_start3A_175 : memref<128x128xf32, #tpu.memory_space<vmem>>) offsets(%dma_start3A_178 : memref<128xi32, #tpu.memory_space<vmem>>) semaphore(%arg9 : memref<!tpu.dma_semaphore, #tpu.memory_space<semaphore_mem>>)
    %dma_start3A_182 = arith.constant 3 : i32
    %dma_start3A_183 = arith.constant 0 : i32
    %dma_start3A_184 = arith.constant 128 : i32
    %dma_start3A_185 = arith.constant 0 : i32
    %dma_start3A_186 = tpu.memref_slice %arg8[%dma_start3A_183, %dma_start3A_184, %dma_start3A_185] : memref<3x200x128xf32, #tpu.memory_space<vmem>> -> memref<1x72x128xf32, #tpu.memory_space<vmem>>
    %dma_start3A_187 = tpu.memref_squeeze %dma_start3A_186 : memref<1x72x128xf32, #tpu.memory_space<vmem>> -> memref<72x128xf32, #tpu.memory_space<vmem>>
    %dma_start3A_188 = arith.constant 128 : i32
    %dma_start3A_189 = tpu.memref_slice %arg6[%dma_start3A_182, %dma_start3A_188] : memref<32x200xi32, #tpu.memory_space<vmem>> -> memref<1x72xi32, #tpu.memory_space<vmem>>
    %dma_start3A_190 = tpu.memref_squeeze %dma_start3A_189 : memref<1x72xi32, #tpu.memory_space<vmem>> -> memref<72xi32, #tpu.memory_space<vmem>>
    %dma_start3A_191 = arith.constant 0 : i32
    %dma_start3A_192 = arith.constant 0 : i32
    %dma_start3A_193 = tpu.memref_slice %arg3[%dma_start3A_191, %dma_start3A_192] : memref<100000x128xf32, #tpu.memory_space<hbm>> -> memref<100000x128xf32, #tpu.memory_space<hbm>>
    tpu.enqueue_indirect_dma source(%dma_start3A_193 : memref<100000x128xf32, #tpu.memory_space<hbm>>) target(%dma_start3A_187 : memref<72x128xf32, #tpu.memory_space<vmem>>) offsets(%dma_start3A_190 : memref<72xi32, #tpu.memory_space<vmem>>) semaphore(%arg9 : memref<!tpu.dma_semaphore, #tpu.memory_space<semaphore_mem>>)
    %scan3A_194 = arith.constant 0 : i32
    %scan3A_195 = arith.constant 0 : i32
    %scan3A_196 = arith.constant 9 : i32
    %scan3A_197 = arith.addi %scan3A_195, %scan3A_196 : i32
    %scan3A_198 = arith.constant 1 : i32
    scf.for %scan3A_416 = %scan3A_195 to %scan3A_197 step %scan3A_198  : i32 {
      %mul3A_417 = arith.constant 3 : i32
      %mul3A_418 = arith.muli %mul3A_417, %scan3A_416 : i32
      %add3A_419 = arith.constant 2 : i32
      %add3A_420 = arith.addi %add3A_419, %mul3A_418 : i32
      %add3A_421 = arith.constant 0 : i32
      %add3A_422 = arith.addi %add3A_420, %add3A_421 : i32
      %dma_wait3A_423 = arith.constant 2 : i32
      %dma_wait3A_424 = arith.constant 0 : i32
      %dma_wait3A_425 = arith.constant 0 : i32
      %dma_wait3A_426 = tpu.memref_slice %arg8[%dma_wait3A_423, %dma_wait3A_424, %dma_wait3A_425] : memref<3x200x128xf32, #tpu.memory_space<vmem>> -> memref<1x200x128xf32, #tpu.memory_space<vmem>>
      %dma_wait3A_427 = tpu.memref_squeeze %dma_wait3A_426 : memref<1x200x128xf32, #tpu.memory_space<vmem>> -> memref<200x128xf32, #tpu.memory_space<vmem>>
      %dma_wait3A_428 = arith.constant 0 : i32
      %dma_wait3A_429 = arith.constant 0 : i32
      %dma_wait3A_430 = tpu.memref_slice %arg3[%dma_wait3A_428, %dma_wait3A_429] : memref<100000x128xf32, #tpu.memory_space<hbm>> -> memref<200x128xf32, #tpu.memory_space<hbm>>
      %dma_wait3A_431 = arith.constant 0 : i32
      %dma_wait3A_432 = arith.constant 0 : i32
      %dma_wait3A_433 = tpu.memref_slice %arg8[%dma_wait3A_423, %dma_wait3A_431, %dma_wait3A_432] : memref<3x200x128xf32, #tpu.memory_space<vmem>> -> memref<1x200x128xf32, #tpu.memory_space<vmem>>
      %dma_wait3A_434 = tpu.memref_squeeze %dma_wait3A_433 : memref<1x200x128xf32, #tpu.memory_space<vmem>> -> memref<200x128xf32, #tpu.memory_space<vmem>>
      %dma_wait3A_435 = arith.constant 0 : i32
      %dma_wait3A_436 = arith.constant 0 : i32
      %dma_wait3A_437 = tpu.memref_slice %arg3[%dma_wait3A_435, %dma_wait3A_436] : memref<100000x128xf32, #tpu.memory_space<hbm>> -> memref<200x128xf32, #tpu.memory_space<hbm>>
      tpu.wait_dma2 semaphore(%arg11 : memref<!tpu.dma_semaphore, #tpu.memory_space<semaphore_mem>>) src(%dma_wait3A_437 : memref<200x128xf32, #tpu.memory_space<hbm>>) dst(%dma_wait3A_434 : memref<200x128xf32, #tpu.memory_space<vmem>>)
      %scan3A_438 = arith.constant 0 : i32
      %scan3A_439 = arith.constant 0 : i32
      %scan3A_440 = arith.constant 100 : i32
      %scan3A_441 = arith.addi %scan3A_439, %scan3A_440 : i32
      %scan3A_442 = arith.constant 1 : i32
      scf.for %scan3A_678 = %scan3A_439 to %scan3A_441 step %scan3A_442  : i32 {
        %mul3A_679 = arith.constant 2 : i32
        %mul3A_680 = arith.muli %scan3A_678, %mul3A_679 : i32
        %add3A_681 = arith.constant 0 : i32
        %add3A_682 = arith.addi %mul3A_680, %add3A_681 : i32
        %get3A = arith.constant 2 : i32
        %get3A_683 = arith.index_cast %get3A : i32 to index
        %get3A_684 = arith.index_cast %add3A_682 : i32 to index
        %get3A_685 = arith.constant 0 : index
        %get3A_686 = tpu.vector_load %arg8[%get3A_683, %get3A_684, %get3A_685] {strides = array<i32>} : memref<3x200x128xf32, #tpu.memory_space<vmem>>, vector<1x1x16xf32>,
        %get3A_687 = vector.shape_cast %get3A_686 : vector<1x1x16xf32> to vector<16xf32>
        %mul3A_688 = arith.constant 2 : i32
        %mul3A_689 = arith.muli %scan3A_678, %mul3A_688 : i32
        %add3A_690 = arith.constant 0 : i32
        %add3A_691 = arith.addi %mul3A_689, %add3A_690 : i32
        %get3A_692 = arith.index_cast %add3A_691 : i32 to index
        %get3A_693 = arith.constant 0 : index
        %get3A_694 = tpu.vector_load %arg7[%get3A_692, %get3A_693] {strides = array<i32>} : memref<200x128xf32, #tpu.memory_space<vmem>>, vector<1x16xf32>,
        %get3A_695 = vector.shape_cast %get3A_694 : vector<1x16xf32> to vector<16xf32>
        %add3A_696 = arith.addf %get3A_687, %get3A_695 : vector<16xf32>
        %mul3A_697 = arith.constant 2 : i32
        %mul3A_698 = arith.muli %scan3A_678, %mul3A_697 : i32
        %add3A_699 = arith.constant 0 : i32
        %add3A_700 = arith.addi %mul3A_698, %add3A_699 : i32
        %swap3A = arith.constant 2 : i32
        %swap3A_701 = arith.index_cast %swap3A : i32 to index
        %swap3A_702 = arith.index_cast %add3A_700 : i32 to index
        %swap3A_703 = arith.constant 0 : index
        %swap3A_704 = tpu.vector_load %arg8[%swap3A_701, %swap3A_702, %swap3A_703] {strides = array<i32>} : memref<3x200x128xf32, #tpu.memory_space<vmem>>, vector<1x1x16xf32>,
        %swap3A_705 = vector.shape_cast %swap3A_704 : vector<1x1x16xf32> to vector<16xf32>
        %swap3A_706 = vector.shape_cast %add3A_696 : vector<16xf32> to vector<1x1x16xf32>
        tpu.vector_store %arg8[%swap3A_701, %swap3A_702, %swap3A_703], %swap3A_706 {strides = array<i32>} : memref<3x200x128xf32, #tpu.memory_space<vmem>>, vector<1x1x16xf32>,
        %mul3A_707 = arith.constant 2 : i32
        %mul3A_708 = arith.muli %scan3A_678, %mul3A_707 : i32
        %add3A_709 = arith.constant 0 : i32
        %add3A_710 = arith.addi %mul3A_708, %add3A_709 : i32
        %get3A_711 = arith.constant 2 : i32
        %get3A_712 = arith.index_cast %get3A_711 : i32 to index
        %get3A_713 = arith.index_cast %add3A_710 : i32 to index
        %get3A_714 = arith.constant 16 : index
        %get3A_715 = tpu.vector_load %arg8[%get3A_712, %get3A_713, %get3A_714] {strides = array<i32>} : memref<3x200x128xf32, #tpu.memory_space<vmem>>, vector<1x1x16xf32>,
        %get3A_716 = vector.shape_cast %get3A_715 : vector<1x1x16xf32> to vector<16xf32>
        %mul3A_717 = arith.constant 2 : i32
        %mul3A_718 = arith.muli %scan3A_678, %mul3A_717 : i32
        %add3A_719 = arith.constant 0 : i32
        %add3A_720 = arith.addi %mul3A_718, %add3A_719 : i32
        %get3A_721 = arith.index_cast %add3A_720 : i32 to index
        %get3A_722 = arith.constant 16 : index
        %get3A_723 = tpu.vector_load %arg7[%get3A_721, %get3A_722] {strides = array<i32>} : memref<200x128xf32, #tpu.memory_space<vmem>>, vector<1x16xf32>,
        %get3A_724 = vector.shape_cast %get3A_723 : vector<1x16xf32> to vector<16xf32>
        %add3A_725 = arith.addf %get3A_716, %get3A_724 : vector<16xf32>
        %mul3A_726 = arith.constant 2 : i32
        %mul3A_727 = arith.muli %scan3A_678, %mul3A_726 : i32
        %add3A_728 = arith.constant 0 : i32
        %add3A_729 = arith.addi %mul3A_727, %add3A_728 : i32
        %swap3A_730 = arith.constant 2 : i32
        %swap3A_731 = arith.index_cast %swap3A_730 : i32 to index
        %swap3A_732 = arith.index_cast %add3A_729 : i32 to index
        %swap3A_733 = arith.constant 16 : index
        %swap3A_734 = tpu.vector_load %arg8[%swap3A_731, %swap3A_732, %swap3A_733] {strides = array<i32>} : memref<3x200x128xf32, #tpu.memory_space<vmem>>, vector<1x1x16xf32>,
        %swap3A_735 = vector.shape_cast %swap3A_734 : vector<1x1x16xf32> to vector<16xf32>
        %swap3A_736 = vector.shape_cast %add3A_725 : vector<16xf32> to vector<1x1x16xf32>
        tpu.vector_store %arg8[%swap3A_731, %swap3A_732, %swap3A_733], %swap3A_736 {strides = array<i32>} : memref<3x200x128xf32, #tpu.memory_space<vmem>>, vector<1x1x16xf32>,
        %mul3A_737 = arith.constant 2 : i32
        %mul3A_738 = arith.muli %scan3A_678, %mul3A_737 : i32
        %add3A_739 = arith.constant 0 : i32
        %add3A_740 = arith.addi %mul3A_738, %add3A_739 : i32
        %get3A_741 = arith.constant 2 : i32
        %get3A_742 = arith.index_cast %get3A_741 : i32 to index
        %get3A_743 = arith.index_cast %add3A_740 : i32 to index
        %get3A_744 = arith.constant 32 : index
        %get3A_745 = tpu.vector_load %arg8[%get3A_742, %get3A_743, %get3A_744] {strides = array<i32>} : memref<3x200x128xf32, #tpu.memory_space<vmem>>, vector<1x1x16xf32>,
        %get3A_746 = vector.shape_cast %get3A_745 : vector<1x1x16xf32> to vector<16xf32>
        %mul3A_747 = arith.constant 2 : i32
        %mul3A_748 = arith.muli %scan3A_678, %mul3A_747 : i32
        %add3A_749 = arith.constant 0 : i32
        %add3A_750 = arith.addi %mul3A_748, %add3A_749 : i32
        %get3A_751 = arith.index_cast %add3A_750 : i32 to index
        %get3A_752 = arith.constant 32 : index
        %get3A_753 = tpu.vector_load %arg7[%get3A_751, %get3A_752] {strides = array<i32>} : memref<200x128xf32, #tpu.memory_space<vmem>>, vector<1x16xf32>,
        %get3A_754 = vector.shape_cast %get3A_753 : vector<1x16xf32> to vector<16xf32>
        %add3A_755 = arith.addf %get3A_746, %get3A_754 : vector<16xf32>
        %mul3A_756 = arith.constant 2 : i32
        %mul3A_757 = arith.muli %scan3A_678, %mul3A_756 : i32
        %add3A_758 = arith.constant 0 : i32
        %add3A_759 = arith.addi %mul3A_757, %add3A_758 : i32
        %swap3A_760 = arith.constant 2 : i32
        %swap3A_761 = arith.index_cast %swap3A_760 : i32 to index
        %swap3A_762 = arith.index_cast %add3A_759 : i32 to index
        %swap3A_763 = arith.constant 32 : index
        %swap3A_764 = tpu.vector_load %arg8[%swap3A_761, %swap3A_762, %swap3A_763] {strides = array<i32>} : memref<3x200x128xf32, #tpu.memory_space<vmem>>, vector<1x1x16xf32>,
        %swap3A_765 = vector.shape_cast %swap3A_764 : vector<1x1x16xf32> to vector<16xf32>
        %swap3A_766 = vector.shape_cast %add3A_755 : vector<16xf32> to vector<1x1x16xf32>
        tpu.vector_store %arg8[%swap3A_761, %swap3A_762, %swap3A_763], %swap3A_766 {strides = array<i32>} : memref<3x200x128xf32, #tpu.memory_space<vmem>>, vector<1x1x16xf32>,
        %mul3A_767 = arith.constant 2 : i32
        %mul3A_768 = arith.muli %scan3A_678, %mul3A_767 : i32
        %add3A_769 = arith.constant 0 : i32
        %add3A_770 = arith.addi %mul3A_768, %add3A_769 : i32
        %get3A_771 = arith.constant 2 : i32
        %get3A_772 = arith.index_cast %get3A_771 : i32 to index
        %get3A_773 = arith.index_cast %add3A_770 : i32 to index
        %get3A_774 = arith.constant 48 : index
        %get3A_775 = tpu.vector_load %arg8[%get3A_772, %get3A_773, %get3A_774] {strides = array<i32>} : memref<3x200x128xf32, #tpu.memory_space<vmem>>, vector<1x1x16xf32>,
        %get3A_776 = vector.shape_cast %get3A_775 : vector<1x1x16xf32> to vector<16xf32>
        %mul3A_777 = arith.constant 2 : i32
        %mul3A_778 = arith.muli %scan3A_678, %mul3A_777 : i32
        %add3A_779 = arith.constant 0 : i32
        %add3A_780 = arith.addi %mul3A_778, %add3A_779 : i32
        %get3A_781 = arith.index_cast %add3A_780 : i32 to index
        %get3A_782 = arith.constant 48 : index
        %get3A_783 = tpu.vector_load %arg7[%get3A_781, %get3A_782] {strides = array<i32>} : memref<200x128xf32, #tpu.memory_space<vmem>>, vector<1x16xf32>,
        %get3A_784 = vector.shape_cast %get3A_783 : vector<1x16xf32> to vector<16xf32>
        %add3A_785 = arith.addf %get3A_776, %get3A_784 : vector<16xf32>
        %mul3A_786 = arith.constant 2 : i32
        %mul3A_787 = arith.muli %scan3A_678, %mul3A_786 : i32
        %add3A_788 = arith.constant 0 : i32
        %add3A_789 = arith.addi %mul3A_787, %add3A_788 : i32
        %swap3A_790 = arith.constant 2 : i32
        %swap3A_791 = arith.index_cast %swap3A_790 : i32 to index
        %swap3A_792 = arith.index_cast %add3A_789 : i32 to index
        %swap3A_793 = arith.constant 48 : index
        %swap3A_794 = tpu.vector_load %arg8[%swap3A_791, %swap3A_792, %swap3A_793] {strides = array<i32>} : memref<3x200x128xf32, #tpu.memory_space<vmem>>, vector<1x1x16xf32>,
        %swap3A_795 = vector.shape_cast %swap3A_794 : vector<1x1x16xf32> to vector<16xf32>
        %swap3A_796 = vector.shape_cast %add3A_785 : vector<16xf32> to vector<1x1x16xf32>
        tpu.vector_store %arg8[%swap3A_791, %swap3A_792, %swap3A_793], %swap3A_796 {strides = array<i32>} : memref<3x200x128xf32, #tpu.memory_space<vmem>>, vector<1x1x16xf32>,
        %mul3A_797 = arith.constant 2 : i32
        %mul3A_798 = arith.muli %scan3A_678, %mul3A_797 : i32
        %add3A_799 = arith.constant 0 : i32
        %add3A_800 = arith.addi %mul3A_798, %add3A_799 : i32
        %get3A_801 = arith.constant 2 : i32
        %get3A_802 = arith.index_cast %get3A_801 : i32 to index
        %get3A_803 = arith.index_cast %add3A_800 : i32 to index
        %get3A_804 = arith.constant 64 : index
        %get3A_805 = tpu.vector_load %arg8[%get3A_802, %get3A_803, %get3A_804] {strides = array<i32>} : memref<3x200x128xf32, #tpu.memory_space<vmem>>, vector<1x1x16xf32>,
        %get3A_806 = vector.shape_cast %get3A_805 : vector<1x1x16xf32> to vector<16xf32>
        %mul3A_807 = arith.constant 2 : i32
        %mul3A_808 = arith.muli %scan3A_678, %mul3A_807 : i32
        %add3A_809 = arith.constant 0 : i32
        %add3A_810 = arith.addi %mul3A_808, %add3A_809 : i32
        %get3A_811 = arith.index_cast %add3A_810 : i32 to index
        %get3A_812 = arith.constant 64 : index
        %get3A_813 = tpu.vector_load %arg7[%get3A_811, %get3A_812] {strides = array<i32>} : memref<200x128xf32, #tpu.memory_space<vmem>>, vector<1x16xf32>,
        %get3A_814 = vector.shape_cast %get3A_813 : vector<1x16xf32> to vector<16xf32>
        %add3A_815 = arith.addf %get3A_806, %get3A_814 : vector<16xf32>
        %mul3A_816 = arith.constant 2 : i32
        %mul3A_817 = arith.muli %scan3A_678, %mul3A_816 : i32
        %add3A_818 = arith.constant 0 : i32
        %add3A_819 = arith.addi %mul3A_817, %add3A_818 : i32
        %swap3A_820 = arith.constant 2 : i32
        %swap3A_821 = arith.index_cast %swap3A_820 : i32 to index
        %swap3A_822 = arith.index_cast %add3A_819 : i32 to index
        %swap3A_823 = arith.constant 64 : index
        %swap3A_824 = tpu.vector_load %arg8[%swap3A_821, %swap3A_822, %swap3A_823] {strides = array<i32>} : memref<3x200x128xf32, #tpu.memory_space<vmem>>, vector<1x1x16xf32>,
        %swap3A_825 = vector.shape_cast %swap3A_824 : vector<1x1x16xf32> to vector<16xf32>
        %swap3A_826 = vector.shape_cast %add3A_815 : vector<16xf32> to vector<1x1x16xf32>
        tpu.vector_store %arg8[%swap3A_821, %swap3A_822, %swap3A_823], %swap3A_826 {strides = array<i32>} : memref<3x200x128xf32, #tpu.memory_space<vmem>>, vector<1x1x16xf32>,
        %mul3A_827 = arith.constant 2 : i32
        %mul3A_828 = arith.muli %scan3A_678, %mul3A_827 : i32
        %add3A_829 = arith.constant 0 : i32
        %add3A_830 = arith.addi %mul3A_828, %add3A_829 : i32
        %get3A_831 = arith.constant 2 : i32
        %get3A_832 = arith.index_cast %get3A_831 : i32 to index
        %get3A_833 = arith.index_cast %add3A_830 : i32 to index
        %get3A_834 = arith.constant 80 : index
        %get3A_835 = tpu.vector_load %arg8[%get3A_832, %get3A_833, %get3A_834] {strides = array<i32>} : memref<3x200x128xf32, #tpu.memory_space<vmem>>, vector<1x1x16xf32>,
        %get3A_836 = vector.shape_cast %get3A_835 : vector<1x1x16xf32> to vector<16xf32>
        %mul3A_837 = arith.constant 2 : i32
        %mul3A_838 = arith.muli %scan3A_678, %mul3A_837 : i32
        %add3A_839 = arith.constant 0 : i32
        %add3A_840 = arith.addi %mul3A_838, %add3A_839 : i32
        %get3A_841 = arith.index_cast %add3A_840 : i32 to index
        %get3A_842 = arith.constant 80 : index
        %get3A_843 = tpu.vector_load %arg7[%get3A_841, %get3A_842] {strides = array<i32>} : memref<200x128xf32, #tpu.memory_space<vmem>>, vector<1x16xf32>,
        %get3A_844 = vector.shape_cast %get3A_843 : vector<1x16xf32> to vector<16xf32>
        %add3A_845 = arith.addf %get3A_836, %get3A_844 : vector<16xf32>
        %mul3A_846 = arith.constant 2 : i32
        %mul3A_847 = arith.muli %scan3A_678, %mul3A_846 : i32
        %add3A_848 = arith.constant 0 : i32
        %add3A_849 = arith.addi %mul3A_847, %add3A_848 : i32
        %swap3A_850 = arith.constant 2 : i32
        %swap3A_851 = arith.index_cast %swap3A_850 : i32 to index
        %swap3A_852 = arith.index_cast %add3A_849 : i32 to index
        %swap3A_853 = arith.constant 80 : index
        %swap3A_854 = tpu.vector_load %arg8[%swap3A_851, %swap3A_852, %swap3A_853] {strides = array<i32>} : memref<3x200x128xf32, #tpu.memory_space<vmem>>, vector<1x1x16xf32>,
        %swap3A_855 = vector.shape_cast %swap3A_854 : vector<1x1x16xf32> to vector<16xf32>
        %swap3A_856 = vector.shape_cast %add3A_845 : vector<16xf32> to vector<1x1x16xf32>
        tpu.vector_store %arg8[%swap3A_851, %swap3A_852, %swap3A_853], %swap3A_856 {strides = array<i32>} : memref<3x200x128xf32, #tpu.memory_space<vmem>>, vector<1x1x16xf32>,
        %mul3A_857 = arith.constant 2 : i32
        %mul3A_858 = arith.muli %scan3A_678, %mul3A_857 : i32
        %add3A_859 = arith.constant 0 : i32
        %add3A_860 = arith.addi %mul3A_858, %add3A_859 : i32
        %get3A_861 = arith.constant 2 : i32
        %get3A_862 = arith.index_cast %get3A_861 : i32 to index
        %get3A_863 = arith.index_cast %add3A_860 : i32 to index
        %get3A_864 = arith.constant 96 : index
        %get3A_865 = tpu.vector_load %arg8[%get3A_862, %get3A_863, %get3A_864] {strides = array<i32>} : memref<3x200x128xf32, #tpu.memory_space<vmem>>, vector<1x1x16xf32>,
        %get3A_866 = vector.shape_cast %get3A_865 : vector<1x1x16xf32> to vector<16xf32>
        %mul3A_867 = arith.constant 2 : i32
        %mul3A_868 = arith.muli %scan3A_678, %mul3A_867 : i32
        %add3A_869 = arith.constant 0 : i32
        %add3A_870 = arith.addi %mul3A_868, %add3A_869 : i32
        %get3A_871 = arith.index_cast %add3A_870 : i32 to index
        %get3A_872 = arith.constant 96 : index
        %get3A_873 = tpu.vector_load %arg7[%get3A_871, %get3A_872] {strides = array<i32>} : memref<200x128xf32, #tpu.memory_space<vmem>>, vector<1x16xf32>,
        %get3A_874 = vector.shape_cast %get3A_873 : vector<1x16xf32> to vector<16xf32>
        %add3A_875 = arith.addf %get3A_866, %get3A_874 : vector<16xf32>
        %mul3A_876 = arith.constant 2 : i32
        %mul3A_877 = arith.muli %scan3A_678, %mul3A_876 : i32
        %add3A_878 = arith.constant 0 : i32
        %add3A_879 = arith.addi %mul3A_877, %add3A_878 : i32
        %swap3A_880 = arith.constant 2 : i32
        %swap3A_881 = arith.index_cast %swap3A_880 : i32 to index
        %swap3A_882 = arith.index_cast %add3A_879 : i32 to index
        %swap3A_883 = arith.constant 96 : index
        %swap3A_884 = tpu.vector_load %arg8[%swap3A_881, %swap3A_882, %swap3A_883] {strides = array<i32>} : memref<3x200x128xf32, #tpu.memory_space<vmem>>, vector<1x1x16xf32>,
        %swap3A_885 = vector.shape_cast %swap3A_884 : vector<1x1x16xf32> to vector<16xf32>
        %swap3A_886 = vector.shape_cast %add3A_875 : vector<16xf32> to vector<1x1x16xf32>
        tpu.vector_store %arg8[%swap3A_881, %swap3A_882, %swap3A_883], %swap3A_886 {strides = array<i32>} : memref<3x200x128xf32, #tpu.memory_space<vmem>>, vector<1x1x16xf32>,
        %mul3A_887 = arith.constant 2 : i32
        %mul3A_888 = arith.muli %scan3A_678, %mul3A_887 : i32
        %add3A_889 = arith.constant 0 : i32
        %add3A_890 = arith.addi %mul3A_888, %add3A_889 : i32
        %get3A_891 = arith.constant 2 : i32
        %get3A_892 = arith.index_cast %get3A_891 : i32 to index
        %get3A_893 = arith.index_cast %add3A_890 : i32 to index
        %get3A_894 = arith.constant 112 : index
        %get3A_895 = tpu.vector_load %arg8[%get3A_892, %get3A_893, %get3A_894] {strides = array<i32>} : memref<3x200x128xf32, #tpu.memory_space<vmem>>, vector<1x1x16xf32>,
        %get3A_896 = vector.shape_cast %get3A_895 : vector<1x1x16xf32> to vector<16xf32>
        %mul3A_897 = arith.constant 2 : i32
        %mul3A_898 = arith.muli %scan3A_678, %mul3A_897 : i32
        %add3A_899 = arith.constant 0 : i32
        %add3A_900 = arith.addi %mul3A_898, %add3A_899 : i32
        %get3A_901 = arith.index_cast %add3A_900 : i32 to index
        %get3A_902 = arith.constant 112 : index
        %get3A_903 = tpu.vector_load %arg7[%get3A_901, %get3A_902] {strides = array<i32>} : memref<200x128xf32, #tpu.memory_space<vmem>>, vector<1x16xf32>,
        %get3A_904 = vector.shape_cast %get3A_903 : vector<1x16xf32> to vector<16xf32>
        %add3A_905 = arith.addf %get3A_896, %get3A_904 : vector<16xf32>
        %mul3A_906 = arith.constant 2 : i32
        %mul3A_907 = arith.muli %scan3A_678, %mul3A_906 : i32
        %add3A_908 = arith.constant 0 : i32
        %add3A_909 = arith.addi %mul3A_907, %add3A_908 : i32
        %swap3A_910 = arith.constant 2 : i32
        %swap3A_911 = arith.index_cast %swap3A_910 : i32 to index
        %swap3A_912 = arith.index_cast %add3A_909 : i32 to index
        %swap3A_913 = arith.constant 112 : index
        %swap3A_914 = tpu.vector_load %arg8[%swap3A_911, %swap3A_912, %swap3A_913] {strides = array<i32>} : memref<3x200x128xf32, #tpu.memory_space<vmem>>, vector<1x1x16xf32>,
        %swap3A_915 = vector.shape_cast %swap3A_914 : vector<1x1x16xf32> to vector<16xf32>
        %swap3A_916 = vector.shape_cast %add3A_905 : vector<16xf32> to vector<1x1x16xf32>
        tpu.vector_store %arg8[%swap3A_911, %swap3A_912, %swap3A_913], %swap3A_916 {strides = array<i32>} : memref<3x200x128xf32, #tpu.memory_space<vmem>>, vector<1x1x16xf32>,
        %mul3A_917 = arith.constant 2 : i32
        %mul3A_918 = arith.muli %scan3A_678, %mul3A_917 : i32
        %add3A_919 = arith.constant 1 : i32
        %add3A_920 = arith.addi %mul3A_918, %add3A_919 : i32
        %get3A_921 = arith.constant 2 : i32
        %get3A_922 = arith.index_cast %get3A_921 : i32 to index
        %get3A_923 = arith.index_cast %add3A_920 : i32 to index
        %get3A_924 = arith.constant 0 : index
        %get3A_925 = tpu.vector_load %arg8[%get3A_922, %get3A_923, %get3A_924] {strides = array<i32>} : memref<3x200x128xf32, #tpu.memory_space<vmem>>, vector<1x1x16xf32>,
        %get3A_926 = vector.shape_cast %get3A_925 : vector<1x1x16xf32> to vector<16xf32>
        %mul3A_927 = arith.constant 2 : i32
        %mul3A_928 = arith.muli %scan3A_678, %mul3A_927 : i32
        %add3A_929 = arith.constant 1 : i32
        %add3A_930 = arith.addi %mul3A_928, %add3A_929 : i32
        %get3A_931 = arith.index_cast %add3A_930 : i32 to index
        %get3A_932 = arith.constant 0 : index
        %get3A_933 = tpu.vector_load %arg7[%get3A_931, %get3A_932] {strides = array<i32>} : memref<200x128xf32, #tpu.memory_space<vmem>>, vector<1x16xf32>,
        %get3A_934 = vector.shape_cast %get3A_933 : vector<1x16xf32> to vector<16xf32>
        %add3A_935 = arith.addf %get3A_926, %get3A_934 : vector<16xf32>
        %mul3A_936 = arith.constant 2 : i32
        %mul3A_937 = arith.muli %scan3A_678, %mul3A_936 : i32
        %add3A_938 = arith.constant 1 : i32
        %add3A_939 = arith.addi %mul3A_937, %add3A_938 : i32
        %swap3A_940 = arith.constant 2 : i32
        %swap3A_941 = arith.index_cast %swap3A_940 : i32 to index
        %swap3A_942 = arith.index_cast %add3A_939 : i32 to index
        %swap3A_943 = arith.constant 0 : index
        %swap3A_944 = tpu.vector_load %arg8[%swap3A_941, %swap3A_942, %swap3A_943] {strides = array<i32>} : memref<3x200x128xf32, #tpu.memory_space<vmem>>, vector<1x1x16xf32>,
        %swap3A_945 = vector.shape_cast %swap3A_944 : vector<1x1x16xf32> to vector<16xf32>
        %swap3A_946 = vector.shape_cast %add3A_935 : vector<16xf32> to vector<1x1x16xf32>
        tpu.vector_store %arg8[%swap3A_941, %swap3A_942, %swap3A_943], %swap3A_946 {strides = array<i32>} : memref<3x200x128xf32, #tpu.memory_space<vmem>>, vector<1x1x16xf32>,
        %mul3A_947 = arith.constant 2 : i32
        %mul3A_948 = arith.muli %scan3A_678, %mul3A_947 : i32
        %add3A_949 = arith.constant 1 : i32
        %add3A_950 = arith.addi %mul3A_948, %add3A_949 : i32
        %get3A_951 = arith.constant 2 : i32
        %get3A_952 = arith.index_cast %get3A_951 : i32 to index
        %get3A_953 = arith.index_cast %add3A_950 : i32 to index
        %get3A_954 = arith.constant 16 : index
        %get3A_955 = tpu.vector_load %arg8[%get3A_952, %get3A_953, %get3A_954] {strides = array<i32>} : memref<3x200x128xf32, #tpu.memory_space<vmem>>, vector<1x1x16xf32>,
        %get3A_956 = vector.shape_cast %get3A_955 : vector<1x1x16xf32> to vector<16xf32>
        %mul3A_957 = arith.constant 2 : i32
        %mul3A_958 = arith.muli %scan3A_678, %mul3A_957 : i32
        %add3A_959 = arith.constant 1 : i32
        %add3A_960 = arith.addi %mul3A_958, %add3A_959 : i32
        %get3A_961 = arith.index_cast %add3A_960 : i32 to index
        %get3A_962 = arith.constant 16 : index
        %get3A_963 = tpu.vector_load %arg7[%get3A_961, %get3A_962] {strides = array<i32>} : memref<200x128xf32, #tpu.memory_space<vmem>>, vector<1x16xf32>,
        %get3A_964 = vector.shape_cast %get3A_963 : vector<1x16xf32> to vector<16xf32>
        %add3A_965 = arith.addf %get3A_956, %get3A_964 : vector<16xf32>
        %mul3A_966 = arith.constant 2 : i32
        %mul3A_967 = arith.muli %scan3A_678, %mul3A_966 : i32
        %add3A_968 = arith.constant 1 : i32
        %add3A_969 = arith.addi %mul3A_967, %add3A_968 : i32
        %swap3A_970 = arith.constant 2 : i32
        %swap3A_971 = arith.index_cast %swap3A_970 : i32 to index
        %swap3A_972 = arith.index_cast %add3A_969 : i32 to index
        %swap3A_973 = arith.constant 16 : index
        %swap3A_974 = tpu.vector_load %arg8[%swap3A_971, %swap3A_972, %swap3A_973] {strides = array<i32>} : memref<3x200x128xf32, #tpu.memory_space<vmem>>, vector<1x1x16xf32>,
        %swap3A_975 = vector.shape_cast %swap3A_974 : vector<1x1x16xf32> to vector<16xf32>
        %swap3A_976 = vector.shape_cast %add3A_965 : vector<16xf32> to vector<1x1x16xf32>
        tpu.vector_store %arg8[%swap3A_971, %swap3A_972, %swap3A_973], %swap3A_976 {strides = array<i32>} : memref<3x200x128xf32, #tpu.memory_space<vmem>>, vector<1x1x16xf32>,
        %mul3A_977 = arith.constant 2 : i32
        %mul3A_978 = arith.muli %scan3A_678, %mul3A_977 : i32
        %add3A_979 = arith.constant 1 : i32
        %add3A_980 = arith.addi %mul3A_978, %add3A_979 : i32
        %get3A_981 = arith.constant 2 : i32
        %get3A_982 = arith.index_cast %get3A_981 : i32 to index
        %get3A_983 = arith.index_cast %add3A_980 : i32 to index
        %get3A_984 = arith.constant 32 : index
        %get3A_985 = tpu.vector_load %arg8[%get3A_982, %get3A_983, %get3A_984] {strides = array<i32>} : memref<3x200x128xf32, #tpu.memory_space<vmem>>, vector<1x1x16xf32>,
        %get3A_986 = vector.shape_cast %get3A_985 : vector<1x1x16xf32> to vector<16xf32>
        %mul3A_987 = arith.constant 2 : i32
        %mul3A_988 = arith.muli %scan3A_678, %mul3A_987 : i32
        %add3A_989 = arith.constant 1 : i32
        %add3A_990 = arith.addi %mul3A_988, %add3A_989 : i32
        %get3A_991 = arith.index_cast %add3A_990 : i32 to index
        %get3A_992 = arith.constant 32 : index
        %get3A_993 = tpu.vector_load %arg7[%get3A_991, %get3A_992] {strides = array<i32>} : memref<200x128xf32, #tpu.memory_space<vmem>>, vector<1x16xf32>,
        %get3A_994 = vector.shape_cast %get3A_993 : vector<1x16xf32> to vector<16xf32>
        %add3A_995 = arith.addf %get3A_986, %get3A_994 : vector<16xf32>
        %mul3A_996 = arith.constant 2 : i32
        %mul3A_997 = arith.muli %scan3A_678, %mul3A_996 : i32
        %add3A_998 = arith.constant 1 : i32
        %add3A_999 = arith.addi %mul3A_997, %add3A_998 : i32
        %swap3A_1000 = arith.constant 2 : i32
        %swap3A_1001 = arith.index_cast %swap3A_1000 : i32 to index
        %swap3A_1002 = arith.index_cast %add3A_999 : i32 to index
        %swap3A_1003 = arith.constant 32 : index
        %swap3A_1004 = tpu.vector_load %arg8[%swap3A_1001, %swap3A_1002, %swap3A_1003] {strides = array<i32>} : memref<3x200x128xf32, #tpu.memory_space<vmem>>, vector<1x1x16xf32>,
        %swap3A_1005 = vector.shape_cast %swap3A_1004 : vector<1x1x16xf32> to vector<16xf32>
        %swap3A_1006 = vector.shape_cast %add3A_995 : vector<16xf32> to vector<1x1x16xf32>
        tpu.vector_store %arg8[%swap3A_1001, %swap3A_1002, %swap3A_1003], %swap3A_1006 {strides = array<i32>} : memref<3x200x128xf32, #tpu.memory_space<vmem>>, vector<1x1x16xf32>,
        %mul3A_1007 = arith.constant 2 : i32
        %mul3A_1008 = arith.muli %scan3A_678, %mul3A_1007 : i32
        %add3A_1009 = arith.constant 1 : i32
        %add3A_1010 = arith.addi %mul3A_1008, %add3A_1009 : i32
        %get3A_1011 = arith.constant 2 : i32
        %get3A_1012 = arith.index_cast %get3A_1011 : i32 to index
        %get3A_1013 = arith.index_cast %add3A_1010 : i32 to index
        %get3A_1014 = arith.constant 48 : index
        %get3A_1015 = tpu.vector_load %arg8[%get3A_1012, %get3A_1013, %get3A_1014] {strides = array<i32>} : memref<3x200x128xf32, #tpu.memory_space<vmem>>, vector<1x1x16xf32>,
        %get3A_1016 = vector.shape_cast %get3A_1015 : vector<1x1x16xf32> to vector<16xf32>
        %mul3A_1017 = arith.constant 2 : i32
        %mul3A_1018 = arith.muli %scan3A_678, %mul3A_1017 : i32
        %add3A_1019 = arith.constant 1 : i32
        %add3A_1020 = arith.addi %mul3A_1018, %add3A_1019 : i32
        %get3A_1021 = arith.index_cast %add3A_1020 : i32 to index
        %get3A_1022 = arith.constant 48 : index
        %get3A_1023 = tpu.vector_load %arg7[%get3A_1021, %get3A_1022] {strides = array<i32>} : memref<200x128xf32, #tpu.memory_space<vmem>>, vector<1x16xf32>,
        %get3A_1024 = vector.shape_cast %get3A_1023 : vector<1x16xf32> to vector<16xf32>
        %add3A_1025 = arith.addf %get3A_1016, %get3A_1024 : vector<16xf32>
        %mul3A_1026 = arith.constant 2 : i32
        %mul3A_1027 = arith.muli %scan3A_678, %mul3A_1026 : i32
        %add3A_1028 = arith.constant 1 : i32
        %add3A_1029 = arith.addi %mul3A_1027, %add3A_1028 : i32
        %swap3A_1030 = arith.constant 2 : i32
        %swap3A_1031 = arith.index_cast %swap3A_1030 : i32 to index
        %swap3A_1032 = arith.index_cast %add3A_1029 : i32 to index
        %swap3A_1033 = arith.constant 48 : index
        %swap3A_1034 = tpu.vector_load %arg8[%swap3A_1031, %swap3A_1032, %swap3A_1033] {strides = array<i32>} : memref<3x200x128xf32, #tpu.memory_space<vmem>>, vector<1x1x16xf32>,
        %swap3A_1035 = vector.shape_cast %swap3A_1034 : vector<1x1x16xf32> to vector<16xf32>
        %swap3A_1036 = vector.shape_cast %add3A_1025 : vector<16xf32> to vector<1x1x16xf32>
        tpu.vector_store %arg8[%swap3A_1031, %swap3A_1032, %swap3A_1033], %swap3A_1036 {strides = array<i32>} : memref<3x200x128xf32, #tpu.memory_space<vmem>>, vector<1x1x16xf32>,
        %mul3A_1037 = arith.constant 2 : i32
        %mul3A_1038 = arith.muli %scan3A_678, %mul3A_1037 : i32
        %add3A_1039 = arith.constant 1 : i32
        %add3A_1040 = arith.addi %mul3A_1038, %add3A_1039 : i32
        %get3A_1041 = arith.constant 2 : i32
        %get3A_1042 = arith.index_cast %get3A_1041 : i32 to index
        %get3A_1043 = arith.index_cast %add3A_1040 : i32 to index
        %get3A_1044 = arith.constant 64 : index
        %get3A_1045 = tpu.vector_load %arg8[%get3A_1042, %get3A_1043, %get3A_1044] {strides = array<i32>} : memref<3x200x128xf32, #tpu.memory_space<vmem>>, vector<1x1x16xf32>,
        %get3A_1046 = vector.shape_cast %get3A_1045 : vector<1x1x16xf32> to vector<16xf32>
        %mul3A_1047 = arith.constant 2 : i32
        %mul3A_1048 = arith.muli %scan3A_678, %mul3A_1047 : i32
        %add3A_1049 = arith.constant 1 : i32
        %add3A_1050 = arith.addi %mul3A_1048, %add3A_1049 : i32
        %get3A_1051 = arith.index_cast %add3A_1050 : i32 to index
        %get3A_1052 = arith.constant 64 : index
        %get3A_1053 = tpu.vector_load %arg7[%get3A_1051, %get3A_1052] {strides = array<i32>} : memref<200x128xf32, #tpu.memory_space<vmem>>, vector<1x16xf32>,
        %get3A_1054 = vector.shape_cast %get3A_1053 : vector<1x16xf32> to vector<16xf32>
        %add3A_1055 = arith.addf %get3A_1046, %get3A_1054 : vector<16xf32>
        %mul3A_1056 = arith.constant 2 : i32
        %mul3A_1057 = arith.muli %scan3A_678, %mul3A_1056 : i32
        %add3A_1058 = arith.constant 1 : i32
        %add3A_1059 = arith.addi %mul3A_1057, %add3A_1058 : i32
        %swap3A_1060 = arith.constant 2 : i32
        %swap3A_1061 = arith.index_cast %swap3A_1060 : i32 to index
        %swap3A_1062 = arith.index_cast %add3A_1059 : i32 to index
        %swap3A_1063 = arith.constant 64 : index
        %swap3A_1064 = tpu.vector_load %arg8[%swap3A_1061, %swap3A_1062, %swap3A_1063] {strides = array<i32>} : memref<3x200x128xf32, #tpu.memory_space<vmem>>, vector<1x1x16xf32>,
        %swap3A_1065 = vector.shape_cast %swap3A_1064 : vector<1x1x16xf32> to vector<16xf32>
        %swap3A_1066 = vector.shape_cast %add3A_1055 : vector<16xf32> to vector<1x1x16xf32>
        tpu.vector_store %arg8[%swap3A_1061, %swap3A_1062, %swap3A_1063], %swap3A_1066 {strides = array<i32>} : memref<3x200x128xf32, #tpu.memory_space<vmem>>, vector<1x1x16xf32>,
        %mul3A_1067 = arith.constant 2 : i32
        %mul3A_1068 = arith.muli %scan3A_678, %mul3A_1067 : i32
        %add3A_1069 = arith.constant 1 : i32
        %add3A_1070 = arith.addi %mul3A_1068, %add3A_1069 : i32
        %get3A_1071 = arith.constant 2 : i32
        %get3A_1072 = arith.index_cast %get3A_1071 : i32 to index
        %get3A_1073 = arith.index_cast %add3A_1070 : i32 to index
        %get3A_1074 = arith.constant 80 : index
        %get3A_1075 = tpu.vector_load %arg8[%get3A_1072, %get3A_1073, %get3A_1074] {strides = array<i32>} : memref<3x200x128xf32, #tpu.memory_space<vmem>>, vector<1x1x16xf32>,
        %get3A_1076 = vector.shape_cast %get3A_1075 : vector<1x1x16xf32> to vector<16xf32>
        %mul3A_1077 = arith.constant 2 : i32
        %mul3A_1078 = arith.muli %scan3A_678, %mul3A_1077 : i32
        %add3A_1079 = arith.constant 1 : i32
        %add3A_1080 = arith.addi %mul3A_1078, %add3A_1079 : i32
        %get3A_1081 = arith.index_cast %add3A_1080 : i32 to index
        %get3A_1082 = arith.constant 80 : index
        %get3A_1083 = tpu.vector_load %arg7[%get3A_1081, %get3A_1082] {strides = array<i32>} : memref<200x128xf32, #tpu.memory_space<vmem>>, vector<1x16xf32>,
        %get3A_1084 = vector.shape_cast %get3A_1083 : vector<1x16xf32> to vector<16xf32>
        %add3A_1085 = arith.addf %get3A_1076, %get3A_1084 : vector<16xf32>
        %mul3A_1086 = arith.constant 2 : i32
        %mul3A_1087 = arith.muli %scan3A_678, %mul3A_1086 : i32
        %add3A_1088 = arith.constant 1 : i32
        %add3A_1089 = arith.addi %mul3A_1087, %add3A_1088 : i32
        %swap3A_1090 = arith.constant 2 : i32
        %swap3A_1091 = arith.index_cast %swap3A_1090 : i32 to index
        %swap3A_1092 = arith.index_cast %add3A_1089 : i32 to index
        %swap3A_1093 = arith.constant 80 : index
        %swap3A_1094 = tpu.vector_load %arg8[%swap3A_1091, %swap3A_1092, %swap3A_1093] {strides = array<i32>} : memref<3x200x128xf32, #tpu.memory_space<vmem>>, vector<1x1x16xf32>,
        %swap3A_1095 = vector.shape_cast %swap3A_1094 : vector<1x1x16xf32> to vector<16xf32>
        %swap3A_1096 = vector.shape_cast %add3A_1085 : vector<16xf32> to vector<1x1x16xf32>
        tpu.vector_store %arg8[%swap3A_1091, %swap3A_1092, %swap3A_1093], %swap3A_1096 {strides = array<i32>} : memref<3x200x128xf32, #tpu.memory_space<vmem>>, vector<1x1x16xf32>,
        %mul3A_1097 = arith.constant 2 : i32
        %mul3A_1098 = arith.muli %scan3A_678, %mul3A_1097 : i32
        %add3A_1099 = arith.constant 1 : i32
        %add3A_1100 = arith.addi %mul3A_1098, %add3A_1099 : i32
        %get3A_1101 = arith.constant 2 : i32
        %get3A_1102 = arith.index_cast %get3A_1101 : i32 to index
        %get3A_1103 = arith.index_cast %add3A_1100 : i32 to index
        %get3A_1104 = arith.constant 96 : index
        %get3A_1105 = tpu.vector_load %arg8[%get3A_1102, %get3A_1103, %get3A_1104] {strides = array<i32>} : memref<3x200x128xf32, #tpu.memory_space<vmem>>, vector<1x1x16xf32>,
        %get3A_1106 = vector.shape_cast %get3A_1105 : vector<1x1x16xf32> to vector<16xf32>
        %mul3A_1107 = arith.constant 2 : i32
        %mul3A_1108 = arith.muli %scan3A_678, %mul3A_1107 : i32
        %add3A_1109 = arith.constant 1 : i32
        %add3A_1110 = arith.addi %mul3A_1108, %add3A_1109 : i32
        %get3A_1111 = arith.index_cast %add3A_1110 : i32 to index
        %get3A_1112 = arith.constant 96 : index
        %get3A_1113 = tpu.vector_load %arg7[%get3A_1111, %get3A_1112] {strides = array<i32>} : memref<200x128xf32, #tpu.memory_space<vmem>>, vector<1x16xf32>,
        %get3A_1114 = vector.shape_cast %get3A_1113 : vector<1x16xf32> to vector<16xf32>
        %add3A_1115 = arith.addf %get3A_1106, %get3A_1114 : vector<16xf32>
        %mul3A_1116 = arith.constant 2 : i32
        %mul3A_1117 = arith.muli %scan3A_678, %mul3A_1116 : i32
        %add3A_1118 = arith.constant 1 : i32
        %add3A_1119 = arith.addi %mul3A_1117, %add3A_1118 : i32
        %swap3A_1120 = arith.constant 2 : i32
        %swap3A_1121 = arith.index_cast %swap3A_1120 : i32 to index
        %swap3A_1122 = arith.index_cast %add3A_1119 : i32 to index
        %swap3A_1123 = arith.constant 96 : index
        %swap3A_1124 = tpu.vector_load %arg8[%swap3A_1121, %swap3A_1122, %swap3A_1123] {strides = array<i32>} : memref<3x200x128xf32, #tpu.memory_space<vmem>>, vector<1x1x16xf32>,
        %swap3A_1125 = vector.shape_cast %swap3A_1124 : vector<1x1x16xf32> to vector<16xf32>
        %swap3A_1126 = vector.shape_cast %add3A_1115 : vector<16xf32> to vector<1x1x16xf32>
        tpu.vector_store %arg8[%swap3A_1121, %swap3A_1122, %swap3A_1123], %swap3A_1126 {strides = array<i32>} : memref<3x200x128xf32, #tpu.memory_space<vmem>>, vector<1x1x16xf32>,
        %mul3A_1127 = arith.constant 2 : i32
        %mul3A_1128 = arith.muli %scan3A_678, %mul3A_1127 : i32
        %add3A_1129 = arith.constant 1 : i32
        %add3A_1130 = arith.addi %mul3A_1128, %add3A_1129 : i32
        %get3A_1131 = arith.constant 2 : i32
        %get3A_1132 = arith.index_cast %get3A_1131 : i32 to index
        %get3A_1133 = arith.index_cast %add3A_1130 : i32 to index
        %get3A_1134 = arith.constant 112 : index
        %get3A_1135 = tpu.vector_load %arg8[%get3A_1132, %get3A_1133, %get3A_1134] {strides = array<i32>} : memref<3x200x128xf32, #tpu.memory_space<vmem>>, vector<1x1x16xf32>,
        %get3A_1136 = vector.shape_cast %get3A_1135 : vector<1x1x16xf32> to vector<16xf32>
        %mul3A_1137 = arith.constant 2 : i32
        %mul3A_1138 = arith.muli %scan3A_678, %mul3A_1137 : i32
        %add3A_1139 = arith.constant 1 : i32
        %add3A_1140 = arith.addi %mul3A_1138, %add3A_1139 : i32
        %get3A_1141 = arith.index_cast %add3A_1140 : i32 to index
        %get3A_1142 = arith.constant 112 : index
        %get3A_1143 = tpu.vector_load %arg7[%get3A_1141, %get3A_1142] {strides = array<i32>} : memref<200x128xf32, #tpu.memory_space<vmem>>, vector<1x16xf32>,
        %get3A_1144 = vector.shape_cast %get3A_1143 : vector<1x16xf32> to vector<16xf32>
        %add3A_1145 = arith.addf %get3A_1136, %get3A_1144 : vector<16xf32>
        %mul3A_1146 = arith.constant 2 : i32
        %mul3A_1147 = arith.muli %scan3A_678, %mul3A_1146 : i32
        %add3A_1148 = arith.constant 1 : i32
        %add3A_1149 = arith.addi %mul3A_1147, %add3A_1148 : i32
        %swap3A_1150 = arith.constant 2 : i32
        %swap3A_1151 = arith.index_cast %swap3A_1150 : i32 to index
        %swap3A_1152 = arith.index_cast %add3A_1149 : i32 to index
        %swap3A_1153 = arith.constant 112 : index
        %swap3A_1154 = tpu.vector_load %arg8[%swap3A_1151, %swap3A_1152, %swap3A_1153] {strides = array<i32>} : memref<3x200x128xf32, #tpu.memory_space<vmem>>, vector<1x1x16xf32>,
        %swap3A_1155 = vector.shape_cast %swap3A_1154 : vector<1x1x16xf32> to vector<16xf32>
        %swap3A_1156 = vector.shape_cast %add3A_1145 : vector<16xf32> to vector<1x1x16xf32>
        tpu.vector_store %arg8[%swap3A_1151, %swap3A_1152, %swap3A_1153], %swap3A_1156 {strides = array<i32>} : memref<3x200x128xf32, #tpu.memory_space<vmem>>, vector<1x1x16xf32>,
      }
      %scan3A_443 = arith.constant 100 : i32
      %add3A_444 = arith.addi %mul3A_2, %add3A_422 : i32
      %dma_start3A_445 = arith.constant 2 : i32
      %dma_start3A_446 = arith.constant 0 : i32
      %dma_start3A_447 = arith.constant 0 : i32
      %dma_start3A_448 = tpu.memref_slice %arg8[%dma_start3A_445, %dma_start3A_446, %dma_start3A_447] : memref<3x200x128xf32, #tpu.memory_space<vmem>> -> memref<1x200x128xf32, #tpu.memory_space<vmem>>
      %dma_start3A_449 = tpu.memref_squeeze %dma_start3A_448 : memref<1x200x128xf32, #tpu.memory_space<vmem>> -> memref<200x128xf32, #tpu.memory_space<vmem>>
      %dma_start3A_450 = arith.constant 0 : i32
      %dma_start3A_451 = arith.constant 0 : i32
      %dma_start3A_452 = tpu.memref_slice %arg5[%add3A_444, %dma_start3A_450, %dma_start3A_451] : memref<1024x200x128xf32, #tpu.memory_space<hbm>> -> memref<1x200x128xf32, #tpu.memory_space<hbm>>
      %dma_start3A_453 = tpu.memref_squeeze %dma_start3A_452 : memref<1x200x128xf32, #tpu.memory_space<hbm>> -> memref<200x128xf32, #tpu.memory_space<hbm>>
      %dma_start3A_454 = arith.constant 0 : i32
      %dma_start3A_455 = arith.constant 0 : i32
      %dma_start3A_456 = tpu.memref_slice %arg5[%add3A_444, %dma_start3A_454, %dma_start3A_455] : memref<1024x200x128xf32, #tpu.memory_space<hbm>> -> memref<1x200x128xf32, #tpu.memory_space<hbm>>
      %dma_start3A_457 = tpu.memref_squeeze %dma_start3A_456 : memref<1x200x128xf32, #tpu.memory_space<hbm>> -> memref<200x128xf32, #tpu.memory_space<hbm>>
      %dma_start3A_458 = arith.constant 0 : i32
      %dma_start3A_459 = arith.constant 0 : i32
      %dma_start3A_460 = tpu.memref_slice %arg8[%dma_start3A_445, %dma_start3A_458, %dma_start3A_459] : memref<3x200x128xf32, #tpu.memory_space<vmem>> -> memref<1x200x128xf32, #tpu.memory_space<vmem>>
      %dma_start3A_461 = tpu.memref_squeeze %dma_start3A_460 : memref<1x200x128xf32, #tpu.memory_space<vmem>> -> memref<200x128xf32, #tpu.memory_space<vmem>>
      tpu.enqueue_dma source(%dma_start3A_461 : memref<200x128xf32, #tpu.memory_space<vmem>>) target(%dma_start3A_457 : memref<200x128xf32, #tpu.memory_space<hbm>>) target_semaphore(%arg14 : memref<!tpu.dma_semaphore, #tpu.memory_space<semaphore_mem>>)
      %dma_wait3A_462 = arith.constant 1 : i32
      %dma_wait3A_463 = arith.constant 0 : i32
      %dma_wait3A_464 = arith.constant 0 : i32
      %dma_wait3A_465 = arith.constant 0 : i32
      %dma_wait3A_466 = tpu.memref_slice %arg8[%dma_wait3A_462, %dma_wait3A_464, %dma_wait3A_465] : memref<3x200x128xf32, #tpu.memory_space<vmem>> -> memref<1x200x128xf32, #tpu.memory_space<vmem>>
      %dma_wait3A_467 = tpu.memref_squeeze %dma_wait3A_466 : memref<1x200x128xf32, #tpu.memory_space<vmem>> -> memref<200x128xf32, #tpu.memory_space<vmem>>
      %dma_wait3A_468 = arith.constant 0 : i32
      %dma_wait3A_469 = arith.constant 0 : i32
      %dma_wait3A_470 = tpu.memref_slice %arg5[%dma_wait3A_463, %dma_wait3A_468, %dma_wait3A_469] : memref<1024x200x128xf32, #tpu.memory_space<hbm>> -> memref<1x200x128xf32, #tpu.memory_space<hbm>>
      %dma_wait3A_471 = tpu.memref_squeeze %dma_wait3A_470 : memref<1x200x128xf32, #tpu.memory_space<hbm>> -> memref<200x128xf32, #tpu.memory_space<hbm>>
      %dma_wait3A_472 = arith.constant 0 : i32
      %dma_wait3A_473 = arith.constant 0 : i32
      %dma_wait3A_474 = tpu.memref_slice %arg5[%dma_wait3A_463, %dma_wait3A_472, %dma_wait3A_473] : memref<1024x200x128xf32, #tpu.memory_space<hbm>> -> memref<1x200x128xf32, #tpu.memory_space<hbm>>
      %dma_wait3A_475 = tpu.memref_squeeze %dma_wait3A_474 : memref<1x200x128xf32, #tpu.memory_space<hbm>> -> memref<200x128xf32, #tpu.memory_space<hbm>>
      %dma_wait3A_476 = arith.constant 0 : i32
      %dma_wait3A_477 = arith.constant 0 : i32
      %dma_wait3A_478 = tpu.memref_slice %arg8[%dma_wait3A_462, %dma_wait3A_476, %dma_wait3A_477] : memref<3x200x128xf32, #tpu.memory_space<vmem>> -> memref<1x200x128xf32, #tpu.memory_space<vmem>>
      %dma_wait3A_479 = tpu.memref_squeeze %dma_wait3A_478 : memref<1x200x128xf32, #tpu.memory_space<vmem>> -> memref<200x128xf32, #tpu.memory_space<vmem>>
      tpu.wait_dma2 semaphore(%arg13 : memref<!tpu.dma_semaphore, #tpu.memory_space<semaphore_mem>>) src(%dma_wait3A_479 : memref<200x128xf32, #tpu.memory_space<vmem>>) dst(%dma_wait3A_475 : memref<200x128xf32, #tpu.memory_space<hbm>>)
      %add3A_480 = arith.constant 2 : i32
      %add3A_481 = arith.addi %add3A_422, %add3A_480 : i32
      %dma_start3A_482 = arith.constant 1 : i32
      %dma_start3A_483 = arith.constant 0 : i32
      %dma_start3A_484 = arith.constant 0 : i32
      %dma_start3A_485 = tpu.memref_slice %arg8[%dma_start3A_482, %dma_start3A_483, %dma_start3A_484] : memref<3x200x128xf32, #tpu.memory_space<vmem>> -> memref<1x128x128xf32, #tpu.memory_space<vmem>>
      %dma_start3A_486 = tpu.memref_squeeze %dma_start3A_485 : memref<1x128x128xf32, #tpu.memory_space<vmem>> -> memref<128x128xf32, #tpu.memory_space<vmem>>
      %dma_start3A_487 = arith.constant 0 : i32
      %dma_start3A_488 = tpu.memref_slice %arg6[%add3A_481, %dma_start3A_487] : memref<32x200xi32, #tpu.memory_space<vmem>> -> memref<1x128xi32, #tpu.memory_space<vmem>>
      %dma_start3A_489 = tpu.memref_squeeze %dma_start3A_488 : memref<1x128xi32, #tpu.memory_space<vmem>> -> memref<128xi32, #tpu.memory_space<vmem>>
      %dma_start3A_490 = arith.constant 0 : i32
      %dma_start3A_491 = arith.constant 0 : i32
      %dma_start3A_492 = tpu.memref_slice %arg3[%dma_start3A_490, %dma_start3A_491] : memref<100000x128xf32, #tpu.memory_space<hbm>> -> memref<100000x128xf32, #tpu.memory_space<hbm>>
      tpu.enqueue_indirect_dma source(%dma_start3A_492 : memref<100000x128xf32, #tpu.memory_space<hbm>>) target(%dma_start3A_486 : memref<128x128xf32, #tpu.memory_space<vmem>>) offsets(%dma_start3A_489 : memref<128xi32, #tpu.memory_space<vmem>>) semaphore(%arg10 : memref<!tpu.dma_semaphore, #tpu.memory_space<semaphore_mem>>)
      %dma_start3A_493 = arith.constant 1 : i32
      %dma_start3A_494 = arith.constant 128 : i32
      %dma_start3A_495 = arith.constant 0 : i32
      %dma_start3A_496 = tpu.memref_slice %arg8[%dma_start3A_493, %dma_start3A_494, %dma_start3A_495] : memref<3x200x128xf32, #tpu.memory_space<vmem>> -> memref<1x72x128xf32, #tpu.memory_space<vmem>>
      %dma_start3A_497 = tpu.memref_squeeze %dma_start3A_496 : memref<1x72x128xf32, #tpu.memory_space<vmem>> -> memref<72x128xf32, #tpu.memory_space<vmem>>
      %dma_start3A_498 = arith.constant 128 : i32
      %dma_start3A_499 = tpu.memref_slice %arg6[%add3A_481, %dma_start3A_498] : memref<32x200xi32, #tpu.memory_space<vmem>> -> memref<1x72xi32, #tpu.memory_space<vmem>>
      %dma_start3A_500 = tpu.memref_squeeze %dma_start3A_499 : memref<1x72xi32, #tpu.memory_space<vmem>> -> memref<72xi32, #tpu.memory_space<vmem>>
      %dma_start3A_501 = arith.constant 0 : i32
      %dma_start3A_502 = arith.constant 0 : i32
      %dma_start3A_503 = tpu.memref_slice %arg3[%dma_start3A_501, %dma_start3A_502] : memref<100000x128xf32, #tpu.memory_space<hbm>> -> memref<100000x128xf32, #tpu.memory_space<hbm>>
      tpu.enqueue_indirect_dma source(%dma_start3A_503 : memref<100000x128xf32, #tpu.memory_space<hbm>>) target(%dma_start3A_497 : memref<72x128xf32, #tpu.memory_space<vmem>>) offsets(%dma_start3A_500 : memref<72xi32, #tpu.memory_space<vmem>>) semaphore(%arg10 : memref<!tpu.dma_semaphore, #tpu.memory_space<semaphore_mem>>)
      %mul3A_504 = arith.constant 3 : i32
      %mul3A_505 = arith.muli %mul3A_504, %scan3A_416 : i32
      %add3A_506 = arith.constant 2 : i32
      %add3A_507 = arith.addi %add3A_506, %mul3A_505 : i32
      %add3A_508 = arith.constant 1 : i32
      %add3A_509 = arith.addi %add3A_507, %add3A_508 : i32
      %dma_wait3A_510 = arith.constant 0 : i32
      %dma_wait3A_511 = arith.constant 0 : i32
      %dma_wait3A_512 = arith.constant 0 : i32
      %dma_wait3A_513 = tpu.memref_slice %arg8[%dma_wait3A_510, %dma_wait3A_511, %dma_wait3A_512] : memref<3x200x128xf32, #tpu.memory_space<vmem>> -> memref<1x200x128xf32, #tpu.memory_space<vmem>>
      %dma_wait3A_514 = tpu.memref_squeeze %dma_wait3A_513 : memref<1x200x128xf32, #tpu.memory_space<vmem>> -> memref<200x128xf32, #tpu.memory_space<vmem>>
      %dma_wait3A_515 = arith.constant 0 : i32
      %dma_wait3A_516 = arith.constant 0 : i32
      %dma_wait3A_517 = tpu.memref_slice %arg3[%dma_wait3A_515, %dma_wait3A_516] : memref<100000x128xf32, #tpu.memory_space<hbm>> -> memref<200x128xf32, #tpu.memory_space<hbm>>
      %dma_wait3A_518 = arith.constant 0 : i32
      %dma_wait3A_519 = arith.constant 0 : i32
      %dma_wait3A_520 = tpu.memref_slice %arg8[%dma_wait3A_510, %dma_wait3A_518, %dma_wait3A_519] : memref<3x200x128xf32, #tpu.memory_space<vmem>> -> memref<1x200x128xf32, #tpu.memory_space<vmem>>
      %dma_wait3A_521 = tpu.memref_squeeze %dma_wait3A_520 : memref<1x200x128xf32, #tpu.memory_space<vmem>> -> memref<200x128xf32, #tpu.memory_space<vmem>>
      %dma_wait3A_522 = arith.constant 0 : i32
      %dma_wait3A_523 = arith.constant 0 : i32
      %dma_wait3A_524 = tpu.memref_slice %arg3[%dma_wait3A_522, %dma_wait3A_523] : memref<100000x128xf32, #tpu.memory_space<hbm>> -> memref<200x128xf32, #tpu.memory_space<hbm>>
      tpu.wait_dma2 semaphore(%arg9 : memref<!tpu.dma_semaphore, #tpu.memory_space<semaphore_mem>>) src(%dma_wait3A_524 : memref<200x128xf32, #tpu.memory_space<hbm>>) dst(%dma_wait3A_521 : memref<200x128xf32, #tpu.memory_space<vmem>>)
      %scan3A_525 = arith.constant 0 : i32
      %scan3A_526 = arith.constant 0 : i32
      %scan3A_527 = arith.constant 100 : i32
      %scan3A_528 = arith.addi %scan3A_526, %scan3A_527 : i32
      %scan3A_529 = arith.constant 1 : i32
      scf.for %scan3A_678 = %scan3A_526 to %scan3A_528 step %scan3A_529  : i32 {
        %mul3A_679 = arith.constant 2 : i32
        %mul3A_680 = arith.muli %scan3A_678, %mul3A_679 : i32
        %add3A_681 = arith.constant 0 : i32
        %add3A_682 = arith.addi %mul3A_680, %add3A_681 : i32
        %get3A = arith.constant 0 : i32
        %get3A_683 = arith.index_cast %get3A : i32 to index
        %get3A_684 = arith.index_cast %add3A_682 : i32 to index
        %get3A_685 = arith.constant 0 : index
        %get3A_686 = tpu.vector_load %arg8[%get3A_683, %get3A_684, %get3A_685] {strides = array<i32>} : memref<3x200x128xf32, #tpu.memory_space<vmem>>, vector<1x1x16xf32>,
        %get3A_687 = vector.shape_cast %get3A_686 : vector<1x1x16xf32> to vector<16xf32>
        %mul3A_688 = arith.constant 2 : i32
        %mul3A_689 = arith.muli %scan3A_678, %mul3A_688 : i32
        %add3A_690 = arith.constant 0 : i32
        %add3A_691 = arith.addi %mul3A_689, %add3A_690 : i32
        %get3A_692 = arith.index_cast %add3A_691 : i32 to index
        %get3A_693 = arith.constant 0 : index
        %get3A_694 = tpu.vector_load %arg7[%get3A_692, %get3A_693] {strides = array<i32>} : memref<200x128xf32, #tpu.memory_space<vmem>>, vector<1x16xf32>,
        %get3A_695 = vector.shape_cast %get3A_694 : vector<1x16xf32> to vector<16xf32>
        %add3A_696 = arith.addf %get3A_687, %get3A_695 : vector<16xf32>
        %mul3A_697 = arith.constant 2 : i32
        %mul3A_698 = arith.muli %scan3A_678, %mul3A_697 : i32
        %add3A_699 = arith.constant 0 : i32
        %add3A_700 = arith.addi %mul3A_698, %add3A_699 : i32
        %swap3A = arith.constant 0 : i32
        %swap3A_701 = arith.index_cast %swap3A : i32 to index
        %swap3A_702 = arith.index_cast %add3A_700 : i32 to index
        %swap3A_703 = arith.constant 0 : index
        %swap3A_704 = tpu.vector_load %arg8[%swap3A_701, %swap3A_702, %swap3A_703] {strides = array<i32>} : memref<3x200x128xf32, #tpu.memory_space<vmem>>, vector<1x1x16xf32>,
        %swap3A_705 = vector.shape_cast %swap3A_704 : vector<1x1x16xf32> to vector<16xf32>
        %swap3A_706 = vector.shape_cast %add3A_696 : vector<16xf32> to vector<1x1x16xf32>
        tpu.vector_store %arg8[%swap3A_701, %swap3A_702, %swap3A_703], %swap3A_706 {strides = array<i32>} : memref<3x200x128xf32, #tpu.memory_space<vmem>>, vector<1x1x16xf32>,
        %mul3A_707 = arith.constant 2 : i32
        %mul3A_708 = arith.muli %scan3A_678, %mul3A_707 : i32
        %add3A_709 = arith.constant 0 : i32
        %add3A_710 = arith.addi %mul3A_708, %add3A_709 : i32
        %get3A_711 = arith.constant 0 : i32
        %get3A_712 = arith.index_cast %get3A_711 : i32 to index
        %get3A_713 = arith.index_cast %add3A_710 : i32 to index
        %get3A_714 = arith.constant 16 : index
        %get3A_715 = tpu.vector_load %arg8[%get3A_712, %get3A_713, %get3A_714] {strides = array<i32>} : memref<3x200x128xf32, #tpu.memory_space<vmem>>, vector<1x1x16xf32>,
        %get3A_716 = vector.shape_cast %get3A_715 : vector<1x1x16xf32> to vector<16xf32>
        %mul3A_717 = arith.constant 2 : i32
        %mul3A_718 = arith.muli %scan3A_678, %mul3A_717 : i32
        %add3A_719 = arith.constant 0 : i32
        %add3A_720 = arith.addi %mul3A_718, %add3A_719 : i32
        %get3A_721 = arith.index_cast %add3A_720 : i32 to index
        %get3A_722 = arith.constant 16 : index
        %get3A_723 = tpu.vector_load %arg7[%get3A_721, %get3A_722] {strides = array<i32>} : memref<200x128xf32, #tpu.memory_space<vmem>>, vector<1x16xf32>,
        %get3A_724 = vector.shape_cast %get3A_723 : vector<1x16xf32> to vector<16xf32>
        %add3A_725 = arith.addf %get3A_716, %get3A_724 : vector<16xf32>
        %mul3A_726 = arith.constant 2 : i32
        %mul3A_727 = arith.muli %scan3A_678, %mul3A_726 : i32
        %add3A_728 = arith.constant 0 : i32
        %add3A_729 = arith.addi %mul3A_727, %add3A_728 : i32
        %swap3A_730 = arith.constant 0 : i32
        %swap3A_731 = arith.index_cast %swap3A_730 : i32 to index
        %swap3A_732 = arith.index_cast %add3A_729 : i32 to index
        %swap3A_733 = arith.constant 16 : index
        %swap3A_734 = tpu.vector_load %arg8[%swap3A_731, %swap3A_732, %swap3A_733] {strides = array<i32>} : memref<3x200x128xf32, #tpu.memory_space<vmem>>, vector<1x1x16xf32>,
        %swap3A_735 = vector.shape_cast %swap3A_734 : vector<1x1x16xf32> to vector<16xf32>
        %swap3A_736 = vector.shape_cast %add3A_725 : vector<16xf32> to vector<1x1x16xf32>
        tpu.vector_store %arg8[%swap3A_731, %swap3A_732, %swap3A_733], %swap3A_736 {strides = array<i32>} : memref<3x200x128xf32, #tpu.memory_space<vmem>>, vector<1x1x16xf32>,
        %mul3A_737 = arith.constant 2 : i32
        %mul3A_738 = arith.muli %scan3A_678, %mul3A_737 : i32
        %add3A_739 = arith.constant 0 : i32
        %add3A_740 = arith.addi %mul3A_738, %add3A_739 : i32
        %get3A_741 = arith.constant 0 : i32
        %get3A_742 = arith.index_cast %get3A_741 : i32 to index
        %get3A_743 = arith.index_cast %add3A_740 : i32 to index
        %get3A_744 = arith.constant 32 : index
        %get3A_745 = tpu.vector_load %arg8[%get3A_742, %get3A_743, %get3A_744] {strides = array<i32>} : memref<3x200x128xf32, #tpu.memory_space<vmem>>, vector<1x1x16xf32>,
        %get3A_746 = vector.shape_cast %get3A_745 : vector<1x1x16xf32> to vector<16xf32>
        %mul3A_747 = arith.constant 2 : i32
        %mul3A_748 = arith.muli %scan3A_678, %mul3A_747 : i32
        %add3A_749 = arith.constant 0 : i32
        %add3A_750 = arith.addi %mul3A_748, %add3A_749 : i32
        %get3A_751 = arith.index_cast %add3A_750 : i32 to index
        %get3A_752 = arith.constant 32 : index
        %get3A_753 = tpu.vector_load %arg7[%get3A_751, %get3A_752] {strides = array<i32>} : memref<200x128xf32, #tpu.memory_space<vmem>>, vector<1x16xf32>,
        %get3A_754 = vector.shape_cast %get3A_753 : vector<1x16xf32> to vector<16xf32>
        %add3A_755 = arith.addf %get3A_746, %get3A_754 : vector<16xf32>
        %mul3A_756 = arith.constant 2 : i32
        %mul3A_757 = arith.muli %scan3A_678, %mul3A_756 : i32
        %add3A_758 = arith.constant 0 : i32
        %add3A_759 = arith.addi %mul3A_757, %add3A_758 : i32
        %swap3A_760 = arith.constant 0 : i32
        %swap3A_761 = arith.index_cast %swap3A_760 : i32 to index
        %swap3A_762 = arith.index_cast %add3A_759 : i32 to index
        %swap3A_763 = arith.constant 32 : index
        %swap3A_764 = tpu.vector_load %arg8[%swap3A_761, %swap3A_762, %swap3A_763] {strides = array<i32>} : memref<3x200x128xf32, #tpu.memory_space<vmem>>, vector<1x1x16xf32>,
        %swap3A_765 = vector.shape_cast %swap3A_764 : vector<1x1x16xf32> to vector<16xf32>
        %swap3A_766 = vector.shape_cast %add3A_755 : vector<16xf32> to vector<1x1x16xf32>
        tpu.vector_store %arg8[%swap3A_761, %swap3A_762, %swap3A_763], %swap3A_766 {strides = array<i32>} : memref<3x200x128xf32, #tpu.memory_space<vmem>>, vector<1x1x16xf32>,
        %mul3A_767 = arith.constant 2 : i32
        %mul3A_768 = arith.muli %scan3A_678, %mul3A_767 : i32
        %add3A_769 = arith.constant 0 : i32
        %add3A_770 = arith.addi %mul3A_768, %add3A_769 : i32
        %get3A_771 = arith.constant 0 : i32
        %get3A_772 = arith.index_cast %get3A_771 : i32 to index
        %get3A_773 = arith.index_cast %add3A_770 : i32 to index
        %get3A_774 = arith.constant 48 : index
        %get3A_775 = tpu.vector_load %arg8[%get3A_772, %get3A_773, %get3A_774] {strides = array<i32>} : memref<3x200x128xf32, #tpu.memory_space<vmem>>, vector<1x1x16xf32>,
        %get3A_776 = vector.shape_cast %get3A_775 : vector<1x1x16xf32> to vector<16xf32>
        %mul3A_777 = arith.constant 2 : i32
        %mul3A_778 = arith.muli %scan3A_678, %mul3A_777 : i32
        %add3A_779 = arith.constant 0 : i32
        %add3A_780 = arith.addi %mul3A_778, %add3A_779 : i32
        %get3A_781 = arith.index_cast %add3A_780 : i32 to index
        %get3A_782 = arith.constant 48 : index
        %get3A_783 = tpu.vector_load %arg7[%get3A_781, %get3A_782] {strides = array<i32>} : memref<200x128xf32, #tpu.memory_space<vmem>>, vector<1x16xf32>,
        %get3A_784 = vector.shape_cast %get3A_783 : vector<1x16xf32> to vector<16xf32>
        %add3A_785 = arith.addf %get3A_776, %get3A_784 : vector<16xf32>
        %mul3A_786 = arith.constant 2 : i32
        %mul3A_787 = arith.muli %scan3A_678, %mul3A_786 : i32
        %add3A_788 = arith.constant 0 : i32
        %add3A_789 = arith.addi %mul3A_787, %add3A_788 : i32
        %swap3A_790 = arith.constant 0 : i32
        %swap3A_791 = arith.index_cast %swap3A_790 : i32 to index
        %swap3A_792 = arith.index_cast %add3A_789 : i32 to index
        %swap3A_793 = arith.constant 48 : index
        %swap3A_794 = tpu.vector_load %arg8[%swap3A_791, %swap3A_792, %swap3A_793] {strides = array<i32>} : memref<3x200x128xf32, #tpu.memory_space<vmem>>, vector<1x1x16xf32>,
        %swap3A_795 = vector.shape_cast %swap3A_794 : vector<1x1x16xf32> to vector<16xf32>
        %swap3A_796 = vector.shape_cast %add3A_785 : vector<16xf32> to vector<1x1x16xf32>
        tpu.vector_store %arg8[%swap3A_791, %swap3A_792, %swap3A_793], %swap3A_796 {strides = array<i32>} : memref<3x200x128xf32, #tpu.memory_space<vmem>>, vector<1x1x16xf32>,
        %mul3A_797 = arith.constant 2 : i32
        %mul3A_798 = arith.muli %scan3A_678, %mul3A_797 : i32
        %add3A_799 = arith.constant 0 : i32
        %add3A_800 = arith.addi %mul3A_798, %add3A_799 : i32
        %get3A_801 = arith.constant 0 : i32
        %get3A_802 = arith.index_cast %get3A_801 : i32 to index
        %get3A_803 = arith.index_cast %add3A_800 : i32 to index
        %get3A_804 = arith.constant 64 : index
        %get3A_805 = tpu.vector_load %arg8[%get3A_802, %get3A_803, %get3A_804] {strides = array<i32>} : memref<3x200x128xf32, #tpu.memory_space<vmem>>, vector<1x1x16xf32>,
        %get3A_806 = vector.shape_cast %get3A_805 : vector<1x1x16xf32> to vector<16xf32>
        %mul3A_807 = arith.constant 2 : i32
        %mul3A_808 = arith.muli %scan3A_678, %mul3A_807 : i32
        %add3A_809 = arith.constant 0 : i32
        %add3A_810 = arith.addi %mul3A_808, %add3A_809 : i32
        %get3A_811 = arith.index_cast %add3A_810 : i32 to index
        %get3A_812 = arith.constant 64 : index
        %get3A_813 = tpu.vector_load %arg7[%get3A_811, %get3A_812] {strides = array<i32>} : memref<200x128xf32, #tpu.memory_space<vmem>>, vector<1x16xf32>,
        %get3A_814 = vector.shape_cast %get3A_813 : vector<1x16xf32> to vector<16xf32>
        %add3A_815 = arith.addf %get3A_806, %get3A_814 : vector<16xf32>
        %mul3A_816 = arith.constant 2 : i32
        %mul3A_817 = arith.muli %scan3A_678, %mul3A_816 : i32
        %add3A_818 = arith.constant 0 : i32
        %add3A_819 = arith.addi %mul3A_817, %add3A_818 : i32
        %swap3A_820 = arith.constant 0 : i32
        %swap3A_821 = arith.index_cast %swap3A_820 : i32 to index
        %swap3A_822 = arith.index_cast %add3A_819 : i32 to index
        %swap3A_823 = arith.constant 64 : index
        %swap3A_824 = tpu.vector_load %arg8[%swap3A_821, %swap3A_822, %swap3A_823] {strides = array<i32>} : memref<3x200x128xf32, #tpu.memory_space<vmem>>, vector<1x1x16xf32>,
        %swap3A_825 = vector.shape_cast %swap3A_824 : vector<1x1x16xf32> to vector<16xf32>
        %swap3A_826 = vector.shape_cast %add3A_815 : vector<16xf32> to vector<1x1x16xf32>
        tpu.vector_store %arg8[%swap3A_821, %swap3A_822, %swap3A_823], %swap3A_826 {strides = array<i32>} : memref<3x200x128xf32, #tpu.memory_space<vmem>>, vector<1x1x16xf32>,
        %mul3A_827 = arith.constant 2 : i32
        %mul3A_828 = arith.muli %scan3A_678, %mul3A_827 : i32
        %add3A_829 = arith.constant 0 : i32
        %add3A_830 = arith.addi %mul3A_828, %add3A_829 : i32
        %get3A_831 = arith.constant 0 : i32
        %get3A_832 = arith.index_cast %get3A_831 : i32 to index
        %get3A_833 = arith.index_cast %add3A_830 : i32 to index
        %get3A_834 = arith.constant 80 : index
        %get3A_835 = tpu.vector_load %arg8[%get3A_832, %get3A_833, %get3A_834] {strides = array<i32>} : memref<3x200x128xf32, #tpu.memory_space<vmem>>, vector<1x1x16xf32>,
        %get3A_836 = vector.shape_cast %get3A_835 : vector<1x1x16xf32> to vector<16xf32>
        %mul3A_837 = arith.constant 2 : i32
        %mul3A_838 = arith.muli %scan3A_678, %mul3A_837 : i32
        %add3A_839 = arith.constant 0 : i32
        %add3A_840 = arith.addi %mul3A_838, %add3A_839 : i32
        %get3A_841 = arith.index_cast %add3A_840 : i32 to index
        %get3A_842 = arith.constant 80 : index
        %get3A_843 = tpu.vector_load %arg7[%get3A_841, %get3A_842] {strides = array<i32>} : memref<200x128xf32, #tpu.memory_space<vmem>>, vector<1x16xf32>,
        %get3A_844 = vector.shape_cast %get3A_843 : vector<1x16xf32> to vector<16xf32>
        %add3A_845 = arith.addf %get3A_836, %get3A_844 : vector<16xf32>
        %mul3A_846 = arith.constant 2 : i32
        %mul3A_847 = arith.muli %scan3A_678, %mul3A_846 : i32
        %add3A_848 = arith.constant 0 : i32
        %add3A_849 = arith.addi %mul3A_847, %add3A_848 : i32
        %swap3A_850 = arith.constant 0 : i32
        %swap3A_851 = arith.index_cast %swap3A_850 : i32 to index
        %swap3A_852 = arith.index_cast %add3A_849 : i32 to index
        %swap3A_853 = arith.constant 80 : index
        %swap3A_854 = tpu.vector_load %arg8[%swap3A_851, %swap3A_852, %swap3A_853] {strides = array<i32>} : memref<3x200x128xf32, #tpu.memory_space<vmem>>, vector<1x1x16xf32>,
        %swap3A_855 = vector.shape_cast %swap3A_854 : vector<1x1x16xf32> to vector<16xf32>
        %swap3A_856 = vector.shape_cast %add3A_845 : vector<16xf32> to vector<1x1x16xf32>
        tpu.vector_store %arg8[%swap3A_851, %swap3A_852, %swap3A_853], %swap3A_856 {strides = array<i32>} : memref<3x200x128xf32, #tpu.memory_space<vmem>>, vector<1x1x16xf32>,
        %mul3A_857 = arith.constant 2 : i32
        %mul3A_858 = arith.muli %scan3A_678, %mul3A_857 : i32
        %add3A_859 = arith.constant 0 : i32
        %add3A_860 = arith.addi %mul3A_858, %add3A_859 : i32
        %get3A_861 = arith.constant 0 : i32
        %get3A_862 = arith.index_cast %get3A_861 : i32 to index
        %get3A_863 = arith.index_cast %add3A_860 : i32 to index
        %get3A_864 = arith.constant 96 : index
        %get3A_865 = tpu.vector_load %arg8[%get3A_862, %get3A_863, %get3A_864] {strides = array<i32>} : memref<3x200x128xf32, #tpu.memory_space<vmem>>, vector<1x1x16xf32>,
        %get3A_866 = vector.shape_cast %get3A_865 : vector<1x1x16xf32> to vector<16xf32>
        %mul3A_867 = arith.constant 2 : i32
        %mul3A_868 = arith.muli %scan3A_678, %mul3A_867 : i32
        %add3A_869 = arith.constant 0 : i32
        %add3A_870 = arith.addi %mul3A_868, %add3A_869 : i32
        %get3A_871 = arith.index_cast %add3A_870 : i32 to index
        %get3A_872 = arith.constant 96 : index
        %get3A_873 = tpu.vector_load %arg7[%get3A_871, %get3A_872] {strides = array<i32>} : memref<200x128xf32, #tpu.memory_space<vmem>>, vector<1x16xf32>,
        %get3A_874 = vector.shape_cast %get3A_873 : vector<1x16xf32> to vector<16xf32>
        %add3A_875 = arith.addf %get3A_866, %get3A_874 : vector<16xf32>
        %mul3A_876 = arith.constant 2 : i32
        %mul3A_877 = arith.muli %scan3A_678, %mul3A_876 : i32
        %add3A_878 = arith.constant 0 : i32
        %add3A_879 = arith.addi %mul3A_877, %add3A_878 : i32
        %swap3A_880 = arith.constant 0 : i32
        %swap3A_881 = arith.index_cast %swap3A_880 : i32 to index
        %swap3A_882 = arith.index_cast %add3A_879 : i32 to index
        %swap3A_883 = arith.constant 96 : index
        %swap3A_884 = tpu.vector_load %arg8[%swap3A_881, %swap3A_882, %swap3A_883] {strides = array<i32>} : memref<3x200x128xf32, #tpu.memory_space<vmem>>, vector<1x1x16xf32>,
        %swap3A_885 = vector.shape_cast %swap3A_884 : vector<1x1x16xf32> to vector<16xf32>
        %swap3A_886 = vector.shape_cast %add3A_875 : vector<16xf32> to vector<1x1x16xf32>
        tpu.vector_store %arg8[%swap3A_881, %swap3A_882, %swap3A_883], %swap3A_886 {strides = array<i32>} : memref<3x200x128xf32, #tpu.memory_space<vmem>>, vector<1x1x16xf32>,
        %mul3A_887 = arith.constant 2 : i32
        %mul3A_888 = arith.muli %scan3A_678, %mul3A_887 : i32
        %add3A_889 = arith.constant 0 : i32
        %add3A_890 = arith.addi %mul3A_888, %add3A_889 : i32
        %get3A_891 = arith.constant 0 : i32
        %get3A_892 = arith.index_cast %get3A_891 : i32 to index
        %get3A_893 = arith.index_cast %add3A_890 : i32 to index
        %get3A_894 = arith.constant 112 : index
        %get3A_895 = tpu.vector_load %arg8[%get3A_892, %get3A_893, %get3A_894] {strides = array<i32>} : memref<3x200x128xf32, #tpu.memory_space<vmem>>, vector<1x1x16xf32>,
        %get3A_896 = vector.shape_cast %get3A_895 : vector<1x1x16xf32> to vector<16xf32>
        %mul3A_897 = arith.constant 2 : i32
        %mul3A_898 = arith.muli %scan3A_678, %mul3A_897 : i32
        %add3A_899 = arith.constant 0 : i32
        %add3A_900 = arith.addi %mul3A_898, %add3A_899 : i32
        %get3A_901 = arith.index_cast %add3A_900 : i32 to index
        %get3A_902 = arith.constant 112 : index
        %get3A_903 = tpu.vector_load %arg7[%get3A_901, %get3A_902] {strides = array<i32>} : memref<200x128xf32, #tpu.memory_space<vmem>>, vector<1x16xf32>,
        %get3A_904 = vector.shape_cast %get3A_903 : vector<1x16xf32> to vector<16xf32>
        %add3A_905 = arith.addf %get3A_896, %get3A_904 : vector<16xf32>
        %mul3A_906 = arith.constant 2 : i32
        %mul3A_907 = arith.muli %scan3A_678, %mul3A_906 : i32
        %add3A_908 = arith.constant 0 : i32
        %add3A_909 = arith.addi %mul3A_907, %add3A_908 : i32
        %swap3A_910 = arith.constant 0 : i32
        %swap3A_911 = arith.index_cast %swap3A_910 : i32 to index
        %swap3A_912 = arith.index_cast %add3A_909 : i32 to index
        %swap3A_913 = arith.constant 112 : index
        %swap3A_914 = tpu.vector_load %arg8[%swap3A_911, %swap3A_912, %swap3A_913] {strides = array<i32>} : memref<3x200x128xf32, #tpu.memory_space<vmem>>, vector<1x1x16xf32>,
        %swap3A_915 = vector.shape_cast %swap3A_914 : vector<1x1x16xf32> to vector<16xf32>
        %swap3A_916 = vector.shape_cast %add3A_905 : vector<16xf32> to vector<1x1x16xf32>
        tpu.vector_store %arg8[%swap3A_911, %swap3A_912, %swap3A_913], %swap3A_916 {strides = array<i32>} : memref<3x200x128xf32, #tpu.memory_space<vmem>>, vector<1x1x16xf32>,
        %mul3A_917 = arith.constant 2 : i32
        %mul3A_918 = arith.muli %scan3A_678, %mul3A_917 : i32
        %add3A_919 = arith.constant 1 : i32
        %add3A_920 = arith.addi %mul3A_918, %add3A_919 : i32
        %get3A_921 = arith.constant 0 : i32
        %get3A_922 = arith.index_cast %get3A_921 : i32 to index
        %get3A_923 = arith.index_cast %add3A_920 : i32 to index
        %get3A_924 = arith.constant 0 : index
        %get3A_925 = tpu.vector_load %arg8[%get3A_922, %get3A_923, %get3A_924] {strides = array<i32>} : memref<3x200x128xf32, #tpu.memory_space<vmem>>, vector<1x1x16xf32>,
        %get3A_926 = vector.shape_cast %get3A_925 : vector<1x1x16xf32> to vector<16xf32>
        %mul3A_927 = arith.constant 2 : i32
        %mul3A_928 = arith.muli %scan3A_678, %mul3A_927 : i32
        %add3A_929 = arith.constant 1 : i32
        %add3A_930 = arith.addi %mul3A_928, %add3A_929 : i32
        %get3A_931 = arith.index_cast %add3A_930 : i32 to index
        %get3A_932 = arith.constant 0 : index
        %get3A_933 = tpu.vector_load %arg7[%get3A_931, %get3A_932] {strides = array<i32>} : memref<200x128xf32, #tpu.memory_space<vmem>>, vector<1x16xf32>,
        %get3A_934 = vector.shape_cast %get3A_933 : vector<1x16xf32> to vector<16xf32>
        %add3A_935 = arith.addf %get3A_926, %get3A_934 : vector<16xf32>
        %mul3A_936 = arith.constant 2 : i32
        %mul3A_937 = arith.muli %scan3A_678, %mul3A_936 : i32
        %add3A_938 = arith.constant 1 : i32
        %add3A_939 = arith.addi %mul3A_937, %add3A_938 : i32
        %swap3A_940 = arith.constant 0 : i32
        %swap3A_941 = arith.index_cast %swap3A_940 : i32 to index
        %swap3A_942 = arith.index_cast %add3A_939 : i32 to index
        %swap3A_943 = arith.constant 0 : index
        %swap3A_944 = tpu.vector_load %arg8[%swap3A_941, %swap3A_942, %swap3A_943] {strides = array<i32>} : memref<3x200x128xf32, #tpu.memory_space<vmem>>, vector<1x1x16xf32>,
        %swap3A_945 = vector.shape_cast %swap3A_944 : vector<1x1x16xf32> to vector<16xf32>
        %swap3A_946 = vector.shape_cast %add3A_935 : vector<16xf32> to vector<1x1x16xf32>
        tpu.vector_store %arg8[%swap3A_941, %swap3A_942, %swap3A_943], %swap3A_946 {strides = array<i32>} : memref<3x200x128xf32, #tpu.memory_space<vmem>>, vector<1x1x16xf32>,
        %mul3A_947 = arith.constant 2 : i32
        %mul3A_948 = arith.muli %scan3A_678, %mul3A_947 : i32
        %add3A_949 = arith.constant 1 : i32
        %add3A_950 = arith.addi %mul3A_948, %add3A_949 : i32
        %get3A_951 = arith.constant 0 : i32
        %get3A_952 = arith.index_cast %get3A_951 : i32 to index
        %get3A_953 = arith.index_cast %add3A_950 : i32 to index
        %get3A_954 = arith.constant 16 : index
        %get3A_955 = tpu.vector_load %arg8[%get3A_952, %get3A_953, %get3A_954] {strides = array<i32>} : memref<3x200x128xf32, #tpu.memory_space<vmem>>, vector<1x1x16xf32>,
        %get3A_956 = vector.shape_cast %get3A_955 : vector<1x1x16xf32> to vector<16xf32>
        %mul3A_957 = arith.constant 2 : i32
        %mul3A_958 = arith.muli %scan3A_678, %mul3A_957 : i32
        %add3A_959 = arith.constant 1 : i32
        %add3A_960 = arith.addi %mul3A_958, %add3A_959 : i32
        %get3A_961 = arith.index_cast %add3A_960 : i32 to index
        %get3A_962 = arith.constant 16 : index
        %get3A_963 = tpu.vector_load %arg7[%get3A_961, %get3A_962] {strides = array<i32>} : memref<200x128xf32, #tpu.memory_space<vmem>>, vector<1x16xf32>,
        %get3A_964 = vector.shape_cast %get3A_963 : vector<1x16xf32> to vector<16xf32>
        %add3A_965 = arith.addf %get3A_956, %get3A_964 : vector<16xf32>
        %mul3A_966 = arith.constant 2 : i32
        %mul3A_967 = arith.muli %scan3A_678, %mul3A_966 : i32
        %add3A_968 = arith.constant 1 : i32
        %add3A_969 = arith.addi %mul3A_967, %add3A_968 : i32
        %swap3A_970 = arith.constant 0 : i32
        %swap3A_971 = arith.index_cast %swap3A_970 : i32 to index
        %swap3A_972 = arith.index_cast %add3A_969 : i32 to index
        %swap3A_973 = arith.constant 16 : index
        %swap3A_974 = tpu.vector_load %arg8[%swap3A_971, %swap3A_972, %swap3A_973] {strides = array<i32>} : memref<3x200x128xf32, #tpu.memory_space<vmem>>, vector<1x1x16xf32>,
        %swap3A_975 = vector.shape_cast %swap3A_974 : vector<1x1x16xf32> to vector<16xf32>
        %swap3A_976 = vector.shape_cast %add3A_965 : vector<16xf32> to vector<1x1x16xf32>
        tpu.vector_store %arg8[%swap3A_971, %swap3A_972, %swap3A_973], %swap3A_976 {strides = array<i32>} : memref<3x200x128xf32, #tpu.memory_space<vmem>>, vector<1x1x16xf32>,
        %mul3A_977 = arith.constant 2 : i32
        %mul3A_978 = arith.muli %scan3A_678, %mul3A_977 : i32
        %add3A_979 = arith.constant 1 : i32
        %add3A_980 = arith.addi %mul3A_978, %add3A_979 : i32
        %get3A_981 = arith.constant 0 : i32
        %get3A_982 = arith.index_cast %get3A_981 : i32 to index
        %get3A_983 = arith.index_cast %add3A_980 : i32 to index
        %get3A_984 = arith.constant 32 : index
        %get3A_985 = tpu.vector_load %arg8[%get3A_982, %get3A_983, %get3A_984] {strides = array<i32>} : memref<3x200x128xf32, #tpu.memory_space<vmem>>, vector<1x1x16xf32>,
        %get3A_986 = vector.shape_cast %get3A_985 : vector<1x1x16xf32> to vector<16xf32>
        %mul3A_987 = arith.constant 2 : i32
        %mul3A_988 = arith.muli %scan3A_678, %mul3A_987 : i32
        %add3A_989 = arith.constant 1 : i32
        %add3A_990 = arith.addi %mul3A_988, %add3A_989 : i32
        %get3A_991 = arith.index_cast %add3A_990 : i32 to index
        %get3A_992 = arith.constant 32 : index
        %get3A_993 = tpu.vector_load %arg7[%get3A_991, %get3A_992] {strides = array<i32>} : memref<200x128xf32, #tpu.memory_space<vmem>>, vector<1x16xf32>,
        %get3A_994 = vector.shape_cast %get3A_993 : vector<1x16xf32> to vector<16xf32>
        %add3A_995 = arith.addf %get3A_986, %get3A_994 : vector<16xf32>
        %mul3A_996 = arith.constant 2 : i32
        %mul3A_997 = arith.muli %scan3A_678, %mul3A_996 : i32
        %add3A_998 = arith.constant 1 : i32
        %add3A_999 = arith.addi %mul3A_997, %add3A_998 : i32
        %swap3A_1000 = arith.constant 0 : i32
        %swap3A_1001 = arith.index_cast %swap3A_1000 : i32 to index
        %swap3A_1002 = arith.index_cast %add3A_999 : i32 to index
        %swap3A_1003 = arith.constant 32 : index
        %swap3A_1004 = tpu.vector_load %arg8[%swap3A_1001, %swap3A_1002, %swap3A_1003] {strides = array<i32>} : memref<3x200x128xf32, #tpu.memory_space<vmem>>, vector<1x1x16xf32>,
        %swap3A_1005 = vector.shape_cast %swap3A_1004 : vector<1x1x16xf32> to vector<16xf32>
        %swap3A_1006 = vector.shape_cast %add3A_995 : vector<16xf32> to vector<1x1x16xf32>
        tpu.vector_store %arg8[%swap3A_1001, %swap3A_1002, %swap3A_1003], %swap3A_1006 {strides = array<i32>} : memref<3x200x128xf32, #tpu.memory_space<vmem>>, vector<1x1x16xf32>,
        %mul3A_1007 = arith.constant 2 : i32
        %mul3A_1008 = arith.muli %scan3A_678, %mul3A_1007 : i32
        %add3A_1009 = arith.constant 1 : i32
        %add3A_1010 = arith.addi %mul3A_1008, %add3A_1009 : i32
        %get3A_1011 = arith.constant 0 : i32
        %get3A_1012 = arith.index_cast %get3A_1011 : i32 to index
        %get3A_1013 = arith.index_cast %add3A_1010 : i32 to index
        %get3A_1014 = arith.constant 48 : index
        %get3A_1015 = tpu.vector_load %arg8[%get3A_1012, %get3A_1013, %get3A_1014] {strides = array<i32>} : memref<3x200x128xf32, #tpu.memory_space<vmem>>, vector<1x1x16xf32>,
        %get3A_1016 = vector.shape_cast %get3A_1015 : vector<1x1x16xf32> to vector<16xf32>
        %mul3A_1017 = arith.constant 2 : i32
        %mul3A_1018 = arith.muli %scan3A_678, %mul3A_1017 : i32
        %add3A_1019 = arith.constant 1 : i32
        %add3A_1020 = arith.addi %mul3A_1018, %add3A_1019 : i32
        %get3A_1021 = arith.index_cast %add3A_1020 : i32 to index
        %get3A_1022 = arith.constant 48 : index
        %get3A_1023 = tpu.vector_load %arg7[%get3A_1021, %get3A_1022] {strides = array<i32>} : memref<200x128xf32, #tpu.memory_space<vmem>>, vector<1x16xf32>,
        %get3A_1024 = vector.shape_cast %get3A_1023 : vector<1x16xf32> to vector<16xf32>
        %add3A_1025 = arith.addf %get3A_1016, %get3A_1024 : vector<16xf32>
        %mul3A_1026 = arith.constant 2 : i32
        %mul3A_1027 = arith.muli %scan3A_678, %mul3A_1026 : i32
        %add3A_1028 = arith.constant 1 : i32
        %add3A_1029 = arith.addi %mul3A_1027, %add3A_1028 : i32
        %swap3A_1030 = arith.constant 0 : i32
        %swap3A_1031 = arith.index_cast %swap3A_1030 : i32 to index
        %swap3A_1032 = arith.index_cast %add3A_1029 : i32 to index
        %swap3A_1033 = arith.constant 48 : index
        %swap3A_1034 = tpu.vector_load %arg8[%swap3A_1031, %swap3A_1032, %swap3A_1033] {strides = array<i32>} : memref<3x200x128xf32, #tpu.memory_space<vmem>>, vector<1x1x16xf32>,
        %swap3A_1035 = vector.shape_cast %swap3A_1034 : vector<1x1x16xf32> to vector<16xf32>
        %swap3A_1036 = vector.shape_cast %add3A_1025 : vector<16xf32> to vector<1x1x16xf32>
        tpu.vector_store %arg8[%swap3A_1031, %swap3A_1032, %swap3A_1033], %swap3A_1036 {strides = array<i32>} : memref<3x200x128xf32, #tpu.memory_space<vmem>>, vector<1x1x16xf32>,
        %mul3A_1037 = arith.constant 2 : i32
        %mul3A_1038 = arith.muli %scan3A_678, %mul3A_1037 : i32
        %add3A_1039 = arith.constant 1 : i32
        %add3A_1040 = arith.addi %mul3A_1038, %add3A_1039 : i32
        %get3A_1041 = arith.constant 0 : i32
        %get3A_1042 = arith.index_cast %get3A_1041 : i32 to index
        %get3A_1043 = arith.index_cast %add3A_1040 : i32 to index
        %get3A_1044 = arith.constant 64 : index
        %get3A_1045 = tpu.vector_load %arg8[%get3A_1042, %get3A_1043, %get3A_1044] {strides = array<i32>} : memref<3x200x128xf32, #tpu.memory_space<vmem>>, vector<1x1x16xf32>,
        %get3A_1046 = vector.shape_cast %get3A_1045 : vector<1x1x16xf32> to vector<16xf32>
        %mul3A_1047 = arith.constant 2 : i32
        %mul3A_1048 = arith.muli %scan3A_678, %mul3A_1047 : i32
        %add3A_1049 = arith.constant 1 : i32
        %add3A_1050 = arith.addi %mul3A_1048, %add3A_1049 : i32
        %get3A_1051 = arith.index_cast %add3A_1050 : i32 to index
        %get3A_1052 = arith.constant 64 : index
        %get3A_1053 = tpu.vector_load %arg7[%get3A_1051, %get3A_1052] {strides = array<i32>} : memref<200x128xf32, #tpu.memory_space<vmem>>, vector<1x16xf32>,
        %get3A_1054 = vector.shape_cast %get3A_1053 : vector<1x16xf32> to vector<16xf32>
        %add3A_1055 = arith.addf %get3A_1046, %get3A_1054 : vector<16xf32>
        %mul3A_1056 = arith.constant 2 : i32
        %mul3A_1057 = arith.muli %scan3A_678, %mul3A_1056 : i32
        %add3A_1058 = arith.constant 1 : i32
        %add3A_1059 = arith.addi %mul3A_1057, %add3A_1058 : i32
        %swap3A_1060 = arith.constant 0 : i32
        %swap3A_1061 = arith.index_cast %swap3A_1060 : i32 to index
        %swap3A_1062 = arith.index_cast %add3A_1059 : i32 to index
        %swap3A_1063 = arith.constant 64 : index
        %swap3A_1064 = tpu.vector_load %arg8[%swap3A_1061, %swap3A_1062, %swap3A_1063] {strides = array<i32>} : memref<3x200x128xf32, #tpu.memory_space<vmem>>, vector<1x1x16xf32>,
        %swap3A_1065 = vector.shape_cast %swap3A_1064 : vector<1x1x16xf32> to vector<16xf32>
        %swap3A_1066 = vector.shape_cast %add3A_1055 : vector<16xf32> to vector<1x1x16xf32>
        tpu.vector_store %arg8[%swap3A_1061, %swap3A_1062, %swap3A_1063], %swap3A_1066 {strides = array<i32>} : memref<3x200x128xf32, #tpu.memory_space<vmem>>, vector<1x1x16xf32>,
        %mul3A_1067 = arith.constant 2 : i32
        %mul3A_1068 = arith.muli %scan3A_678, %mul3A_1067 : i32
        %add3A_1069 = arith.constant 1 : i32
        %add3A_1070 = arith.addi %mul3A_1068, %add3A_1069 : i32
        %get3A_1071 = arith.constant 0 : i32
        %get3A_1072 = arith.index_cast %get3A_1071 : i32 to index
        %get3A_1073 = arith.index_cast %add3A_1070 : i32 to index
        %get3A_1074 = arith.constant 80 : index
        %get3A_1075 = tpu.vector_load %arg8[%get3A_1072, %get3A_1073, %get3A_1074] {strides = array<i32>} : memref<3x200x128xf32, #tpu.memory_space<vmem>>, vector<1x1x16xf32>,
        %get3A_1076 = vector.shape_cast %get3A_1075 : vector<1x1x16xf32> to vector<16xf32>
        %mul3A_1077 = arith.constant 2 : i32
        %mul3A_1078 = arith.muli %scan3A_678, %mul3A_1077 : i32
        %add3A_1079 = arith.constant 1 : i32
        %add3A_1080 = arith.addi %mul3A_1078, %add3A_1079 : i32
        %get3A_1081 = arith.index_cast %add3A_1080 : i32 to index
        %get3A_1082 = arith.constant 80 : index
        %get3A_1083 = tpu.vector_load %arg7[%get3A_1081, %get3A_1082] {strides = array<i32>} : memref<200x128xf32, #tpu.memory_space<vmem>>, vector<1x16xf32>,
        %get3A_1084 = vector.shape_cast %get3A_1083 : vector<1x16xf32> to vector<16xf32>
        %add3A_1085 = arith.addf %get3A_1076, %get3A_1084 : vector<16xf32>
        %mul3A_1086 = arith.constant 2 : i32
        %mul3A_1087 = arith.muli %scan3A_678, %mul3A_1086 : i32
        %add3A_1088 = arith.constant 1 : i32
        %add3A_1089 = arith.addi %mul3A_1087, %add3A_1088 : i32
        %swap3A_1090 = arith.constant 0 : i32
        %swap3A_1091 = arith.index_cast %swap3A_1090 : i32 to index
        %swap3A_1092 = arith.index_cast %add3A_1089 : i32 to index
        %swap3A_1093 = arith.constant 80 : index
        %swap3A_1094 = tpu.vector_load %arg8[%swap3A_1091, %swap3A_1092, %swap3A_1093] {strides = array<i32>} : memref<3x200x128xf32, #tpu.memory_space<vmem>>, vector<1x1x16xf32>,
        %swap3A_1095 = vector.shape_cast %swap3A_1094 : vector<1x1x16xf32> to vector<16xf32>
        %swap3A_1096 = vector.shape_cast %add3A_1085 : vector<16xf32> to vector<1x1x16xf32>
        tpu.vector_store %arg8[%swap3A_1091, %swap3A_1092, %swap3A_1093], %swap3A_1096 {strides = array<i32>} : memref<3x200x128xf32, #tpu.memory_space<vmem>>, vector<1x1x16xf32>,
        %mul3A_1097 = arith.constant 2 : i32
        %mul3A_1098 = arith.muli %scan3A_678, %mul3A_1097 : i32
        %add3A_1099 = arith.constant 1 : i32
        %add3A_1100 = arith.addi %mul3A_1098, %add3A_1099 : i32
        %get3A_1101 = arith.constant 0 : i32
        %get3A_1102 = arith.index_cast %get3A_1101 : i32 to index
        %get3A_1103 = arith.index_cast %add3A_1100 : i32 to index
        %get3A_1104 = arith.constant 96 : index
        %get3A_1105 = tpu.vector_load %arg8[%get3A_1102, %get3A_1103, %get3A_1104] {strides = array<i32>} : memref<3x200x128xf32, #tpu.memory_space<vmem>>, vector<1x1x16xf32>,
        %get3A_1106 = vector.shape_cast %get3A_1105 : vector<1x1x16xf32> to vector<16xf32>
        %mul3A_1107 = arith.constant 2 : i32
        %mul3A_1108 = arith.muli %scan3A_678, %mul3A_1107 : i32
        %add3A_1109 = arith.constant 1 : i32
        %add3A_1110 = arith.addi %mul3A_1108, %add3A_1109 : i32
        %get3A_1111 = arith.index_cast %add3A_1110 : i32 to index
        %get3A_1112 = arith.constant 96 : index
        %get3A_1113 = tpu.vector_load %arg7[%get3A_1111, %get3A_1112] {strides = array<i32>} : memref<200x128xf32, #tpu.memory_space<vmem>>, vector<1x16xf32>,
        %get3A_1114 = vector.shape_cast %get3A_1113 : vector<1x16xf32> to vector<16xf32>
        %add3A_1115 = arith.addf %get3A_1106, %get3A_1114 : vector<16xf32>
        %mul3A_1116 = arith.constant 2 : i32
        %mul3A_1117 = arith.muli %scan3A_678, %mul3A_1116 : i32
        %add3A_1118 = arith.constant 1 : i32
        %add3A_1119 = arith.addi %mul3A_1117, %add3A_1118 : i32
        %swap3A_1120 = arith.constant 0 : i32
        %swap3A_1121 = arith.index_cast %swap3A_1120 : i32 to index
        %swap3A_1122 = arith.index_cast %add3A_1119 : i32 to index
        %swap3A_1123 = arith.constant 96 : index
        %swap3A_1124 = tpu.vector_load %arg8[%swap3A_1121, %swap3A_1122, %swap3A_1123] {strides = array<i32>} : memref<3x200x128xf32, #tpu.memory_space<vmem>>, vector<1x1x16xf32>,
        %swap3A_1125 = vector.shape_cast %swap3A_1124 : vector<1x1x16xf32> to vector<16xf32>
        %swap3A_1126 = vector.shape_cast %add3A_1115 : vector<16xf32> to vector<1x1x16xf32>
        tpu.vector_store %arg8[%swap3A_1121, %swap3A_1122, %swap3A_1123], %swap3A_1126 {strides = array<i32>} : memref<3x200x128xf32, #tpu.memory_space<vmem>>, vector<1x1x16xf32>,
        %mul3A_1127 = arith.constant 2 : i32
        %mul3A_1128 = arith.muli %scan3A_678, %mul3A_1127 : i32
        %add3A_1129 = arith.constant 1 : i32
        %add3A_1130 = arith.addi %mul3A_1128, %add3A_1129 : i32
        %get3A_1131 = arith.constant 0 : i32
        %get3A_1132 = arith.index_cast %get3A_1131 : i32 to index
        %get3A_1133 = arith.index_cast %add3A_1130 : i32 to index
        %get3A_1134 = arith.constant 112 : index
        %get3A_1135 = tpu.vector_load %arg8[%get3A_1132, %get3A_1133, %get3A_1134] {strides = array<i32>} : memref<3x200x128xf32, #tpu.memory_space<vmem>>, vector<1x1x16xf32>,
        %get3A_1136 = vector.shape_cast %get3A_1135 : vector<1x1x16xf32> to vector<16xf32>
        %mul3A_1137 = arith.constant 2 : i32
        %mul3A_1138 = arith.muli %scan3A_678, %mul3A_1137 : i32
        %add3A_1139 = arith.constant 1 : i32
        %add3A_1140 = arith.addi %mul3A_1138, %add3A_1139 : i32
        %get3A_1141 = arith.index_cast %add3A_1140 : i32 to index
        %get3A_1142 = arith.constant 112 : index
        %get3A_1143 = tpu.vector_load %arg7[%get3A_1141, %get3A_1142] {strides = array<i32>} : memref<200x128xf32, #tpu.memory_space<vmem>>, vector<1x16xf32>,
        %get3A_1144 = vector.shape_cast %get3A_1143 : vector<1x16xf32> to vector<16xf32>
        %add3A_1145 = arith.addf %get3A_1136, %get3A_1144 : vector<16xf32>
        %mul3A_1146 = arith.constant 2 : i32
        %mul3A_1147 = arith.muli %scan3A_678, %mul3A_1146 : i32
        %add3A_1148 = arith.constant 1 : i32
        %add3A_1149 = arith.addi %mul3A_1147, %add3A_1148 : i32
        %swap3A_1150 = arith.constant 0 : i32
        %swap3A_1151 = arith.index_cast %swap3A_1150 : i32 to index
        %swap3A_1152 = arith.index_cast %add3A_1149 : i32 to index
        %swap3A_1153 = arith.constant 112 : index
        %swap3A_1154 = tpu.vector_load %arg8[%swap3A_1151, %swap3A_1152, %swap3A_1153] {strides = array<i32>} : memref<3x200x128xf32, #tpu.memory_space<vmem>>, vector<1x1x16xf32>,
        %swap3A_1155 = vector.shape_cast %swap3A_1154 : vector<1x1x16xf32> to vector<16xf32>
        %swap3A_1156 = vector.shape_cast %add3A_1145 : vector<16xf32> to vector<1x1x16xf32>
        tpu.vector_store %arg8[%swap3A_1151, %swap3A_1152, %swap3A_1153], %swap3A_1156 {strides = array<i32>} : memref<3x200x128xf32, #tpu.memory_space<vmem>>, vector<1x1x16xf32>,
      }
      %scan3A_530 = arith.constant 100 : i32
      %add3A_531 = arith.addi %mul3A_2, %add3A_509 : i32
      %dma_start3A_532 = arith.constant 0 : i32
      %dma_start3A_533 = arith.constant 0 : i32
      %dma_start3A_534 = arith.constant 0 : i32
      %dma_start3A_535 = tpu.memref_slice %arg8[%dma_start3A_532, %dma_start3A_533, %dma_start3A_534] : memref<3x200x128xf32, #tpu.memory_space<vmem>> -> memref<1x200x128xf32, #tpu.memory_space<vmem>>
      %dma_start3A_536 = tpu.memref_squeeze %dma_start3A_535 : memref<1x200x128xf32, #tpu.memory_space<vmem>> -> memref<200x128xf32, #tpu.memory_space<vmem>>
      %dma_start3A_537 = arith.constant 0 : i32
      %dma_start3A_538 = arith.constant 0 : i32
      %dma_start3A_539 = tpu.memref_slice %arg5[%add3A_531, %dma_start3A_537, %dma_start3A_538] : memref<1024x200x128xf32, #tpu.memory_space<hbm>> -> memref<1x200x128xf32, #tpu.memory_space<hbm>>
      %dma_start3A_540 = tpu.memref_squeeze %dma_start3A_539 : memref<1x200x128xf32, #tpu.memory_space<hbm>> -> memref<200x128xf32, #tpu.memory_space<hbm>>
      %dma_start3A_541 = arith.constant 0 : i32
      %dma_start3A_542 = arith.constant 0 : i32
      %dma_start3A_543 = tpu.memref_slice %arg5[%add3A_531, %dma_start3A_541, %dma_start3A_542] : memref<1024x200x128xf32, #tpu.memory_space<hbm>> -> memref<1x200x128xf32, #tpu.memory_space<hbm>>
      %dma_start3A_544 = tpu.memref_squeeze %dma_start3A_543 : memref<1x200x128xf32, #tpu.memory_space<hbm>> -> memref<200x128xf32, #tpu.memory_space<hbm>>
      %dma_start3A_545 = arith.constant 0 : i32
      %dma_start3A_546 = arith.constant 0 : i32
      %dma_start3A_547 = tpu.memref_slice %arg8[%dma_start3A_532, %dma_start3A_545, %dma_start3A_546] : memref<3x200x128xf32, #tpu.memory_space<vmem>> -> memref<1x200x128xf32, #tpu.memory_space<vmem>>
      %dma_start3A_548 = tpu.memref_squeeze %dma_start3A_547 : memref<1x200x128xf32, #tpu.memory_space<vmem>> -> memref<200x128xf32, #tpu.memory_space<vmem>>
      tpu.enqueue_dma source(%dma_start3A_548 : memref<200x128xf32, #tpu.memory_space<vmem>>) target(%dma_start3A_544 : memref<200x128xf32, #tpu.memory_space<hbm>>) target_semaphore(%arg12 : memref<!tpu.dma_semaphore, #tpu.memory_space<semaphore_mem>>)
      %dma_wait3A_549 = arith.constant 2 : i32
      %dma_wait3A_550 = arith.constant 0 : i32
      %dma_wait3A_551 = arith.constant 0 : i32
      %dma_wait3A_552 = arith.constant 0 : i32
      %dma_wait3A_553 = tpu.memref_slice %arg8[%dma_wait3A_549, %dma_wait3A_551, %dma_wait3A_552] : memref<3x200x128xf32, #tpu.memory_space<vmem>> -> memref<1x200x128xf32, #tpu.memory_space<vmem>>
      %dma_wait3A_554 = tpu.memref_squeeze %dma_wait3A_553 : memref<1x200x128xf32, #tpu.memory_space<vmem>> -> memref<200x128xf32, #tpu.memory_space<vmem>>
      %dma_wait3A_555 = arith.constant 0 : i32
      %dma_wait3A_556 = arith.constant 0 : i32
      %dma_wait3A_557 = tpu.memref_slice %arg5[%dma_wait3A_550, %dma_wait3A_555, %dma_wait3A_556] : memref<1024x200x128xf32, #tpu.memory_space<hbm>> -> memref<1x200x128xf32, #tpu.memory_space<hbm>>
      %dma_wait3A_558 = tpu.memref_squeeze %dma_wait3A_557 : memref<1x200x128xf32, #tpu.memory_space<hbm>> -> memref<200x128xf32, #tpu.memory_space<hbm>>
      %dma_wait3A_559 = arith.constant 0 : i32
      %dma_wait3A_560 = arith.constant 0 : i32
      %dma_wait3A_561 = tpu.memref_slice %arg5[%dma_wait3A_550, %dma_wait3A_559, %dma_wait3A_560] : memref<1024x200x128xf32, #tpu.memory_space<hbm>> -> memref<1x200x128xf32, #tpu.memory_space<hbm>>
      %dma_wait3A_562 = tpu.memref_squeeze %dma_wait3A_561 : memref<1x200x128xf32, #tpu.memory_space<hbm>> -> memref<200x128xf32, #tpu.memory_space<hbm>>
      %dma_wait3A_563 = arith.constant 0 : i32
      %dma_wait3A_564 = arith.constant 0 : i32
      %dma_wait3A_565 = tpu.memref_slice %arg8[%dma_wait3A_549, %dma_wait3A_563, %dma_wait3A_564] : memref<3x200x128xf32, #tpu.memory_space<vmem>> -> memref<1x200x128xf32, #tpu.memory_space<vmem>>
      %dma_wait3A_566 = tpu.memref_squeeze %dma_wait3A_565 : memref<1x200x128xf32, #tpu.memory_space<vmem>> -> memref<200x128xf32, #tpu.memory_space<vmem>>
      tpu.wait_dma2 semaphore(%arg14 : memref<!tpu.dma_semaphore, #tpu.memory_space<semaphore_mem>>) src(%dma_wait3A_566 : memref<200x128xf32, #tpu.memory_space<vmem>>) dst(%dma_wait3A_562 : memref<200x128xf32, #tpu.memory_space<hbm>>)
      %add3A_567 = arith.constant 2 : i32
      %add3A_568 = arith.addi %add3A_509, %add3A_567 : i32
      %dma_start3A_569 = arith.constant 2 : i32
      %dma_start3A_570 = arith.constant 0 : i32
      %dma_start3A_571 = arith.constant 0 : i32
      %dma_start3A_572 = tpu.memref_slice %arg8[%dma_start3A_569, %dma_start3A_570, %dma_start3A_571] : memref<3x200x128xf32, #tpu.memory_space<vmem>> -> memref<1x128x128xf32, #tpu.memory_space<vmem>>
      %dma_start3A_573 = tpu.memref_squeeze %dma_start3A_572 : memref<1x128x128xf32, #tpu.memory_space<vmem>> -> memref<128x128xf32, #tpu.memory_space<vmem>>
      %dma_start3A_574 = arith.constant 0 : i32
      %dma_start3A_575 = tpu.memref_slice %arg6[%add3A_568, %dma_start3A_574] : memref<32x200xi32, #tpu.memory_space<vmem>> -> memref<1x128xi32, #tpu.memory_space<vmem>>
      %dma_start3A_576 = tpu.memref_squeeze %dma_start3A_575 : memref<1x128xi32, #tpu.memory_space<vmem>> -> memref<128xi32, #tpu.memory_space<vmem>>
      %dma_start3A_577 = arith.constant 0 : i32
      %dma_start3A_578 = arith.constant 0 : i32
      %dma_start3A_579 = tpu.memref_slice %arg3[%dma_start3A_577, %dma_start3A_578] : memref<100000x128xf32, #tpu.memory_space<hbm>> -> memref<100000x128xf32, #tpu.memory_space<hbm>>
      tpu.enqueue_indirect_dma source(%dma_start3A_579 : memref<100000x128xf32, #tpu.memory_space<hbm>>) target(%dma_start3A_573 : memref<128x128xf32, #tpu.memory_space<vmem>>) offsets(%dma_start3A_576 : memref<128xi32, #tpu.memory_space<vmem>>) semaphore(%arg11 : memref<!tpu.dma_semaphore, #tpu.memory_space<semaphore_mem>>)
      %dma_start3A_580 = arith.constant 2 : i32
      %dma_start3A_581 = arith.constant 128 : i32
      %dma_start3A_582 = arith.constant 0 : i32
      %dma_start3A_583 = tpu.memref_slice %arg8[%dma_start3A_580, %dma_start3A_581, %dma_start3A_582] : memref<3x200x128xf32, #tpu.memory_space<vmem>> -> memref<1x72x128xf32, #tpu.memory_space<vmem>>
      %dma_start3A_584 = tpu.memref_squeeze %dma_start3A_583 : memref<1x72x128xf32, #tpu.memory_space<vmem>> -> memref<72x128xf32, #tpu.memory_space<vmem>>
      %dma_start3A_585 = arith.constant 128 : i32
      %dma_start3A_586 = tpu.memref_slice %arg6[%add3A_568, %dma_start3A_585] : memref<32x200xi32, #tpu.memory_space<vmem>> -> memref<1x72xi32, #tpu.memory_space<vmem>>
      %dma_start3A_587 = tpu.memref_squeeze %dma_start3A_586 : memref<1x72xi32, #tpu.memory_space<vmem>> -> memref<72xi32, #tpu.memory_space<vmem>>
      %dma_start3A_588 = arith.constant 0 : i32
      %dma_start3A_589 = arith.constant 0 : i32
      %dma_start3A_590 = tpu.memref_slice %arg3[%dma_start3A_588, %dma_start3A_589] : memref<100000x128xf32, #tpu.memory_space<hbm>> -> memref<100000x128xf32, #tpu.memory_space<hbm>>
      tpu.enqueue_indirect_dma source(%dma_start3A_590 : memref<100000x128xf32, #tpu.memory_space<hbm>>) target(%dma_start3A_584 : memref<72x128xf32, #tpu.memory_space<vmem>>) offsets(%dma_start3A_587 : memref<72xi32, #tpu.memory_space<vmem>>) semaphore(%arg11 : memref<!tpu.dma_semaphore, #tpu.memory_space<semaphore_mem>>)
      %mul3A_591 = arith.constant 3 : i32
      %mul3A_592 = arith.muli %mul3A_591, %scan3A_416 : i32
      %add3A_593 = arith.constant 2 : i32
      %add3A_594 = arith.addi %add3A_593, %mul3A_592 : i32
      %add3A_595 = arith.constant 2 : i32
      %add3A_596 = arith.addi %add3A_594, %add3A_595 : i32
      %dma_wait3A_597 = arith.constant 1 : i32
      %dma_wait3A_598 = arith.constant 0 : i32
      %dma_wait3A_599 = arith.constant 0 : i32
      %dma_wait3A_600 = tpu.memref_slice %arg8[%dma_wait3A_597, %dma_wait3A_598, %dma_wait3A_599] : memref<3x200x128xf32, #tpu.memory_space<vmem>> -> memref<1x200x128xf32, #tpu.memory_space<vmem>>
      %dma_wait3A_601 = tpu.memref_squeeze %dma_wait3A_600 : memref<1x200x128xf32, #tpu.memory_space<vmem>> -> memref<200x128xf32, #tpu.memory_space<vmem>>
      %dma_wait3A_602 = arith.constant 0 : i32
      %dma_wait3A_603 = arith.constant 0 : i32
      %dma_wait3A_604 = tpu.memref_slice %arg3[%dma_wait3A_602, %dma_wait3A_603] : memref<100000x128xf32, #tpu.memory_space<hbm>> -> memref<200x128xf32, #tpu.memory_space<hbm>>
      %dma_wait3A_605 = arith.constant 0 : i32
      %dma_wait3A_606 = arith.constant 0 : i32
      %dma_wait3A_607 = tpu.memref_slice %arg8[%dma_wait3A_597, %dma_wait3A_605, %dma_wait3A_606] : memref<3x200x128xf32, #tpu.memory_space<vmem>> -> memref<1x200x128xf32, #tpu.memory_space<vmem>>
      %dma_wait3A_608 = tpu.memref_squeeze %dma_wait3A_607 : memref<1x200x128xf32, #tpu.memory_space<vmem>> -> memref<200x128xf32, #tpu.memory_space<vmem>>
      %dma_wait3A_609 = arith.constant 0 : i32
      %dma_wait3A_610 = arith.constant 0 : i32
      %dma_wait3A_611 = tpu.memref_slice %arg3[%dma_wait3A_609, %dma_wait3A_610] : memref<100000x128xf32, #tpu.memory_space<hbm>> -> memref<200x128xf32, #tpu.memory_space<hbm>>
      tpu.wait_dma2 semaphore(%arg10 : memref<!tpu.dma_semaphore, #tpu.memory_space<semaphore_mem>>) src(%dma_wait3A_611 : memref<200x128xf32, #tpu.memory_space<hbm>>) dst(%dma_wait3A_608 : memref<200x128xf32, #tpu.memory_space<vmem>>)
      %scan3A_612 = arith.constant 0 : i32
      %scan3A_613 = arith.constant 0 : i32
      %scan3A_614 = arith.constant 100 : i32
      %scan3A_615 = arith.addi %scan3A_613, %scan3A_614 : i32
      %scan3A_616 = arith.constant 1 : i32
      scf.for %scan3A_678 = %scan3A_613 to %scan3A_615 step %scan3A_616  : i32 {
        %mul3A_679 = arith.constant 2 : i32
        %mul3A_680 = arith.muli %scan3A_678, %mul3A_679 : i32
        %add3A_681 = arith.constant 0 : i32
        %add3A_682 = arith.addi %mul3A_680, %add3A_681 : i32
        %get3A = arith.constant 1 : i32
        %get3A_683 = arith.index_cast %get3A : i32 to index
        %get3A_684 = arith.index_cast %add3A_682 : i32 to index
        %get3A_685 = arith.constant 0 : index
        %get3A_686 = tpu.vector_load %arg8[%get3A_683, %get3A_684, %get3A_685] {strides = array<i32>} : memref<3x200x128xf32, #tpu.memory_space<vmem>>, vector<1x1x16xf32>,
        %get3A_687 = vector.shape_cast %get3A_686 : vector<1x1x16xf32> to vector<16xf32>
        %mul3A_688 = arith.constant 2 : i32
        %mul3A_689 = arith.muli %scan3A_678, %mul3A_688 : i32
        %add3A_690 = arith.constant 0 : i32
        %add3A_691 = arith.addi %mul3A_689, %add3A_690 : i32
        %get3A_692 = arith.index_cast %add3A_691 : i32 to index
        %get3A_693 = arith.constant 0 : index
        %get3A_694 = tpu.vector_load %arg7[%get3A_692, %get3A_693] {strides = array<i32>} : memref<200x128xf32, #tpu.memory_space<vmem>>, vector<1x16xf32>,
        %get3A_695 = vector.shape_cast %get3A_694 : vector<1x16xf32> to vector<16xf32>
        %add3A_696 = arith.addf %get3A_687, %get3A_695 : vector<16xf32>
        %mul3A_697 = arith.constant 2 : i32
        %mul3A_698 = arith.muli %scan3A_678, %mul3A_697 : i32
        %add3A_699 = arith.constant 0 : i32
        %add3A_700 = arith.addi %mul3A_698, %add3A_699 : i32
        %swap3A = arith.constant 1 : i32
        %swap3A_701 = arith.index_cast %swap3A : i32 to index
        %swap3A_702 = arith.index_cast %add3A_700 : i32 to index
        %swap3A_703 = arith.constant 0 : index
        %swap3A_704 = tpu.vector_load %arg8[%swap3A_701, %swap3A_702, %swap3A_703] {strides = array<i32>} : memref<3x200x128xf32, #tpu.memory_space<vmem>>, vector<1x1x16xf32>,
        %swap3A_705 = vector.shape_cast %swap3A_704 : vector<1x1x16xf32> to vector<16xf32>
        %swap3A_706 = vector.shape_cast %add3A_696 : vector<16xf32> to vector<1x1x16xf32>
        tpu.vector_store %arg8[%swap3A_701, %swap3A_702, %swap3A_703], %swap3A_706 {strides = array<i32>} : memref<3x200x128xf32, #tpu.memory_space<vmem>>, vector<1x1x16xf32>,
        %mul3A_707 = arith.constant 2 : i32
        %mul3A_708 = arith.muli %scan3A_678, %mul3A_707 : i32
        %add3A_709 = arith.constant 0 : i32
        %add3A_710 = arith.addi %mul3A_708, %add3A_709 : i32
        %get3A_711 = arith.constant 1 : i32
        %get3A_712 = arith.index_cast %get3A_711 : i32 to index
        %get3A_713 = arith.index_cast %add3A_710 : i32 to index
        %get3A_714 = arith.constant 16 : index
        %get3A_715 = tpu.vector_load %arg8[%get3A_712, %get3A_713, %get3A_714] {strides = array<i32>} : memref<3x200x128xf32, #tpu.memory_space<vmem>>, vector<1x1x16xf32>,
        %get3A_716 = vector.shape_cast %get3A_715 : vector<1x1x16xf32> to vector<16xf32>
        %mul3A_717 = arith.constant 2 : i32
        %mul3A_718 = arith.muli %scan3A_678, %mul3A_717 : i32
        %add3A_719 = arith.constant 0 : i32
        %add3A_720 = arith.addi %mul3A_718, %add3A_719 : i32
        %get3A_721 = arith.index_cast %add3A_720 : i32 to index
        %get3A_722 = arith.constant 16 : index
        %get3A_723 = tpu.vector_load %arg7[%get3A_721, %get3A_722] {strides = array<i32>} : memref<200x128xf32, #tpu.memory_space<vmem>>, vector<1x16xf32>,
        %get3A_724 = vector.shape_cast %get3A_723 : vector<1x16xf32> to vector<16xf32>
        %add3A_725 = arith.addf %get3A_716, %get3A_724 : vector<16xf32>
        %mul3A_726 = arith.constant 2 : i32
        %mul3A_727 = arith.muli %scan3A_678, %mul3A_726 : i32
        %add3A_728 = arith.constant 0 : i32
        %add3A_729 = arith.addi %mul3A_727, %add3A_728 : i32
        %swap3A_730 = arith.constant 1 : i32
        %swap3A_731 = arith.index_cast %swap3A_730 : i32 to index
        %swap3A_732 = arith.index_cast %add3A_729 : i32 to index
        %swap3A_733 = arith.constant 16 : index
        %swap3A_734 = tpu.vector_load %arg8[%swap3A_731, %swap3A_732, %swap3A_733] {strides = array<i32>} : memref<3x200x128xf32, #tpu.memory_space<vmem>>, vector<1x1x16xf32>,
        %swap3A_735 = vector.shape_cast %swap3A_734 : vector<1x1x16xf32> to vector<16xf32>
        %swap3A_736 = vector.shape_cast %add3A_725 : vector<16xf32> to vector<1x1x16xf32>
        tpu.vector_store %arg8[%swap3A_731, %swap3A_732, %swap3A_733], %swap3A_736 {strides = array<i32>} : memref<3x200x128xf32, #tpu.memory_space<vmem>>, vector<1x1x16xf32>,
        %mul3A_737 = arith.constant 2 : i32
        %mul3A_738 = arith.muli %scan3A_678, %mul3A_737 : i32
        %add3A_739 = arith.constant 0 : i32
        %add3A_740 = arith.addi %mul3A_738, %add3A_739 : i32
        %get3A_741 = arith.constant 1 : i32
        %get3A_742 = arith.index_cast %get3A_741 : i32 to index
        %get3A_743 = arith.index_cast %add3A_740 : i32 to index
        %get3A_744 = arith.constant 32 : index
        %get3A_745 = tpu.vector_load %arg8[%get3A_742, %get3A_743, %get3A_744] {strides = array<i32>} : memref<3x200x128xf32, #tpu.memory_space<vmem>>, vector<1x1x16xf32>,
        %get3A_746 = vector.shape_cast %get3A_745 : vector<1x1x16xf32> to vector<16xf32>
        %mul3A_747 = arith.constant 2 : i32
        %mul3A_748 = arith.muli %scan3A_678, %mul3A_747 : i32
        %add3A_749 = arith.constant 0 : i32
        %add3A_750 = arith.addi %mul3A_748, %add3A_749 : i32
        %get3A_751 = arith.index_cast %add3A_750 : i32 to index
        %get3A_752 = arith.constant 32 : index
        %get3A_753 = tpu.vector_load %arg7[%get3A_751, %get3A_752] {strides = array<i32>} : memref<200x128xf32, #tpu.memory_space<vmem>>, vector<1x16xf32>,
        %get3A_754 = vector.shape_cast %get3A_753 : vector<1x16xf32> to vector<16xf32>
        %add3A_755 = arith.addf %get3A_746, %get3A_754 : vector<16xf32>
        %mul3A_756 = arith.constant 2 : i32
        %mul3A_757 = arith.muli %scan3A_678, %mul3A_756 : i32
        %add3A_758 = arith.constant 0 : i32
        %add3A_759 = arith.addi %mul3A_757, %add3A_758 : i32
        %swap3A_760 = arith.constant 1 : i32
        %swap3A_761 = arith.index_cast %swap3A_760 : i32 to index
        %swap3A_762 = arith.index_cast %add3A_759 : i32 to index
        %swap3A_763 = arith.constant 32 : index
        %swap3A_764 = tpu.vector_load %arg8[%swap3A_761, %swap3A_762, %swap3A_763] {strides = array<i32>} : memref<3x200x128xf32, #tpu.memory_space<vmem>>, vector<1x1x16xf32>,
        %swap3A_765 = vector.shape_cast %swap3A_764 : vector<1x1x16xf32> to vector<16xf32>
        %swap3A_766 = vector.shape_cast %add3A_755 : vector<16xf32> to vector<1x1x16xf32>
        tpu.vector_store %arg8[%swap3A_761, %swap3A_762, %swap3A_763], %swap3A_766 {strides = array<i32>} : memref<3x200x128xf32, #tpu.memory_space<vmem>>, vector<1x1x16xf32>,
        %mul3A_767 = arith.constant 2 : i32
        %mul3A_768 = arith.muli %scan3A_678, %mul3A_767 : i32
        %add3A_769 = arith.constant 0 : i32
        %add3A_770 = arith.addi %mul3A_768, %add3A_769 : i32
        %get3A_771 = arith.constant 1 : i32
        %get3A_772 = arith.index_cast %get3A_771 : i32 to index
        %get3A_773 = arith.index_cast %add3A_770 : i32 to index
        %get3A_774 = arith.constant 48 : index
        %get3A_775 = tpu.vector_load %arg8[%get3A_772, %get3A_773, %get3A_774] {strides = array<i32>} : memref<3x200x128xf32, #tpu.memory_space<vmem>>, vector<1x1x16xf32>,
        %get3A_776 = vector.shape_cast %get3A_775 : vector<1x1x16xf32> to vector<16xf32>
        %mul3A_777 = arith.constant 2 : i32
        %mul3A_778 = arith.muli %scan3A_678, %mul3A_777 : i32
        %add3A_779 = arith.constant 0 : i32
        %add3A_780 = arith.addi %mul3A_778, %add3A_779 : i32
        %get3A_781 = arith.index_cast %add3A_780 : i32 to index
        %get3A_782 = arith.constant 48 : index
        %get3A_783 = tpu.vector_load %arg7[%get3A_781, %get3A_782] {strides = array<i32>} : memref<200x128xf32, #tpu.memory_space<vmem>>, vector<1x16xf32>,
        %get3A_784 = vector.shape_cast %get3A_783 : vector<1x16xf32> to vector<16xf32>
        %add3A_785 = arith.addf %get3A_776, %get3A_784 : vector<16xf32>
        %mul3A_786 = arith.constant 2 : i32
        %mul3A_787 = arith.muli %scan3A_678, %mul3A_786 : i32
        %add3A_788 = arith.constant 0 : i32
        %add3A_789 = arith.addi %mul3A_787, %add3A_788 : i32
        %swap3A_790 = arith.constant 1 : i32
        %swap3A_791 = arith.index_cast %swap3A_790 : i32 to index
        %swap3A_792 = arith.index_cast %add3A_789 : i32 to index
        %swap3A_793 = arith.constant 48 : index
        %swap3A_794 = tpu.vector_load %arg8[%swap3A_791, %swap3A_792, %swap3A_793] {strides = array<i32>} : memref<3x200x128xf32, #tpu.memory_space<vmem>>, vector<1x1x16xf32>,
        %swap3A_795 = vector.shape_cast %swap3A_794 : vector<1x1x16xf32> to vector<16xf32>
        %swap3A_796 = vector.shape_cast %add3A_785 : vector<16xf32> to vector<1x1x16xf32>
        tpu.vector_store %arg8[%swap3A_791, %swap3A_792, %swap3A_793], %swap3A_796 {strides = array<i32>} : memref<3x200x128xf32, #tpu.memory_space<vmem>>, vector<1x1x16xf32>,
        %mul3A_797 = arith.constant 2 : i32
        %mul3A_798 = arith.muli %scan3A_678, %mul3A_797 : i32
        %add3A_799 = arith.constant 0 : i32
        %add3A_800 = arith.addi %mul3A_798, %add3A_799 : i32
        %get3A_801 = arith.constant 1 : i32
        %get3A_802 = arith.index_cast %get3A_801 : i32 to index
        %get3A_803 = arith.index_cast %add3A_800 : i32 to index
        %get3A_804 = arith.constant 64 : index
        %get3A_805 = tpu.vector_load %arg8[%get3A_802, %get3A_803, %get3A_804] {strides = array<i32>} : memref<3x200x128xf32, #tpu.memory_space<vmem>>, vector<1x1x16xf32>,
        %get3A_806 = vector.shape_cast %get3A_805 : vector<1x1x16xf32> to vector<16xf32>
        %mul3A_807 = arith.constant 2 : i32
        %mul3A_808 = arith.muli %scan3A_678, %mul3A_807 : i32
        %add3A_809 = arith.constant 0 : i32
        %add3A_810 = arith.addi %mul3A_808, %add3A_809 : i32
        %get3A_811 = arith.index_cast %add3A_810 : i32 to index
        %get3A_812 = arith.constant 64 : index
        %get3A_813 = tpu.vector_load %arg7[%get3A_811, %get3A_812] {strides = array<i32>} : memref<200x128xf32, #tpu.memory_space<vmem>>, vector<1x16xf32>,
        %get3A_814 = vector.shape_cast %get3A_813 : vector<1x16xf32> to vector<16xf32>
        %add3A_815 = arith.addf %get3A_806, %get3A_814 : vector<16xf32>
        %mul3A_816 = arith.constant 2 : i32
        %mul3A_817 = arith.muli %scan3A_678, %mul3A_816 : i32
        %add3A_818 = arith.constant 0 : i32
        %add3A_819 = arith.addi %mul3A_817, %add3A_818 : i32
        %swap3A_820 = arith.constant 1 : i32
        %swap3A_821 = arith.index_cast %swap3A_820 : i32 to index
        %swap3A_822 = arith.index_cast %add3A_819 : i32 to index
        %swap3A_823 = arith.constant 64 : index
        %swap3A_824 = tpu.vector_load %arg8[%swap3A_821, %swap3A_822, %swap3A_823] {strides = array<i32>} : memref<3x200x128xf32, #tpu.memory_space<vmem>>, vector<1x1x16xf32>,
        %swap3A_825 = vector.shape_cast %swap3A_824 : vector<1x1x16xf32> to vector<16xf32>
        %swap3A_826 = vector.shape_cast %add3A_815 : vector<16xf32> to vector<1x1x16xf32>
        tpu.vector_store %arg8[%swap3A_821, %swap3A_822, %swap3A_823], %swap3A_826 {strides = array<i32>} : memref<3x200x128xf32, #tpu.memory_space<vmem>>, vector<1x1x16xf32>,
        %mul3A_827 = arith.constant 2 : i32
        %mul3A_828 = arith.muli %scan3A_678, %mul3A_827 : i32
        %add3A_829 = arith.constant 0 : i32
        %add3A_830 = arith.addi %mul3A_828, %add3A_829 : i32
        %get3A_831 = arith.constant 1 : i32
        %get3A_832 = arith.index_cast %get3A_831 : i32 to index
        %get3A_833 = arith.index_cast %add3A_830 : i32 to index
        %get3A_834 = arith.constant 80 : index
        %get3A_835 = tpu.vector_load %arg8[%get3A_832, %get3A_833, %get3A_834] {strides = array<i32>} : memref<3x200x128xf32, #tpu.memory_space<vmem>>, vector<1x1x16xf32>,
        %get3A_836 = vector.shape_cast %get3A_835 : vector<1x1x16xf32> to vector<16xf32>
        %mul3A_837 = arith.constant 2 : i32
        %mul3A_838 = arith.muli %scan3A_678, %mul3A_837 : i32
        %add3A_839 = arith.constant 0 : i32
        %add3A_840 = arith.addi %mul3A_838, %add3A_839 : i32
        %get3A_841 = arith.index_cast %add3A_840 : i32 to index
        %get3A_842 = arith.constant 80 : index
        %get3A_843 = tpu.vector_load %arg7[%get3A_841, %get3A_842] {strides = array<i32>} : memref<200x128xf32, #tpu.memory_space<vmem>>, vector<1x16xf32>,
        %get3A_844 = vector.shape_cast %get3A_843 : vector<1x16xf32> to vector<16xf32>
        %add3A_845 = arith.addf %get3A_836, %get3A_844 : vector<16xf32>
        %mul3A_846 = arith.constant 2 : i32
        %mul3A_847 = arith.muli %scan3A_678, %mul3A_846 : i32
        %add3A_848 = arith.constant 0 : i32
        %add3A_849 = arith.addi %mul3A_847, %add3A_848 : i32
        %swap3A_850 = arith.constant 1 : i32
        %swap3A_851 = arith.index_cast %swap3A_850 : i32 to index
        %swap3A_852 = arith.index_cast %add3A_849 : i32 to index
        %swap3A_853 = arith.constant 80 : index
        %swap3A_854 = tpu.vector_load %arg8[%swap3A_851, %swap3A_852, %swap3A_853] {strides = array<i32>} : memref<3x200x128xf32, #tpu.memory_space<vmem>>, vector<1x1x16xf32>,
        %swap3A_855 = vector.shape_cast %swap3A_854 : vector<1x1x16xf32> to vector<16xf32>
        %swap3A_856 = vector.shape_cast %add3A_845 : vector<16xf32> to vector<1x1x16xf32>
        tpu.vector_store %arg8[%swap3A_851, %swap3A_852, %swap3A_853], %swap3A_856 {strides = array<i32>} : memref<3x200x128xf32, #tpu.memory_space<vmem>>, vector<1x1x16xf32>,
        %mul3A_857 = arith.constant 2 : i32
        %mul3A_858 = arith.muli %scan3A_678, %mul3A_857 : i32
        %add3A_859 = arith.constant 0 : i32
        %add3A_860 = arith.addi %mul3A_858, %add3A_859 : i32
        %get3A_861 = arith.constant 1 : i32
        %get3A_862 = arith.index_cast %get3A_861 : i32 to index
        %get3A_863 = arith.index_cast %add3A_860 : i32 to index
        %get3A_864 = arith.constant 96 : index
        %get3A_865 = tpu.vector_load %arg8[%get3A_862, %get3A_863, %get3A_864] {strides = array<i32>} : memref<3x200x128xf32, #tpu.memory_space<vmem>>, vector<1x1x16xf32>,
        %get3A_866 = vector.shape_cast %get3A_865 : vector<1x1x16xf32> to vector<16xf32>
        %mul3A_867 = arith.constant 2 : i32
        %mul3A_868 = arith.muli %scan3A_678, %mul3A_867 : i32
        %add3A_869 = arith.constant 0 : i32
        %add3A_870 = arith.addi %mul3A_868, %add3A_869 : i32
        %get3A_871 = arith.index_cast %add3A_870 : i32 to index
        %get3A_872 = arith.constant 96 : index
        %get3A_873 = tpu.vector_load %arg7[%get3A_871, %get3A_872] {strides = array<i32>} : memref<200x128xf32, #tpu.memory_space<vmem>>, vector<1x16xf32>,
        %get3A_874 = vector.shape_cast %get3A_873 : vector<1x16xf32> to vector<16xf32>
        %add3A_875 = arith.addf %get3A_866, %get3A_874 : vector<16xf32>
        %mul3A_876 = arith.constant 2 : i32
        %mul3A_877 = arith.muli %scan3A_678, %mul3A_876 : i32
        %add3A_878 = arith.constant 0 : i32
        %add3A_879 = arith.addi %mul3A_877, %add3A_878 : i32
        %swap3A_880 = arith.constant 1 : i32
        %swap3A_881 = arith.index_cast %swap3A_880 : i32 to index
        %swap3A_882 = arith.index_cast %add3A_879 : i32 to index
        %swap3A_883 = arith.constant 96 : index
        %swap3A_884 = tpu.vector_load %arg8[%swap3A_881, %swap3A_882, %swap3A_883] {strides = array<i32>} : memref<3x200x128xf32, #tpu.memory_space<vmem>>, vector<1x1x16xf32>,
        %swap3A_885 = vector.shape_cast %swap3A_884 : vector<1x1x16xf32> to vector<16xf32>
        %swap3A_886 = vector.shape_cast %add3A_875 : vector<16xf32> to vector<1x1x16xf32>
        tpu.vector_store %arg8[%swap3A_881, %swap3A_882, %swap3A_883], %swap3A_886 {strides = array<i32>} : memref<3x200x128xf32, #tpu.memory_space<vmem>>, vector<1x1x16xf32>,
        %mul3A_887 = arith.constant 2 : i32
        %mul3A_888 = arith.muli %scan3A_678, %mul3A_887 : i32
        %add3A_889 = arith.constant 0 : i32
        %add3A_890 = arith.addi %mul3A_888, %add3A_889 : i32
        %get3A_891 = arith.constant 1 : i32
        %get3A_892 = arith.index_cast %get3A_891 : i32 to index
        %get3A_893 = arith.index_cast %add3A_890 : i32 to index
        %get3A_894 = arith.constant 112 : index
        %get3A_895 = tpu.vector_load %arg8[%get3A_892, %get3A_893, %get3A_894] {strides = array<i32>} : memref<3x200x128xf32, #tpu.memory_space<vmem>>, vector<1x1x16xf32>,
        %get3A_896 = vector.shape_cast %get3A_895 : vector<1x1x16xf32> to vector<16xf32>
        %mul3A_897 = arith.constant 2 : i32
        %mul3A_898 = arith.muli %scan3A_678, %mul3A_897 : i32
        %add3A_899 = arith.constant 0 : i32
        %add3A_900 = arith.addi %mul3A_898, %add3A_899 : i32
        %get3A_901 = arith.index_cast %add3A_900 : i32 to index
        %get3A_902 = arith.constant 112 : index
        %get3A_903 = tpu.vector_load %arg7[%get3A_901, %get3A_902] {strides = array<i32>} : memref<200x128xf32, #tpu.memory_space<vmem>>, vector<1x16xf32>,
        %get3A_904 = vector.shape_cast %get3A_903 : vector<1x16xf32> to vector<16xf32>
        %add3A_905 = arith.addf %get3A_896, %get3A_904 : vector<16xf32>
        %mul3A_906 = arith.constant 2 : i32
        %mul3A_907 = arith.muli %scan3A_678, %mul3A_906 : i32
        %add3A_908 = arith.constant 0 : i32
        %add3A_909 = arith.addi %mul3A_907, %add3A_908 : i32
        %swap3A_910 = arith.constant 1 : i32
        %swap3A_911 = arith.index_cast %swap3A_910 : i32 to index
        %swap3A_912 = arith.index_cast %add3A_909 : i32 to index
        %swap3A_913 = arith.constant 112 : index
        %swap3A_914 = tpu.vector_load %arg8[%swap3A_911, %swap3A_912, %swap3A_913] {strides = array<i32>} : memref<3x200x128xf32, #tpu.memory_space<vmem>>, vector<1x1x16xf32>,
        %swap3A_915 = vector.shape_cast %swap3A_914 : vector<1x1x16xf32> to vector<16xf32>
        %swap3A_916 = vector.shape_cast %add3A_905 : vector<16xf32> to vector<1x1x16xf32>
        tpu.vector_store %arg8[%swap3A_911, %swap3A_912, %swap3A_913], %swap3A_916 {strides = array<i32>} : memref<3x200x128xf32, #tpu.memory_space<vmem>>, vector<1x1x16xf32>,
        %mul3A_917 = arith.constant 2 : i32
        %mul3A_918 = arith.muli %scan3A_678, %mul3A_917 : i32
        %add3A_919 = arith.constant 1 : i32
        %add3A_920 = arith.addi %mul3A_918, %add3A_919 : i32
        %get3A_921 = arith.constant 1 : i32
        %get3A_922 = arith.index_cast %get3A_921 : i32 to index
        %get3A_923 = arith.index_cast %add3A_920 : i32 to index
        %get3A_924 = arith.constant 0 : index
        %get3A_925 = tpu.vector_load %arg8[%get3A_922, %get3A_923, %get3A_924] {strides = array<i32>} : memref<3x200x128xf32, #tpu.memory_space<vmem>>, vector<1x1x16xf32>,
        %get3A_926 = vector.shape_cast %get3A_925 : vector<1x1x16xf32> to vector<16xf32>
        %mul3A_927 = arith.constant 2 : i32
        %mul3A_928 = arith.muli %scan3A_678, %mul3A_927 : i32
        %add3A_929 = arith.constant 1 : i32
        %add3A_930 = arith.addi %mul3A_928, %add3A_929 : i32
        %get3A_931 = arith.index_cast %add3A_930 : i32 to index
        %get3A_932 = arith.constant 0 : index
        %get3A_933 = tpu.vector_load %arg7[%get3A_931, %get3A_932] {strides = array<i32>} : memref<200x128xf32, #tpu.memory_space<vmem>>, vector<1x16xf32>,
        %get3A_934 = vector.shape_cast %get3A_933 : vector<1x16xf32> to vector<16xf32>
        %add3A_935 = arith.addf %get3A_926, %get3A_934 : vector<16xf32>
        %mul3A_936 = arith.constant 2 : i32
        %mul3A_937 = arith.muli %scan3A_678, %mul3A_936 : i32
        %add3A_938 = arith.constant 1 : i32
        %add3A_939 = arith.addi %mul3A_937, %add3A_938 : i32
        %swap3A_940 = arith.constant 1 : i32
        %swap3A_941 = arith.index_cast %swap3A_940 : i32 to index
        %swap3A_942 = arith.index_cast %add3A_939 : i32 to index
        %swap3A_943 = arith.constant 0 : index
        %swap3A_944 = tpu.vector_load %arg8[%swap3A_941, %swap3A_942, %swap3A_943] {strides = array<i32>} : memref<3x200x128xf32, #tpu.memory_space<vmem>>, vector<1x1x16xf32>,
        %swap3A_945 = vector.shape_cast %swap3A_944 : vector<1x1x16xf32> to vector<16xf32>
        %swap3A_946 = vector.shape_cast %add3A_935 : vector<16xf32> to vector<1x1x16xf32>
        tpu.vector_store %arg8[%swap3A_941, %swap3A_942, %swap3A_943], %swap3A_946 {strides = array<i32>} : memref<3x200x128xf32, #tpu.memory_space<vmem>>, vector<1x1x16xf32>,
        %mul3A_947 = arith.constant 2 : i32
        %mul3A_948 = arith.muli %scan3A_678, %mul3A_947 : i32
        %add3A_949 = arith.constant 1 : i32
        %add3A_950 = arith.addi %mul3A_948, %add3A_949 : i32
        %get3A_951 = arith.constant 1 : i32
        %get3A_952 = arith.index_cast %get3A_951 : i32 to index
        %get3A_953 = arith.index_cast %add3A_950 : i32 to index
        %get3A_954 = arith.constant 16 : index
        %get3A_955 = tpu.vector_load %arg8[%get3A_952, %get3A_953, %get3A_954] {strides = array<i32>} : memref<3x200x128xf32, #tpu.memory_space<vmem>>, vector<1x1x16xf32>,
        %get3A_956 = vector.shape_cast %get3A_955 : vector<1x1x16xf32> to vector<16xf32>
        %mul3A_957 = arith.constant 2 : i32
        %mul3A_958 = arith.muli %scan3A_678, %mul3A_957 : i32
        %add3A_959 = arith.constant 1 : i32
        %add3A_960 = arith.addi %mul3A_958, %add3A_959 : i32
        %get3A_961 = arith.index_cast %add3A_960 : i32 to index
        %get3A_962 = arith.constant 16 : index
        %get3A_963 = tpu.vector_load %arg7[%get3A_961, %get3A_962] {strides = array<i32>} : memref<200x128xf32, #tpu.memory_space<vmem>>, vector<1x16xf32>,
        %get3A_964 = vector.shape_cast %get3A_963 : vector<1x16xf32> to vector<16xf32>
        %add3A_965 = arith.addf %get3A_956, %get3A_964 : vector<16xf32>
        %mul3A_966 = arith.constant 2 : i32
        %mul3A_967 = arith.muli %scan3A_678, %mul3A_966 : i32
        %add3A_968 = arith.constant 1 : i32
        %add3A_969 = arith.addi %mul3A_967, %add3A_968 : i32
        %swap3A_970 = arith.constant 1 : i32
        %swap3A_971 = arith.index_cast %swap3A_970 : i32 to index
        %swap3A_972 = arith.index_cast %add3A_969 : i32 to index
        %swap3A_973 = arith.constant 16 : index
        %swap3A_974 = tpu.vector_load %arg8[%swap3A_971, %swap3A_972, %swap3A_973] {strides = array<i32>} : memref<3x200x128xf32, #tpu.memory_space<vmem>>, vector<1x1x16xf32>,
        %swap3A_975 = vector.shape_cast %swap3A_974 : vector<1x1x16xf32> to vector<16xf32>
        %swap3A_976 = vector.shape_cast %add3A_965 : vector<16xf32> to vector<1x1x16xf32>
        tpu.vector_store %arg8[%swap3A_971, %swap3A_972, %swap3A_973], %swap3A_976 {strides = array<i32>} : memref<3x200x128xf32, #tpu.memory_space<vmem>>, vector<1x1x16xf32>,
        %mul3A_977 = arith.constant 2 : i32
        %mul3A_978 = arith.muli %scan3A_678, %mul3A_977 : i32
        %add3A_979 = arith.constant 1 : i32
        %add3A_980 = arith.addi %mul3A_978, %add3A_979 : i32
        %get3A_981 = arith.constant 1 : i32
        %get3A_982 = arith.index_cast %get3A_981 : i32 to index
        %get3A_983 = arith.index_cast %add3A_980 : i32 to index
        %get3A_984 = arith.constant 32 : index
        %get3A_985 = tpu.vector_load %arg8[%get3A_982, %get3A_983, %get3A_984] {strides = array<i32>} : memref<3x200x128xf32, #tpu.memory_space<vmem>>, vector<1x1x16xf32>,
        %get3A_986 = vector.shape_cast %get3A_985 : vector<1x1x16xf32> to vector<16xf32>
        %mul3A_987 = arith.constant 2 : i32
        %mul3A_988 = arith.muli %scan3A_678, %mul3A_987 : i32
        %add3A_989 = arith.constant 1 : i32
        %add3A_990 = arith.addi %mul3A_988, %add3A_989 : i32
        %get3A_991 = arith.index_cast %add3A_990 : i32 to index
        %get3A_992 = arith.constant 32 : index
        %get3A_993 = tpu.vector_load %arg7[%get3A_991, %get3A_992] {strides = array<i32>} : memref<200x128xf32, #tpu.memory_space<vmem>>, vector<1x16xf32>,
        %get3A_994 = vector.shape_cast %get3A_993 : vector<1x16xf32> to vector<16xf32>
        %add3A_995 = arith.addf %get3A_986, %get3A_994 : vector<16xf32>
        %mul3A_996 = arith.constant 2 : i32
        %mul3A_997 = arith.muli %scan3A_678, %mul3A_996 : i32
        %add3A_998 = arith.constant 1 : i32
        %add3A_999 = arith.addi %mul3A_997, %add3A_998 : i32
        %swap3A_1000 = arith.constant 1 : i32
        %swap3A_1001 = arith.index_cast %swap3A_1000 : i32 to index
        %swap3A_1002 = arith.index_cast %add3A_999 : i32 to index
        %swap3A_1003 = arith.constant 32 : index
        %swap3A_1004 = tpu.vector_load %arg8[%swap3A_1001, %swap3A_1002, %swap3A_1003] {strides = array<i32>} : memref<3x200x128xf32, #tpu.memory_space<vmem>>, vector<1x1x16xf32>,
        %swap3A_1005 = vector.shape_cast %swap3A_1004 : vector<1x1x16xf32> to vector<16xf32>
        %swap3A_1006 = vector.shape_cast %add3A_995 : vector<16xf32> to vector<1x1x16xf32>
        tpu.vector_store %arg8[%swap3A_1001, %swap3A_1002, %swap3A_1003], %swap3A_1006 {strides = array<i32>} : memref<3x200x128xf32, #tpu.memory_space<vmem>>, vector<1x1x16xf32>,
        %mul3A_1007 = arith.constant 2 : i32
        %mul3A_1008 = arith.muli %scan3A_678, %mul3A_1007 : i32
        %add3A_1009 = arith.constant 1 : i32
        %add3A_1010 = arith.addi %mul3A_1008, %add3A_1009 : i32
        %get3A_1011 = arith.constant 1 : i32
        %get3A_1012 = arith.index_cast %get3A_1011 : i32 to index
        %get3A_1013 = arith.index_cast %add3A_1010 : i32 to index
        %get3A_1014 = arith.constant 48 : index
        %get3A_1015 = tpu.vector_load %arg8[%get3A_1012, %get3A_1013, %get3A_1014] {strides = array<i32>} : memref<3x200x128xf32, #tpu.memory_space<vmem>>, vector<1x1x16xf32>,
        %get3A_1016 = vector.shape_cast %get3A_1015 : vector<1x1x16xf32> to vector<16xf32>
        %mul3A_1017 = arith.constant 2 : i32
        %mul3A_1018 = arith.muli %scan3A_678, %mul3A_1017 : i32
        %add3A_1019 = arith.constant 1 : i32
        %add3A_1020 = arith.addi %mul3A_1018, %add3A_1019 : i32
        %get3A_1021 = arith.index_cast %add3A_1020 : i32 to index
        %get3A_1022 = arith.constant 48 : index
        %get3A_1023 = tpu.vector_load %arg7[%get3A_1021, %get3A_1022] {strides = array<i32>} : memref<200x128xf32, #tpu.memory_space<vmem>>, vector<1x16xf32>,
        %get3A_1024 = vector.shape_cast %get3A_1023 : vector<1x16xf32> to vector<16xf32>
        %add3A_1025 = arith.addf %get3A_1016, %get3A_1024 : vector<16xf32>
        %mul3A_1026 = arith.constant 2 : i32
        %mul3A_1027 = arith.muli %scan3A_678, %mul3A_1026 : i32
        %add3A_1028 = arith.constant 1 : i32
        %add3A_1029 = arith.addi %mul3A_1027, %add3A_1028 : i32
        %swap3A_1030 = arith.constant 1 : i32
        %swap3A_1031 = arith.index_cast %swap3A_1030 : i32 to index
        %swap3A_1032 = arith.index_cast %add3A_1029 : i32 to index
        %swap3A_1033 = arith.constant 48 : index
        %swap3A_1034 = tpu.vector_load %arg8[%swap3A_1031, %swap3A_1032, %swap3A_1033] {strides = array<i32>} : memref<3x200x128xf32, #tpu.memory_space<vmem>>, vector<1x1x16xf32>,
        %swap3A_1035 = vector.shape_cast %swap3A_1034 : vector<1x1x16xf32> to vector<16xf32>
        %swap3A_1036 = vector.shape_cast %add3A_1025 : vector<16xf32> to vector<1x1x16xf32>
        tpu.vector_store %arg8[%swap3A_1031, %swap3A_1032, %swap3A_1033], %swap3A_1036 {strides = array<i32>} : memref<3x200x128xf32, #tpu.memory_space<vmem>>, vector<1x1x16xf32>,
        %mul3A_1037 = arith.constant 2 : i32
        %mul3A_1038 = arith.muli %scan3A_678, %mul3A_1037 : i32
        %add3A_1039 = arith.constant 1 : i32
        %add3A_1040 = arith.addi %mul3A_1038, %add3A_1039 : i32
        %get3A_1041 = arith.constant 1 : i32
        %get3A_1042 = arith.index_cast %get3A_1041 : i32 to index
        %get3A_1043 = arith.index_cast %add3A_1040 : i32 to index
        %get3A_1044 = arith.constant 64 : index
        %get3A_1045 = tpu.vector_load %arg8[%get3A_1042, %get3A_1043, %get3A_1044] {strides = array<i32>} : memref<3x200x128xf32, #tpu.memory_space<vmem>>, vector<1x1x16xf32>,
        %get3A_1046 = vector.shape_cast %get3A_1045 : vector<1x1x16xf32> to vector<16xf32>
        %mul3A_1047 = arith.constant 2 : i32
        %mul3A_1048 = arith.muli %scan3A_678, %mul3A_1047 : i32
        %add3A_1049 = arith.constant 1 : i32
        %add3A_1050 = arith.addi %mul3A_1048, %add3A_1049 : i32
        %get3A_1051 = arith.index_cast %add3A_1050 : i32 to index
        %get3A_1052 = arith.constant 64 : index
        %get3A_1053 = tpu.vector_load %arg7[%get3A_1051, %get3A_1052] {strides = array<i32>} : memref<200x128xf32, #tpu.memory_space<vmem>>, vector<1x16xf32>,
        %get3A_1054 = vector.shape_cast %get3A_1053 : vector<1x16xf32> to vector<16xf32>
        %add3A_1055 = arith.addf %get3A_1046, %get3A_1054 : vector<16xf32>
        %mul3A_1056 = arith.constant 2 : i32
        %mul3A_1057 = arith.muli %scan3A_678, %mul3A_1056 : i32
        %add3A_1058 = arith.constant 1 : i32
        %add3A_1059 = arith.addi %mul3A_1057, %add3A_1058 : i32
        %swap3A_1060 = arith.constant 1 : i32
        %swap3A_1061 = arith.index_cast %swap3A_1060 : i32 to index
        %swap3A_1062 = arith.index_cast %add3A_1059 : i32 to index
        %swap3A_1063 = arith.constant 64 : index
        %swap3A_1064 = tpu.vector_load %arg8[%swap3A_1061, %swap3A_1062, %swap3A_1063] {strides = array<i32>} : memref<3x200x128xf32, #tpu.memory_space<vmem>>, vector<1x1x16xf32>,
        %swap3A_1065 = vector.shape_cast %swap3A_1064 : vector<1x1x16xf32> to vector<16xf32>
        %swap3A_1066 = vector.shape_cast %add3A_1055 : vector<16xf32> to vector<1x1x16xf32>
        tpu.vector_store %arg8[%swap3A_1061, %swap3A_1062, %swap3A_1063], %swap3A_1066 {strides = array<i32>} : memref<3x200x128xf32, #tpu.memory_space<vmem>>, vector<1x1x16xf32>,
        %mul3A_1067 = arith.constant 2 : i32
        %mul3A_1068 = arith.muli %scan3A_678, %mul3A_1067 : i32
        %add3A_1069 = arith.constant 1 : i32
        %add3A_1070 = arith.addi %mul3A_1068, %add3A_1069 : i32
        %get3A_1071 = arith.constant 1 : i32
        %get3A_1072 = arith.index_cast %get3A_1071 : i32 to index
        %get3A_1073 = arith.index_cast %add3A_1070 : i32 to index
        %get3A_1074 = arith.constant 80 : index
        %get3A_1075 = tpu.vector_load %arg8[%get3A_1072, %get3A_1073, %get3A_1074] {strides = array<i32>} : memref<3x200x128xf32, #tpu.memory_space<vmem>>, vector<1x1x16xf32>,
        %get3A_1076 = vector.shape_cast %get3A_1075 : vector<1x1x16xf32> to vector<16xf32>
        %mul3A_1077 = arith.constant 2 : i32
        %mul3A_1078 = arith.muli %scan3A_678, %mul3A_1077 : i32
        %add3A_1079 = arith.constant 1 : i32
        %add3A_1080 = arith.addi %mul3A_1078, %add3A_1079 : i32
        %get3A_1081 = arith.index_cast %add3A_1080 : i32 to index
        %get3A_1082 = arith.constant 80 : index
        %get3A_1083 = tpu.vector_load %arg7[%get3A_1081, %get3A_1082] {strides = array<i32>} : memref<200x128xf32, #tpu.memory_space<vmem>>, vector<1x16xf32>,
        %get3A_1084 = vector.shape_cast %get3A_1083 : vector<1x16xf32> to vector<16xf32>
        %add3A_1085 = arith.addf %get3A_1076, %get3A_1084 : vector<16xf32>
        %mul3A_1086 = arith.constant 2 : i32
        %mul3A_1087 = arith.muli %scan3A_678, %mul3A_1086 : i32
        %add3A_1088 = arith.constant 1 : i32
        %add3A_1089 = arith.addi %mul3A_1087, %add3A_1088 : i32
        %swap3A_1090 = arith.constant 1 : i32
        %swap3A_1091 = arith.index_cast %swap3A_1090 : i32 to index
        %swap3A_1092 = arith.index_cast %add3A_1089 : i32 to index
        %swap3A_1093 = arith.constant 80 : index
        %swap3A_1094 = tpu.vector_load %arg8[%swap3A_1091, %swap3A_1092, %swap3A_1093] {strides = array<i32>} : memref<3x200x128xf32, #tpu.memory_space<vmem>>, vector<1x1x16xf32>,
        %swap3A_1095 = vector.shape_cast %swap3A_1094 : vector<1x1x16xf32> to vector<16xf32>
        %swap3A_1096 = vector.shape_cast %add3A_1085 : vector<16xf32> to vector<1x1x16xf32>
        tpu.vector_store %arg8[%swap3A_1091, %swap3A_1092, %swap3A_1093], %swap3A_1096 {strides = array<i32>} : memref<3x200x128xf32, #tpu.memory_space<vmem>>, vector<1x1x16xf32>,
        %mul3A_1097 = arith.constant 2 : i32
        %mul3A_1098 = arith.muli %scan3A_678, %mul3A_1097 : i32
        %add3A_1099 = arith.constant 1 : i32
        %add3A_1100 = arith.addi %mul3A_1098, %add3A_1099 : i32
        %get3A_1101 = arith.constant 1 : i32
        %get3A_1102 = arith.index_cast %get3A_1101 : i32 to index
        %get3A_1103 = arith.index_cast %add3A_1100 : i32 to index
        %get3A_1104 = arith.constant 96 : index
        %get3A_1105 = tpu.vector_load %arg8[%get3A_1102, %get3A_1103, %get3A_1104] {strides = array<i32>} : memref<3x200x128xf32, #tpu.memory_space<vmem>>, vector<1x1x16xf32>,
        %get3A_1106 = vector.shape_cast %get3A_1105 : vector<1x1x16xf32> to vector<16xf32>
        %mul3A_1107 = arith.constant 2 : i32
        %mul3A_1108 = arith.muli %scan3A_678, %mul3A_1107 : i32
        %add3A_1109 = arith.constant 1 : i32
        %add3A_1110 = arith.addi %mul3A_1108, %add3A_1109 : i32
        %get3A_1111 = arith.index_cast %add3A_1110 : i32 to index
        %get3A_1112 = arith.constant 96 : index
        %get3A_1113 = tpu.vector_load %arg7[%get3A_1111, %get3A_1112] {strides = array<i32>} : memref<200x128xf32, #tpu.memory_space<vmem>>, vector<1x16xf32>,
        %get3A_1114 = vector.shape_cast %get3A_1113 : vector<1x16xf32> to vector<16xf32>
        %add3A_1115 = arith.addf %get3A_1106, %get3A_1114 : vector<16xf32>
        %mul3A_1116 = arith.constant 2 : i32
        %mul3A_1117 = arith.muli %scan3A_678, %mul3A_1116 : i32
        %add3A_1118 = arith.constant 1 : i32
        %add3A_1119 = arith.addi %mul3A_1117, %add3A_1118 : i32
        %swap3A_1120 = arith.constant 1 : i32
        %swap3A_1121 = arith.index_cast %swap3A_1120 : i32 to index
        %swap3A_1122 = arith.index_cast %add3A_1119 : i32 to index
        %swap3A_1123 = arith.constant 96 : index
        %swap3A_1124 = tpu.vector_load %arg8[%swap3A_1121, %swap3A_1122, %swap3A_1123] {strides = array<i32>} : memref<3x200x128xf32, #tpu.memory_space<vmem>>, vector<1x1x16xf32>,
        %swap3A_1125 = vector.shape_cast %swap3A_1124 : vector<1x1x16xf32> to vector<16xf32>
        %swap3A_1126 = vector.shape_cast %add3A_1115 : vector<16xf32> to vector<1x1x16xf32>
        tpu.vector_store %arg8[%swap3A_1121, %swap3A_1122, %swap3A_1123], %swap3A_1126 {strides = array<i32>} : memref<3x200x128xf32, #tpu.memory_space<vmem>>, vector<1x1x16xf32>,
        %mul3A_1127 = arith.constant 2 : i32
        %mul3A_1128 = arith.muli %scan3A_678, %mul3A_1127 : i32
        %add3A_1129 = arith.constant 1 : i32
        %add3A_1130 = arith.addi %mul3A_1128, %add3A_1129 : i32
        %get3A_1131 = arith.constant 1 : i32
        %get3A_1132 = arith.index_cast %get3A_1131 : i32 to index
        %get3A_1133 = arith.index_cast %add3A_1130 : i32 to index
        %get3A_1134 = arith.constant 112 : index
        %get3A_1135 = tpu.vector_load %arg8[%get3A_1132, %get3A_1133, %get3A_1134] {strides = array<i32>} : memref<3x200x128xf32, #tpu.memory_space<vmem>>, vector<1x1x16xf32>,
        %get3A_1136 = vector.shape_cast %get3A_1135 : vector<1x1x16xf32> to vector<16xf32>
        %mul3A_1137 = arith.constant 2 : i32
        %mul3A_1138 = arith.muli %scan3A_678, %mul3A_1137 : i32
        %add3A_1139 = arith.constant 1 : i32
        %add3A_1140 = arith.addi %mul3A_1138, %add3A_1139 : i32
        %get3A_1141 = arith.index_cast %add3A_1140 : i32 to index
        %get3A_1142 = arith.constant 112 : index
        %get3A_1143 = tpu.vector_load %arg7[%get3A_1141, %get3A_1142] {strides = array<i32>} : memref<200x128xf32, #tpu.memory_space<vmem>>, vector<1x16xf32>,
        %get3A_1144 = vector.shape_cast %get3A_1143 : vector<1x16xf32> to vector<16xf32>
        %add3A_1145 = arith.addf %get3A_1136, %get3A_1144 : vector<16xf32>
        %mul3A_1146 = arith.constant 2 : i32
        %mul3A_1147 = arith.muli %scan3A_678, %mul3A_1146 : i32
        %add3A_1148 = arith.constant 1 : i32
        %add3A_1149 = arith.addi %mul3A_1147, %add3A_1148 : i32
        %swap3A_1150 = arith.constant 1 : i32
        %swap3A_1151 = arith.index_cast %swap3A_1150 : i32 to index
        %swap3A_1152 = arith.index_cast %add3A_1149 : i32 to index
        %swap3A_1153 = arith.constant 112 : index
        %swap3A_1154 = tpu.vector_load %arg8[%swap3A_1151, %swap3A_1152, %swap3A_1153] {strides = array<i32>} : memref<3x200x128xf32, #tpu.memory_space<vmem>>, vector<1x1x16xf32>,
        %swap3A_1155 = vector.shape_cast %swap3A_1154 : vector<1x1x16xf32> to vector<16xf32>
        %swap3A_1156 = vector.shape_cast %add3A_1145 : vector<16xf32> to vector<1x1x16xf32>
        tpu.vector_store %arg8[%swap3A_1151, %swap3A_1152, %swap3A_1153], %swap3A_1156 {strides = array<i32>} : memref<3x200x128xf32, #tpu.memory_space<vmem>>, vector<1x1x16xf32>,
      }
      %scan3A_617 = arith.constant 100 : i32
      %add3A_618 = arith.addi %mul3A_2, %add3A_596 : i32
      %dma_start3A_619 = arith.constant 1 : i32
      %dma_start3A_620 = arith.constant 0 : i32
      %dma_start3A_621 = arith.constant 0 : i32
      %dma_start3A_622 = tpu.memref_slice %arg8[%dma_start3A_619, %dma_start3A_620, %dma_start3A_621] : memref<3x200x128xf32, #tpu.memory_space<vmem>> -> memref<1x200x128xf32, #tpu.memory_space<vmem>>
      %dma_start3A_623 = tpu.memref_squeeze %dma_start3A_622 : memref<1x200x128xf32, #tpu.memory_space<vmem>> -> memref<200x128xf32, #tpu.memory_space<vmem>>
      %dma_start3A_624 = arith.constant 0 : i32
      %dma_start3A_625 = arith.constant 0 : i32
      %dma_start3A_626 = tpu.memref_slice %arg5[%add3A_618, %dma_start3A_624, %dma_start3A_625] : memref<1024x200x128xf32, #tpu.memory_space<hbm>> -> memref<1x200x128xf32, #tpu.memory_space<hbm>>
      %dma_start3A_627 = tpu.memref_squeeze %dma_start3A_626 : memref<1x200x128xf32, #tpu.memory_space<hbm>> -> memref<200x128xf32, #tpu.memory_space<hbm>>
      %dma_start3A_628 = arith.constant 0 : i32
      %dma_start3A_629 = arith.constant 0 : i32
      %dma_start3A_630 = tpu.memref_slice %arg5[%add3A_618, %dma_start3A_628, %dma_start3A_629] : memref<1024x200x128xf32, #tpu.memory_space<hbm>> -> memref<1x200x128xf32, #tpu.memory_space<hbm>>
      %dma_start3A_631 = tpu.memref_squeeze %dma_start3A_630 : memref<1x200x128xf32, #tpu.memory_space<hbm>> -> memref<200x128xf32, #tpu.memory_space<hbm>>
      %dma_start3A_632 = arith.constant 0 : i32
      %dma_start3A_633 = arith.constant 0 : i32
      %dma_start3A_634 = tpu.memref_slice %arg8[%dma_start3A_619, %dma_start3A_632, %dma_start3A_633] : memref<3x200x128xf32, #tpu.memory_space<vmem>> -> memref<1x200x128xf32, #tpu.memory_space<vmem>>
      %dma_start3A_635 = tpu.memref_squeeze %dma_start3A_634 : memref<1x200x128xf32, #tpu.memory_space<vmem>> -> memref<200x128xf32, #tpu.memory_space<vmem>>
      tpu.enqueue_dma source(%dma_start3A_635 : memref<200x128xf32, #tpu.memory_space<vmem>>) target(%dma_start3A_631 : memref<200x128xf32, #tpu.memory_space<hbm>>) target_semaphore(%arg13 : memref<!tpu.dma_semaphore, #tpu.memory_space<semaphore_mem>>)
      %dma_wait3A_636 = arith.constant 0 : i32
      %dma_wait3A_637 = arith.constant 0 : i32
      %dma_wait3A_638 = arith.constant 0 : i32
      %dma_wait3A_639 = arith.constant 0 : i32
      %dma_wait3A_640 = tpu.memref_slice %arg8[%dma_wait3A_636, %dma_wait3A_638, %dma_wait3A_639] : memref<3x200x128xf32, #tpu.memory_space<vmem>> -> memref<1x200x128xf32, #tpu.memory_space<vmem>>
      %dma_wait3A_641 = tpu.memref_squeeze %dma_wait3A_640 : memref<1x200x128xf32, #tpu.memory_space<vmem>> -> memref<200x128xf32, #tpu.memory_space<vmem>>
      %dma_wait3A_642 = arith.constant 0 : i32
      %dma_wait3A_643 = arith.constant 0 : i32
      %dma_wait3A_644 = tpu.memref_slice %arg5[%dma_wait3A_637, %dma_wait3A_642, %dma_wait3A_643] : memref<1024x200x128xf32, #tpu.memory_space<hbm>> -> memref<1x200x128xf32, #tpu.memory_space<hbm>>
      %dma_wait3A_645 = tpu.memref_squeeze %dma_wait3A_644 : memref<1x200x128xf32, #tpu.memory_space<hbm>> -> memref<200x128xf32, #tpu.memory_space<hbm>>
      %dma_wait3A_646 = arith.constant 0 : i32
      %dma_wait3A_647 = arith.constant 0 : i32
      %dma_wait3A_648 = tpu.memref_slice %arg5[%dma_wait3A_637, %dma_wait3A_646, %dma_wait3A_647] : memref<1024x200x128xf32, #tpu.memory_space<hbm>> -> memref<1x200x128xf32, #tpu.memory_space<hbm>>
      %dma_wait3A_649 = tpu.memref_squeeze %dma_wait3A_648 : memref<1x200x128xf32, #tpu.memory_space<hbm>> -> memref<200x128xf32, #tpu.memory_space<hbm>>
      %dma_wait3A_650 = arith.constant 0 : i32
      %dma_wait3A_651 = arith.constant 0 : i32
      %dma_wait3A_652 = tpu.memref_slice %arg8[%dma_wait3A_636, %dma_wait3A_650, %dma_wait3A_651] : memref<3x200x128xf32, #tpu.memory_space<vmem>> -> memref<1x200x128xf32, #tpu.memory_space<vmem>>
      %dma_wait3A_653 = tpu.memref_squeeze %dma_wait3A_652 : memref<1x200x128xf32, #tpu.memory_space<vmem>> -> memref<200x128xf32, #tpu.memory_space<vmem>>
      tpu.wait_dma2 semaphore(%arg12 : memref<!tpu.dma_semaphore, #tpu.memory_space<semaphore_mem>>) src(%dma_wait3A_653 : memref<200x128xf32, #tpu.memory_space<vmem>>) dst(%dma_wait3A_649 : memref<200x128xf32, #tpu.memory_space<hbm>>)
      %add3A_654 = arith.constant 2 : i32
      %add3A_655 = arith.addi %add3A_596, %add3A_654 : i32
      %dma_start3A_656 = arith.constant 0 : i32
      %dma_start3A_657 = arith.constant 0 : i32
      %dma_start3A_658 = arith.constant 0 : i32
      %dma_start3A_659 = tpu.memref_slice %arg8[%dma_start3A_656, %dma_start3A_657, %dma_start3A_658] : memref<3x200x128xf32, #tpu.memory_space<vmem>> -> memref<1x128x128xf32, #tpu.memory_space<vmem>>
      %dma_start3A_660 = tpu.memref_squeeze %dma_start3A_659 : memref<1x128x128xf32, #tpu.memory_space<vmem>> -> memref<128x128xf32, #tpu.memory_space<vmem>>
      %dma_start3A_661 = arith.constant 0 : i32
      %dma_start3A_662 = tpu.memref_slice %arg6[%add3A_655, %dma_start3A_661] : memref<32x200xi32, #tpu.memory_space<vmem>> -> memref<1x128xi32, #tpu.memory_space<vmem>>
      %dma_start3A_663 = tpu.memref_squeeze %dma_start3A_662 : memref<1x128xi32, #tpu.memory_space<vmem>> -> memref<128xi32, #tpu.memory_space<vmem>>
      %dma_start3A_664 = arith.constant 0 : i32
      %dma_start3A_665 = arith.constant 0 : i32
      %dma_start3A_666 = tpu.memref_slice %arg3[%dma_start3A_664, %dma_start3A_665] : memref<100000x128xf32, #tpu.memory_space<hbm>> -> memref<100000x128xf32, #tpu.memory_space<hbm>>
      tpu.enqueue_indirect_dma source(%dma_start3A_666 : memref<100000x128xf32, #tpu.memory_space<hbm>>) target(%dma_start3A_660 : memref<128x128xf32, #tpu.memory_space<vmem>>) offsets(%dma_start3A_663 : memref<128xi32, #tpu.memory_space<vmem>>) semaphore(%arg9 : memref<!tpu.dma_semaphore, #tpu.memory_space<semaphore_mem>>)
      %dma_start3A_667 = arith.constant 0 : i32
      %dma_start3A_668 = arith.constant 128 : i32
      %dma_start3A_669 = arith.constant 0 : i32
      %dma_start3A_670 = tpu.memref_slice %arg8[%dma_start3A_667, %dma_start3A_668, %dma_start3A_669] : memref<3x200x128xf32, #tpu.memory_space<vmem>> -> memref<1x72x128xf32, #tpu.memory_space<vmem>>
      %dma_start3A_671 = tpu.memref_squeeze %dma_start3A_670 : memref<1x72x128xf32, #tpu.memory_space<vmem>> -> memref<72x128xf32, #tpu.memory_space<vmem>>
      %dma_start3A_672 = arith.constant 128 : i32
      %dma_start3A_673 = tpu.memref_slice %arg6[%add3A_655, %dma_start3A_672] : memref<32x200xi32, #tpu.memory_space<vmem>> -> memref<1x72xi32, #tpu.memory_space<vmem>>
      %dma_start3A_674 = tpu.memref_squeeze %dma_start3A_673 : memref<1x72xi32, #tpu.memory_space<vmem>> -> memref<72xi32, #tpu.memory_space<vmem>>
      %dma_start3A_675 = arith.constant 0 : i32
      %dma_start3A_676 = arith.constant 0 : i32
      %dma_start3A_677 = tpu.memref_slice %arg3[%dma_start3A_675, %dma_start3A_676] : memref<100000x128xf32, #tpu.memory_space<hbm>> -> memref<100000x128xf32, #tpu.memory_space<hbm>>
      tpu.enqueue_indirect_dma source(%dma_start3A_677 : memref<100000x128xf32, #tpu.memory_space<hbm>>) target(%dma_start3A_671 : memref<72x128xf32, #tpu.memory_space<vmem>>) offsets(%dma_start3A_674 : memref<72xi32, #tpu.memory_space<vmem>>) semaphore(%arg9 : memref<!tpu.dma_semaphore, #tpu.memory_space<semaphore_mem>>)
    }
    %scan3A_199 = arith.constant 9 : i32
    %dma_wait3A_200 = arith.constant 2 : i32
    %dma_wait3A_201 = arith.constant 0 : i32
    %dma_wait3A_202 = arith.constant 0 : i32
    %dma_wait3A_203 = tpu.memref_slice %arg8[%dma_wait3A_200, %dma_wait3A_201, %dma_wait3A_202] : memref<3x200x128xf32, #tpu.memory_space<vmem>> -> memref<1x200x128xf32, #tpu.memory_space<vmem>>
    %dma_wait3A_204 = tpu.memref_squeeze %dma_wait3A_203 : memref<1x200x128xf32, #tpu.memory_space<vmem>> -> memref<200x128xf32, #tpu.memory_space<vmem>>
    %dma_wait3A_205 = arith.constant 0 : i32
    %dma_wait3A_206 = arith.constant 0 : i32
    %dma_wait3A_207 = tpu.memref_slice %arg3[%dma_wait3A_205, %dma_wait3A_206] : memref<100000x128xf32, #tpu.memory_space<hbm>> -> memref<200x128xf32, #tpu.memory_space<hbm>>
    %dma_wait3A_208 = arith.constant 0 : i32
    %dma_wait3A_209 = arith.constant 0 : i32
    %dma_wait3A_210 = tpu.memref_slice %arg8[%dma_wait3A_200, %dma_wait3A_208, %dma_wait3A_209] : memref<3x200x128xf32, #tpu.memory_space<vmem>> -> memref<1x200x128xf32, #tpu.memory_space<vmem>>
    %dma_wait3A_211 = tpu.memref_squeeze %dma_wait3A_210 : memref<1x200x128xf32, #tpu.memory_space<vmem>> -> memref<200x128xf32, #tpu.memory_space<vmem>>
    %dma_wait3A_212 = arith.constant 0 : i32
    %dma_wait3A_213 = arith.constant 0 : i32
    %dma_wait3A_214 = tpu.memref_slice %arg3[%dma_wait3A_212, %dma_wait3A_213] : memref<100000x128xf32, #tpu.memory_space<hbm>> -> memref<200x128xf32, #tpu.memory_space<hbm>>
    tpu.wait_dma2 semaphore(%arg11 : memref<!tpu.dma_semaphore, #tpu.memory_space<semaphore_mem>>) src(%dma_wait3A_214 : memref<200x128xf32, #tpu.memory_space<hbm>>) dst(%dma_wait3A_211 : memref<200x128xf32, #tpu.memory_space<vmem>>)
    %scan3A_215 = arith.constant 0 : i32
    %scan3A_216 = arith.constant 0 : i32
    %scan3A_217 = arith.constant 100 : i32
    %scan3A_218 = arith.addi %scan3A_216, %scan3A_217 : i32
    %scan3A_219 = arith.constant 1 : i32
    scf.for %scan3A_416 = %scan3A_216 to %scan3A_218 step %scan3A_219  : i32 {
      %mul3A_417 = arith.constant 2 : i32
      %mul3A_418 = arith.muli %scan3A_416, %mul3A_417 : i32
      %add3A_419 = arith.constant 0 : i32
      %add3A_420 = arith.addi %mul3A_418, %add3A_419 : i32
      %get3A = arith.constant 2 : i32
      %get3A_421 = arith.index_cast %get3A : i32 to index
      %get3A_422 = arith.index_cast %add3A_420 : i32 to index
      %get3A_423 = arith.constant 0 : index
      %get3A_424 = tpu.vector_load %arg8[%get3A_421, %get3A_422, %get3A_423] {strides = array<i32>} : memref<3x200x128xf32, #tpu.memory_space<vmem>>, vector<1x1x16xf32>,
      %get3A_425 = vector.shape_cast %get3A_424 : vector<1x1x16xf32> to vector<16xf32>
      %mul3A_426 = arith.constant 2 : i32
      %mul3A_427 = arith.muli %scan3A_416, %mul3A_426 : i32
      %add3A_428 = arith.constant 0 : i32
      %add3A_429 = arith.addi %mul3A_427, %add3A_428 : i32
      %get3A_430 = arith.index_cast %add3A_429 : i32 to index
      %get3A_431 = arith.constant 0 : index
      %get3A_432 = tpu.vector_load %arg7[%get3A_430, %get3A_431] {strides = array<i32>} : memref<200x128xf32, #tpu.memory_space<vmem>>, vector<1x16xf32>,
      %get3A_433 = vector.shape_cast %get3A_432 : vector<1x16xf32> to vector<16xf32>
      %add3A_434 = arith.addf %get3A_425, %get3A_433 : vector<16xf32>
      %mul3A_435 = arith.constant 2 : i32
      %mul3A_436 = arith.muli %scan3A_416, %mul3A_435 : i32
      %add3A_437 = arith.constant 0 : i32
      %add3A_438 = arith.addi %mul3A_436, %add3A_437 : i32
      %swap3A = arith.constant 2 : i32
      %swap3A_439 = arith.index_cast %swap3A : i32 to index
      %swap3A_440 = arith.index_cast %add3A_438 : i32 to index
      %swap3A_441 = arith.constant 0 : index
      %swap3A_442 = tpu.vector_load %arg8[%swap3A_439, %swap3A_440, %swap3A_441] {strides = array<i32>} : memref<3x200x128xf32, #tpu.memory_space<vmem>>, vector<1x1x16xf32>,
      %swap3A_443 = vector.shape_cast %swap3A_442 : vector<1x1x16xf32> to vector<16xf32>
      %swap3A_444 = vector.shape_cast %add3A_434 : vector<16xf32> to vector<1x1x16xf32>
      tpu.vector_store %arg8[%swap3A_439, %swap3A_440, %swap3A_441], %swap3A_444 {strides = array<i32>} : memref<3x200x128xf32, #tpu.memory_space<vmem>>, vector<1x1x16xf32>,
      %mul3A_445 = arith.constant 2 : i32
      %mul3A_446 = arith.muli %scan3A_416, %mul3A_445 : i32
      %add3A_447 = arith.constant 0 : i32
      %add3A_448 = arith.addi %mul3A_446, %add3A_447 : i32
      %get3A_449 = arith.constant 2 : i32
      %get3A_450 = arith.index_cast %get3A_449 : i32 to index
      %get3A_451 = arith.index_cast %add3A_448 : i32 to index
      %get3A_452 = arith.constant 16 : index
      %get3A_453 = tpu.vector_load %arg8[%get3A_450, %get3A_451, %get3A_452] {strides = array<i32>} : memref<3x200x128xf32, #tpu.memory_space<vmem>>, vector<1x1x16xf32>,
      %get3A_454 = vector.shape_cast %get3A_453 : vector<1x1x16xf32> to vector<16xf32>
      %mul3A_455 = arith.constant 2 : i32
      %mul3A_456 = arith.muli %scan3A_416, %mul3A_455 : i32
      %add3A_457 = arith.constant 0 : i32
      %add3A_458 = arith.addi %mul3A_456, %add3A_457 : i32
      %get3A_459 = arith.index_cast %add3A_458 : i32 to index
      %get3A_460 = arith.constant 16 : index
      %get3A_461 = tpu.vector_load %arg7[%get3A_459, %get3A_460] {strides = array<i32>} : memref<200x128xf32, #tpu.memory_space<vmem>>, vector<1x16xf32>,
      %get3A_462 = vector.shape_cast %get3A_461 : vector<1x16xf32> to vector<16xf32>
      %add3A_463 = arith.addf %get3A_454, %get3A_462 : vector<16xf32>
      %mul3A_464 = arith.constant 2 : i32
      %mul3A_465 = arith.muli %scan3A_416, %mul3A_464 : i32
      %add3A_466 = arith.constant 0 : i32
      %add3A_467 = arith.addi %mul3A_465, %add3A_466 : i32
      %swap3A_468 = arith.constant 2 : i32
      %swap3A_469 = arith.index_cast %swap3A_468 : i32 to index
      %swap3A_470 = arith.index_cast %add3A_467 : i32 to index
      %swap3A_471 = arith.constant 16 : index
      %swap3A_472 = tpu.vector_load %arg8[%swap3A_469, %swap3A_470, %swap3A_471] {strides = array<i32>} : memref<3x200x128xf32, #tpu.memory_space<vmem>>, vector<1x1x16xf32>,
      %swap3A_473 = vector.shape_cast %swap3A_472 : vector<1x1x16xf32> to vector<16xf32>
      %swap3A_474 = vector.shape_cast %add3A_463 : vector<16xf32> to vector<1x1x16xf32>
      tpu.vector_store %arg8[%swap3A_469, %swap3A_470, %swap3A_471], %swap3A_474 {strides = array<i32>} : memref<3x200x128xf32, #tpu.memory_space<vmem>>, vector<1x1x16xf32>,
      %mul3A_475 = arith.constant 2 : i32
      %mul3A_476 = arith.muli %scan3A_416, %mul3A_475 : i32
      %add3A_477 = arith.constant 0 : i32
      %add3A_478 = arith.addi %mul3A_476, %add3A_477 : i32
      %get3A_479 = arith.constant 2 : i32
      %get3A_480 = arith.index_cast %get3A_479 : i32 to index
      %get3A_481 = arith.index_cast %add3A_478 : i32 to index
      %get3A_482 = arith.constant 32 : index
      %get3A_483 = tpu.vector_load %arg8[%get3A_480, %get3A_481, %get3A_482] {strides = array<i32>} : memref<3x200x128xf32, #tpu.memory_space<vmem>>, vector<1x1x16xf32>,
      %get3A_484 = vector.shape_cast %get3A_483 : vector<1x1x16xf32> to vector<16xf32>
      %mul3A_485 = arith.constant 2 : i32
      %mul3A_486 = arith.muli %scan3A_416, %mul3A_485 : i32
      %add3A_487 = arith.constant 0 : i32
      %add3A_488 = arith.addi %mul3A_486, %add3A_487 : i32
      %get3A_489 = arith.index_cast %add3A_488 : i32 to index
      %get3A_490 = arith.constant 32 : index
      %get3A_491 = tpu.vector_load %arg7[%get3A_489, %get3A_490] {strides = array<i32>} : memref<200x128xf32, #tpu.memory_space<vmem>>, vector<1x16xf32>,
      %get3A_492 = vector.shape_cast %get3A_491 : vector<1x16xf32> to vector<16xf32>
      %add3A_493 = arith.addf %get3A_484, %get3A_492 : vector<16xf32>
      %mul3A_494 = arith.constant 2 : i32
      %mul3A_495 = arith.muli %scan3A_416, %mul3A_494 : i32
      %add3A_496 = arith.constant 0 : i32
      %add3A_497 = arith.addi %mul3A_495, %add3A_496 : i32
      %swap3A_498 = arith.constant 2 : i32
      %swap3A_499 = arith.index_cast %swap3A_498 : i32 to index
      %swap3A_500 = arith.index_cast %add3A_497 : i32 to index
      %swap3A_501 = arith.constant 32 : index
      %swap3A_502 = tpu.vector_load %arg8[%swap3A_499, %swap3A_500, %swap3A_501] {strides = array<i32>} : memref<3x200x128xf32, #tpu.memory_space<vmem>>, vector<1x1x16xf32>,
      %swap3A_503 = vector.shape_cast %swap3A_502 : vector<1x1x16xf32> to vector<16xf32>
      %swap3A_504 = vector.shape_cast %add3A_493 : vector<16xf32> to vector<1x1x16xf32>
      tpu.vector_store %arg8[%swap3A_499, %swap3A_500, %swap3A_501], %swap3A_504 {strides = array<i32>} : memref<3x200x128xf32, #tpu.memory_space<vmem>>, vector<1x1x16xf32>,
      %mul3A_505 = arith.constant 2 : i32
      %mul3A_506 = arith.muli %scan3A_416, %mul3A_505 : i32
      %add3A_507 = arith.constant 0 : i32
      %add3A_508 = arith.addi %mul3A_506, %add3A_507 : i32
      %get3A_509 = arith.constant 2 : i32
      %get3A_510 = arith.index_cast %get3A_509 : i32 to index
      %get3A_511 = arith.index_cast %add3A_508 : i32 to index
      %get3A_512 = arith.constant 48 : index
      %get3A_513 = tpu.vector_load %arg8[%get3A_510, %get3A_511, %get3A_512] {strides = array<i32>} : memref<3x200x128xf32, #tpu.memory_space<vmem>>, vector<1x1x16xf32>,
      %get3A_514 = vector.shape_cast %get3A_513 : vector<1x1x16xf32> to vector<16xf32>
      %mul3A_515 = arith.constant 2 : i32
      %mul3A_516 = arith.muli %scan3A_416, %mul3A_515 : i32
      %add3A_517 = arith.constant 0 : i32
      %add3A_518 = arith.addi %mul3A_516, %add3A_517 : i32
      %get3A_519 = arith.index_cast %add3A_518 : i32 to index
      %get3A_520 = arith.constant 48 : index
      %get3A_521 = tpu.vector_load %arg7[%get3A_519, %get3A_520] {strides = array<i32>} : memref<200x128xf32, #tpu.memory_space<vmem>>, vector<1x16xf32>,
      %get3A_522 = vector.shape_cast %get3A_521 : vector<1x16xf32> to vector<16xf32>
      %add3A_523 = arith.addf %get3A_514, %get3A_522 : vector<16xf32>
      %mul3A_524 = arith.constant 2 : i32
      %mul3A_525 = arith.muli %scan3A_416, %mul3A_524 : i32
      %add3A_526 = arith.constant 0 : i32
      %add3A_527 = arith.addi %mul3A_525, %add3A_526 : i32
      %swap3A_528 = arith.constant 2 : i32
      %swap3A_529 = arith.index_cast %swap3A_528 : i32 to index
      %swap3A_530 = arith.index_cast %add3A_527 : i32 to index
      %swap3A_531 = arith.constant 48 : index
      %swap3A_532 = tpu.vector_load %arg8[%swap3A_529, %swap3A_530, %swap3A_531] {strides = array<i32>} : memref<3x200x128xf32, #tpu.memory_space<vmem>>, vector<1x1x16xf32>,
      %swap3A_533 = vector.shape_cast %swap3A_532 : vector<1x1x16xf32> to vector<16xf32>
      %swap3A_534 = vector.shape_cast %add3A_523 : vector<16xf32> to vector<1x1x16xf32>
      tpu.vector_store %arg8[%swap3A_529, %swap3A_530, %swap3A_531], %swap3A_534 {strides = array<i32>} : memref<3x200x128xf32, #tpu.memory_space<vmem>>, vector<1x1x16xf32>,
      %mul3A_535 = arith.constant 2 : i32
      %mul3A_536 = arith.muli %scan3A_416, %mul3A_535 : i32
      %add3A_537 = arith.constant 0 : i32
      %add3A_538 = arith.addi %mul3A_536, %add3A_537 : i32
      %get3A_539 = arith.constant 2 : i32
      %get3A_540 = arith.index_cast %get3A_539 : i32 to index
      %get3A_541 = arith.index_cast %add3A_538 : i32 to index
      %get3A_542 = arith.constant 64 : index
      %get3A_543 = tpu.vector_load %arg8[%get3A_540, %get3A_541, %get3A_542] {strides = array<i32>} : memref<3x200x128xf32, #tpu.memory_space<vmem>>, vector<1x1x16xf32>,
      %get3A_544 = vector.shape_cast %get3A_543 : vector<1x1x16xf32> to vector<16xf32>
      %mul3A_545 = arith.constant 2 : i32
      %mul3A_546 = arith.muli %scan3A_416, %mul3A_545 : i32
      %add3A_547 = arith.constant 0 : i32
      %add3A_548 = arith.addi %mul3A_546, %add3A_547 : i32
      %get3A_549 = arith.index_cast %add3A_548 : i32 to index
      %get3A_550 = arith.constant 64 : index
      %get3A_551 = tpu.vector_load %arg7[%get3A_549, %get3A_550] {strides = array<i32>} : memref<200x128xf32, #tpu.memory_space<vmem>>, vector<1x16xf32>,
      %get3A_552 = vector.shape_cast %get3A_551 : vector<1x16xf32> to vector<16xf32>
      %add3A_553 = arith.addf %get3A_544, %get3A_552 : vector<16xf32>
      %mul3A_554 = arith.constant 2 : i32
      %mul3A_555 = arith.muli %scan3A_416, %mul3A_554 : i32
      %add3A_556 = arith.constant 0 : i32
      %add3A_557 = arith.addi %mul3A_555, %add3A_556 : i32
      %swap3A_558 = arith.constant 2 : i32
      %swap3A_559 = arith.index_cast %swap3A_558 : i32 to index
      %swap3A_560 = arith.index_cast %add3A_557 : i32 to index
      %swap3A_561 = arith.constant 64 : index
      %swap3A_562 = tpu.vector_load %arg8[%swap3A_559, %swap3A_560, %swap3A_561] {strides = array<i32>} : memref<3x200x128xf32, #tpu.memory_space<vmem>>, vector<1x1x16xf32>,
      %swap3A_563 = vector.shape_cast %swap3A_562 : vector<1x1x16xf32> to vector<16xf32>
      %swap3A_564 = vector.shape_cast %add3A_553 : vector<16xf32> to vector<1x1x16xf32>
      tpu.vector_store %arg8[%swap3A_559, %swap3A_560, %swap3A_561], %swap3A_564 {strides = array<i32>} : memref<3x200x128xf32, #tpu.memory_space<vmem>>, vector<1x1x16xf32>,
      %mul3A_565 = arith.constant 2 : i32
      %mul3A_566 = arith.muli %scan3A_416, %mul3A_565 : i32
      %add3A_567 = arith.constant 0 : i32
      %add3A_568 = arith.addi %mul3A_566, %add3A_567 : i32
      %get3A_569 = arith.constant 2 : i32
      %get3A_570 = arith.index_cast %get3A_569 : i32 to index
      %get3A_571 = arith.index_cast %add3A_568 : i32 to index
      %get3A_572 = arith.constant 80 : index
      %get3A_573 = tpu.vector_load %arg8[%get3A_570, %get3A_571, %get3A_572] {strides = array<i32>} : memref<3x200x128xf32, #tpu.memory_space<vmem>>, vector<1x1x16xf32>,
      %get3A_574 = vector.shape_cast %get3A_573 : vector<1x1x16xf32> to vector<16xf32>
      %mul3A_575 = arith.constant 2 : i32
      %mul3A_576 = arith.muli %scan3A_416, %mul3A_575 : i32
      %add3A_577 = arith.constant 0 : i32
      %add3A_578 = arith.addi %mul3A_576, %add3A_577 : i32
      %get3A_579 = arith.index_cast %add3A_578 : i32 to index
      %get3A_580 = arith.constant 80 : index
      %get3A_581 = tpu.vector_load %arg7[%get3A_579, %get3A_580] {strides = array<i32>} : memref<200x128xf32, #tpu.memory_space<vmem>>, vector<1x16xf32>,
      %get3A_582 = vector.shape_cast %get3A_581 : vector<1x16xf32> to vector<16xf32>
      %add3A_583 = arith.addf %get3A_574, %get3A_582 : vector<16xf32>
      %mul3A_584 = arith.constant 2 : i32
      %mul3A_585 = arith.muli %scan3A_416, %mul3A_584 : i32
      %add3A_586 = arith.constant 0 : i32
      %add3A_587 = arith.addi %mul3A_585, %add3A_586 : i32
      %swap3A_588 = arith.constant 2 : i32
      %swap3A_589 = arith.index_cast %swap3A_588 : i32 to index
      %swap3A_590 = arith.index_cast %add3A_587 : i32 to index
      %swap3A_591 = arith.constant 80 : index
      %swap3A_592 = tpu.vector_load %arg8[%swap3A_589, %swap3A_590, %swap3A_591] {strides = array<i32>} : memref<3x200x128xf32, #tpu.memory_space<vmem>>, vector<1x1x16xf32>,
      %swap3A_593 = vector.shape_cast %swap3A_592 : vector<1x1x16xf32> to vector<16xf32>
      %swap3A_594 = vector.shape_cast %add3A_583 : vector<16xf32> to vector<1x1x16xf32>
      tpu.vector_store %arg8[%swap3A_589, %swap3A_590, %swap3A_591], %swap3A_594 {strides = array<i32>} : memref<3x200x128xf32, #tpu.memory_space<vmem>>, vector<1x1x16xf32>,
      %mul3A_595 = arith.constant 2 : i32
      %mul3A_596 = arith.muli %scan3A_416, %mul3A_595 : i32
      %add3A_597 = arith.constant 0 : i32
      %add3A_598 = arith.addi %mul3A_596, %add3A_597 : i32
      %get3A_599 = arith.constant 2 : i32
      %get3A_600 = arith.index_cast %get3A_599 : i32 to index
      %get3A_601 = arith.index_cast %add3A_598 : i32 to index
      %get3A_602 = arith.constant 96 : index
      %get3A_603 = tpu.vector_load %arg8[%get3A_600, %get3A_601, %get3A_602] {strides = array<i32>} : memref<3x200x128xf32, #tpu.memory_space<vmem>>, vector<1x1x16xf32>,
      %get3A_604 = vector.shape_cast %get3A_603 : vector<1x1x16xf32> to vector<16xf32>
      %mul3A_605 = arith.constant 2 : i32
      %mul3A_606 = arith.muli %scan3A_416, %mul3A_605 : i32
      %add3A_607 = arith.constant 0 : i32
      %add3A_608 = arith.addi %mul3A_606, %add3A_607 : i32
      %get3A_609 = arith.index_cast %add3A_608 : i32 to index
      %get3A_610 = arith.constant 96 : index
      %get3A_611 = tpu.vector_load %arg7[%get3A_609, %get3A_610] {strides = array<i32>} : memref<200x128xf32, #tpu.memory_space<vmem>>, vector<1x16xf32>,
      %get3A_612 = vector.shape_cast %get3A_611 : vector<1x16xf32> to vector<16xf32>
      %add3A_613 = arith.addf %get3A_604, %get3A_612 : vector<16xf32>
      %mul3A_614 = arith.constant 2 : i32
      %mul3A_615 = arith.muli %scan3A_416, %mul3A_614 : i32
      %add3A_616 = arith.constant 0 : i32
      %add3A_617 = arith.addi %mul3A_615, %add3A_616 : i32
      %swap3A_618 = arith.constant 2 : i32
      %swap3A_619 = arith.index_cast %swap3A_618 : i32 to index
      %swap3A_620 = arith.index_cast %add3A_617 : i32 to index
      %swap3A_621 = arith.constant 96 : index
      %swap3A_622 = tpu.vector_load %arg8[%swap3A_619, %swap3A_620, %swap3A_621] {strides = array<i32>} : memref<3x200x128xf32, #tpu.memory_space<vmem>>, vector<1x1x16xf32>,
      %swap3A_623 = vector.shape_cast %swap3A_622 : vector<1x1x16xf32> to vector<16xf32>
      %swap3A_624 = vector.shape_cast %add3A_613 : vector<16xf32> to vector<1x1x16xf32>
      tpu.vector_store %arg8[%swap3A_619, %swap3A_620, %swap3A_621], %swap3A_624 {strides = array<i32>} : memref<3x200x128xf32, #tpu.memory_space<vmem>>, vector<1x1x16xf32>,
      %mul3A_625 = arith.constant 2 : i32
      %mul3A_626 = arith.muli %scan3A_416, %mul3A_625 : i32
      %add3A_627 = arith.constant 0 : i32
      %add3A_628 = arith.addi %mul3A_626, %add3A_627 : i32
      %get3A_629 = arith.constant 2 : i32
      %get3A_630 = arith.index_cast %get3A_629 : i32 to index
      %get3A_631 = arith.index_cast %add3A_628 : i32 to index
      %get3A_632 = arith.constant 112 : index
      %get3A_633 = tpu.vector_load %arg8[%get3A_630, %get3A_631, %get3A_632] {strides = array<i32>} : memref<3x200x128xf32, #tpu.memory_space<vmem>>, vector<1x1x16xf32>,
      %get3A_634 = vector.shape_cast %get3A_633 : vector<1x1x16xf32> to vector<16xf32>
      %mul3A_635 = arith.constant 2 : i32
      %mul3A_636 = arith.muli %scan3A_416, %mul3A_635 : i32
      %add3A_637 = arith.constant 0 : i32
      %add3A_638 = arith.addi %mul3A_636, %add3A_637 : i32
      %get3A_639 = arith.index_cast %add3A_638 : i32 to index
      %get3A_640 = arith.constant 112 : index
      %get3A_641 = tpu.vector_load %arg7[%get3A_639, %get3A_640] {strides = array<i32>} : memref<200x128xf32, #tpu.memory_space<vmem>>, vector<1x16xf32>,
      %get3A_642 = vector.shape_cast %get3A_641 : vector<1x16xf32> to vector<16xf32>
      %add3A_643 = arith.addf %get3A_634, %get3A_642 : vector<16xf32>
      %mul3A_644 = arith.constant 2 : i32
      %mul3A_645 = arith.muli %scan3A_416, %mul3A_644 : i32
      %add3A_646 = arith.constant 0 : i32
      %add3A_647 = arith.addi %mul3A_645, %add3A_646 : i32
      %swap3A_648 = arith.constant 2 : i32
      %swap3A_649 = arith.index_cast %swap3A_648 : i32 to index
      %swap3A_650 = arith.index_cast %add3A_647 : i32 to index
      %swap3A_651 = arith.constant 112 : index
      %swap3A_652 = tpu.vector_load %arg8[%swap3A_649, %swap3A_650, %swap3A_651] {strides = array<i32>} : memref<3x200x128xf32, #tpu.memory_space<vmem>>, vector<1x1x16xf32>,
      %swap3A_653 = vector.shape_cast %swap3A_652 : vector<1x1x16xf32> to vector<16xf32>
      %swap3A_654 = vector.shape_cast %add3A_643 : vector<16xf32> to vector<1x1x16xf32>
      tpu.vector_store %arg8[%swap3A_649, %swap3A_650, %swap3A_651], %swap3A_654 {strides = array<i32>} : memref<3x200x128xf32, #tpu.memory_space<vmem>>, vector<1x1x16xf32>,
      %mul3A_655 = arith.constant 2 : i32
      %mul3A_656 = arith.muli %scan3A_416, %mul3A_655 : i32
      %add3A_657 = arith.constant 1 : i32
      %add3A_658 = arith.addi %mul3A_656, %add3A_657 : i32
      %get3A_659 = arith.constant 2 : i32
      %get3A_660 = arith.index_cast %get3A_659 : i32 to index
      %get3A_661 = arith.index_cast %add3A_658 : i32 to index
      %get3A_662 = arith.constant 0 : index
      %get3A_663 = tpu.vector_load %arg8[%get3A_660, %get3A_661, %get3A_662] {strides = array<i32>} : memref<3x200x128xf32, #tpu.memory_space<vmem>>, vector<1x1x16xf32>,
      %get3A_664 = vector.shape_cast %get3A_663 : vector<1x1x16xf32> to vector<16xf32>
      %mul3A_665 = arith.constant 2 : i32
      %mul3A_666 = arith.muli %scan3A_416, %mul3A_665 : i32
      %add3A_667 = arith.constant 1 : i32
      %add3A_668 = arith.addi %mul3A_666, %add3A_667 : i32
      %get3A_669 = arith.index_cast %add3A_668 : i32 to index
      %get3A_670 = arith.constant 0 : index
      %get3A_671 = tpu.vector_load %arg7[%get3A_669, %get3A_670] {strides = array<i32>} : memref<200x128xf32, #tpu.memory_space<vmem>>, vector<1x16xf32>,
      %get3A_672 = vector.shape_cast %get3A_671 : vector<1x16xf32> to vector<16xf32>
      %add3A_673 = arith.addf %get3A_664, %get3A_672 : vector<16xf32>
      %mul3A_674 = arith.constant 2 : i32
      %mul3A_675 = arith.muli %scan3A_416, %mul3A_674 : i32
      %add3A_676 = arith.constant 1 : i32
      %add3A_677 = arith.addi %mul3A_675, %add3A_676 : i32
      %swap3A_678 = arith.constant 2 : i32
      %swap3A_679 = arith.index_cast %swap3A_678 : i32 to index
      %swap3A_680 = arith.index_cast %add3A_677 : i32 to index
      %swap3A_681 = arith.constant 0 : index
      %swap3A_682 = tpu.vector_load %arg8[%swap3A_679, %swap3A_680, %swap3A_681] {strides = array<i32>} : memref<3x200x128xf32, #tpu.memory_space<vmem>>, vector<1x1x16xf32>,
      %swap3A_683 = vector.shape_cast %swap3A_682 : vector<1x1x16xf32> to vector<16xf32>
      %swap3A_684 = vector.shape_cast %add3A_673 : vector<16xf32> to vector<1x1x16xf32>
      tpu.vector_store %arg8[%swap3A_679, %swap3A_680, %swap3A_681], %swap3A_684 {strides = array<i32>} : memref<3x200x128xf32, #tpu.memory_space<vmem>>, vector<1x1x16xf32>,
      %mul3A_685 = arith.constant 2 : i32
      %mul3A_686 = arith.muli %scan3A_416, %mul3A_685 : i32
      %add3A_687 = arith.constant 1 : i32
      %add3A_688 = arith.addi %mul3A_686, %add3A_687 : i32
      %get3A_689 = arith.constant 2 : i32
      %get3A_690 = arith.index_cast %get3A_689 : i32 to index
      %get3A_691 = arith.index_cast %add3A_688 : i32 to index
      %get3A_692 = arith.constant 16 : index
      %get3A_693 = tpu.vector_load %arg8[%get3A_690, %get3A_691, %get3A_692] {strides = array<i32>} : memref<3x200x128xf32, #tpu.memory_space<vmem>>, vector<1x1x16xf32>,
      %get3A_694 = vector.shape_cast %get3A_693 : vector<1x1x16xf32> to vector<16xf32>
      %mul3A_695 = arith.constant 2 : i32
      %mul3A_696 = arith.muli %scan3A_416, %mul3A_695 : i32
      %add3A_697 = arith.constant 1 : i32
      %add3A_698 = arith.addi %mul3A_696, %add3A_697 : i32
      %get3A_699 = arith.index_cast %add3A_698 : i32 to index
      %get3A_700 = arith.constant 16 : index
      %get3A_701 = tpu.vector_load %arg7[%get3A_699, %get3A_700] {strides = array<i32>} : memref<200x128xf32, #tpu.memory_space<vmem>>, vector<1x16xf32>,
      %get3A_702 = vector.shape_cast %get3A_701 : vector<1x16xf32> to vector<16xf32>
      %add3A_703 = arith.addf %get3A_694, %get3A_702 : vector<16xf32>
      %mul3A_704 = arith.constant 2 : i32
      %mul3A_705 = arith.muli %scan3A_416, %mul3A_704 : i32
      %add3A_706 = arith.constant 1 : i32
      %add3A_707 = arith.addi %mul3A_705, %add3A_706 : i32
      %swap3A_708 = arith.constant 2 : i32
      %swap3A_709 = arith.index_cast %swap3A_708 : i32 to index
      %swap3A_710 = arith.index_cast %add3A_707 : i32 to index
      %swap3A_711 = arith.constant 16 : index
      %swap3A_712 = tpu.vector_load %arg8[%swap3A_709, %swap3A_710, %swap3A_711] {strides = array<i32>} : memref<3x200x128xf32, #tpu.memory_space<vmem>>, vector<1x1x16xf32>,
      %swap3A_713 = vector.shape_cast %swap3A_712 : vector<1x1x16xf32> to vector<16xf32>
      %swap3A_714 = vector.shape_cast %add3A_703 : vector<16xf32> to vector<1x1x16xf32>
      tpu.vector_store %arg8[%swap3A_709, %swap3A_710, %swap3A_711], %swap3A_714 {strides = array<i32>} : memref<3x200x128xf32, #tpu.memory_space<vmem>>, vector<1x1x16xf32>,
      %mul3A_715 = arith.constant 2 : i32
      %mul3A_716 = arith.muli %scan3A_416, %mul3A_715 : i32
      %add3A_717 = arith.constant 1 : i32
      %add3A_718 = arith.addi %mul3A_716, %add3A_717 : i32
      %get3A_719 = arith.constant 2 : i32
      %get3A_720 = arith.index_cast %get3A_719 : i32 to index
      %get3A_721 = arith.index_cast %add3A_718 : i32 to index
      %get3A_722 = arith.constant 32 : index
      %get3A_723 = tpu.vector_load %arg8[%get3A_720, %get3A_721, %get3A_722] {strides = array<i32>} : memref<3x200x128xf32, #tpu.memory_space<vmem>>, vector<1x1x16xf32>,
      %get3A_724 = vector.shape_cast %get3A_723 : vector<1x1x16xf32> to vector<16xf32>
      %mul3A_725 = arith.constant 2 : i32
      %mul3A_726 = arith.muli %scan3A_416, %mul3A_725 : i32
      %add3A_727 = arith.constant 1 : i32
      %add3A_728 = arith.addi %mul3A_726, %add3A_727 : i32
      %get3A_729 = arith.index_cast %add3A_728 : i32 to index
      %get3A_730 = arith.constant 32 : index
      %get3A_731 = tpu.vector_load %arg7[%get3A_729, %get3A_730] {strides = array<i32>} : memref<200x128xf32, #tpu.memory_space<vmem>>, vector<1x16xf32>,
      %get3A_732 = vector.shape_cast %get3A_731 : vector<1x16xf32> to vector<16xf32>
      %add3A_733 = arith.addf %get3A_724, %get3A_732 : vector<16xf32>
      %mul3A_734 = arith.constant 2 : i32
      %mul3A_735 = arith.muli %scan3A_416, %mul3A_734 : i32
      %add3A_736 = arith.constant 1 : i32
      %add3A_737 = arith.addi %mul3A_735, %add3A_736 : i32
      %swap3A_738 = arith.constant 2 : i32
      %swap3A_739 = arith.index_cast %swap3A_738 : i32 to index
      %swap3A_740 = arith.index_cast %add3A_737 : i32 to index
      %swap3A_741 = arith.constant 32 : index
      %swap3A_742 = tpu.vector_load %arg8[%swap3A_739, %swap3A_740, %swap3A_741] {strides = array<i32>} : memref<3x200x128xf32, #tpu.memory_space<vmem>>, vector<1x1x16xf32>,
      %swap3A_743 = vector.shape_cast %swap3A_742 : vector<1x1x16xf32> to vector<16xf32>
      %swap3A_744 = vector.shape_cast %add3A_733 : vector<16xf32> to vector<1x1x16xf32>
      tpu.vector_store %arg8[%swap3A_739, %swap3A_740, %swap3A_741], %swap3A_744 {strides = array<i32>} : memref<3x200x128xf32, #tpu.memory_space<vmem>>, vector<1x1x16xf32>,
      %mul3A_745 = arith.constant 2 : i32
      %mul3A_746 = arith.muli %scan3A_416, %mul3A_745 : i32
      %add3A_747 = arith.constant 1 : i32
      %add3A_748 = arith.addi %mul3A_746, %add3A_747 : i32
      %get3A_749 = arith.constant 2 : i32
      %get3A_750 = arith.index_cast %get3A_749 : i32 to index
      %get3A_751 = arith.index_cast %add3A_748 : i32 to index
      %get3A_752 = arith.constant 48 : index
      %get3A_753 = tpu.vector_load %arg8[%get3A_750, %get3A_751, %get3A_752] {strides = array<i32>} : memref<3x200x128xf32, #tpu.memory_space<vmem>>, vector<1x1x16xf32>,
      %get3A_754 = vector.shape_cast %get3A_753 : vector<1x1x16xf32> to vector<16xf32>
      %mul3A_755 = arith.constant 2 : i32
      %mul3A_756 = arith.muli %scan3A_416, %mul3A_755 : i32
      %add3A_757 = arith.constant 1 : i32
      %add3A_758 = arith.addi %mul3A_756, %add3A_757 : i32
      %get3A_759 = arith.index_cast %add3A_758 : i32 to index
      %get3A_760 = arith.constant 48 : index
      %get3A_761 = tpu.vector_load %arg7[%get3A_759, %get3A_760] {strides = array<i32>} : memref<200x128xf32, #tpu.memory_space<vmem>>, vector<1x16xf32>,
      %get3A_762 = vector.shape_cast %get3A_761 : vector<1x16xf32> to vector<16xf32>
      %add3A_763 = arith.addf %get3A_754, %get3A_762 : vector<16xf32>
      %mul3A_764 = arith.constant 2 : i32
      %mul3A_765 = arith.muli %scan3A_416, %mul3A_764 : i32
      %add3A_766 = arith.constant 1 : i32
      %add3A_767 = arith.addi %mul3A_765, %add3A_766 : i32
      %swap3A_768 = arith.constant 2 : i32
      %swap3A_769 = arith.index_cast %swap3A_768 : i32 to index
      %swap3A_770 = arith.index_cast %add3A_767 : i32 to index
      %swap3A_771 = arith.constant 48 : index
      %swap3A_772 = tpu.vector_load %arg8[%swap3A_769, %swap3A_770, %swap3A_771] {strides = array<i32>} : memref<3x200x128xf32, #tpu.memory_space<vmem>>, vector<1x1x16xf32>,
      %swap3A_773 = vector.shape_cast %swap3A_772 : vector<1x1x16xf32> to vector<16xf32>
      %swap3A_774 = vector.shape_cast %add3A_763 : vector<16xf32> to vector<1x1x16xf32>
      tpu.vector_store %arg8[%swap3A_769, %swap3A_770, %swap3A_771], %swap3A_774 {strides = array<i32>} : memref<3x200x128xf32, #tpu.memory_space<vmem>>, vector<1x1x16xf32>,
      %mul3A_775 = arith.constant 2 : i32
      %mul3A_776 = arith.muli %scan3A_416, %mul3A_775 : i32
      %add3A_777 = arith.constant 1 : i32
      %add3A_778 = arith.addi %mul3A_776, %add3A_777 : i32
      %get3A_779 = arith.constant 2 : i32
      %get3A_780 = arith.index_cast %get3A_779 : i32 to index
      %get3A_781 = arith.index_cast %add3A_778 : i32 to index
      %get3A_782 = arith.constant 64 : index
      %get3A_783 = tpu.vector_load %arg8[%get3A_780, %get3A_781, %get3A_782] {strides = array<i32>} : memref<3x200x128xf32, #tpu.memory_space<vmem>>, vector<1x1x16xf32>,
      %get3A_784 = vector.shape_cast %get3A_783 : vector<1x1x16xf32> to vector<16xf32>
      %mul3A_785 = arith.constant 2 : i32
      %mul3A_786 = arith.muli %scan3A_416, %mul3A_785 : i32
      %add3A_787 = arith.constant 1 : i32
      %add3A_788 = arith.addi %mul3A_786, %add3A_787 : i32
      %get3A_789 = arith.index_cast %add3A_788 : i32 to index
      %get3A_790 = arith.constant 64 : index
      %get3A_791 = tpu.vector_load %arg7[%get3A_789, %get3A_790] {strides = array<i32>} : memref<200x128xf32, #tpu.memory_space<vmem>>, vector<1x16xf32>,
      %get3A_792 = vector.shape_cast %get3A_791 : vector<1x16xf32> to vector<16xf32>
      %add3A_793 = arith.addf %get3A_784, %get3A_792 : vector<16xf32>
      %mul3A_794 = arith.constant 2 : i32
      %mul3A_795 = arith.muli %scan3A_416, %mul3A_794 : i32
      %add3A_796 = arith.constant 1 : i32
      %add3A_797 = arith.addi %mul3A_795, %add3A_796 : i32
      %swap3A_798 = arith.constant 2 : i32
      %swap3A_799 = arith.index_cast %swap3A_798 : i32 to index
      %swap3A_800 = arith.index_cast %add3A_797 : i32 to index
      %swap3A_801 = arith.constant 64 : index
      %swap3A_802 = tpu.vector_load %arg8[%swap3A_799, %swap3A_800, %swap3A_801] {strides = array<i32>} : memref<3x200x128xf32, #tpu.memory_space<vmem>>, vector<1x1x16xf32>,
      %swap3A_803 = vector.shape_cast %swap3A_802 : vector<1x1x16xf32> to vector<16xf32>
      %swap3A_804 = vector.shape_cast %add3A_793 : vector<16xf32> to vector<1x1x16xf32>
      tpu.vector_store %arg8[%swap3A_799, %swap3A_800, %swap3A_801], %swap3A_804 {strides = array<i32>} : memref<3x200x128xf32, #tpu.memory_space<vmem>>, vector<1x1x16xf32>,
      %mul3A_805 = arith.constant 2 : i32
      %mul3A_806 = arith.muli %scan3A_416, %mul3A_805 : i32
      %add3A_807 = arith.constant 1 : i32
      %add3A_808 = arith.addi %mul3A_806, %add3A_807 : i32
      %get3A_809 = arith.constant 2 : i32
      %get3A_810 = arith.index_cast %get3A_809 : i32 to index
      %get3A_811 = arith.index_cast %add3A_808 : i32 to index
      %get3A_812 = arith.constant 80 : index
      %get3A_813 = tpu.vector_load %arg8[%get3A_810, %get3A_811, %get3A_812] {strides = array<i32>} : memref<3x200x128xf32, #tpu.memory_space<vmem>>, vector<1x1x16xf32>,
      %get3A_814 = vector.shape_cast %get3A_813 : vector<1x1x16xf32> to vector<16xf32>
      %mul3A_815 = arith.constant 2 : i32
      %mul3A_816 = arith.muli %scan3A_416, %mul3A_815 : i32
      %add3A_817 = arith.constant 1 : i32
      %add3A_818 = arith.addi %mul3A_816, %add3A_817 : i32
      %get3A_819 = arith.index_cast %add3A_818 : i32 to index
      %get3A_820 = arith.constant 80 : index
      %get3A_821 = tpu.vector_load %arg7[%get3A_819, %get3A_820] {strides = array<i32>} : memref<200x128xf32, #tpu.memory_space<vmem>>, vector<1x16xf32>,
      %get3A_822 = vector.shape_cast %get3A_821 : vector<1x16xf32> to vector<16xf32>
      %add3A_823 = arith.addf %get3A_814, %get3A_822 : vector<16xf32>
      %mul3A_824 = arith.constant 2 : i32
      %mul3A_825 = arith.muli %scan3A_416, %mul3A_824 : i32
      %add3A_826 = arith.constant 1 : i32
      %add3A_827 = arith.addi %mul3A_825, %add3A_826 : i32
      %swap3A_828 = arith.constant 2 : i32
      %swap3A_829 = arith.index_cast %swap3A_828 : i32 to index
      %swap3A_830 = arith.index_cast %add3A_827 : i32 to index
      %swap3A_831 = arith.constant 80 : index
      %swap3A_832 = tpu.vector_load %arg8[%swap3A_829, %swap3A_830, %swap3A_831] {strides = array<i32>} : memref<3x200x128xf32, #tpu.memory_space<vmem>>, vector<1x1x16xf32>,
      %swap3A_833 = vector.shape_cast %swap3A_832 : vector<1x1x16xf32> to vector<16xf32>
      %swap3A_834 = vector.shape_cast %add3A_823 : vector<16xf32> to vector<1x1x16xf32>
      tpu.vector_store %arg8[%swap3A_829, %swap3A_830, %swap3A_831], %swap3A_834 {strides = array<i32>} : memref<3x200x128xf32, #tpu.memory_space<vmem>>, vector<1x1x16xf32>,
      %mul3A_835 = arith.constant 2 : i32
      %mul3A_836 = arith.muli %scan3A_416, %mul3A_835 : i32
      %add3A_837 = arith.constant 1 : i32
      %add3A_838 = arith.addi %mul3A_836, %add3A_837 : i32
      %get3A_839 = arith.constant 2 : i32
      %get3A_840 = arith.index_cast %get3A_839 : i32 to index
      %get3A_841 = arith.index_cast %add3A_838 : i32 to index
      %get3A_842 = arith.constant 96 : index
      %get3A_843 = tpu.vector_load %arg8[%get3A_840, %get3A_841, %get3A_842] {strides = array<i32>} : memref<3x200x128xf32, #tpu.memory_space<vmem>>, vector<1x1x16xf32>,
      %get3A_844 = vector.shape_cast %get3A_843 : vector<1x1x16xf32> to vector<16xf32>
      %mul3A_845 = arith.constant 2 : i32
      %mul3A_846 = arith.muli %scan3A_416, %mul3A_845 : i32
      %add3A_847 = arith.constant 1 : i32
      %add3A_848 = arith.addi %mul3A_846, %add3A_847 : i32
      %get3A_849 = arith.index_cast %add3A_848 : i32 to index
      %get3A_850 = arith.constant 96 : index
      %get3A_851 = tpu.vector_load %arg7[%get3A_849, %get3A_850] {strides = array<i32>} : memref<200x128xf32, #tpu.memory_space<vmem>>, vector<1x16xf32>,
      %get3A_852 = vector.shape_cast %get3A_851 : vector<1x16xf32> to vector<16xf32>
      %add3A_853 = arith.addf %get3A_844, %get3A_852 : vector<16xf32>
      %mul3A_854 = arith.constant 2 : i32
      %mul3A_855 = arith.muli %scan3A_416, %mul3A_854 : i32
      %add3A_856 = arith.constant 1 : i32
      %add3A_857 = arith.addi %mul3A_855, %add3A_856 : i32
      %swap3A_858 = arith.constant 2 : i32
      %swap3A_859 = arith.index_cast %swap3A_858 : i32 to index
      %swap3A_860 = arith.index_cast %add3A_857 : i32 to index
      %swap3A_861 = arith.constant 96 : index
      %swap3A_862 = tpu.vector_load %arg8[%swap3A_859, %swap3A_860, %swap3A_861] {strides = array<i32>} : memref<3x200x128xf32, #tpu.memory_space<vmem>>, vector<1x1x16xf32>,
      %swap3A_863 = vector.shape_cast %swap3A_862 : vector<1x1x16xf32> to vector<16xf32>
      %swap3A_864 = vector.shape_cast %add3A_853 : vector<16xf32> to vector<1x1x16xf32>
      tpu.vector_store %arg8[%swap3A_859, %swap3A_860, %swap3A_861], %swap3A_864 {strides = array<i32>} : memref<3x200x128xf32, #tpu.memory_space<vmem>>, vector<1x1x16xf32>,
      %mul3A_865 = arith.constant 2 : i32
      %mul3A_866 = arith.muli %scan3A_416, %mul3A_865 : i32
      %add3A_867 = arith.constant 1 : i32
      %add3A_868 = arith.addi %mul3A_866, %add3A_867 : i32
      %get3A_869 = arith.constant 2 : i32
      %get3A_870 = arith.index_cast %get3A_869 : i32 to index
      %get3A_871 = arith.index_cast %add3A_868 : i32 to index
      %get3A_872 = arith.constant 112 : index
      %get3A_873 = tpu.vector_load %arg8[%get3A_870, %get3A_871, %get3A_872] {strides = array<i32>} : memref<3x200x128xf32, #tpu.memory_space<vmem>>, vector<1x1x16xf32>,
      %get3A_874 = vector.shape_cast %get3A_873 : vector<1x1x16xf32> to vector<16xf32>
      %mul3A_875 = arith.constant 2 : i32
      %mul3A_876 = arith.muli %scan3A_416, %mul3A_875 : i32
      %add3A_877 = arith.constant 1 : i32
      %add3A_878 = arith.addi %mul3A_876, %add3A_877 : i32
      %get3A_879 = arith.index_cast %add3A_878 : i32 to index
      %get3A_880 = arith.constant 112 : index
      %get3A_881 = tpu.vector_load %arg7[%get3A_879, %get3A_880] {strides = array<i32>} : memref<200x128xf32, #tpu.memory_space<vmem>>, vector<1x16xf32>,
      %get3A_882 = vector.shape_cast %get3A_881 : vector<1x16xf32> to vector<16xf32>
      %add3A_883 = arith.addf %get3A_874, %get3A_882 : vector<16xf32>
      %mul3A_884 = arith.constant 2 : i32
      %mul3A_885 = arith.muli %scan3A_416, %mul3A_884 : i32
      %add3A_886 = arith.constant 1 : i32
      %add3A_887 = arith.addi %mul3A_885, %add3A_886 : i32
      %swap3A_888 = arith.constant 2 : i32
      %swap3A_889 = arith.index_cast %swap3A_888 : i32 to index
      %swap3A_890 = arith.index_cast %add3A_887 : i32 to index
      %swap3A_891 = arith.constant 112 : index
      %swap3A_892 = tpu.vector_load %arg8[%swap3A_889, %swap3A_890, %swap3A_891] {strides = array<i32>} : memref<3x200x128xf32, #tpu.memory_space<vmem>>, vector<1x1x16xf32>,
      %swap3A_893 = vector.shape_cast %swap3A_892 : vector<1x1x16xf32> to vector<16xf32>
      %swap3A_894 = vector.shape_cast %add3A_883 : vector<16xf32> to vector<1x1x16xf32>
      tpu.vector_store %arg8[%swap3A_889, %swap3A_890, %swap3A_891], %swap3A_894 {strides = array<i32>} : memref<3x200x128xf32, #tpu.memory_space<vmem>>, vector<1x1x16xf32>,
    }
    %scan3A_220 = arith.constant 100 : i32
    %add3A_221 = arith.constant 29 : i32
    %add3A_222 = arith.addi %mul3A_2, %add3A_221 : i32
    %dma_start3A_223 = arith.constant 2 : i32
    %dma_start3A_224 = arith.constant 0 : i32
    %dma_start3A_225 = arith.constant 0 : i32
    %dma_start3A_226 = tpu.memref_slice %arg8[%dma_start3A_223, %dma_start3A_224, %dma_start3A_225] : memref<3x200x128xf32, #tpu.memory_space<vmem>> -> memref<1x200x128xf32, #tpu.memory_space<vmem>>
    %dma_start3A_227 = tpu.memref_squeeze %dma_start3A_226 : memref<1x200x128xf32, #tpu.memory_space<vmem>> -> memref<200x128xf32, #tpu.memory_space<vmem>>
    %dma_start3A_228 = arith.constant 0 : i32
    %dma_start3A_229 = arith.constant 0 : i32
    %dma_start3A_230 = tpu.memref_slice %arg5[%add3A_222, %dma_start3A_228, %dma_start3A_229] : memref<1024x200x128xf32, #tpu.memory_space<hbm>> -> memref<1x200x128xf32, #tpu.memory_space<hbm>>
    %dma_start3A_231 = tpu.memref_squeeze %dma_start3A_230 : memref<1x200x128xf32, #tpu.memory_space<hbm>> -> memref<200x128xf32, #tpu.memory_space<hbm>>
    %dma_start3A_232 = arith.constant 0 : i32
    %dma_start3A_233 = arith.constant 0 : i32
    %dma_start3A_234 = tpu.memref_slice %arg5[%add3A_222, %dma_start3A_232, %dma_start3A_233] : memref<1024x200x128xf32, #tpu.memory_space<hbm>> -> memref<1x200x128xf32, #tpu.memory_space<hbm>>
    %dma_start3A_235 = tpu.memref_squeeze %dma_start3A_234 : memref<1x200x128xf32, #tpu.memory_space<hbm>> -> memref<200x128xf32, #tpu.memory_space<hbm>>
    %dma_start3A_236 = arith.constant 0 : i32
    %dma_start3A_237 = arith.constant 0 : i32
    %dma_start3A_238 = tpu.memref_slice %arg8[%dma_start3A_223, %dma_start3A_236, %dma_start3A_237] : memref<3x200x128xf32, #tpu.memory_space<vmem>> -> memref<1x200x128xf32, #tpu.memory_space<vmem>>
    %dma_start3A_239 = tpu.memref_squeeze %dma_start3A_238 : memref<1x200x128xf32, #tpu.memory_space<vmem>> -> memref<200x128xf32, #tpu.memory_space<vmem>>
    tpu.enqueue_dma source(%dma_start3A_239 : memref<200x128xf32, #tpu.memory_space<vmem>>) target(%dma_start3A_235 : memref<200x128xf32, #tpu.memory_space<hbm>>) target_semaphore(%arg14 : memref<!tpu.dma_semaphore, #tpu.memory_space<semaphore_mem>>)
    %dma_wait3A_240 = arith.constant 1 : i32
    %dma_wait3A_241 = arith.constant 0 : i32
    %dma_wait3A_242 = arith.constant 0 : i32
    %dma_wait3A_243 = arith.constant 0 : i32
    %dma_wait3A_244 = tpu.memref_slice %arg8[%dma_wait3A_240, %dma_wait3A_242, %dma_wait3A_243] : memref<3x200x128xf32, #tpu.memory_space<vmem>> -> memref<1x200x128xf32, #tpu.memory_space<vmem>>
    %dma_wait3A_245 = tpu.memref_squeeze %dma_wait3A_244 : memref<1x200x128xf32, #tpu.memory_space<vmem>> -> memref<200x128xf32, #tpu.memory_space<vmem>>
    %dma_wait3A_246 = arith.constant 0 : i32
    %dma_wait3A_247 = arith.constant 0 : i32
    %dma_wait3A_248 = tpu.memref_slice %arg5[%dma_wait3A_241, %dma_wait3A_246, %dma_wait3A_247] : memref<1024x200x128xf32, #tpu.memory_space<hbm>> -> memref<1x200x128xf32, #tpu.memory_space<hbm>>
    %dma_wait3A_249 = tpu.memref_squeeze %dma_wait3A_248 : memref<1x200x128xf32, #tpu.memory_space<hbm>> -> memref<200x128xf32, #tpu.memory_space<hbm>>
    %dma_wait3A_250 = arith.constant 0 : i32
    %dma_wait3A_251 = arith.constant 0 : i32
    %dma_wait3A_252 = tpu.memref_slice %arg5[%dma_wait3A_241, %dma_wait3A_250, %dma_wait3A_251] : memref<1024x200x128xf32, #tpu.memory_space<hbm>> -> memref<1x200x128xf32, #tpu.memory_space<hbm>>
    %dma_wait3A_253 = tpu.memref_squeeze %dma_wait3A_252 : memref<1x200x128xf32, #tpu.memory_space<hbm>> -> memref<200x128xf32, #tpu.memory_space<hbm>>
    %dma_wait3A_254 = arith.constant 0 : i32
    %dma_wait3A_255 = arith.constant 0 : i32
    %dma_wait3A_256 = tpu.memref_slice %arg8[%dma_wait3A_240, %dma_wait3A_254, %dma_wait3A_255] : memref<3x200x128xf32, #tpu.memory_space<vmem>> -> memref<1x200x128xf32, #tpu.memory_space<vmem>>
    %dma_wait3A_257 = tpu.memref_squeeze %dma_wait3A_256 : memref<1x200x128xf32, #tpu.memory_space<vmem>> -> memref<200x128xf32, #tpu.memory_space<vmem>>
    tpu.wait_dma2 semaphore(%arg13 : memref<!tpu.dma_semaphore, #tpu.memory_space<semaphore_mem>>) src(%dma_wait3A_257 : memref<200x128xf32, #tpu.memory_space<vmem>>) dst(%dma_wait3A_253 : memref<200x128xf32, #tpu.memory_space<hbm>>)
    %dma_start3A_258 = arith.constant 31 : i32
    %dma_start3A_259 = arith.constant 1 : i32
    %dma_start3A_260 = arith.constant 0 : i32
    %dma_start3A_261 = arith.constant 0 : i32
    %dma_start3A_262 = tpu.memref_slice %arg8[%dma_start3A_259, %dma_start3A_260, %dma_start3A_261] : memref<3x200x128xf32, #tpu.memory_space<vmem>> -> memref<1x128x128xf32, #tpu.memory_space<vmem>>
    %dma_start3A_263 = tpu.memref_squeeze %dma_start3A_262 : memref<1x128x128xf32, #tpu.memory_space<vmem>> -> memref<128x128xf32, #tpu.memory_space<vmem>>
    %dma_start3A_264 = arith.constant 0 : i32
    %dma_start3A_265 = tpu.memref_slice %arg6[%dma_start3A_258, %dma_start3A_264] : memref<32x200xi32, #tpu.memory_space<vmem>> -> memref<1x128xi32, #tpu.memory_space<vmem>>
    %dma_start3A_266 = tpu.memref_squeeze %dma_start3A_265 : memref<1x128xi32, #tpu.memory_space<vmem>> -> memref<128xi32, #tpu.memory_space<vmem>>
    %dma_start3A_267 = arith.constant 0 : i32
    %dma_start3A_268 = arith.constant 0 : i32
    %dma_start3A_269 = tpu.memref_slice %arg3[%dma_start3A_267, %dma_start3A_268] : memref<100000x128xf32, #tpu.memory_space<hbm>> -> memref<100000x128xf32, #tpu.memory_space<hbm>>
    tpu.enqueue_indirect_dma source(%dma_start3A_269 : memref<100000x128xf32, #tpu.memory_space<hbm>>) target(%dma_start3A_263 : memref<128x128xf32, #tpu.memory_space<vmem>>) offsets(%dma_start3A_266 : memref<128xi32, #tpu.memory_space<vmem>>) semaphore(%arg10 : memref<!tpu.dma_semaphore, #tpu.memory_space<semaphore_mem>>)
    %dma_start3A_270 = arith.constant 31 : i32
    %dma_start3A_271 = arith.constant 1 : i32
    %dma_start3A_272 = arith.constant 128 : i32
    %dma_start3A_273 = arith.constant 0 : i32
    %dma_start3A_274 = tpu.memref_slice %arg8[%dma_start3A_271, %dma_start3A_272, %dma_start3A_273] : memref<3x200x128xf32, #tpu.memory_space<vmem>> -> memref<1x72x128xf32, #tpu.memory_space<vmem>>
    %dma_start3A_275 = tpu.memref_squeeze %dma_start3A_274 : memref<1x72x128xf32, #tpu.memory_space<vmem>> -> memref<72x128xf32, #tpu.memory_space<vmem>>
    %dma_start3A_276 = arith.constant 128 : i32
    %dma_start3A_277 = tpu.memref_slice %arg6[%dma_start3A_270, %dma_start3A_276] : memref<32x200xi32, #tpu.memory_space<vmem>> -> memref<1x72xi32, #tpu.memory_space<vmem>>
    %dma_start3A_278 = tpu.memref_squeeze %dma_start3A_277 : memref<1x72xi32, #tpu.memory_space<vmem>> -> memref<72xi32, #tpu.memory_space<vmem>>
    %dma_start3A_279 = arith.constant 0 : i32
    %dma_start3A_280 = arith.constant 0 : i32
    %dma_start3A_281 = tpu.memref_slice %arg3[%dma_start3A_279, %dma_start3A_280] : memref<100000x128xf32, #tpu.memory_space<hbm>> -> memref<100000x128xf32, #tpu.memory_space<hbm>>
    tpu.enqueue_indirect_dma source(%dma_start3A_281 : memref<100000x128xf32, #tpu.memory_space<hbm>>) target(%dma_start3A_275 : memref<72x128xf32, #tpu.memory_space<vmem>>) offsets(%dma_start3A_278 : memref<72xi32, #tpu.memory_space<vmem>>) semaphore(%arg10 : memref<!tpu.dma_semaphore, #tpu.memory_space<semaphore_mem>>)
    %dma_wait3A_282 = arith.constant 0 : i32
    %dma_wait3A_283 = arith.constant 0 : i32
    %dma_wait3A_284 = arith.constant 0 : i32
    %dma_wait3A_285 = tpu.memref_slice %arg8[%dma_wait3A_282, %dma_wait3A_283, %dma_wait3A_284] : memref<3x200x128xf32, #tpu.memory_space<vmem>> -> memref<1x200x128xf32, #tpu.memory_space<vmem>>
    %dma_wait3A_286 = tpu.memref_squeeze %dma_wait3A_285 : memref<1x200x128xf32, #tpu.memory_space<vmem>> -> memref<200x128xf32, #tpu.memory_space<vmem>>
    %dma_wait3A_287 = arith.constant 0 : i32
    %dma_wait3A_288 = arith.constant 0 : i32
    %dma_wait3A_289 = tpu.memref_slice %arg3[%dma_wait3A_287, %dma_wait3A_288] : memref<100000x128xf32, #tpu.memory_space<hbm>> -> memref<200x128xf32, #tpu.memory_space<hbm>>
    %dma_wait3A_290 = arith.constant 0 : i32
    %dma_wait3A_291 = arith.constant 0 : i32
    %dma_wait3A_292 = tpu.memref_slice %arg8[%dma_wait3A_282, %dma_wait3A_290, %dma_wait3A_291] : memref<3x200x128xf32, #tpu.memory_space<vmem>> -> memref<1x200x128xf32, #tpu.memory_space<vmem>>
    %dma_wait3A_293 = tpu.memref_squeeze %dma_wait3A_292 : memref<1x200x128xf32, #tpu.memory_space<vmem>> -> memref<200x128xf32, #tpu.memory_space<vmem>>
    %dma_wait3A_294 = arith.constant 0 : i32
    %dma_wait3A_295 = arith.constant 0 : i32
    %dma_wait3A_296 = tpu.memref_slice %arg3[%dma_wait3A_294, %dma_wait3A_295] : memref<100000x128xf32, #tpu.memory_space<hbm>> -> memref<200x128xf32, #tpu.memory_space<hbm>>
    tpu.wait_dma2 semaphore(%arg9 : memref<!tpu.dma_semaphore, #tpu.memory_space<semaphore_mem>>) src(%dma_wait3A_296 : memref<200x128xf32, #tpu.memory_space<hbm>>) dst(%dma_wait3A_293 : memref<200x128xf32, #tpu.memory_space<vmem>>)
    %scan3A_297 = arith.constant 0 : i32
    %scan3A_298 = arith.constant 0 : i32
    %scan3A_299 = arith.constant 100 : i32
    %scan3A_300 = arith.addi %scan3A_298, %scan3A_299 : i32
    %scan3A_301 = arith.constant 1 : i32
    scf.for %scan3A_416 = %scan3A_298 to %scan3A_300 step %scan3A_301  : i32 {
      %mul3A_417 = arith.constant 2 : i32
      %mul3A_418 = arith.muli %scan3A_416, %mul3A_417 : i32
      %add3A_419 = arith.constant 0 : i32
      %add3A_420 = arith.addi %mul3A_418, %add3A_419 : i32
      %get3A = arith.constant 0 : i32
      %get3A_421 = arith.index_cast %get3A : i32 to index
      %get3A_422 = arith.index_cast %add3A_420 : i32 to index
      %get3A_423 = arith.constant 0 : index
      %get3A_424 = tpu.vector_load %arg8[%get3A_421, %get3A_422, %get3A_423] {strides = array<i32>} : memref<3x200x128xf32, #tpu.memory_space<vmem>>, vector<1x1x16xf32>,
      %get3A_425 = vector.shape_cast %get3A_424 : vector<1x1x16xf32> to vector<16xf32>
      %mul3A_426 = arith.constant 2 : i32
      %mul3A_427 = arith.muli %scan3A_416, %mul3A_426 : i32
      %add3A_428 = arith.constant 0 : i32
      %add3A_429 = arith.addi %mul3A_427, %add3A_428 : i32
      %get3A_430 = arith.index_cast %add3A_429 : i32 to index
      %get3A_431 = arith.constant 0 : index
      %get3A_432 = tpu.vector_load %arg7[%get3A_430, %get3A_431] {strides = array<i32>} : memref<200x128xf32, #tpu.memory_space<vmem>>, vector<1x16xf32>,
      %get3A_433 = vector.shape_cast %get3A_432 : vector<1x16xf32> to vector<16xf32>
      %add3A_434 = arith.addf %get3A_425, %get3A_433 : vector<16xf32>
      %mul3A_435 = arith.constant 2 : i32
      %mul3A_436 = arith.muli %scan3A_416, %mul3A_435 : i32
      %add3A_437 = arith.constant 0 : i32
      %add3A_438 = arith.addi %mul3A_436, %add3A_437 : i32
      %swap3A = arith.constant 0 : i32
      %swap3A_439 = arith.index_cast %swap3A : i32 to index
      %swap3A_440 = arith.index_cast %add3A_438 : i32 to index
      %swap3A_441 = arith.constant 0 : index
      %swap3A_442 = tpu.vector_load %arg8[%swap3A_439, %swap3A_440, %swap3A_441] {strides = array<i32>} : memref<3x200x128xf32, #tpu.memory_space<vmem>>, vector<1x1x16xf32>,
      %swap3A_443 = vector.shape_cast %swap3A_442 : vector<1x1x16xf32> to vector<16xf32>
      %swap3A_444 = vector.shape_cast %add3A_434 : vector<16xf32> to vector<1x1x16xf32>
      tpu.vector_store %arg8[%swap3A_439, %swap3A_440, %swap3A_441], %swap3A_444 {strides = array<i32>} : memref<3x200x128xf32, #tpu.memory_space<vmem>>, vector<1x1x16xf32>,
      %mul3A_445 = arith.constant 2 : i32
      %mul3A_446 = arith.muli %scan3A_416, %mul3A_445 : i32
      %add3A_447 = arith.constant 0 : i32
      %add3A_448 = arith.addi %mul3A_446, %add3A_447 : i32
      %get3A_449 = arith.constant 0 : i32
      %get3A_450 = arith.index_cast %get3A_449 : i32 to index
      %get3A_451 = arith.index_cast %add3A_448 : i32 to index
      %get3A_452 = arith.constant 16 : index
      %get3A_453 = tpu.vector_load %arg8[%get3A_450, %get3A_451, %get3A_452] {strides = array<i32>} : memref<3x200x128xf32, #tpu.memory_space<vmem>>, vector<1x1x16xf32>,
      %get3A_454 = vector.shape_cast %get3A_453 : vector<1x1x16xf32> to vector<16xf32>
      %mul3A_455 = arith.constant 2 : i32
      %mul3A_456 = arith.muli %scan3A_416, %mul3A_455 : i32
      %add3A_457 = arith.constant 0 : i32
      %add3A_458 = arith.addi %mul3A_456, %add3A_457 : i32
      %get3A_459 = arith.index_cast %add3A_458 : i32 to index
      %get3A_460 = arith.constant 16 : index
      %get3A_461 = tpu.vector_load %arg7[%get3A_459, %get3A_460] {strides = array<i32>} : memref<200x128xf32, #tpu.memory_space<vmem>>, vector<1x16xf32>,
      %get3A_462 = vector.shape_cast %get3A_461 : vector<1x16xf32> to vector<16xf32>
      %add3A_463 = arith.addf %get3A_454, %get3A_462 : vector<16xf32>
      %mul3A_464 = arith.constant 2 : i32
      %mul3A_465 = arith.muli %scan3A_416, %mul3A_464 : i32
      %add3A_466 = arith.constant 0 : i32
      %add3A_467 = arith.addi %mul3A_465, %add3A_466 : i32
      %swap3A_468 = arith.constant 0 : i32
      %swap3A_469 = arith.index_cast %swap3A_468 : i32 to index
      %swap3A_470 = arith.index_cast %add3A_467 : i32 to index
      %swap3A_471 = arith.constant 16 : index
      %swap3A_472 = tpu.vector_load %arg8[%swap3A_469, %swap3A_470, %swap3A_471] {strides = array<i32>} : memref<3x200x128xf32, #tpu.memory_space<vmem>>, vector<1x1x16xf32>,
      %swap3A_473 = vector.shape_cast %swap3A_472 : vector<1x1x16xf32> to vector<16xf32>
      %swap3A_474 = vector.shape_cast %add3A_463 : vector<16xf32> to vector<1x1x16xf32>
      tpu.vector_store %arg8[%swap3A_469, %swap3A_470, %swap3A_471], %swap3A_474 {strides = array<i32>} : memref<3x200x128xf32, #tpu.memory_space<vmem>>, vector<1x1x16xf32>,
      %mul3A_475 = arith.constant 2 : i32
      %mul3A_476 = arith.muli %scan3A_416, %mul3A_475 : i32
      %add3A_477 = arith.constant 0 : i32
      %add3A_478 = arith.addi %mul3A_476, %add3A_477 : i32
      %get3A_479 = arith.constant 0 : i32
      %get3A_480 = arith.index_cast %get3A_479 : i32 to index
      %get3A_481 = arith.index_cast %add3A_478 : i32 to index
      %get3A_482 = arith.constant 32 : index
      %get3A_483 = tpu.vector_load %arg8[%get3A_480, %get3A_481, %get3A_482] {strides = array<i32>} : memref<3x200x128xf32, #tpu.memory_space<vmem>>, vector<1x1x16xf32>,
      %get3A_484 = vector.shape_cast %get3A_483 : vector<1x1x16xf32> to vector<16xf32>
      %mul3A_485 = arith.constant 2 : i32
      %mul3A_486 = arith.muli %scan3A_416, %mul3A_485 : i32
      %add3A_487 = arith.constant 0 : i32
      %add3A_488 = arith.addi %mul3A_486, %add3A_487 : i32
      %get3A_489 = arith.index_cast %add3A_488 : i32 to index
      %get3A_490 = arith.constant 32 : index
      %get3A_491 = tpu.vector_load %arg7[%get3A_489, %get3A_490] {strides = array<i32>} : memref<200x128xf32, #tpu.memory_space<vmem>>, vector<1x16xf32>,
      %get3A_492 = vector.shape_cast %get3A_491 : vector<1x16xf32> to vector<16xf32>
      %add3A_493 = arith.addf %get3A_484, %get3A_492 : vector<16xf32>
      %mul3A_494 = arith.constant 2 : i32
      %mul3A_495 = arith.muli %scan3A_416, %mul3A_494 : i32
      %add3A_496 = arith.constant 0 : i32
      %add3A_497 = arith.addi %mul3A_495, %add3A_496 : i32
      %swap3A_498 = arith.constant 0 : i32
      %swap3A_499 = arith.index_cast %swap3A_498 : i32 to index
      %swap3A_500 = arith.index_cast %add3A_497 : i32 to index
      %swap3A_501 = arith.constant 32 : index
      %swap3A_502 = tpu.vector_load %arg8[%swap3A_499, %swap3A_500, %swap3A_501] {strides = array<i32>} : memref<3x200x128xf32, #tpu.memory_space<vmem>>, vector<1x1x16xf32>,
      %swap3A_503 = vector.shape_cast %swap3A_502 : vector<1x1x16xf32> to vector<16xf32>
      %swap3A_504 = vector.shape_cast %add3A_493 : vector<16xf32> to vector<1x1x16xf32>
      tpu.vector_store %arg8[%swap3A_499, %swap3A_500, %swap3A_501], %swap3A_504 {strides = array<i32>} : memref<3x200x128xf32, #tpu.memory_space<vmem>>, vector<1x1x16xf32>,
      %mul3A_505 = arith.constant 2 : i32
      %mul3A_506 = arith.muli %scan3A_416, %mul3A_505 : i32
      %add3A_507 = arith.constant 0 : i32
      %add3A_508 = arith.addi %mul3A_506, %add3A_507 : i32
      %get3A_509 = arith.constant 0 : i32
      %get3A_510 = arith.index_cast %get3A_509 : i32 to index
      %get3A_511 = arith.index_cast %add3A_508 : i32 to index
      %get3A_512 = arith.constant 48 : index
      %get3A_513 = tpu.vector_load %arg8[%get3A_510, %get3A_511, %get3A_512] {strides = array<i32>} : memref<3x200x128xf32, #tpu.memory_space<vmem>>, vector<1x1x16xf32>,
      %get3A_514 = vector.shape_cast %get3A_513 : vector<1x1x16xf32> to vector<16xf32>
      %mul3A_515 = arith.constant 2 : i32
      %mul3A_516 = arith.muli %scan3A_416, %mul3A_515 : i32
      %add3A_517 = arith.constant 0 : i32
      %add3A_518 = arith.addi %mul3A_516, %add3A_517 : i32
      %get3A_519 = arith.index_cast %add3A_518 : i32 to index
      %get3A_520 = arith.constant 48 : index
      %get3A_521 = tpu.vector_load %arg7[%get3A_519, %get3A_520] {strides = array<i32>} : memref<200x128xf32, #tpu.memory_space<vmem>>, vector<1x16xf32>,
      %get3A_522 = vector.shape_cast %get3A_521 : vector<1x16xf32> to vector<16xf32>
      %add3A_523 = arith.addf %get3A_514, %get3A_522 : vector<16xf32>
      %mul3A_524 = arith.constant 2 : i32
      %mul3A_525 = arith.muli %scan3A_416, %mul3A_524 : i32
      %add3A_526 = arith.constant 0 : i32
      %add3A_527 = arith.addi %mul3A_525, %add3A_526 : i32
      %swap3A_528 = arith.constant 0 : i32
      %swap3A_529 = arith.index_cast %swap3A_528 : i32 to index
      %swap3A_530 = arith.index_cast %add3A_527 : i32 to index
      %swap3A_531 = arith.constant 48 : index
      %swap3A_532 = tpu.vector_load %arg8[%swap3A_529, %swap3A_530, %swap3A_531] {strides = array<i32>} : memref<3x200x128xf32, #tpu.memory_space<vmem>>, vector<1x1x16xf32>,
      %swap3A_533 = vector.shape_cast %swap3A_532 : vector<1x1x16xf32> to vector<16xf32>
      %swap3A_534 = vector.shape_cast %add3A_523 : vector<16xf32> to vector<1x1x16xf32>
      tpu.vector_store %arg8[%swap3A_529, %swap3A_530, %swap3A_531], %swap3A_534 {strides = array<i32>} : memref<3x200x128xf32, #tpu.memory_space<vmem>>, vector<1x1x16xf32>,
      %mul3A_535 = arith.constant 2 : i32
      %mul3A_536 = arith.muli %scan3A_416, %mul3A_535 : i32
      %add3A_537 = arith.constant 0 : i32
      %add3A_538 = arith.addi %mul3A_536, %add3A_537 : i32
      %get3A_539 = arith.constant 0 : i32
      %get3A_540 = arith.index_cast %get3A_539 : i32 to index
      %get3A_541 = arith.index_cast %add3A_538 : i32 to index
      %get3A_542 = arith.constant 64 : index
      %get3A_543 = tpu.vector_load %arg8[%get3A_540, %get3A_541, %get3A_542] {strides = array<i32>} : memref<3x200x128xf32, #tpu.memory_space<vmem>>, vector<1x1x16xf32>,
      %get3A_544 = vector.shape_cast %get3A_543 : vector<1x1x16xf32> to vector<16xf32>
      %mul3A_545 = arith.constant 2 : i32
      %mul3A_546 = arith.muli %scan3A_416, %mul3A_545 : i32
      %add3A_547 = arith.constant 0 : i32
      %add3A_548 = arith.addi %mul3A_546, %add3A_547 : i32
      %get3A_549 = arith.index_cast %add3A_548 : i32 to index
      %get3A_550 = arith.constant 64 : index
      %get3A_551 = tpu.vector_load %arg7[%get3A_549, %get3A_550] {strides = array<i32>} : memref<200x128xf32, #tpu.memory_space<vmem>>, vector<1x16xf32>,
      %get3A_552 = vector.shape_cast %get3A_551 : vector<1x16xf32> to vector<16xf32>
      %add3A_553 = arith.addf %get3A_544, %get3A_552 : vector<16xf32>
      %mul3A_554 = arith.constant 2 : i32
      %mul3A_555 = arith.muli %scan3A_416, %mul3A_554 : i32
      %add3A_556 = arith.constant 0 : i32
      %add3A_557 = arith.addi %mul3A_555, %add3A_556 : i32
      %swap3A_558 = arith.constant 0 : i32
      %swap3A_559 = arith.index_cast %swap3A_558 : i32 to index
      %swap3A_560 = arith.index_cast %add3A_557 : i32 to index
      %swap3A_561 = arith.constant 64 : index
      %swap3A_562 = tpu.vector_load %arg8[%swap3A_559, %swap3A_560, %swap3A_561] {strides = array<i32>} : memref<3x200x128xf32, #tpu.memory_space<vmem>>, vector<1x1x16xf32>,
      %swap3A_563 = vector.shape_cast %swap3A_562 : vector<1x1x16xf32> to vector<16xf32>
      %swap3A_564 = vector.shape_cast %add3A_553 : vector<16xf32> to vector<1x1x16xf32>
      tpu.vector_store %arg8[%swap3A_559, %swap3A_560, %swap3A_561], %swap3A_564 {strides = array<i32>} : memref<3x200x128xf32, #tpu.memory_space<vmem>>, vector<1x1x16xf32>,
      %mul3A_565 = arith.constant 2 : i32
      %mul3A_566 = arith.muli %scan3A_416, %mul3A_565 : i32
      %add3A_567 = arith.constant 0 : i32
      %add3A_568 = arith.addi %mul3A_566, %add3A_567 : i32
      %get3A_569 = arith.constant 0 : i32
      %get3A_570 = arith.index_cast %get3A_569 : i32 to index
      %get3A_571 = arith.index_cast %add3A_568 : i32 to index
      %get3A_572 = arith.constant 80 : index
      %get3A_573 = tpu.vector_load %arg8[%get3A_570, %get3A_571, %get3A_572] {strides = array<i32>} : memref<3x200x128xf32, #tpu.memory_space<vmem>>, vector<1x1x16xf32>,
      %get3A_574 = vector.shape_cast %get3A_573 : vector<1x1x16xf32> to vector<16xf32>
      %mul3A_575 = arith.constant 2 : i32
      %mul3A_576 = arith.muli %scan3A_416, %mul3A_575 : i32
      %add3A_577 = arith.constant 0 : i32
      %add3A_578 = arith.addi %mul3A_576, %add3A_577 : i32
      %get3A_579 = arith.index_cast %add3A_578 : i32 to index
      %get3A_580 = arith.constant 80 : index
      %get3A_581 = tpu.vector_load %arg7[%get3A_579, %get3A_580] {strides = array<i32>} : memref<200x128xf32, #tpu.memory_space<vmem>>, vector<1x16xf32>,
      %get3A_582 = vector.shape_cast %get3A_581 : vector<1x16xf32> to vector<16xf32>
      %add3A_583 = arith.addf %get3A_574, %get3A_582 : vector<16xf32>
      %mul3A_584 = arith.constant 2 : i32
      %mul3A_585 = arith.muli %scan3A_416, %mul3A_584 : i32
      %add3A_586 = arith.constant 0 : i32
      %add3A_587 = arith.addi %mul3A_585, %add3A_586 : i32
      %swap3A_588 = arith.constant 0 : i32
      %swap3A_589 = arith.index_cast %swap3A_588 : i32 to index
      %swap3A_590 = arith.index_cast %add3A_587 : i32 to index
      %swap3A_591 = arith.constant 80 : index
      %swap3A_592 = tpu.vector_load %arg8[%swap3A_589, %swap3A_590, %swap3A_591] {strides = array<i32>} : memref<3x200x128xf32, #tpu.memory_space<vmem>>, vector<1x1x16xf32>,
      %swap3A_593 = vector.shape_cast %swap3A_592 : vector<1x1x16xf32> to vector<16xf32>
      %swap3A_594 = vector.shape_cast %add3A_583 : vector<16xf32> to vector<1x1x16xf32>
      tpu.vector_store %arg8[%swap3A_589, %swap3A_590, %swap3A_591], %swap3A_594 {strides = array<i32>} : memref<3x200x128xf32, #tpu.memory_space<vmem>>, vector<1x1x16xf32>,
      %mul3A_595 = arith.constant 2 : i32
      %mul3A_596 = arith.muli %scan3A_416, %mul3A_595 : i32
      %add3A_597 = arith.constant 0 : i32
      %add3A_598 = arith.addi %mul3A_596, %add3A_597 : i32
      %get3A_599 = arith.constant 0 : i32
      %get3A_600 = arith.index_cast %get3A_599 : i32 to index
      %get3A_601 = arith.index_cast %add3A_598 : i32 to index
      %get3A_602 = arith.constant 96 : index
      %get3A_603 = tpu.vector_load %arg8[%get3A_600, %get3A_601, %get3A_602] {strides = array<i32>} : memref<3x200x128xf32, #tpu.memory_space<vmem>>, vector<1x1x16xf32>,
      %get3A_604 = vector.shape_cast %get3A_603 : vector<1x1x16xf32> to vector<16xf32>
      %mul3A_605 = arith.constant 2 : i32
      %mul3A_606 = arith.muli %scan3A_416, %mul3A_605 : i32
      %add3A_607 = arith.constant 0 : i32
      %add3A_608 = arith.addi %mul3A_606, %add3A_607 : i32
      %get3A_609 = arith.index_cast %add3A_608 : i32 to index
      %get3A_610 = arith.constant 96 : index
      %get3A_611 = tpu.vector_load %arg7[%get3A_609, %get3A_610] {strides = array<i32>} : memref<200x128xf32, #tpu.memory_space<vmem>>, vector<1x16xf32>,
      %get3A_612 = vector.shape_cast %get3A_611 : vector<1x16xf32> to vector<16xf32>
      %add3A_613 = arith.addf %get3A_604, %get3A_612 : vector<16xf32>
      %mul3A_614 = arith.constant 2 : i32
      %mul3A_615 = arith.muli %scan3A_416, %mul3A_614 : i32
      %add3A_616 = arith.constant 0 : i32
      %add3A_617 = arith.addi %mul3A_615, %add3A_616 : i32
      %swap3A_618 = arith.constant 0 : i32
      %swap3A_619 = arith.index_cast %swap3A_618 : i32 to index
      %swap3A_620 = arith.index_cast %add3A_617 : i32 to index
      %swap3A_621 = arith.constant 96 : index
      %swap3A_622 = tpu.vector_load %arg8[%swap3A_619, %swap3A_620, %swap3A_621] {strides = array<i32>} : memref<3x200x128xf32, #tpu.memory_space<vmem>>, vector<1x1x16xf32>,
      %swap3A_623 = vector.shape_cast %swap3A_622 : vector<1x1x16xf32> to vector<16xf32>
      %swap3A_624 = vector.shape_cast %add3A_613 : vector<16xf32> to vector<1x1x16xf32>
      tpu.vector_store %arg8[%swap3A_619, %swap3A_620, %swap3A_621], %swap3A_624 {strides = array<i32>} : memref<3x200x128xf32, #tpu.memory_space<vmem>>, vector<1x1x16xf32>,
      %mul3A_625 = arith.constant 2 : i32
      %mul3A_626 = arith.muli %scan3A_416, %mul3A_625 : i32
      %add3A_627 = arith.constant 0 : i32
      %add3A_628 = arith.addi %mul3A_626, %add3A_627 : i32
      %get3A_629 = arith.constant 0 : i32
      %get3A_630 = arith.index_cast %get3A_629 : i32 to index
      %get3A_631 = arith.index_cast %add3A_628 : i32 to index
      %get3A_632 = arith.constant 112 : index
      %get3A_633 = tpu.vector_load %arg8[%get3A_630, %get3A_631, %get3A_632] {strides = array<i32>} : memref<3x200x128xf32, #tpu.memory_space<vmem>>, vector<1x1x16xf32>,
      %get3A_634 = vector.shape_cast %get3A_633 : vector<1x1x16xf32> to vector<16xf32>
      %mul3A_635 = arith.constant 2 : i32
      %mul3A_636 = arith.muli %scan3A_416, %mul3A_635 : i32
      %add3A_637 = arith.constant 0 : i32
      %add3A_638 = arith.addi %mul3A_636, %add3A_637 : i32
      %get3A_639 = arith.index_cast %add3A_638 : i32 to index
      %get3A_640 = arith.constant 112 : index
      %get3A_641 = tpu.vector_load %arg7[%get3A_639, %get3A_640] {strides = array<i32>} : memref<200x128xf32, #tpu.memory_space<vmem>>, vector<1x16xf32>,
      %get3A_642 = vector.shape_cast %get3A_641 : vector<1x16xf32> to vector<16xf32>
      %add3A_643 = arith.addf %get3A_634, %get3A_642 : vector<16xf32>
      %mul3A_644 = arith.constant 2 : i32
      %mul3A_645 = arith.muli %scan3A_416, %mul3A_644 : i32
      %add3A_646 = arith.constant 0 : i32
      %add3A_647 = arith.addi %mul3A_645, %add3A_646 : i32
      %swap3A_648 = arith.constant 0 : i32
      %swap3A_649 = arith.index_cast %swap3A_648 : i32 to index
      %swap3A_650 = arith.index_cast %add3A_647 : i32 to index
      %swap3A_651 = arith.constant 112 : index
      %swap3A_652 = tpu.vector_load %arg8[%swap3A_649, %swap3A_650, %swap3A_651] {strides = array<i32>} : memref<3x200x128xf32, #tpu.memory_space<vmem>>, vector<1x1x16xf32>,
      %swap3A_653 = vector.shape_cast %swap3A_652 : vector<1x1x16xf32> to vector<16xf32>
      %swap3A_654 = vector.shape_cast %add3A_643 : vector<16xf32> to vector<1x1x16xf32>
      tpu.vector_store %arg8[%swap3A_649, %swap3A_650, %swap3A_651], %swap3A_654 {strides = array<i32>} : memref<3x200x128xf32, #tpu.memory_space<vmem>>, vector<1x1x16xf32>,
      %mul3A_655 = arith.constant 2 : i32
      %mul3A_656 = arith.muli %scan3A_416, %mul3A_655 : i32
      %add3A_657 = arith.constant 1 : i32
      %add3A_658 = arith.addi %mul3A_656, %add3A_657 : i32
      %get3A_659 = arith.constant 0 : i32
      %get3A_660 = arith.index_cast %get3A_659 : i32 to index
      %get3A_661 = arith.index_cast %add3A_658 : i32 to index
      %get3A_662 = arith.constant 0 : index
      %get3A_663 = tpu.vector_load %arg8[%get3A_660, %get3A_661, %get3A_662] {strides = array<i32>} : memref<3x200x128xf32, #tpu.memory_space<vmem>>, vector<1x1x16xf32>,
      %get3A_664 = vector.shape_cast %get3A_663 : vector<1x1x16xf32> to vector<16xf32>
      %mul3A_665 = arith.constant 2 : i32
      %mul3A_666 = arith.muli %scan3A_416, %mul3A_665 : i32
      %add3A_667 = arith.constant 1 : i32
      %add3A_668 = arith.addi %mul3A_666, %add3A_667 : i32
      %get3A_669 = arith.index_cast %add3A_668 : i32 to index
      %get3A_670 = arith.constant 0 : index
      %get3A_671 = tpu.vector_load %arg7[%get3A_669, %get3A_670] {strides = array<i32>} : memref<200x128xf32, #tpu.memory_space<vmem>>, vector<1x16xf32>,
      %get3A_672 = vector.shape_cast %get3A_671 : vector<1x16xf32> to vector<16xf32>
      %add3A_673 = arith.addf %get3A_664, %get3A_672 : vector<16xf32>
      %mul3A_674 = arith.constant 2 : i32
      %mul3A_675 = arith.muli %scan3A_416, %mul3A_674 : i32
      %add3A_676 = arith.constant 1 : i32
      %add3A_677 = arith.addi %mul3A_675, %add3A_676 : i32
      %swap3A_678 = arith.constant 0 : i32
      %swap3A_679 = arith.index_cast %swap3A_678 : i32 to index
      %swap3A_680 = arith.index_cast %add3A_677 : i32 to index
      %swap3A_681 = arith.constant 0 : index
      %swap3A_682 = tpu.vector_load %arg8[%swap3A_679, %swap3A_680, %swap3A_681] {strides = array<i32>} : memref<3x200x128xf32, #tpu.memory_space<vmem>>, vector<1x1x16xf32>,
      %swap3A_683 = vector.shape_cast %swap3A_682 : vector<1x1x16xf32> to vector<16xf32>
      %swap3A_684 = vector.shape_cast %add3A_673 : vector<16xf32> to vector<1x1x16xf32>
      tpu.vector_store %arg8[%swap3A_679, %swap3A_680, %swap3A_681], %swap3A_684 {strides = array<i32>} : memref<3x200x128xf32, #tpu.memory_space<vmem>>, vector<1x1x16xf32>,
      %mul3A_685 = arith.constant 2 : i32
      %mul3A_686 = arith.muli %scan3A_416, %mul3A_685 : i32
      %add3A_687 = arith.constant 1 : i32
      %add3A_688 = arith.addi %mul3A_686, %add3A_687 : i32
      %get3A_689 = arith.constant 0 : i32
      %get3A_690 = arith.index_cast %get3A_689 : i32 to index
      %get3A_691 = arith.index_cast %add3A_688 : i32 to index
      %get3A_692 = arith.constant 16 : index
      %get3A_693 = tpu.vector_load %arg8[%get3A_690, %get3A_691, %get3A_692] {strides = array<i32>} : memref<3x200x128xf32, #tpu.memory_space<vmem>>, vector<1x1x16xf32>,
      %get3A_694 = vector.shape_cast %get3A_693 : vector<1x1x16xf32> to vector<16xf32>
      %mul3A_695 = arith.constant 2 : i32
      %mul3A_696 = arith.muli %scan3A_416, %mul3A_695 : i32
      %add3A_697 = arith.constant 1 : i32
      %add3A_698 = arith.addi %mul3A_696, %add3A_697 : i32
      %get3A_699 = arith.index_cast %add3A_698 : i32 to index
      %get3A_700 = arith.constant 16 : index
      %get3A_701 = tpu.vector_load %arg7[%get3A_699, %get3A_700] {strides = array<i32>} : memref<200x128xf32, #tpu.memory_space<vmem>>, vector<1x16xf32>,
      %get3A_702 = vector.shape_cast %get3A_701 : vector<1x16xf32> to vector<16xf32>
      %add3A_703 = arith.addf %get3A_694, %get3A_702 : vector<16xf32>
      %mul3A_704 = arith.constant 2 : i32
      %mul3A_705 = arith.muli %scan3A_416, %mul3A_704 : i32
      %add3A_706 = arith.constant 1 : i32
      %add3A_707 = arith.addi %mul3A_705, %add3A_706 : i32
      %swap3A_708 = arith.constant 0 : i32
      %swap3A_709 = arith.index_cast %swap3A_708 : i32 to index
      %swap3A_710 = arith.index_cast %add3A_707 : i32 to index
      %swap3A_711 = arith.constant 16 : index
      %swap3A_712 = tpu.vector_load %arg8[%swap3A_709, %swap3A_710, %swap3A_711] {strides = array<i32>} : memref<3x200x128xf32, #tpu.memory_space<vmem>>, vector<1x1x16xf32>,
      %swap3A_713 = vector.shape_cast %swap3A_712 : vector<1x1x16xf32> to vector<16xf32>
      %swap3A_714 = vector.shape_cast %add3A_703 : vector<16xf32> to vector<1x1x16xf32>
      tpu.vector_store %arg8[%swap3A_709, %swap3A_710, %swap3A_711], %swap3A_714 {strides = array<i32>} : memref<3x200x128xf32, #tpu.memory_space<vmem>>, vector<1x1x16xf32>,
      %mul3A_715 = arith.constant 2 : i32
      %mul3A_716 = arith.muli %scan3A_416, %mul3A_715 : i32
      %add3A_717 = arith.constant 1 : i32
      %add3A_718 = arith.addi %mul3A_716, %add3A_717 : i32
      %get3A_719 = arith.constant 0 : i32
      %get3A_720 = arith.index_cast %get3A_719 : i32 to index
      %get3A_721 = arith.index_cast %add3A_718 : i32 to index
      %get3A_722 = arith.constant 32 : index
      %get3A_723 = tpu.vector_load %arg8[%get3A_720, %get3A_721, %get3A_722] {strides = array<i32>} : memref<3x200x128xf32, #tpu.memory_space<vmem>>, vector<1x1x16xf32>,
      %get3A_724 = vector.shape_cast %get3A_723 : vector<1x1x16xf32> to vector<16xf32>
      %mul3A_725 = arith.constant 2 : i32
      %mul3A_726 = arith.muli %scan3A_416, %mul3A_725 : i32
      %add3A_727 = arith.constant 1 : i32
      %add3A_728 = arith.addi %mul3A_726, %add3A_727 : i32
      %get3A_729 = arith.index_cast %add3A_728 : i32 to index
      %get3A_730 = arith.constant 32 : index
      %get3A_731 = tpu.vector_load %arg7[%get3A_729, %get3A_730] {strides = array<i32>} : memref<200x128xf32, #tpu.memory_space<vmem>>, vector<1x16xf32>,
      %get3A_732 = vector.shape_cast %get3A_731 : vector<1x16xf32> to vector<16xf32>
      %add3A_733 = arith.addf %get3A_724, %get3A_732 : vector<16xf32>
      %mul3A_734 = arith.constant 2 : i32
      %mul3A_735 = arith.muli %scan3A_416, %mul3A_734 : i32
      %add3A_736 = arith.constant 1 : i32
      %add3A_737 = arith.addi %mul3A_735, %add3A_736 : i32
      %swap3A_738 = arith.constant 0 : i32
      %swap3A_739 = arith.index_cast %swap3A_738 : i32 to index
      %swap3A_740 = arith.index_cast %add3A_737 : i32 to index
      %swap3A_741 = arith.constant 32 : index
      %swap3A_742 = tpu.vector_load %arg8[%swap3A_739, %swap3A_740, %swap3A_741] {strides = array<i32>} : memref<3x200x128xf32, #tpu.memory_space<vmem>>, vector<1x1x16xf32>,
      %swap3A_743 = vector.shape_cast %swap3A_742 : vector<1x1x16xf32> to vector<16xf32>
      %swap3A_744 = vector.shape_cast %add3A_733 : vector<16xf32> to vector<1x1x16xf32>
      tpu.vector_store %arg8[%swap3A_739, %swap3A_740, %swap3A_741], %swap3A_744 {strides = array<i32>} : memref<3x200x128xf32, #tpu.memory_space<vmem>>, vector<1x1x16xf32>,
      %mul3A_745 = arith.constant 2 : i32
      %mul3A_746 = arith.muli %scan3A_416, %mul3A_745 : i32
      %add3A_747 = arith.constant 1 : i32
      %add3A_748 = arith.addi %mul3A_746, %add3A_747 : i32
      %get3A_749 = arith.constant 0 : i32
      %get3A_750 = arith.index_cast %get3A_749 : i32 to index
      %get3A_751 = arith.index_cast %add3A_748 : i32 to index
      %get3A_752 = arith.constant 48 : index
      %get3A_753 = tpu.vector_load %arg8[%get3A_750, %get3A_751, %get3A_752] {strides = array<i32>} : memref<3x200x128xf32, #tpu.memory_space<vmem>>, vector<1x1x16xf32>,
      %get3A_754 = vector.shape_cast %get3A_753 : vector<1x1x16xf32> to vector<16xf32>
      %mul3A_755 = arith.constant 2 : i32
      %mul3A_756 = arith.muli %scan3A_416, %mul3A_755 : i32
      %add3A_757 = arith.constant 1 : i32
      %add3A_758 = arith.addi %mul3A_756, %add3A_757 : i32
      %get3A_759 = arith.index_cast %add3A_758 : i32 to index
      %get3A_760 = arith.constant 48 : index
      %get3A_761 = tpu.vector_load %arg7[%get3A_759, %get3A_760] {strides = array<i32>} : memref<200x128xf32, #tpu.memory_space<vmem>>, vector<1x16xf32>,
      %get3A_762 = vector.shape_cast %get3A_761 : vector<1x16xf32> to vector<16xf32>
      %add3A_763 = arith.addf %get3A_754, %get3A_762 : vector<16xf32>
      %mul3A_764 = arith.constant 2 : i32
      %mul3A_765 = arith.muli %scan3A_416, %mul3A_764 : i32
      %add3A_766 = arith.constant 1 : i32
      %add3A_767 = arith.addi %mul3A_765, %add3A_766 : i32
      %swap3A_768 = arith.constant 0 : i32
      %swap3A_769 = arith.index_cast %swap3A_768 : i32 to index
      %swap3A_770 = arith.index_cast %add3A_767 : i32 to index
      %swap3A_771 = arith.constant 48 : index
      %swap3A_772 = tpu.vector_load %arg8[%swap3A_769, %swap3A_770, %swap3A_771] {strides = array<i32>} : memref<3x200x128xf32, #tpu.memory_space<vmem>>, vector<1x1x16xf32>,
      %swap3A_773 = vector.shape_cast %swap3A_772 : vector<1x1x16xf32> to vector<16xf32>
      %swap3A_774 = vector.shape_cast %add3A_763 : vector<16xf32> to vector<1x1x16xf32>
      tpu.vector_store %arg8[%swap3A_769, %swap3A_770, %swap3A_771], %swap3A_774 {strides = array<i32>} : memref<3x200x128xf32, #tpu.memory_space<vmem>>, vector<1x1x16xf32>,
      %mul3A_775 = arith.constant 2 : i32
      %mul3A_776 = arith.muli %scan3A_416, %mul3A_775 : i32
      %add3A_777 = arith.constant 1 : i32
      %add3A_778 = arith.addi %mul3A_776, %add3A_777 : i32
      %get3A_779 = arith.constant 0 : i32
      %get3A_780 = arith.index_cast %get3A_779 : i32 to index
      %get3A_781 = arith.index_cast %add3A_778 : i32 to index
      %get3A_782 = arith.constant 64 : index
      %get3A_783 = tpu.vector_load %arg8[%get3A_780, %get3A_781, %get3A_782] {strides = array<i32>} : memref<3x200x128xf32, #tpu.memory_space<vmem>>, vector<1x1x16xf32>,
      %get3A_784 = vector.shape_cast %get3A_783 : vector<1x1x16xf32> to vector<16xf32>
      %mul3A_785 = arith.constant 2 : i32
      %mul3A_786 = arith.muli %scan3A_416, %mul3A_785 : i32
      %add3A_787 = arith.constant 1 : i32
      %add3A_788 = arith.addi %mul3A_786, %add3A_787 : i32
      %get3A_789 = arith.index_cast %add3A_788 : i32 to index
      %get3A_790 = arith.constant 64 : index
      %get3A_791 = tpu.vector_load %arg7[%get3A_789, %get3A_790] {strides = array<i32>} : memref<200x128xf32, #tpu.memory_space<vmem>>, vector<1x16xf32>,
      %get3A_792 = vector.shape_cast %get3A_791 : vector<1x16xf32> to vector<16xf32>
      %add3A_793 = arith.addf %get3A_784, %get3A_792 : vector<16xf32>
      %mul3A_794 = arith.constant 2 : i32
      %mul3A_795 = arith.muli %scan3A_416, %mul3A_794 : i32
      %add3A_796 = arith.constant 1 : i32
      %add3A_797 = arith.addi %mul3A_795, %add3A_796 : i32
      %swap3A_798 = arith.constant 0 : i32
      %swap3A_799 = arith.index_cast %swap3A_798 : i32 to index
      %swap3A_800 = arith.index_cast %add3A_797 : i32 to index
      %swap3A_801 = arith.constant 64 : index
      %swap3A_802 = tpu.vector_load %arg8[%swap3A_799, %swap3A_800, %swap3A_801] {strides = array<i32>} : memref<3x200x128xf32, #tpu.memory_space<vmem>>, vector<1x1x16xf32>,
      %swap3A_803 = vector.shape_cast %swap3A_802 : vector<1x1x16xf32> to vector<16xf32>
      %swap3A_804 = vector.shape_cast %add3A_793 : vector<16xf32> to vector<1x1x16xf32>
      tpu.vector_store %arg8[%swap3A_799, %swap3A_800, %swap3A_801], %swap3A_804 {strides = array<i32>} : memref<3x200x128xf32, #tpu.memory_space<vmem>>, vector<1x1x16xf32>,
      %mul3A_805 = arith.constant 2 : i32
      %mul3A_806 = arith.muli %scan3A_416, %mul3A_805 : i32
      %add3A_807 = arith.constant 1 : i32
      %add3A_808 = arith.addi %mul3A_806, %add3A_807 : i32
      %get3A_809 = arith.constant 0 : i32
      %get3A_810 = arith.index_cast %get3A_809 : i32 to index
      %get3A_811 = arith.index_cast %add3A_808 : i32 to index
      %get3A_812 = arith.constant 80 : index
      %get3A_813 = tpu.vector_load %arg8[%get3A_810, %get3A_811, %get3A_812] {strides = array<i32>} : memref<3x200x128xf32, #tpu.memory_space<vmem>>, vector<1x1x16xf32>,
      %get3A_814 = vector.shape_cast %get3A_813 : vector<1x1x16xf32> to vector<16xf32>
      %mul3A_815 = arith.constant 2 : i32
      %mul3A_816 = arith.muli %scan3A_416, %mul3A_815 : i32
      %add3A_817 = arith.constant 1 : i32
      %add3A_818 = arith.addi %mul3A_816, %add3A_817 : i32
      %get3A_819 = arith.index_cast %add3A_818 : i32 to index
      %get3A_820 = arith.constant 80 : index
      %get3A_821 = tpu.vector_load %arg7[%get3A_819, %get3A_820] {strides = array<i32>} : memref<200x128xf32, #tpu.memory_space<vmem>>, vector<1x16xf32>,
      %get3A_822 = vector.shape_cast %get3A_821 : vector<1x16xf32> to vector<16xf32>
      %add3A_823 = arith.addf %get3A_814, %get3A_822 : vector<16xf32>
      %mul3A_824 = arith.constant 2 : i32
      %mul3A_825 = arith.muli %scan3A_416, %mul3A_824 : i32
      %add3A_826 = arith.constant 1 : i32
      %add3A_827 = arith.addi %mul3A_825, %add3A_826 : i32
      %swap3A_828 = arith.constant 0 : i32
      %swap3A_829 = arith.index_cast %swap3A_828 : i32 to index
      %swap3A_830 = arith.index_cast %add3A_827 : i32 to index
      %swap3A_831 = arith.constant 80 : index
      %swap3A_832 = tpu.vector_load %arg8[%swap3A_829, %swap3A_830, %swap3A_831] {strides = array<i32>} : memref<3x200x128xf32, #tpu.memory_space<vmem>>, vector<1x1x16xf32>,
      %swap3A_833 = vector.shape_cast %swap3A_832 : vector<1x1x16xf32> to vector<16xf32>
      %swap3A_834 = vector.shape_cast %add3A_823 : vector<16xf32> to vector<1x1x16xf32>
      tpu.vector_store %arg8[%swap3A_829, %swap3A_830, %swap3A_831], %swap3A_834 {strides = array<i32>} : memref<3x200x128xf32, #tpu.memory_space<vmem>>, vector<1x1x16xf32>,
      %mul3A_835 = arith.constant 2 : i32
      %mul3A_836 = arith.muli %scan3A_416, %mul3A_835 : i32
      %add3A_837 = arith.constant 1 : i32
      %add3A_838 = arith.addi %mul3A_836, %add3A_837 : i32
      %get3A_839 = arith.constant 0 : i32
      %get3A_840 = arith.index_cast %get3A_839 : i32 to index
      %get3A_841 = arith.index_cast %add3A_838 : i32 to index
      %get3A_842 = arith.constant 96 : index
      %get3A_843 = tpu.vector_load %arg8[%get3A_840, %get3A_841, %get3A_842] {strides = array<i32>} : memref<3x200x128xf32, #tpu.memory_space<vmem>>, vector<1x1x16xf32>,
      %get3A_844 = vector.shape_cast %get3A_843 : vector<1x1x16xf32> to vector<16xf32>
      %mul3A_845 = arith.constant 2 : i32
      %mul3A_846 = arith.muli %scan3A_416, %mul3A_845 : i32
      %add3A_847 = arith.constant 1 : i32
      %add3A_848 = arith.addi %mul3A_846, %add3A_847 : i32
      %get3A_849 = arith.index_cast %add3A_848 : i32 to index
      %get3A_850 = arith.constant 96 : index
      %get3A_851 = tpu.vector_load %arg7[%get3A_849, %get3A_850] {strides = array<i32>} : memref<200x128xf32, #tpu.memory_space<vmem>>, vector<1x16xf32>,
      %get3A_852 = vector.shape_cast %get3A_851 : vector<1x16xf32> to vector<16xf32>
      %add3A_853 = arith.addf %get3A_844, %get3A_852 : vector<16xf32>
      %mul3A_854 = arith.constant 2 : i32
      %mul3A_855 = arith.muli %scan3A_416, %mul3A_854 : i32
      %add3A_856 = arith.constant 1 : i32
      %add3A_857 = arith.addi %mul3A_855, %add3A_856 : i32
      %swap3A_858 = arith.constant 0 : i32
      %swap3A_859 = arith.index_cast %swap3A_858 : i32 to index
      %swap3A_860 = arith.index_cast %add3A_857 : i32 to index
      %swap3A_861 = arith.constant 96 : index
      %swap3A_862 = tpu.vector_load %arg8[%swap3A_859, %swap3A_860, %swap3A_861] {strides = array<i32>} : memref<3x200x128xf32, #tpu.memory_space<vmem>>, vector<1x1x16xf32>,
      %swap3A_863 = vector.shape_cast %swap3A_862 : vector<1x1x16xf32> to vector<16xf32>
      %swap3A_864 = vector.shape_cast %add3A_853 : vector<16xf32> to vector<1x1x16xf32>
      tpu.vector_store %arg8[%swap3A_859, %swap3A_860, %swap3A_861], %swap3A_864 {strides = array<i32>} : memref<3x200x128xf32, #tpu.memory_space<vmem>>, vector<1x1x16xf32>,
      %mul3A_865 = arith.constant 2 : i32
      %mul3A_866 = arith.muli %scan3A_416, %mul3A_865 : i32
      %add3A_867 = arith.constant 1 : i32
      %add3A_868 = arith.addi %mul3A_866, %add3A_867 : i32
      %get3A_869 = arith.constant 0 : i32
      %get3A_870 = arith.index_cast %get3A_869 : i32 to index
      %get3A_871 = arith.index_cast %add3A_868 : i32 to index
      %get3A_872 = arith.constant 112 : index
      %get3A_873 = tpu.vector_load %arg8[%get3A_870, %get3A_871, %get3A_872] {strides = array<i32>} : memref<3x200x128xf32, #tpu.memory_space<vmem>>, vector<1x1x16xf32>,
      %get3A_874 = vector.shape_cast %get3A_873 : vector<1x1x16xf32> to vector<16xf32>
      %mul3A_875 = arith.constant 2 : i32
      %mul3A_876 = arith.muli %scan3A_416, %mul3A_875 : i32
      %add3A_877 = arith.constant 1 : i32
      %add3A_878 = arith.addi %mul3A_876, %add3A_877 : i32
      %get3A_879 = arith.index_cast %add3A_878 : i32 to index
      %get3A_880 = arith.constant 112 : index
      %get3A_881 = tpu.vector_load %arg7[%get3A_879, %get3A_880] {strides = array<i32>} : memref<200x128xf32, #tpu.memory_space<vmem>>, vector<1x16xf32>,
      %get3A_882 = vector.shape_cast %get3A_881 : vector<1x16xf32> to vector<16xf32>
      %add3A_883 = arith.addf %get3A_874, %get3A_882 : vector<16xf32>
      %mul3A_884 = arith.constant 2 : i32
      %mul3A_885 = arith.muli %scan3A_416, %mul3A_884 : i32
      %add3A_886 = arith.constant 1 : i32
      %add3A_887 = arith.addi %mul3A_885, %add3A_886 : i32
      %swap3A_888 = arith.constant 0 : i32
      %swap3A_889 = arith.index_cast %swap3A_888 : i32 to index
      %swap3A_890 = arith.index_cast %add3A_887 : i32 to index
      %swap3A_891 = arith.constant 112 : index
      %swap3A_892 = tpu.vector_load %arg8[%swap3A_889, %swap3A_890, %swap3A_891] {strides = array<i32>} : memref<3x200x128xf32, #tpu.memory_space<vmem>>, vector<1x1x16xf32>,
      %swap3A_893 = vector.shape_cast %swap3A_892 : vector<1x1x16xf32> to vector<16xf32>
      %swap3A_894 = vector.shape_cast %add3A_883 : vector<16xf32> to vector<1x1x16xf32>
      tpu.vector_store %arg8[%swap3A_889, %swap3A_890, %swap3A_891], %swap3A_894 {strides = array<i32>} : memref<3x200x128xf32, #tpu.memory_space<vmem>>, vector<1x1x16xf32>,
    }
    %scan3A_302 = arith.constant 100 : i32
    %add3A_303 = arith.constant 30 : i32
    %add3A_304 = arith.addi %mul3A_2, %add3A_303 : i32
    %dma_start3A_305 = arith.constant 0 : i32
    %dma_start3A_306 = arith.constant 0 : i32
    %dma_start3A_307 = arith.constant 0 : i32
    %dma_start3A_308 = tpu.memref_slice %arg8[%dma_start3A_305, %dma_start3A_306, %dma_start3A_307] : memref<3x200x128xf32, #tpu.memory_space<vmem>> -> memref<1x200x128xf32, #tpu.memory_space<vmem>>
    %dma_start3A_309 = tpu.memref_squeeze %dma_start3A_308 : memref<1x200x128xf32, #tpu.memory_space<vmem>> -> memref<200x128xf32, #tpu.memory_space<vmem>>
    %dma_start3A_310 = arith.constant 0 : i32
    %dma_start3A_311 = arith.constant 0 : i32
    %dma_start3A_312 = tpu.memref_slice %arg5[%add3A_304, %dma_start3A_310, %dma_start3A_311] : memref<1024x200x128xf32, #tpu.memory_space<hbm>> -> memref<1x200x128xf32, #tpu.memory_space<hbm>>
    %dma_start3A_313 = tpu.memref_squeeze %dma_start3A_312 : memref<1x200x128xf32, #tpu.memory_space<hbm>> -> memref<200x128xf32, #tpu.memory_space<hbm>>
    %dma_start3A_314 = arith.constant 0 : i32
    %dma_start3A_315 = arith.constant 0 : i32
    %dma_start3A_316 = tpu.memref_slice %arg5[%add3A_304, %dma_start3A_314, %dma_start3A_315] : memref<1024x200x128xf32, #tpu.memory_space<hbm>> -> memref<1x200x128xf32, #tpu.memory_space<hbm>>
    %dma_start3A_317 = tpu.memref_squeeze %dma_start3A_316 : memref<1x200x128xf32, #tpu.memory_space<hbm>> -> memref<200x128xf32, #tpu.memory_space<hbm>>
    %dma_start3A_318 = arith.constant 0 : i32
    %dma_start3A_319 = arith.constant 0 : i32
    %dma_start3A_320 = tpu.memref_slice %arg8[%dma_start3A_305, %dma_start3A_318, %dma_start3A_319] : memref<3x200x128xf32, #tpu.memory_space<vmem>> -> memref<1x200x128xf32, #tpu.memory_space<vmem>>
    %dma_start3A_321 = tpu.memref_squeeze %dma_start3A_320 : memref<1x200x128xf32, #tpu.memory_space<vmem>> -> memref<200x128xf32, #tpu.memory_space<vmem>>
    tpu.enqueue_dma source(%dma_start3A_321 : memref<200x128xf32, #tpu.memory_space<vmem>>) target(%dma_start3A_317 : memref<200x128xf32, #tpu.memory_space<hbm>>) target_semaphore(%arg12 : memref<!tpu.dma_semaphore, #tpu.memory_space<semaphore_mem>>)
    %dma_wait3A_322 = arith.constant 2 : i32
    %dma_wait3A_323 = arith.constant 0 : i32
    %dma_wait3A_324 = arith.constant 0 : i32
    %dma_wait3A_325 = arith.constant 0 : i32
    %dma_wait3A_326 = tpu.memref_slice %arg8[%dma_wait3A_322, %dma_wait3A_324, %dma_wait3A_325] : memref<3x200x128xf32, #tpu.memory_space<vmem>> -> memref<1x200x128xf32, #tpu.memory_space<vmem>>
    %dma_wait3A_327 = tpu.memref_squeeze %dma_wait3A_326 : memref<1x200x128xf32, #tpu.memory_space<vmem>> -> memref<200x128xf32, #tpu.memory_space<vmem>>
    %dma_wait3A_328 = arith.constant 0 : i32
    %dma_wait3A_329 = arith.constant 0 : i32
    %dma_wait3A_330 = tpu.memref_slice %arg5[%dma_wait3A_323, %dma_wait3A_328, %dma_wait3A_329] : memref<1024x200x128xf32, #tpu.memory_space<hbm>> -> memref<1x200x128xf32, #tpu.memory_space<hbm>>
    %dma_wait3A_331 = tpu.memref_squeeze %dma_wait3A_330 : memref<1x200x128xf32, #tpu.memory_space<hbm>> -> memref<200x128xf32, #tpu.memory_space<hbm>>
    %dma_wait3A_332 = arith.constant 0 : i32
    %dma_wait3A_333 = arith.constant 0 : i32
    %dma_wait3A_334 = tpu.memref_slice %arg5[%dma_wait3A_323, %dma_wait3A_332, %dma_wait3A_333] : memref<1024x200x128xf32, #tpu.memory_space<hbm>> -> memref<1x200x128xf32, #tpu.memory_space<hbm>>
    %dma_wait3A_335 = tpu.memref_squeeze %dma_wait3A_334 : memref<1x200x128xf32, #tpu.memory_space<hbm>> -> memref<200x128xf32, #tpu.memory_space<hbm>>
    %dma_wait3A_336 = arith.constant 0 : i32
    %dma_wait3A_337 = arith.constant 0 : i32
    %dma_wait3A_338 = tpu.memref_slice %arg8[%dma_wait3A_322, %dma_wait3A_336, %dma_wait3A_337] : memref<3x200x128xf32, #tpu.memory_space<vmem>> -> memref<1x200x128xf32, #tpu.memory_space<vmem>>
    %dma_wait3A_339 = tpu.memref_squeeze %dma_wait3A_338 : memref<1x200x128xf32, #tpu.memory_space<vmem>> -> memref<200x128xf32, #tpu.memory_space<vmem>>
    tpu.wait_dma2 semaphore(%arg14 : memref<!tpu.dma_semaphore, #tpu.memory_space<semaphore_mem>>) src(%dma_wait3A_339 : memref<200x128xf32, #tpu.memory_space<vmem>>) dst(%dma_wait3A_335 : memref<200x128xf32, #tpu.memory_space<hbm>>)
    %dma_wait3A_340 = arith.constant 1 : i32
    %dma_wait3A_341 = arith.constant 0 : i32
    %dma_wait3A_342 = arith.constant 0 : i32
    %dma_wait3A_343 = tpu.memref_slice %arg8[%dma_wait3A_340, %dma_wait3A_341, %dma_wait3A_342] : memref<3x200x128xf32, #tpu.memory_space<vmem>> -> memref<1x200x128xf32, #tpu.memory_space<vmem>>
    %dma_wait3A_344 = tpu.memref_squeeze %dma_wait3A_343 : memref<1x200x128xf32, #tpu.memory_space<vmem>> -> memref<200x128xf32, #tpu.memory_space<vmem>>
    %dma_wait3A_345 = arith.constant 0 : i32
    %dma_wait3A_346 = arith.constant 0 : i32
    %dma_wait3A_347 = tpu.memref_slice %arg3[%dma_wait3A_345, %dma_wait3A_346] : memref<100000x128xf32, #tpu.memory_space<hbm>> -> memref<200x128xf32, #tpu.memory_space<hbm>>
    %dma_wait3A_348 = arith.constant 0 : i32
    %dma_wait3A_349 = arith.constant 0 : i32
    %dma_wait3A_350 = tpu.memref_slice %arg8[%dma_wait3A_340, %dma_wait3A_348, %dma_wait3A_349] : memref<3x200x128xf32, #tpu.memory_space<vmem>> -> memref<1x200x128xf32, #tpu.memory_space<vmem>>
    %dma_wait3A_351 = tpu.memref_squeeze %dma_wait3A_350 : memref<1x200x128xf32, #tpu.memory_space<vmem>> -> memref<200x128xf32, #tpu.memory_space<vmem>>
    %dma_wait3A_352 = arith.constant 0 : i32
    %dma_wait3A_353 = arith.constant 0 : i32
    %dma_wait3A_354 = tpu.memref_slice %arg3[%dma_wait3A_352, %dma_wait3A_353] : memref<100000x128xf32, #tpu.memory_space<hbm>> -> memref<200x128xf32, #tpu.memory_space<hbm>>
    tpu.wait_dma2 semaphore(%arg10 : memref<!tpu.dma_semaphore, #tpu.memory_space<semaphore_mem>>) src(%dma_wait3A_354 : memref<200x128xf32, #tpu.memory_space<hbm>>) dst(%dma_wait3A_351 : memref<200x128xf32, #tpu.memory_space<vmem>>)
    %scan3A_355 = arith.constant 0 : i32
    %scan3A_356 = arith.constant 0 : i32
    %scan3A_357 = arith.constant 100 : i32
    %scan3A_358 = arith.addi %scan3A_356, %scan3A_357 : i32
    %scan3A_359 = arith.constant 1 : i32
    scf.for %scan3A_416 = %scan3A_356 to %scan3A_358 step %scan3A_359  : i32 {
      %mul3A_417 = arith.constant 2 : i32
      %mul3A_418 = arith.muli %scan3A_416, %mul3A_417 : i32
      %add3A_419 = arith.constant 0 : i32
      %add3A_420 = arith.addi %mul3A_418, %add3A_419 : i32
      %get3A = arith.constant 1 : i32
      %get3A_421 = arith.index_cast %get3A : i32 to index
      %get3A_422 = arith.index_cast %add3A_420 : i32 to index
      %get3A_423 = arith.constant 0 : index
      %get3A_424 = tpu.vector_load %arg8[%get3A_421, %get3A_422, %get3A_423] {strides = array<i32>} : memref<3x200x128xf32, #tpu.memory_space<vmem>>, vector<1x1x16xf32>,
      %get3A_425 = vector.shape_cast %get3A_424 : vector<1x1x16xf32> to vector<16xf32>
      %mul3A_426 = arith.constant 2 : i32
      %mul3A_427 = arith.muli %scan3A_416, %mul3A_426 : i32
      %add3A_428 = arith.constant 0 : i32
      %add3A_429 = arith.addi %mul3A_427, %add3A_428 : i32
      %get3A_430 = arith.index_cast %add3A_429 : i32 to index
      %get3A_431 = arith.constant 0 : index
      %get3A_432 = tpu.vector_load %arg7[%get3A_430, %get3A_431] {strides = array<i32>} : memref<200x128xf32, #tpu.memory_space<vmem>>, vector<1x16xf32>,
      %get3A_433 = vector.shape_cast %get3A_432 : vector<1x16xf32> to vector<16xf32>
      %add3A_434 = arith.addf %get3A_425, %get3A_433 : vector<16xf32>
      %mul3A_435 = arith.constant 2 : i32
      %mul3A_436 = arith.muli %scan3A_416, %mul3A_435 : i32
      %add3A_437 = arith.constant 0 : i32
      %add3A_438 = arith.addi %mul3A_436, %add3A_437 : i32
      %swap3A = arith.constant 1 : i32
      %swap3A_439 = arith.index_cast %swap3A : i32 to index
      %swap3A_440 = arith.index_cast %add3A_438 : i32 to index
      %swap3A_441 = arith.constant 0 : index
      %swap3A_442 = tpu.vector_load %arg8[%swap3A_439, %swap3A_440, %swap3A_441] {strides = array<i32>} : memref<3x200x128xf32, #tpu.memory_space<vmem>>, vector<1x1x16xf32>,
      %swap3A_443 = vector.shape_cast %swap3A_442 : vector<1x1x16xf32> to vector<16xf32>
      %swap3A_444 = vector.shape_cast %add3A_434 : vector<16xf32> to vector<1x1x16xf32>
      tpu.vector_store %arg8[%swap3A_439, %swap3A_440, %swap3A_441], %swap3A_444 {strides = array<i32>} : memref<3x200x128xf32, #tpu.memory_space<vmem>>, vector<1x1x16xf32>,
      %mul3A_445 = arith.constant 2 : i32
      %mul3A_446 = arith.muli %scan3A_416, %mul3A_445 : i32
      %add3A_447 = arith.constant 0 : i32
      %add3A_448 = arith.addi %mul3A_446, %add3A_447 : i32
      %get3A_449 = arith.constant 1 : i32
      %get3A_450 = arith.index_cast %get3A_449 : i32 to index
      %get3A_451 = arith.index_cast %add3A_448 : i32 to index
      %get3A_452 = arith.constant 16 : index
      %get3A_453 = tpu.vector_load %arg8[%get3A_450, %get3A_451, %get3A_452] {strides = array<i32>} : memref<3x200x128xf32, #tpu.memory_space<vmem>>, vector<1x1x16xf32>,
      %get3A_454 = vector.shape_cast %get3A_453 : vector<1x1x16xf32> to vector<16xf32>
      %mul3A_455 = arith.constant 2 : i32
      %mul3A_456 = arith.muli %scan3A_416, %mul3A_455 : i32
      %add3A_457 = arith.constant 0 : i32
      %add3A_458 = arith.addi %mul3A_456, %add3A_457 : i32
      %get3A_459 = arith.index_cast %add3A_458 : i32 to index
      %get3A_460 = arith.constant 16 : index
      %get3A_461 = tpu.vector_load %arg7[%get3A_459, %get3A_460] {strides = array<i32>} : memref<200x128xf32, #tpu.memory_space<vmem>>, vector<1x16xf32>,
      %get3A_462 = vector.shape_cast %get3A_461 : vector<1x16xf32> to vector<16xf32>
      %add3A_463 = arith.addf %get3A_454, %get3A_462 : vector<16xf32>
      %mul3A_464 = arith.constant 2 : i32
      %mul3A_465 = arith.muli %scan3A_416, %mul3A_464 : i32
      %add3A_466 = arith.constant 0 : i32
      %add3A_467 = arith.addi %mul3A_465, %add3A_466 : i32
      %swap3A_468 = arith.constant 1 : i32
      %swap3A_469 = arith.index_cast %swap3A_468 : i32 to index
      %swap3A_470 = arith.index_cast %add3A_467 : i32 to index
      %swap3A_471 = arith.constant 16 : index
      %swap3A_472 = tpu.vector_load %arg8[%swap3A_469, %swap3A_470, %swap3A_471] {strides = array<i32>} : memref<3x200x128xf32, #tpu.memory_space<vmem>>, vector<1x1x16xf32>,
      %swap3A_473 = vector.shape_cast %swap3A_472 : vector<1x1x16xf32> to vector<16xf32>
      %swap3A_474 = vector.shape_cast %add3A_463 : vector<16xf32> to vector<1x1x16xf32>
      tpu.vector_store %arg8[%swap3A_469, %swap3A_470, %swap3A_471], %swap3A_474 {strides = array<i32>} : memref<3x200x128xf32, #tpu.memory_space<vmem>>, vector<1x1x16xf32>,
      %mul3A_475 = arith.constant 2 : i32
      %mul3A_476 = arith.muli %scan3A_416, %mul3A_475 : i32
      %add3A_477 = arith.constant 0 : i32
      %add3A_478 = arith.addi %mul3A_476, %add3A_477 : i32
      %get3A_479 = arith.constant 1 : i32
      %get3A_480 = arith.index_cast %get3A_479 : i32 to index
      %get3A_481 = arith.index_cast %add3A_478 : i32 to index
      %get3A_482 = arith.constant 32 : index
      %get3A_483 = tpu.vector_load %arg8[%get3A_480, %get3A_481, %get3A_482] {strides = array<i32>} : memref<3x200x128xf32, #tpu.memory_space<vmem>>, vector<1x1x16xf32>,
      %get3A_484 = vector.shape_cast %get3A_483 : vector<1x1x16xf32> to vector<16xf32>
      %mul3A_485 = arith.constant 2 : i32
      %mul3A_486 = arith.muli %scan3A_416, %mul3A_485 : i32
      %add3A_487 = arith.constant 0 : i32
      %add3A_488 = arith.addi %mul3A_486, %add3A_487 : i32
      %get3A_489 = arith.index_cast %add3A_488 : i32 to index
      %get3A_490 = arith.constant 32 : index
      %get3A_491 = tpu.vector_load %arg7[%get3A_489, %get3A_490] {strides = array<i32>} : memref<200x128xf32, #tpu.memory_space<vmem>>, vector<1x16xf32>,
      %get3A_492 = vector.shape_cast %get3A_491 : vector<1x16xf32> to vector<16xf32>
      %add3A_493 = arith.addf %get3A_484, %get3A_492 : vector<16xf32>
      %mul3A_494 = arith.constant 2 : i32
      %mul3A_495 = arith.muli %scan3A_416, %mul3A_494 : i32
      %add3A_496 = arith.constant 0 : i32
      %add3A_497 = arith.addi %mul3A_495, %add3A_496 : i32
      %swap3A_498 = arith.constant 1 : i32
      %swap3A_499 = arith.index_cast %swap3A_498 : i32 to index
      %swap3A_500 = arith.index_cast %add3A_497 : i32 to index
      %swap3A_501 = arith.constant 32 : index
      %swap3A_502 = tpu.vector_load %arg8[%swap3A_499, %swap3A_500, %swap3A_501] {strides = array<i32>} : memref<3x200x128xf32, #tpu.memory_space<vmem>>, vector<1x1x16xf32>,
      %swap3A_503 = vector.shape_cast %swap3A_502 : vector<1x1x16xf32> to vector<16xf32>
      %swap3A_504 = vector.shape_cast %add3A_493 : vector<16xf32> to vector<1x1x16xf32>
      tpu.vector_store %arg8[%swap3A_499, %swap3A_500, %swap3A_501], %swap3A_504 {strides = array<i32>} : memref<3x200x128xf32, #tpu.memory_space<vmem>>, vector<1x1x16xf32>,
      %mul3A_505 = arith.constant 2 : i32
      %mul3A_506 = arith.muli %scan3A_416, %mul3A_505 : i32
      %add3A_507 = arith.constant 0 : i32
      %add3A_508 = arith.addi %mul3A_506, %add3A_507 : i32
      %get3A_509 = arith.constant 1 : i32
      %get3A_510 = arith.index_cast %get3A_509 : i32 to index
      %get3A_511 = arith.index_cast %add3A_508 : i32 to index
      %get3A_512 = arith.constant 48 : index
      %get3A_513 = tpu.vector_load %arg8[%get3A_510, %get3A_511, %get3A_512] {strides = array<i32>} : memref<3x200x128xf32, #tpu.memory_space<vmem>>, vector<1x1x16xf32>,
      %get3A_514 = vector.shape_cast %get3A_513 : vector<1x1x16xf32> to vector<16xf32>
      %mul3A_515 = arith.constant 2 : i32
      %mul3A_516 = arith.muli %scan3A_416, %mul3A_515 : i32
      %add3A_517 = arith.constant 0 : i32
      %add3A_518 = arith.addi %mul3A_516, %add3A_517 : i32
      %get3A_519 = arith.index_cast %add3A_518 : i32 to index
      %get3A_520 = arith.constant 48 : index
      %get3A_521 = tpu.vector_load %arg7[%get3A_519, %get3A_520] {strides = array<i32>} : memref<200x128xf32, #tpu.memory_space<vmem>>, vector<1x16xf32>,
      %get3A_522 = vector.shape_cast %get3A_521 : vector<1x16xf32> to vector<16xf32>
      %add3A_523 = arith.addf %get3A_514, %get3A_522 : vector<16xf32>
      %mul3A_524 = arith.constant 2 : i32
      %mul3A_525 = arith.muli %scan3A_416, %mul3A_524 : i32
      %add3A_526 = arith.constant 0 : i32
      %add3A_527 = arith.addi %mul3A_525, %add3A_526 : i32
      %swap3A_528 = arith.constant 1 : i32
      %swap3A_529 = arith.index_cast %swap3A_528 : i32 to index
      %swap3A_530 = arith.index_cast %add3A_527 : i32 to index
      %swap3A_531 = arith.constant 48 : index
      %swap3A_532 = tpu.vector_load %arg8[%swap3A_529, %swap3A_530, %swap3A_531] {strides = array<i32>} : memref<3x200x128xf32, #tpu.memory_space<vmem>>, vector<1x1x16xf32>,
      %swap3A_533 = vector.shape_cast %swap3A_532 : vector<1x1x16xf32> to vector<16xf32>
      %swap3A_534 = vector.shape_cast %add3A_523 : vector<16xf32> to vector<1x1x16xf32>
      tpu.vector_store %arg8[%swap3A_529, %swap3A_530, %swap3A_531], %swap3A_534 {strides = array<i32>} : memref<3x200x128xf32, #tpu.memory_space<vmem>>, vector<1x1x16xf32>,
      %mul3A_535 = arith.constant 2 : i32
      %mul3A_536 = arith.muli %scan3A_416, %mul3A_535 : i32
      %add3A_537 = arith.constant 0 : i32
      %add3A_538 = arith.addi %mul3A_536, %add3A_537 : i32
      %get3A_539 = arith.constant 1 : i32
      %get3A_540 = arith.index_cast %get3A_539 : i32 to index
      %get3A_541 = arith.index_cast %add3A_538 : i32 to index
      %get3A_542 = arith.constant 64 : index
      %get3A_543 = tpu.vector_load %arg8[%get3A_540, %get3A_541, %get3A_542] {strides = array<i32>} : memref<3x200x128xf32, #tpu.memory_space<vmem>>, vector<1x1x16xf32>,
      %get3A_544 = vector.shape_cast %get3A_543 : vector<1x1x16xf32> to vector<16xf32>
      %mul3A_545 = arith.constant 2 : i32
      %mul3A_546 = arith.muli %scan3A_416, %mul3A_545 : i32
      %add3A_547 = arith.constant 0 : i32
      %add3A_548 = arith.addi %mul3A_546, %add3A_547 : i32
      %get3A_549 = arith.index_cast %add3A_548 : i32 to index
      %get3A_550 = arith.constant 64 : index
      %get3A_551 = tpu.vector_load %arg7[%get3A_549, %get3A_550] {strides = array<i32>} : memref<200x128xf32, #tpu.memory_space<vmem>>, vector<1x16xf32>,
      %get3A_552 = vector.shape_cast %get3A_551 : vector<1x16xf32> to vector<16xf32>
      %add3A_553 = arith.addf %get3A_544, %get3A_552 : vector<16xf32>
      %mul3A_554 = arith.constant 2 : i32
      %mul3A_555 = arith.muli %scan3A_416, %mul3A_554 : i32
      %add3A_556 = arith.constant 0 : i32
      %add3A_557 = arith.addi %mul3A_555, %add3A_556 : i32
      %swap3A_558 = arith.constant 1 : i32
      %swap3A_559 = arith.index_cast %swap3A_558 : i32 to index
      %swap3A_560 = arith.index_cast %add3A_557 : i32 to index
      %swap3A_561 = arith.constant 64 : index
      %swap3A_562 = tpu.vector_load %arg8[%swap3A_559, %swap3A_560, %swap3A_561] {strides = array<i32>} : memref<3x200x128xf32, #tpu.memory_space<vmem>>, vector<1x1x16xf32>,
      %swap3A_563 = vector.shape_cast %swap3A_562 : vector<1x1x16xf32> to vector<16xf32>
      %swap3A_564 = vector.shape_cast %add3A_553 : vector<16xf32> to vector<1x1x16xf32>
      tpu.vector_store %arg8[%swap3A_559, %swap3A_560, %swap3A_561], %swap3A_564 {strides = array<i32>} : memref<3x200x128xf32, #tpu.memory_space<vmem>>, vector<1x1x16xf32>,
      %mul3A_565 = arith.constant 2 : i32
      %mul3A_566 = arith.muli %scan3A_416, %mul3A_565 : i32
      %add3A_567 = arith.constant 0 : i32
      %add3A_568 = arith.addi %mul3A_566, %add3A_567 : i32
      %get3A_569 = arith.constant 1 : i32
      %get3A_570 = arith.index_cast %get3A_569 : i32 to index
      %get3A_571 = arith.index_cast %add3A_568 : i32 to index
      %get3A_572 = arith.constant 80 : index
      %get3A_573 = tpu.vector_load %arg8[%get3A_570, %get3A_571, %get3A_572] {strides = array<i32>} : memref<3x200x128xf32, #tpu.memory_space<vmem>>, vector<1x1x16xf32>,
      %get3A_574 = vector.shape_cast %get3A_573 : vector<1x1x16xf32> to vector<16xf32>
      %mul3A_575 = arith.constant 2 : i32
      %mul3A_576 = arith.muli %scan3A_416, %mul3A_575 : i32
      %add3A_577 = arith.constant 0 : i32
      %add3A_578 = arith.addi %mul3A_576, %add3A_577 : i32
      %get3A_579 = arith.index_cast %add3A_578 : i32 to index
      %get3A_580 = arith.constant 80 : index
      %get3A_581 = tpu.vector_load %arg7[%get3A_579, %get3A_580] {strides = array<i32>} : memref<200x128xf32, #tpu.memory_space<vmem>>, vector<1x16xf32>,
      %get3A_582 = vector.shape_cast %get3A_581 : vector<1x16xf32> to vector<16xf32>
      %add3A_583 = arith.addf %get3A_574, %get3A_582 : vector<16xf32>
      %mul3A_584 = arith.constant 2 : i32
      %mul3A_585 = arith.muli %scan3A_416, %mul3A_584 : i32
      %add3A_586 = arith.constant 0 : i32
      %add3A_587 = arith.addi %mul3A_585, %add3A_586 : i32
      %swap3A_588 = arith.constant 1 : i32
      %swap3A_589 = arith.index_cast %swap3A_588 : i32 to index
      %swap3A_590 = arith.index_cast %add3A_587 : i32 to index
      %swap3A_591 = arith.constant 80 : index
      %swap3A_592 = tpu.vector_load %arg8[%swap3A_589, %swap3A_590, %swap3A_591] {strides = array<i32>} : memref<3x200x128xf32, #tpu.memory_space<vmem>>, vector<1x1x16xf32>,
      %swap3A_593 = vector.shape_cast %swap3A_592 : vector<1x1x16xf32> to vector<16xf32>
      %swap3A_594 = vector.shape_cast %add3A_583 : vector<16xf32> to vector<1x1x16xf32>
      tpu.vector_store %arg8[%swap3A_589, %swap3A_590, %swap3A_591], %swap3A_594 {strides = array<i32>} : memref<3x200x128xf32, #tpu.memory_space<vmem>>, vector<1x1x16xf32>,
      %mul3A_595 = arith.constant 2 : i32
      %mul3A_596 = arith.muli %scan3A_416, %mul3A_595 : i32
      %add3A_597 = arith.constant 0 : i32
      %add3A_598 = arith.addi %mul3A_596, %add3A_597 : i32
      %get3A_599 = arith.constant 1 : i32
      %get3A_600 = arith.index_cast %get3A_599 : i32 to index
      %get3A_601 = arith.index_cast %add3A_598 : i32 to index
      %get3A_602 = arith.constant 96 : index
      %get3A_603 = tpu.vector_load %arg8[%get3A_600, %get3A_601, %get3A_602] {strides = array<i32>} : memref<3x200x128xf32, #tpu.memory_space<vmem>>, vector<1x1x16xf32>,
      %get3A_604 = vector.shape_cast %get3A_603 : vector<1x1x16xf32> to vector<16xf32>
      %mul3A_605 = arith.constant 2 : i32
      %mul3A_606 = arith.muli %scan3A_416, %mul3A_605 : i32
      %add3A_607 = arith.constant 0 : i32
      %add3A_608 = arith.addi %mul3A_606, %add3A_607 : i32
      %get3A_609 = arith.index_cast %add3A_608 : i32 to index
      %get3A_610 = arith.constant 96 : index
      %get3A_611 = tpu.vector_load %arg7[%get3A_609, %get3A_610] {strides = array<i32>} : memref<200x128xf32, #tpu.memory_space<vmem>>, vector<1x16xf32>,
      %get3A_612 = vector.shape_cast %get3A_611 : vector<1x16xf32> to vector<16xf32>
      %add3A_613 = arith.addf %get3A_604, %get3A_612 : vector<16xf32>
      %mul3A_614 = arith.constant 2 : i32
      %mul3A_615 = arith.muli %scan3A_416, %mul3A_614 : i32
      %add3A_616 = arith.constant 0 : i32
      %add3A_617 = arith.addi %mul3A_615, %add3A_616 : i32
      %swap3A_618 = arith.constant 1 : i32
      %swap3A_619 = arith.index_cast %swap3A_618 : i32 to index
      %swap3A_620 = arith.index_cast %add3A_617 : i32 to index
      %swap3A_621 = arith.constant 96 : index
      %swap3A_622 = tpu.vector_load %arg8[%swap3A_619, %swap3A_620, %swap3A_621] {strides = array<i32>} : memref<3x200x128xf32, #tpu.memory_space<vmem>>, vector<1x1x16xf32>,
      %swap3A_623 = vector.shape_cast %swap3A_622 : vector<1x1x16xf32> to vector<16xf32>
      %swap3A_624 = vector.shape_cast %add3A_613 : vector<16xf32> to vector<1x1x16xf32>
      tpu.vector_store %arg8[%swap3A_619, %swap3A_620, %swap3A_621], %swap3A_624 {strides = array<i32>} : memref<3x200x128xf32, #tpu.memory_space<vmem>>, vector<1x1x16xf32>,
      %mul3A_625 = arith.constant 2 : i32
      %mul3A_626 = arith.muli %scan3A_416, %mul3A_625 : i32
      %add3A_627 = arith.constant 0 : i32
      %add3A_628 = arith.addi %mul3A_626, %add3A_627 : i32
      %get3A_629 = arith.constant 1 : i32
      %get3A_630 = arith.index_cast %get3A_629 : i32 to index
      %get3A_631 = arith.index_cast %add3A_628 : i32 to index
      %get3A_632 = arith.constant 112 : index
      %get3A_633 = tpu.vector_load %arg8[%get3A_630, %get3A_631, %get3A_632] {strides = array<i32>} : memref<3x200x128xf32, #tpu.memory_space<vmem>>, vector<1x1x16xf32>,
      %get3A_634 = vector.shape_cast %get3A_633 : vector<1x1x16xf32> to vector<16xf32>
      %mul3A_635 = arith.constant 2 : i32
      %mul3A_636 = arith.muli %scan3A_416, %mul3A_635 : i32
      %add3A_637 = arith.constant 0 : i32
      %add3A_638 = arith.addi %mul3A_636, %add3A_637 : i32
      %get3A_639 = arith.index_cast %add3A_638 : i32 to index
      %get3A_640 = arith.constant 112 : index
      %get3A_641 = tpu.vector_load %arg7[%get3A_639, %get3A_640] {strides = array<i32>} : memref<200x128xf32, #tpu.memory_space<vmem>>, vector<1x16xf32>,
      %get3A_642 = vector.shape_cast %get3A_641 : vector<1x16xf32> to vector<16xf32>
      %add3A_643 = arith.addf %get3A_634, %get3A_642 : vector<16xf32>
      %mul3A_644 = arith.constant 2 : i32
      %mul3A_645 = arith.muli %scan3A_416, %mul3A_644 : i32
      %add3A_646 = arith.constant 0 : i32
      %add3A_647 = arith.addi %mul3A_645, %add3A_646 : i32
      %swap3A_648 = arith.constant 1 : i32
      %swap3A_649 = arith.index_cast %swap3A_648 : i32 to index
      %swap3A_650 = arith.index_cast %add3A_647 : i32 to index
      %swap3A_651 = arith.constant 112 : index
      %swap3A_652 = tpu.vector_load %arg8[%swap3A_649, %swap3A_650, %swap3A_651] {strides = array<i32>} : memref<3x200x128xf32, #tpu.memory_space<vmem>>, vector<1x1x16xf32>,
      %swap3A_653 = vector.shape_cast %swap3A_652 : vector<1x1x16xf32> to vector<16xf32>
      %swap3A_654 = vector.shape_cast %add3A_643 : vector<16xf32> to vector<1x1x16xf32>
      tpu.vector_store %arg8[%swap3A_649, %swap3A_650, %swap3A_651], %swap3A_654 {strides = array<i32>} : memref<3x200x128xf32, #tpu.memory_space<vmem>>, vector<1x1x16xf32>,
      %mul3A_655 = arith.constant 2 : i32
      %mul3A_656 = arith.muli %scan3A_416, %mul3A_655 : i32
      %add3A_657 = arith.constant 1 : i32
      %add3A_658 = arith.addi %mul3A_656, %add3A_657 : i32
      %get3A_659 = arith.constant 1 : i32
      %get3A_660 = arith.index_cast %get3A_659 : i32 to index
      %get3A_661 = arith.index_cast %add3A_658 : i32 to index
      %get3A_662 = arith.constant 0 : index
      %get3A_663 = tpu.vector_load %arg8[%get3A_660, %get3A_661, %get3A_662] {strides = array<i32>} : memref<3x200x128xf32, #tpu.memory_space<vmem>>, vector<1x1x16xf32>,
      %get3A_664 = vector.shape_cast %get3A_663 : vector<1x1x16xf32> to vector<16xf32>
      %mul3A_665 = arith.constant 2 : i32
      %mul3A_666 = arith.muli %scan3A_416, %mul3A_665 : i32
      %add3A_667 = arith.constant 1 : i32
      %add3A_668 = arith.addi %mul3A_666, %add3A_667 : i32
      %get3A_669 = arith.index_cast %add3A_668 : i32 to index
      %get3A_670 = arith.constant 0 : index
      %get3A_671 = tpu.vector_load %arg7[%get3A_669, %get3A_670] {strides = array<i32>} : memref<200x128xf32, #tpu.memory_space<vmem>>, vector<1x16xf32>,
      %get3A_672 = vector.shape_cast %get3A_671 : vector<1x16xf32> to vector<16xf32>
      %add3A_673 = arith.addf %get3A_664, %get3A_672 : vector<16xf32>
      %mul3A_674 = arith.constant 2 : i32
      %mul3A_675 = arith.muli %scan3A_416, %mul3A_674 : i32
      %add3A_676 = arith.constant 1 : i32
      %add3A_677 = arith.addi %mul3A_675, %add3A_676 : i32
      %swap3A_678 = arith.constant 1 : i32
      %swap3A_679 = arith.index_cast %swap3A_678 : i32 to index
      %swap3A_680 = arith.index_cast %add3A_677 : i32 to index
      %swap3A_681 = arith.constant 0 : index
      %swap3A_682 = tpu.vector_load %arg8[%swap3A_679, %swap3A_680, %swap3A_681] {strides = array<i32>} : memref<3x200x128xf32, #tpu.memory_space<vmem>>, vector<1x1x16xf32>,
      %swap3A_683 = vector.shape_cast %swap3A_682 : vector<1x1x16xf32> to vector<16xf32>
      %swap3A_684 = vector.shape_cast %add3A_673 : vector<16xf32> to vector<1x1x16xf32>
      tpu.vector_store %arg8[%swap3A_679, %swap3A_680, %swap3A_681], %swap3A_684 {strides = array<i32>} : memref<3x200x128xf32, #tpu.memory_space<vmem>>, vector<1x1x16xf32>,
      %mul3A_685 = arith.constant 2 : i32
      %mul3A_686 = arith.muli %scan3A_416, %mul3A_685 : i32
      %add3A_687 = arith.constant 1 : i32
      %add3A_688 = arith.addi %mul3A_686, %add3A_687 : i32
      %get3A_689 = arith.constant 1 : i32
      %get3A_690 = arith.index_cast %get3A_689 : i32 to index
      %get3A_691 = arith.index_cast %add3A_688 : i32 to index
      %get3A_692 = arith.constant 16 : index
      %get3A_693 = tpu.vector_load %arg8[%get3A_690, %get3A_691, %get3A_692] {strides = array<i32>} : memref<3x200x128xf32, #tpu.memory_space<vmem>>, vector<1x1x16xf32>,
      %get3A_694 = vector.shape_cast %get3A_693 : vector<1x1x16xf32> to vector<16xf32>
      %mul3A_695 = arith.constant 2 : i32
      %mul3A_696 = arith.muli %scan3A_416, %mul3A_695 : i32
      %add3A_697 = arith.constant 1 : i32
      %add3A_698 = arith.addi %mul3A_696, %add3A_697 : i32
      %get3A_699 = arith.index_cast %add3A_698 : i32 to index
      %get3A_700 = arith.constant 16 : index
      %get3A_701 = tpu.vector_load %arg7[%get3A_699, %get3A_700] {strides = array<i32>} : memref<200x128xf32, #tpu.memory_space<vmem>>, vector<1x16xf32>,
      %get3A_702 = vector.shape_cast %get3A_701 : vector<1x16xf32> to vector<16xf32>
      %add3A_703 = arith.addf %get3A_694, %get3A_702 : vector<16xf32>
      %mul3A_704 = arith.constant 2 : i32
      %mul3A_705 = arith.muli %scan3A_416, %mul3A_704 : i32
      %add3A_706 = arith.constant 1 : i32
      %add3A_707 = arith.addi %mul3A_705, %add3A_706 : i32
      %swap3A_708 = arith.constant 1 : i32
      %swap3A_709 = arith.index_cast %swap3A_708 : i32 to index
      %swap3A_710 = arith.index_cast %add3A_707 : i32 to index
      %swap3A_711 = arith.constant 16 : index
      %swap3A_712 = tpu.vector_load %arg8[%swap3A_709, %swap3A_710, %swap3A_711] {strides = array<i32>} : memref<3x200x128xf32, #tpu.memory_space<vmem>>, vector<1x1x16xf32>,
      %swap3A_713 = vector.shape_cast %swap3A_712 : vector<1x1x16xf32> to vector<16xf32>
      %swap3A_714 = vector.shape_cast %add3A_703 : vector<16xf32> to vector<1x1x16xf32>
      tpu.vector_store %arg8[%swap3A_709, %swap3A_710, %swap3A_711], %swap3A_714 {strides = array<i32>} : memref<3x200x128xf32, #tpu.memory_space<vmem>>, vector<1x1x16xf32>,
      %mul3A_715 = arith.constant 2 : i32
      %mul3A_716 = arith.muli %scan3A_416, %mul3A_715 : i32
      %add3A_717 = arith.constant 1 : i32
      %add3A_718 = arith.addi %mul3A_716, %add3A_717 : i32
      %get3A_719 = arith.constant 1 : i32
      %get3A_720 = arith.index_cast %get3A_719 : i32 to index
      %get3A_721 = arith.index_cast %add3A_718 : i32 to index
      %get3A_722 = arith.constant 32 : index
      %get3A_723 = tpu.vector_load %arg8[%get3A_720, %get3A_721, %get3A_722] {strides = array<i32>} : memref<3x200x128xf32, #tpu.memory_space<vmem>>, vector<1x1x16xf32>,
      %get3A_724 = vector.shape_cast %get3A_723 : vector<1x1x16xf32> to vector<16xf32>
      %mul3A_725 = arith.constant 2 : i32
      %mul3A_726 = arith.muli %scan3A_416, %mul3A_725 : i32
      %add3A_727 = arith.constant 1 : i32
      %add3A_728 = arith.addi %mul3A_726, %add3A_727 : i32
      %get3A_729 = arith.index_cast %add3A_728 : i32 to index
      %get3A_730 = arith.constant 32 : index
      %get3A_731 = tpu.vector_load %arg7[%get3A_729, %get3A_730] {strides = array<i32>} : memref<200x128xf32, #tpu.memory_space<vmem>>, vector<1x16xf32>,
      %get3A_732 = vector.shape_cast %get3A_731 : vector<1x16xf32> to vector<16xf32>
      %add3A_733 = arith.addf %get3A_724, %get3A_732 : vector<16xf32>
      %mul3A_734 = arith.constant 2 : i32
      %mul3A_735 = arith.muli %scan3A_416, %mul3A_734 : i32
      %add3A_736 = arith.constant 1 : i32
      %add3A_737 = arith.addi %mul3A_735, %add3A_736 : i32
      %swap3A_738 = arith.constant 1 : i32
      %swap3A_739 = arith.index_cast %swap3A_738 : i32 to index
      %swap3A_740 = arith.index_cast %add3A_737 : i32 to index
      %swap3A_741 = arith.constant 32 : index
      %swap3A_742 = tpu.vector_load %arg8[%swap3A_739, %swap3A_740, %swap3A_741] {strides = array<i32>} : memref<3x200x128xf32, #tpu.memory_space<vmem>>, vector<1x1x16xf32>,
      %swap3A_743 = vector.shape_cast %swap3A_742 : vector<1x1x16xf32> to vector<16xf32>
      %swap3A_744 = vector.shape_cast %add3A_733 : vector<16xf32> to vector<1x1x16xf32>
      tpu.vector_store %arg8[%swap3A_739, %swap3A_740, %swap3A_741], %swap3A_744 {strides = array<i32>} : memref<3x200x128xf32, #tpu.memory_space<vmem>>, vector<1x1x16xf32>,
      %mul3A_745 = arith.constant 2 : i32
      %mul3A_746 = arith.muli %scan3A_416, %mul3A_745 : i32
      %add3A_747 = arith.constant 1 : i32
      %add3A_748 = arith.addi %mul3A_746, %add3A_747 : i32
      %get3A_749 = arith.constant 1 : i32
      %get3A_750 = arith.index_cast %get3A_749 : i32 to index
      %get3A_751 = arith.index_cast %add3A_748 : i32 to index
      %get3A_752 = arith.constant 48 : index
      %get3A_753 = tpu.vector_load %arg8[%get3A_750, %get3A_751, %get3A_752] {strides = array<i32>} : memref<3x200x128xf32, #tpu.memory_space<vmem>>, vector<1x1x16xf32>,
      %get3A_754 = vector.shape_cast %get3A_753 : vector<1x1x16xf32> to vector<16xf32>
      %mul3A_755 = arith.constant 2 : i32
      %mul3A_756 = arith.muli %scan3A_416, %mul3A_755 : i32
      %add3A_757 = arith.constant 1 : i32
      %add3A_758 = arith.addi %mul3A_756, %add3A_757 : i32
      %get3A_759 = arith.index_cast %add3A_758 : i32 to index
      %get3A_760 = arith.constant 48 : index
      %get3A_761 = tpu.vector_load %arg7[%get3A_759, %get3A_760] {strides = array<i32>} : memref<200x128xf32, #tpu.memory_space<vmem>>, vector<1x16xf32>,
      %get3A_762 = vector.shape_cast %get3A_761 : vector<1x16xf32> to vector<16xf32>
      %add3A_763 = arith.addf %get3A_754, %get3A_762 : vector<16xf32>
      %mul3A_764 = arith.constant 2 : i32
      %mul3A_765 = arith.muli %scan3A_416, %mul3A_764 : i32
      %add3A_766 = arith.constant 1 : i32
      %add3A_767 = arith.addi %mul3A_765, %add3A_766 : i32
      %swap3A_768 = arith.constant 1 : i32
      %swap3A_769 = arith.index_cast %swap3A_768 : i32 to index
      %swap3A_770 = arith.index_cast %add3A_767 : i32 to index
      %swap3A_771 = arith.constant 48 : index
      %swap3A_772 = tpu.vector_load %arg8[%swap3A_769, %swap3A_770, %swap3A_771] {strides = array<i32>} : memref<3x200x128xf32, #tpu.memory_space<vmem>>, vector<1x1x16xf32>,
      %swap3A_773 = vector.shape_cast %swap3A_772 : vector<1x1x16xf32> to vector<16xf32>
      %swap3A_774 = vector.shape_cast %add3A_763 : vector<16xf32> to vector<1x1x16xf32>
      tpu.vector_store %arg8[%swap3A_769, %swap3A_770, %swap3A_771], %swap3A_774 {strides = array<i32>} : memref<3x200x128xf32, #tpu.memory_space<vmem>>, vector<1x1x16xf32>,
      %mul3A_775 = arith.constant 2 : i32
      %mul3A_776 = arith.muli %scan3A_416, %mul3A_775 : i32
      %add3A_777 = arith.constant 1 : i32
      %add3A_778 = arith.addi %mul3A_776, %add3A_777 : i32
      %get3A_779 = arith.constant 1 : i32
      %get3A_780 = arith.index_cast %get3A_779 : i32 to index
      %get3A_781 = arith.index_cast %add3A_778 : i32 to index
      %get3A_782 = arith.constant 64 : index
      %get3A_783 = tpu.vector_load %arg8[%get3A_780, %get3A_781, %get3A_782] {strides = array<i32>} : memref<3x200x128xf32, #tpu.memory_space<vmem>>, vector<1x1x16xf32>,
      %get3A_784 = vector.shape_cast %get3A_783 : vector<1x1x16xf32> to vector<16xf32>
      %mul3A_785 = arith.constant 2 : i32
      %mul3A_786 = arith.muli %scan3A_416, %mul3A_785 : i32
      %add3A_787 = arith.constant 1 : i32
      %add3A_788 = arith.addi %mul3A_786, %add3A_787 : i32
      %get3A_789 = arith.index_cast %add3A_788 : i32 to index
      %get3A_790 = arith.constant 64 : index
      %get3A_791 = tpu.vector_load %arg7[%get3A_789, %get3A_790] {strides = array<i32>} : memref<200x128xf32, #tpu.memory_space<vmem>>, vector<1x16xf32>,
      %get3A_792 = vector.shape_cast %get3A_791 : vector<1x16xf32> to vector<16xf32>
      %add3A_793 = arith.addf %get3A_784, %get3A_792 : vector<16xf32>
      %mul3A_794 = arith.constant 2 : i32
      %mul3A_795 = arith.muli %scan3A_416, %mul3A_794 : i32
      %add3A_796 = arith.constant 1 : i32
      %add3A_797 = arith.addi %mul3A_795, %add3A_796 : i32
      %swap3A_798 = arith.constant 1 : i32
      %swap3A_799 = arith.index_cast %swap3A_798 : i32 to index
      %swap3A_800 = arith.index_cast %add3A_797 : i32 to index
      %swap3A_801 = arith.constant 64 : index
      %swap3A_802 = tpu.vector_load %arg8[%swap3A_799, %swap3A_800, %swap3A_801] {strides = array<i32>} : memref<3x200x128xf32, #tpu.memory_space<vmem>>, vector<1x1x16xf32>,
      %swap3A_803 = vector.shape_cast %swap3A_802 : vector<1x1x16xf32> to vector<16xf32>
      %swap3A_804 = vector.shape_cast %add3A_793 : vector<16xf32> to vector<1x1x16xf32>
      tpu.vector_store %arg8[%swap3A_799, %swap3A_800, %swap3A_801], %swap3A_804 {strides = array<i32>} : memref<3x200x128xf32, #tpu.memory_space<vmem>>, vector<1x1x16xf32>,
      %mul3A_805 = arith.constant 2 : i32
      %mul3A_806 = arith.muli %scan3A_416, %mul3A_805 : i32
      %add3A_807 = arith.constant 1 : i32
      %add3A_808 = arith.addi %mul3A_806, %add3A_807 : i32
      %get3A_809 = arith.constant 1 : i32
      %get3A_810 = arith.index_cast %get3A_809 : i32 to index
      %get3A_811 = arith.index_cast %add3A_808 : i32 to index
      %get3A_812 = arith.constant 80 : index
      %get3A_813 = tpu.vector_load %arg8[%get3A_810, %get3A_811, %get3A_812] {strides = array<i32>} : memref<3x200x128xf32, #tpu.memory_space<vmem>>, vector<1x1x16xf32>,
      %get3A_814 = vector.shape_cast %get3A_813 : vector<1x1x16xf32> to vector<16xf32>
      %mul3A_815 = arith.constant 2 : i32
      %mul3A_816 = arith.muli %scan3A_416, %mul3A_815 : i32
      %add3A_817 = arith.constant 1 : i32
      %add3A_818 = arith.addi %mul3A_816, %add3A_817 : i32
      %get3A_819 = arith.index_cast %add3A_818 : i32 to index
      %get3A_820 = arith.constant 80 : index
      %get3A_821 = tpu.vector_load %arg7[%get3A_819, %get3A_820] {strides = array<i32>} : memref<200x128xf32, #tpu.memory_space<vmem>>, vector<1x16xf32>,
      %get3A_822 = vector.shape_cast %get3A_821 : vector<1x16xf32> to vector<16xf32>
      %add3A_823 = arith.addf %get3A_814, %get3A_822 : vector<16xf32>
      %mul3A_824 = arith.constant 2 : i32
      %mul3A_825 = arith.muli %scan3A_416, %mul3A_824 : i32
      %add3A_826 = arith.constant 1 : i32
      %add3A_827 = arith.addi %mul3A_825, %add3A_826 : i32
      %swap3A_828 = arith.constant 1 : i32
      %swap3A_829 = arith.index_cast %swap3A_828 : i32 to index
      %swap3A_830 = arith.index_cast %add3A_827 : i32 to index
      %swap3A_831 = arith.constant 80 : index
      %swap3A_832 = tpu.vector_load %arg8[%swap3A_829, %swap3A_830, %swap3A_831] {strides = array<i32>} : memref<3x200x128xf32, #tpu.memory_space<vmem>>, vector<1x1x16xf32>,
      %swap3A_833 = vector.shape_cast %swap3A_832 : vector<1x1x16xf32> to vector<16xf32>
      %swap3A_834 = vector.shape_cast %add3A_823 : vector<16xf32> to vector<1x1x16xf32>
      tpu.vector_store %arg8[%swap3A_829, %swap3A_830, %swap3A_831], %swap3A_834 {strides = array<i32>} : memref<3x200x128xf32, #tpu.memory_space<vmem>>, vector<1x1x16xf32>,
      %mul3A_835 = arith.constant 2 : i32
      %mul3A_836 = arith.muli %scan3A_416, %mul3A_835 : i32
      %add3A_837 = arith.constant 1 : i32
      %add3A_838 = arith.addi %mul3A_836, %add3A_837 : i32
      %get3A_839 = arith.constant 1 : i32
      %get3A_840 = arith.index_cast %get3A_839 : i32 to index
      %get3A_841 = arith.index_cast %add3A_838 : i32 to index
      %get3A_842 = arith.constant 96 : index
      %get3A_843 = tpu.vector_load %arg8[%get3A_840, %get3A_841, %get3A_842] {strides = array<i32>} : memref<3x200x128xf32, #tpu.memory_space<vmem>>, vector<1x1x16xf32>,
      %get3A_844 = vector.shape_cast %get3A_843 : vector<1x1x16xf32> to vector<16xf32>
      %mul3A_845 = arith.constant 2 : i32
      %mul3A_846 = arith.muli %scan3A_416, %mul3A_845 : i32
      %add3A_847 = arith.constant 1 : i32
      %add3A_848 = arith.addi %mul3A_846, %add3A_847 : i32
      %get3A_849 = arith.index_cast %add3A_848 : i32 to index
      %get3A_850 = arith.constant 96 : index
      %get3A_851 = tpu.vector_load %arg7[%get3A_849, %get3A_850] {strides = array<i32>} : memref<200x128xf32, #tpu.memory_space<vmem>>, vector<1x16xf32>,
      %get3A_852 = vector.shape_cast %get3A_851 : vector<1x16xf32> to vector<16xf32>
      %add3A_853 = arith.addf %get3A_844, %get3A_852 : vector<16xf32>
      %mul3A_854 = arith.constant 2 : i32
      %mul3A_855 = arith.muli %scan3A_416, %mul3A_854 : i32
      %add3A_856 = arith.constant 1 : i32
      %add3A_857 = arith.addi %mul3A_855, %add3A_856 : i32
      %swap3A_858 = arith.constant 1 : i32
      %swap3A_859 = arith.index_cast %swap3A_858 : i32 to index
      %swap3A_860 = arith.index_cast %add3A_857 : i32 to index
      %swap3A_861 = arith.constant 96 : index
      %swap3A_862 = tpu.vector_load %arg8[%swap3A_859, %swap3A_860, %swap3A_861] {strides = array<i32>} : memref<3x200x128xf32, #tpu.memory_space<vmem>>, vector<1x1x16xf32>,
      %swap3A_863 = vector.shape_cast %swap3A_862 : vector<1x1x16xf32> to vector<16xf32>
      %swap3A_864 = vector.shape_cast %add3A_853 : vector<16xf32> to vector<1x1x16xf32>
      tpu.vector_store %arg8[%swap3A_859, %swap3A_860, %swap3A_861], %swap3A_864 {strides = array<i32>} : memref<3x200x128xf32, #tpu.memory_space<vmem>>, vector<1x1x16xf32>,
      %mul3A_865 = arith.constant 2 : i32
      %mul3A_866 = arith.muli %scan3A_416, %mul3A_865 : i32
      %add3A_867 = arith.constant 1 : i32
      %add3A_868 = arith.addi %mul3A_866, %add3A_867 : i32
      %get3A_869 = arith.constant 1 : i32
      %get3A_870 = arith.index_cast %get3A_869 : i32 to index
      %get3A_871 = arith.index_cast %add3A_868 : i32 to index
      %get3A_872 = arith.constant 112 : index
      %get3A_873 = tpu.vector_load %arg8[%get3A_870, %get3A_871, %get3A_872] {strides = array<i32>} : memref<3x200x128xf32, #tpu.memory_space<vmem>>, vector<1x1x16xf32>,
      %get3A_874 = vector.shape_cast %get3A_873 : vector<1x1x16xf32> to vector<16xf32>
      %mul3A_875 = arith.constant 2 : i32
      %mul3A_876 = arith.muli %scan3A_416, %mul3A_875 : i32
      %add3A_877 = arith.constant 1 : i32
      %add3A_878 = arith.addi %mul3A_876, %add3A_877 : i32
      %get3A_879 = arith.index_cast %add3A_878 : i32 to index
      %get3A_880 = arith.constant 112 : index
      %get3A_881 = tpu.vector_load %arg7[%get3A_879, %get3A_880] {strides = array<i32>} : memref<200x128xf32, #tpu.memory_space<vmem>>, vector<1x16xf32>,
      %get3A_882 = vector.shape_cast %get3A_881 : vector<1x16xf32> to vector<16xf32>
      %add3A_883 = arith.addf %get3A_874, %get3A_882 : vector<16xf32>
      %mul3A_884 = arith.constant 2 : i32
      %mul3A_885 = arith.muli %scan3A_416, %mul3A_884 : i32
      %add3A_886 = arith.constant 1 : i32
      %add3A_887 = arith.addi %mul3A_885, %add3A_886 : i32
      %swap3A_888 = arith.constant 1 : i32
      %swap3A_889 = arith.index_cast %swap3A_888 : i32 to index
      %swap3A_890 = arith.index_cast %add3A_887 : i32 to index
      %swap3A_891 = arith.constant 112 : index
      %swap3A_892 = tpu.vector_load %arg8[%swap3A_889, %swap3A_890, %swap3A_891] {strides = array<i32>} : memref<3x200x128xf32, #tpu.memory_space<vmem>>, vector<1x1x16xf32>,
      %swap3A_893 = vector.shape_cast %swap3A_892 : vector<1x1x16xf32> to vector<16xf32>
      %swap3A_894 = vector.shape_cast %add3A_883 : vector<16xf32> to vector<1x1x16xf32>
      tpu.vector_store %arg8[%swap3A_889, %swap3A_890, %swap3A_891], %swap3A_894 {strides = array<i32>} : memref<3x200x128xf32, #tpu.memory_space<vmem>>, vector<1x1x16xf32>,
    }
    %scan3A_360 = arith.constant 100 : i32
    %add3A_361 = arith.constant 31 : i32
    %add3A_362 = arith.addi %mul3A_2, %add3A_361 : i32
    %dma_start3A_363 = arith.constant 1 : i32
    %dma_start3A_364 = arith.constant 0 : i32
    %dma_start3A_365 = arith.constant 0 : i32
    %dma_start3A_366 = tpu.memref_slice %arg8[%dma_start3A_363, %dma_start3A_364, %dma_start3A_365] : memref<3x200x128xf32, #tpu.memory_space<vmem>> -> memref<1x200x128xf32, #tpu.memory_space<vmem>>
    %dma_start3A_367 = tpu.memref_squeeze %dma_start3A_366 : memref<1x200x128xf32, #tpu.memory_space<vmem>> -> memref<200x128xf32, #tpu.memory_space<vmem>>
    %dma_start3A_368 = arith.constant 0 : i32
    %dma_start3A_369 = arith.constant 0 : i32
    %dma_start3A_370 = tpu.memref_slice %arg5[%add3A_362, %dma_start3A_368, %dma_start3A_369] : memref<1024x200x128xf32, #tpu.memory_space<hbm>> -> memref<1x200x128xf32, #tpu.memory_space<hbm>>
    %dma_start3A_371 = tpu.memref_squeeze %dma_start3A_370 : memref<1x200x128xf32, #tpu.memory_space<hbm>> -> memref<200x128xf32, #tpu.memory_space<hbm>>
    %dma_start3A_372 = arith.constant 0 : i32
    %dma_start3A_373 = arith.constant 0 : i32
    %dma_start3A_374 = tpu.memref_slice %arg5[%add3A_362, %dma_start3A_372, %dma_start3A_373] : memref<1024x200x128xf32, #tpu.memory_space<hbm>> -> memref<1x200x128xf32, #tpu.memory_space<hbm>>
    %dma_start3A_375 = tpu.memref_squeeze %dma_start3A_374 : memref<1x200x128xf32, #tpu.memory_space<hbm>> -> memref<200x128xf32, #tpu.memory_space<hbm>>
    %dma_start3A_376 = arith.constant 0 : i32
    %dma_start3A_377 = arith.constant 0 : i32
    %dma_start3A_378 = tpu.memref_slice %arg8[%dma_start3A_363, %dma_start3A_376, %dma_start3A_377] : memref<3x200x128xf32, #tpu.memory_space<vmem>> -> memref<1x200x128xf32, #tpu.memory_space<vmem>>
    %dma_start3A_379 = tpu.memref_squeeze %dma_start3A_378 : memref<1x200x128xf32, #tpu.memory_space<vmem>> -> memref<200x128xf32, #tpu.memory_space<vmem>>
    tpu.enqueue_dma source(%dma_start3A_379 : memref<200x128xf32, #tpu.memory_space<vmem>>) target(%dma_start3A_375 : memref<200x128xf32, #tpu.memory_space<hbm>>) target_semaphore(%arg13 : memref<!tpu.dma_semaphore, #tpu.memory_space<semaphore_mem>>)
    %dma_wait3A_380 = arith.constant 0 : i32
    %dma_wait3A_381 = arith.constant 0 : i32
    %dma_wait3A_382 = arith.constant 0 : i32
    %dma_wait3A_383 = arith.constant 0 : i32
    %dma_wait3A_384 = tpu.memref_slice %arg8[%dma_wait3A_380, %dma_wait3A_382, %dma_wait3A_383] : memref<3x200x128xf32, #tpu.memory_space<vmem>> -> memref<1x200x128xf32, #tpu.memory_space<vmem>>
    %dma_wait3A_385 = tpu.memref_squeeze %dma_wait3A_384 : memref<1x200x128xf32, #tpu.memory_space<vmem>> -> memref<200x128xf32, #tpu.memory_space<vmem>>
    %dma_wait3A_386 = arith.constant 0 : i32
    %dma_wait3A_387 = arith.constant 0 : i32
    %dma_wait3A_388 = tpu.memref_slice %arg5[%dma_wait3A_381, %dma_wait3A_386, %dma_wait3A_387] : memref<1024x200x128xf32, #tpu.memory_space<hbm>> -> memref<1x200x128xf32, #tpu.memory_space<hbm>>
    %dma_wait3A_389 = tpu.memref_squeeze %dma_wait3A_388 : memref<1x200x128xf32, #tpu.memory_space<hbm>> -> memref<200x128xf32, #tpu.memory_space<hbm>>
    %dma_wait3A_390 = arith.constant 0 : i32
    %dma_wait3A_391 = arith.constant 0 : i32
    %dma_wait3A_392 = tpu.memref_slice %arg5[%dma_wait3A_381, %dma_wait3A_390, %dma_wait3A_391] : memref<1024x200x128xf32, #tpu.memory_space<hbm>> -> memref<1x200x128xf32, #tpu.memory_space<hbm>>
    %dma_wait3A_393 = tpu.memref_squeeze %dma_wait3A_392 : memref<1x200x128xf32, #tpu.memory_space<hbm>> -> memref<200x128xf32, #tpu.memory_space<hbm>>
    %dma_wait3A_394 = arith.constant 0 : i32
    %dma_wait3A_395 = arith.constant 0 : i32
    %dma_wait3A_396 = tpu.memref_slice %arg8[%dma_wait3A_380, %dma_wait3A_394, %dma_wait3A_395] : memref<3x200x128xf32, #tpu.memory_space<vmem>> -> memref<1x200x128xf32, #tpu.memory_space<vmem>>
    %dma_wait3A_397 = tpu.memref_squeeze %dma_wait3A_396 : memref<1x200x128xf32, #tpu.memory_space<vmem>> -> memref<200x128xf32, #tpu.memory_space<vmem>>
    tpu.wait_dma2 semaphore(%arg12 : memref<!tpu.dma_semaphore, #tpu.memory_space<semaphore_mem>>) src(%dma_wait3A_397 : memref<200x128xf32, #tpu.memory_space<vmem>>) dst(%dma_wait3A_393 : memref<200x128xf32, #tpu.memory_space<hbm>>)
    %dma_wait3A_398 = arith.constant 1 : i32
    %dma_wait3A_399 = arith.constant 0 : i32
    %dma_wait3A_400 = arith.constant 0 : i32
    %dma_wait3A_401 = arith.constant 0 : i32
    %dma_wait3A_402 = tpu.memref_slice %arg8[%dma_wait3A_398, %dma_wait3A_400, %dma_wait3A_401] : memref<3x200x128xf32, #tpu.memory_space<vmem>> -> memref<1x200x128xf32, #tpu.memory_space<vmem>>
    %dma_wait3A_403 = tpu.memref_squeeze %dma_wait3A_402 : memref<1x200x128xf32, #tpu.memory_space<vmem>> -> memref<200x128xf32, #tpu.memory_space<vmem>>
    %dma_wait3A_404 = arith.constant 0 : i32
    %dma_wait3A_405 = arith.constant 0 : i32
    %dma_wait3A_406 = tpu.memref_slice %arg5[%dma_wait3A_399, %dma_wait3A_404, %dma_wait3A_405] : memref<1024x200x128xf32, #tpu.memory_space<hbm>> -> memref<1x200x128xf32, #tpu.memory_space<hbm>>
    %dma_wait3A_407 = tpu.memref_squeeze %dma_wait3A_406 : memref<1x200x128xf32, #tpu.memory_space<hbm>> -> memref<200x128xf32, #tpu.memory_space<hbm>>
    %dma_wait3A_408 = arith.constant 0 : i32
    %dma_wait3A_409 = arith.constant 0 : i32
    %dma_wait3A_410 = tpu.memref_slice %arg5[%dma_wait3A_399, %dma_wait3A_408, %dma_wait3A_409] : memref<1024x200x128xf32, #tpu.memory_space<hbm>> -> memref<1x200x128xf32, #tpu.memory_space<hbm>>
    %dma_wait3A_411 = tpu.memref_squeeze %dma_wait3A_410 : memref<1x200x128xf32, #tpu.memory_space<hbm>> -> memref<200x128xf32, #tpu.memory_space<hbm>>
    %dma_wait3A_412 = arith.constant 0 : i32
    %dma_wait3A_413 = arith.constant 0 : i32
    %dma_wait3A_414 = tpu.memref_slice %arg8[%dma_wait3A_398, %dma_wait3A_412, %dma_wait3A_413] : memref<3x200x128xf32, #tpu.memory_space<vmem>> -> memref<1x200x128xf32, #tpu.memory_space<vmem>>
    %dma_wait3A_415 = tpu.memref_squeeze %dma_wait3A_414 : memref<1x200x128xf32, #tpu.memory_space<vmem>> -> memref<200x128xf32, #tpu.memory_space<vmem>>
    tpu.wait_dma2 semaphore(%arg13 : memref<!tpu.dma_semaphore, #tpu.memory_space<semaphore_mem>>) src(%dma_wait3A_415 : memref<200x128xf32, #tpu.memory_space<vmem>>) dst(%dma_wait3A_411 : memref<200x128xf32, #tpu.memory_space<hbm>>)
    return
  }
}

module attributes {stable_mosaic.version = 14 : i64} {
  func.func @_tc_pad_body(%arg0: memref<200x1024xi32, #tpu.memory_space<vmem>>, %arg1: memref<1x1x200x1024xi8, #tpu.memory_space<vmem>>) attributes {dimension_semantics = [], scalar_prefetch = 0 : i64, scratch_operands = 0 : i64, tpu.core_type = #tpu.core_type<tc>} {
    %get3A = arith.constant 0 : index
    %get3A_0 = arith.constant 0 : index
    %get3A_1 = vector.load %arg0[%get3A, %get3A_0] : memref<200x1024xi32, #tpu.memory_space<vmem>>, vector<200x1024xi32>
    %eq3A = arith.constant 0 : i32
    %eq3A_2 = vector.broadcast %eq3A : i32 to vector<200x1024xi32>
    %eq3A_3 = arith.cmpi eq, %get3A_1, %eq3A_2 : vector<200x1024xi32>
    %convert_element_type3A = arith.extui %eq3A_3 : vector<200x1024xi1> to vector<200x1024xi8>
    %broadcast_in_dim3A = vector.shape_cast %convert_element_type3A : vector<200x1024xi8> to vector<1x1x200x1024xi8>
    %swap3A = arith.constant 0 : index
    %swap3A_4 = arith.constant 0 : index
    %swap3A_5 = arith.constant 0 : index
    %swap3A_6 = arith.constant 0 : index
    %swap3A_7 = vector.load %arg1[%swap3A, %swap3A_4, %swap3A_5, %swap3A_6] : memref<1x1x200x1024xi8, #tpu.memory_space<vmem>>, vector<1x1x200x1024xi8>
    tpu.vector_store %arg1[%swap3A, %swap3A_4, %swap3A_5, %swap3A_6], %broadcast_in_dim3A {strides = array<i32>} : memref<1x1x200x1024xi8, #tpu.memory_space<vmem>>, vector<1x1x200x1024xi8>,
    return
  }
}

</mosaic_0001>

<sc_bundles>
// kernel: kernel.4.cloned.1.call-start
scs
__scs_entry_jumppad:
0x0: {  	(pc) =	sbr.rel $0x88, $3  }
0x1: {  	(tag) =	ssettag $0x0;
	lr =	simm.s32 $0x1  }
0x2: {  	[smem:$0x3F9E] =	sst lr;
	_ =	strace $0xD0000000  }
0x3: {  	_ = 	snop  }
0x4: {  	_ = 	snop  }
0x5: {  	_ = 	snop  }
0x6: {  	_ = 	snop  }
0x7: {  	_ = 	snop  }
__scs_overlays_trampoline_lowered:
0x8: {  	[smem:$0x3FAD] =	sst s0  }
0x9: {  	[smem:$0x3FAE] =	sst s1  }
0xa: {  	[smem:$0x3FAF] =	sst s2  }
0xb: {  	[smem:$0x3FB0] =	sst s3  }
0xc: {  	[smem:$0x3FB1] =	sst s4  }
0xd: {  	[smem:$0x3FB2] =	sst s5  }
0xe: {  	[smem:$0x3FB3] =	sst s6  }
0xf: {  	[smem:$0x3FB4] =	sst s7  }
0x10: {  	[smem:$0x3FB5] =	sst s8  }
0x11: {  	[smem:$0x3FB6] =	sst s9;
	s0 =	simm.s32 @!p0 $0x0  }
0x12: {  	s1 =	sld [smem:$0x3F9C];
	s0 =	simm.s32 @p0 $0x1  }
0x13: {  	[smem:$0x3FB7] =	sst s0;
	s0 =	simm.s32 @!p1 $0x0  }
0x14: {  	s2 =	sld [smem:$0x3F9B];
	s0 =	simm.s32 @p1 $0x1  }
0x15: {  	[smem:$0x3FB8] =	sst s0;
	s0 =	simm.s32 @!p2 $0x0  }
0x16: {  	s3 =	sld [smem:$0x3FDB];
	s0 =	simm.s32 @p2 $0x1  }
0x17: {  	s4 =	simm.s32 $0x1BF5;
	[smem:$0x3FBA] =	sst s0  }
0x18: {  	s0 =	sld [smem:$0x3F9D];
	_ =	swait.ge [sflag:s4], $0x0  }
0x19: {  	s7 =	sld [smem:$0x3F9E]  }
0x1a: {  	s8 =	sadd.s32 $0xFFFFE003, lr  }
0x1b: {  	s9 =	sadd.s32 $0xFFFFFEF7, lr;
	s5 =	simm.s32 $0xFFFFFFFF;
	p2 =	slt.u32 s8, $0xFFFFF086  }
0x1c: {  	p1 =	slt.u32 s9, $0xF7A;
	s5 =	simm.s32 @!p2 $0x0  }
0x1d: {  	s5 =	simm.s32 @p1 $0x1;
	p0 =	seq.s32 s7, s2  }
0x1e: {  	s7 =	smul.u32 @!p0 $0xF7A, s2;
	p2 =	seq.s32 @!p0 s5, $0x0  }
0x1f: {  	s9 =	smul.u32 $0xF7A, s1;
	s8 =	simm.s32 @!p0 $0x1BF5;
	p2 =	por !p2, p0  }
0x20: {  	[sflag:s8] =	ssyncset.s32 @!p0 $0xFFFFF086;
	s6 =	sadd.s32 @!p0 s3, s7;
	s7 =	simm.s32 @!p0 $0x108  }
0x21: {  	s3 =	sadd.s32 s3, s9;
	s6 =	sadd.s32 @!p0 $0x88, s6;
	s7 =	simm.s32 @p2 $0x1082  }
0x22: {  	[simem:s7], [sflag:s8] =	dma.local @!p0 [hbm:s6], $0xF7A  }
0x23: {  	s9 =	sor.u32 $0xD0000000, s2;
	s6 =	simm.s32 $0x108;
	_ =	swait.ge @!p0 [sflag:s8], $0x0  }
0x24: {  	s3 =	sadd.s32 $0x88, s3;
	s6 =	simm.s32 @!p1 $0x1082;
	[sflag:s4] =	ssyncset.s32 $0xFFFFF086  }
0x25: {  	[simem:s6], [sflag:s4] =	dma.local [hbm:s3], $0xF7A  }
0x26: {  	[smem:$0x3F9E] =	sst s1;
	(tag) =	ssettag s2;
	_ =	strace s9  }
0x27: {  	s1 =	sld [smem:$0x3FAE]  }
0x28: {  	s2 =	sld [smem:$0x3FAF]  }
0x29: {  	s4 =	sld [smem:$0x3FB1]  }
0x2a: {  	p0 =	seq.s32 s5, $0x0;
	s5 =	sld [smem:$0x3FB2]  }
0x2b: {  	s6 =	sld [smem:$0x3FB3]  }
0x2c: {  	s7 =	sld [smem:$0x3FB4]  }
0x2d: {  	s3 =	simm.s32 $0x108;
	s8 =	sld [smem:$0x3FB5]  }
0x2e: {  	s3 =	simm.s32 @!p0 $0x1082;
	s9 =	sld [smem:$0x3FB6]  }
0x2f: {  	lr =	sadd.s32 s0, s3;
	s0 =	sld [smem:$0x3FAD]  }
0x30: {  	s3 =	sld [smem:$0x3FB0]  }
0x31: {  	[smem:$0x3FB9] =	sst s10  }
0x32: {  	s10 =	sld [smem:$0x3FB7];
	_ =	sdelay $0x3  }
0x33: {  	p0 =	seq.s32 s10, $0x1;
	s10 =	sld [smem:$0x3FB9];
	_ =	sdelay $0x3  }
0x34: {  	[smem:$0x3FB9] =	sst s10  }
0x35: {  	s10 =	sld [smem:$0x3FB8];
	_ =	sdelay $0x3  }
0x36: {  	p1 =	seq.s32 s10, $0x1;
	s10 =	sld [smem:$0x3FB9];
	_ =	sdelay $0x3  }
0x37: {  	[smem:$0x3FB9] =	sst s10  }
0x38: {  	s10 =	sld [smem:$0x3FBA]  }
0x39: {  	_ = 	snop;
	(pc) =	sbr.ind lr, $3  }
0x3a: {  	_ = 	snop  }
0x3b: {  	_ = 	snop  }
0x3c: {  	p2 =	seq.s32 s10, $0x1;
	s10 =	sld [smem:$0x3FB9]  }
0x3d: {  	_ =	shalt  }
0x3e: {  	_ =	shalt  }
0x3f: {  	_ =	shalt  }
0x40: {  	_ =	shalt  }
0x41: {  	_ =	shalt  }
0x42: {  	_ =	shalt  }
0x43: {  	_ =	shalt  }
0x44: {  	_ =	shalt  }
0x45: {  	_ =	shalt  }
0x46: {  	_ =	shalt  }
0x47: {  	_ =	shalt  }
0x48: {  	_ =	shalt  }
0x49: {  	_ =	shalt  }
0x4a: {  	_ =	shalt  }
0x4b: {  	_ =	shalt  }
0x4c: {  	_ =	shalt  }
0x4d: {  	_ =	shalt  }
0x4e: {  	_ =	shalt  }
0x4f: {  	_ =	shalt  }
0x50: {  	_ =	shalt  }
0x51: {  	_ =	shalt  }
0x52: {  	_ =	shalt  }
0x53: {  	_ =	shalt  }
0x54: {  	_ =	shalt  }
0x55: {  	_ =	shalt  }
0x56: {  	_ =	shalt  }
0x57: {  	_ =	shalt  }
0x58: {  	_ =	shalt  }
0x59: {  	_ =	shalt  }
0x5a: {  	_ =	shalt  }
0x5b: {  	_ =	shalt  }
0x5c: {  	_ =	shalt  }
0x5d: {  	_ =	shalt  }
0x5e: {  	_ =	shalt  }
0x5f: {  	_ =	shalt  }
0x60: {  	_ =	shalt  }
0x61: {  	_ =	shalt  }
0x62: {  	_ =	shalt  }
0x63: {  	_ =	shalt  }
0x64: {  	_ =	shalt  }
0x65: {  	_ =	shalt  }
0x66: {  	_ =	shalt  }
0x67: {  	_ =	shalt  }
0x68: {  	_ =	shalt  }
0x69: {  	_ =	shalt  }
0x6a: {  	_ =	shalt  }
0x6b: {  	_ =	shalt  }
0x6c: {  	_ =	shalt  }
0x6d: {  	_ =	shalt  }
0x6e: {  	_ =	shalt  }
0x6f: {  	_ =	shalt  }
0x70: {  	_ =	shalt  }
0x71: {  	_ =	shalt  }
0x72: {  	_ =	shalt  }
0x73: {  	_ =	shalt  }
0x74: {  	_ =	shalt  }
0x75: {  	_ =	shalt  }
0x76: {  	_ =	shalt  }
0x77: {  	_ =	shalt  }
0x78: {  	_ =	shalt  }
0x79: {  	_ =	shalt  }
0x7a: {  	_ =	shalt  }
0x7b: {  	_ =	shalt  }
0x7c: {  	_ =	shalt  }
0x7d: {  	_ =	shalt  }
0x7e: {  	_ =	shalt  }
0x7f: {  	_ =	shalt  }
0x80: {  	_ =	shalt  }
0x81: {  	_ =	shalt  }
0x82: {  	_ =	shalt  }
0x83: {  	_ =	shalt  }
0x84: {  	_ =	shalt  }
0x85: {  	_ =	shalt  }
0x86: {  	_ =	shalt  }
0x87: {  	_ =	shalt  }
.Lfunc_end0:
.L_simem_size_0:
called_computation_lowered:
.L_overlay_start_0:
0x88: {  	s2 =	sld [smem:$0x3FD9]  }
0x89: {  	s3 =	sld [smem:$0x3FFE];
	_ =	sdelay $0x1  }
0x8a: {  	s1 =	srdreg.scid  }
0x8b: {  	s0 =	sand.u32 $0x1, s1  }
0x8c: {  	s14 =	sshll.u32 s0, $0xA;
	s2 =	sadd.s32 s3, s2  }
0x8d: {  	s2 =	sadd.s32 s2, s14  }
0x8e: {  	[smem:$0x3FC5] =	sst s2  }
0x8f: {  	_ = 	snop  }
0x90: {  	s2 =	sld [smem:$0x3FD0];
	_ =	sdelay $0x2  }
0x91: {  	s4 =	simm.s32 $0xA;
	s5 =	simm.s32 $0x10;
	s15 =	sld [smem:$0x3FC8]  }
0x92: {  	[smem:s5], [sflag:s4] =	dma.local [hbm:s2], $0x1  }
0x93: {  	_ =	swait.eq [sflag:s4], $0x1  }
0x94: {  	[sflag:s4] =	ssyncset.done $0x0  }
0x95: {  	[sflag:s4] =	ssyncadd.s32 $0xFFFFFFFF  }
0x96: {  	s16 =	sld [smem:$0x10];
	(tm) =	ssettm $0x1  }
0x97: {  	s17 =	sld [smem:$0x3FFB];
	_ =	sdelay $0x3  }
0x98: {  	_ =	strace s17  }
0x99: {  	s4 =	sld [smem:$0x3FFC];
	_ =	sdelay $0x3  }
0x9a: {  	_ =	strace s4  }
0x9b: {  	s4 =	sld [smem:$0x3FFD];
	_ =	sdelay $0x3  }
0x9c: {  	_ =	strace s4  }
0x9d: {  	_ =	strace $0x8FFFFFFF  }
0x9e: {  	s18 =	sld [smem:$0x3FDB];
	_ =	sdelay $0x1  }
0x9f: {  	s19 =	simm.s32 $_scs_section_size  }
0xa0: {  	s6 =	simm.s32 $_size__tile_overlayer_lowered;
	s7 =	simm.s32 $_tile_overlayer_lowered  }
0xa1: {  	s22 =	simm.s32 $0x1BFF;
	s21 =	sshll.u32 s7, $0x1;
	s4 =	sadd.s32 s19, s18  }
0xa2: {  	s8 =	simm.s32 $0x0;
	s20 =	sshll.u32 s6, $0x1;
	s6 =	sadd.s32 s21, s4  }
0xa3: {  	[timem:s8], [sflag:s22] =	dma.local [hbm:s6], s20  }
0xa4: {  	_ =	swait.ge [sflag:s22], s20  }
0xa5: {  	s5 =	ssub.s32 $0x0, s20;
	[sflag:s22] =	ssyncset.done $0x0  }
0xa6: {  	[sflag:s22] =	ssyncadd.s32 s5;
	_ =	sdelay $0x1  }
0xa7: {  	s23 =	simm.s32 $0x1B8B  }
0xa8: {  	_ =	swait.ge [sflag:s23], $0x1  }
0xa9: {  	[sflag:s23] =	ssyncset.done $0x0  }
0xaa: {  	s25 =	simm.s32 $0x1B8E;
	s24 =	sld [smem:$0x3FFE];
	[sflag:s23] =	ssyncadd.s32 $0xFFFFFFFF  }
0xab: {  	s26 =	simm.s32 $execute0_lowered;
	[smem:$0x3FD2] =	sst s25  }
0xac: {  	s6 =	sshll.u32 s26, $0x1;
	_ =	strace $0x80000046;
	[dreg:$0x1] =	wrdreg $0xFFFFFFFF  }
0xad: {  	s28 =	simm.s32 $_size_execute0_lowered;
	s4 =	sadd.s32 s4, s6;
	[dreg:$0x0] =	wrdreg $0x0  }
0xae: {  	s6 =	sshll.u32 s28, $0x1;
	[dreg:$0x2] =	wrdreg s4  }
0xaf: {  	[dreg:$0x3] =	wrdreg s6  }
0xb0: {  	[dreg:$0x4] =	wrdreg $0xC0  }
0xb1: {  	_ =	task [dreg:s8], $0x5FFFF  }
0xb2: {  	[dreg:$0x1] =	wrdreg $0xFFFFFFFF  }
0xb3: {  	[dreg:$0x0] =	wrdreg $0x60  }
0xb4: {  	[dreg:$0x2] =	wrdreg s24  }
0xb5: {  	[dreg:$0x3] =	wrdreg s15  }
0xb6: {  	[dreg:$0x4] =	wrdreg s16  }
0xb7: {  	[dreg:$0x5] =	wrdreg $0x9  }
0xb8: {  	_ =	task.clear_ibuf [dreg:s8], $0x6FFFF;
	_ =	strace $0x90000046  }
0xb9: {  	s29 =	simm.s32 $0x9;
	_ =	strace $0x80000048  }
0xba: {  	_ =	swait.ge [sflag:s29], $0x1  }
0xbb: {  	[sflag:s29] =	ssyncadd.s32 $0xFFFFFFFF  }
0xbc: {  	_ =	strace $0x90000048  }
0xbd: {  	_ =	sfence  }
0xbe: {  	s30 =	sld [smem:$0x0];
	_ =	sdelay $0x2  }
0xbf: {  	s31 =	sshll.u32 s1, $0xD;
	s1 =	sshrl.u32 s1, $0x2  }
0xc0: {  	s3 =	sand.u32 $0x4000, s31;
	s1 =	sadd.s32 s1, s30  }
0xc1: {  	s0 =	sor.u32 s3, s0;
	s1 =	sshll.u32 s1, $0x11  }
0xc2: {  	s0 =	sor.u32 s1, s0  }
0xc3: {  	s0 =	sadd.s32 $0x8F2B, s0  }
0xc4: {  	[sflag:s0] =	ssyncadd.remote.s32 $0x1  }
0xc5: {  	_ =	sfence.sel $0xFFFF  }
0xc6: {  	[dreg:$0x0] =	wrdreg $0xFFFFFFFF;
	(pc) =	sbr.abs _section_cstart, $3  }
0xc7: {  	[dreg:$0x1] =	wrdreg $0xFFFFFFFF  }
0xc8: {  	_ =	task.clear_ibuf [dreg:s8], $0x2FFFF;
	_ =	strace $0x9FFFFFFF  }
0xc9: {  	(tm) =	ssettm $0x7FFFFFFF  }
tec
execute0_lowered:
.L_overlay_start_1:
0x0: {  	(tag) =	ssettag $0x1  }
0x1: {  	s0 =	rddreg [dreg:$0x0]  }
0x2: {  	s2 =	rddreg [dreg:$0x1]  }
0x3: {  	s3 =	rddreg [dreg:$0x2];
	s1 =	srdreg.scid  }
0x4: {  	s5 =	stileid.u32;
	s4 =	simm.s32 $0x0;
	s16 =	simm.s32 $0x7  }
0x5: {  	s18 =	simm.s32 $0x80;
	s19 =	simm.s32 $0x8400;
	s20 =	simm.s32 $0x48  }
0x6: {  	s29 =	simm.s32 $0x14C00;
	s31 =	simm.s32 $0x18C00;
	s28 =	simm.s32 $0x5  }
0x7: {  	s30 =	simm.s32 $0x6;
	s17 =	simm.s32 $0x0;
	s1 =	sand.u32 $0x1, s1  }
0x8: {  	s5 =	sshll.u32 s5, $0x6;
	[smem:$0x7FF] =	sst s4;
	s6 =	sshll.u32 s1, $0x5  }
0x9: {  	_ =	strace $0x80000047;
	s1 =	ssub.s32 $0x2, s1;
	s5 =	sor.u32 s6, s5  }
0xa: {  	s8 =	sshrl.u32 s1, $0x1;
	s6 =	smul.u32 $0xC80, s5;
	s7 =	sshll.u32 s5, $0x5  }
0xb: {  	s9 =	smul.u32 $0x6400, s5;
	s22 =	ssub.s32 s1, s8;
	s10 =	sor.u32 $0x2, s5  }
0xc: {  	s11 =	sor.u32 $0x3, s5;
	s7 =	sadd.s32 s7, s0;
	s0 =	sadd.s32 $0x8800, s0  }
0xd: {  	s15 =	smax.u32 s22, $0x1;
	s22 =	simm.s32 $0xC400;
	[dreg:$0x4] =	wrdreg s0  }
0xe: {  	s23 =	sadd.s32 $0x800, s7;
	s8 =	sadd.s32 s3, s6;
	s24 =	sshrl.u32 s9, $0x3  }
0xf: {  	s0 =	simm.s32 $0x2;
	[dreg:$0x5] =	wrdreg s23;
	s6 =	sadd.s32 $0xC80, s8  }
0x10: {  	s1 =	sadd.s32 s3, s24;
	s23 =	simm.s32 $0xE800;
	s24 =	simm.s32 $0x3  }
0x11: {  	[dreg:$0x6] =	wrdreg s6;
	s25 =	sadd.s32 $0x16A80, s1;
	s26 =	sadd.s32 $0x17700, s1  }
0x12: {  	s14 =	sadd.s32 $0x18380, s1;
	s1 =	simm.s32 $0x4;
	[dreg:$0x7] =	wrdreg s25  }
0x13: {  	[dreg:$0x8] =	wrdreg s26;
	s25 =	simm.s32 $0x12800;
	s26 =	simm.s32 $0x1  }
.LBB2_1:
0x14: {  	s6 =	rddreg [dreg:$0x5]  }
0x15: {  	[tilespmem:s4], [sflag:$0x7] =	stream.linear.gather [hbm4b:s6+s4], $0x2000, $0x38;
	[tilespmem:$0x1B000] =	vst v63  }
0x16: {  	_ =	swait.ge [sflag:s16], $0x2000  }
0x17: {  	[sflag:s16] =	ssyncset.done $0x0  }
0x18: {  	s7 =	simm.s32 $0x2000;
	s12 =	rddreg [dreg:$0x4];
	[sflag:s16] =	ssyncadd.s32 $0xFFFFE000  }
0x19: {  	[tilespmem:s7], [sflag:$0x7] =	stream.linear.gather [hbm4b:s12+s4], $0x6400, $0x38;
	[tilespmem:$0x1B000] =	vst v63  }
0x1a: {  	_ =	swait.ge [sflag:s16], $0x6400  }
0x1b: {  	[sflag:s16] =	ssyncset.done $0x0  }
0x1c: {  	[sflag:s16] =	ssyncadd.s32 $0xFFFF9C00  }
0x1d: {  	[tilespmem:s19], [sflag:$0x1] =	stream.indirect.gather [hbm4b:s2+s18], $0x80, s4, s18, $0xb8;
	[tilespmem:$0x1B000] =	vst v63  }
0x1e: {  	s13 =	simm.s32 $0x400  }
0x1f: {  	[tilespmem:s22], [sflag:$0x1] =	stream.indirect.gather [hbm4b:s2+s20], $0x80, s13, s20, $0xb8;
	[tilespmem:$0x1B000] =	vst v63  }
0x20: {  	_ = 	snop  }
0x21: {  	[tilespmem:s23], [sflag:$0x2] =	stream.indirect.gather [hbm4b:s2+s18], $0x80, s18, s18, $0xb8;
	[tilespmem:$0x1B000] =	vst v63  }
0x22: {  	s21 =	simm.s32 $0x480  }
0x23: {  	[tilespmem:s25], [sflag:$0x2] =	stream.indirect.gather [hbm4b:s2+s20], $0x80, s21, s20, $0xb8;
	[tilespmem:$0x1B000] =	vst v63  }
0x24: {  	_ =	swait.ge [sflag:s26], $0x6400  }
0x25: {  	[sflag:s26] =	ssyncset.done $0x0  }
0x26: {  	s6 =	simm.s32 $0xF0;
	[sflag:s26] =	ssyncadd.s32 $0xFFFF9C00  }
0x27: {  	v6 =	vld [tilespmem:s6+$0x1F10]  }
0x28: {  	v7 =	vld [tilespmem:s6+$0x1F20]  }
0x29: {  	v8 =	vld [tilespmem:s6+$0x1F30]  }
0x2a: {  	v9 =	vld [tilespmem:s6+$0x1F40]  }
0x2b: {  	v10 =	vld [tilespmem:s6+$0x1F50]  }
0x2c: {  	v11 =	vld [tilespmem:s6+$0x1F60]  }
0x2d: {  	v12 =	vld [tilespmem:s6+$0x1F70]  }
0x2e: {  	v13 =	vld [tilespmem:s6+$0x1F80]  }
0x2f: {  	v14 =	vld [tilespmem:s6+$0x1F90]  }
0x30: {  	v15 =	vld [tilespmem:s6+$0x1FA0]  }
0x31: {  	v5 =	vld [tilespmem:s6+$0x1FB0]  }
0x32: {  	v4 =	vld [tilespmem:s6+$0x1FC0]  }
0x33: {  	v3 =	vld [tilespmem:s6+$0x1FD0]  }
0x34: {  	v2 =	vld [tilespmem:s6+$0x1FE0]  }
0x35: {  	v1 =	vld [tilespmem:s6+$0x1FF0]  }
0x36: {  	v0 =	vld [tilespmem:s6+$0x2000]  }
0x37: {  	v16 =	vld [tilespmem:s6+$0x8310]  }
0x38: {  	v17 =	vld [tilespmem:s6+$0x8320]  }
0x39: {  	v18 =	vld [tilespmem:s6+$0x8330]  }
0x3a: {  	v19 =	vld [tilespmem:s6+$0x8340]  }
0x3b: {  	v20 =	vld [tilespmem:s6+$0x8350]  }
0x3c: {  	v60 =	vld [tilespmem:s6+$0x8360];
	v6 =	vadd.f32 v6, v16  }
0x3d: {  	v21 =	vld [tilespmem:s6+$0x8370];
	v7 =	vadd.f32 v7, v17  }
0x3e: {  	v61 =	vld [tilespmem:s6+$0x8380];
	[tilespmem:s6+$0x8310] =	vst v6;
	v6 =	vadd.f32 v8, v18  }
0x3f: {  	v62 =	vld [tilespmem:s6+$0x8390];
	[tilespmem:s6+$0x8320] =	vst v7;
	v7 =	vadd.f32 v9, v19  }
0x40: {  	v63 =	vld [tilespmem:s6+$0x83A0];
	[tilespmem:s6+$0x8330] =	vst v6;
	v6 =	vadd.f32 v10, v20  }
0x41: {  	v8 =	vadd.f32 v11, v60;
	[tilespmem:s6+$0x8340] =	vst v7;
	v7 =	vld [tilespmem:s6+$0x83B0]  }
0x42: {  	v9 =	vadd.f32 v12, v21;
	[tilespmem:s6+$0x8350] =	vst v6;
	v6 =	vld [tilespmem:s6+$0x83C0]  }
0x43: {  	[tilespmem:s6+$0x8360] =	vst v8;
	v8 =	vld [tilespmem:s6+$0x83D0];
	v10 =	vadd.f32 v13, v61  }
0x44: {  	v12 =	vadd.f32 v14, v62;
	[tilespmem:s6+$0x8370] =	vst v9;
	v9 =	vld [tilespmem:s6+$0x83E0]  }
0x45: {  	s7 =	simm.s32 $0x7C0;
	v11 =	vadd.f32 v15, v63;
	[tilespmem:s6+$0x8380] =	vst v10;
	v10 =	vld [tilespmem:s6+$0x83F0]  }
.LBB2_2:
0x46: {  	s9 =	sshra.s32 s7, $0x2;
	p0 =	sne.s32 s7, $0x18FC0;
	[tilespmem:s6+$0x8390] =	vst v12;
	v5 =	vadd.f32 v5, v7;
	v7 =	vld [tilespmem:s6+$0x8400]  }
0x47: {  	v12 =	vld [tilespmem:s9+$0x1F10];
	[tilespmem:s6+$0x83A0] =	vst v11;
	v4 =	vadd.f32 v4, v6  }
0x48: {  	v6 =	vld [tilespmem:s9+$0x1F20];
	[tilespmem:s6+$0x83B0] =	vst v5;
	v3 =	vadd.f32 v3, v8  }
0x49: {  	v8 =	vld [tilespmem:s9+$0x1F30];
	[tilespmem:s6+$0x83C0] =	vst v4;
	v2 =	vadd.f32 v2, v9  }
0x4a: {  	v9 =	vld [tilespmem:s9+$0x1F40];
	[tilespmem:s6+$0x83D0] =	vst v3;
	v1 =	vadd.f32 v1, v10  }
0x4b: {  	v10 =	vld [tilespmem:s9+$0x1F50];
	[tilespmem:s6+$0x83E0] =	vst v2;
	v0 =	vadd.f32 v0, v7  }
0x4c: {  	v7 =	vld [tilespmem:s9+$0x1F60];
	[tilespmem:s6+$0x83F0] =	vst v1  }
0x4d: {  	v11 =	vld [tilespmem:s9+$0x1F70];
	[tilespmem:s6+$0x8400] =	vst v0;
	s6 =	smov.u32 s9  }
0x4e: {  	v13 =	vld [tilespmem:s6+$0x1F80]  }
0x4f: {  	v14 =	vld [tilespmem:s6+$0x1F90]  }
0x50: {  	v15 =	vld [tilespmem:s6+$0x1FA0]  }
0x51: {  	v5 =	vld [tilespmem:s6+$0x1FB0]  }
0x52: {  	v4 =	vld [tilespmem:s6+$0x1FC0]  }
0x53: {  	v3 =	vld [tilespmem:s6+$0x1FD0]  }
0x54: {  	v2 =	vld [tilespmem:s6+$0x1FE0]  }
0x55: {  	v1 =	vld [tilespmem:s6+$0x1FF0]  }
0x56: {  	v0 =	vld [tilespmem:s6+$0x2000]  }
0x57: {  	v16 =	vld [tilespmem:s6+$0x8310]  }
0x58: {  	v17 =	vld [tilespmem:s6+$0x8320]  }
0x59: {  	v18 =	vld [tilespmem:s6+$0x8330]  }
0x5a: {  	v19 =	vld [tilespmem:s6+$0x8340]  }
0x5b: {  	v20 =	vld [tilespmem:s6+$0x8350]  }
0x5c: {  	v12 =	vadd.f32 v12, v16;
	v16 =	vld [tilespmem:s6+$0x8360]  }
0x5d: {  	v6 =	vadd.f32 v6, v17;
	v17 =	vld [tilespmem:s6+$0x8370]  }
0x5e: {  	[tilespmem:s6+$0x8310] =	vst v12;
	v8 =	vadd.f32 v8, v18;
	v12 =	vld [tilespmem:s6+$0x8380]  }
0x5f: {  	[tilespmem:s6+$0x8320] =	vst v6;
	v6 =	vadd.f32 v9, v19;
	v9 =	vld [tilespmem:s6+$0x8390]  }
0x60: {  	[tilespmem:s6+$0x8330] =	vst v8;
	v8 =	vadd.f32 v10, v20;
	v10 =	vld [tilespmem:s6+$0x83A0]  }
.Ltmp0:
0x61: {  	[tilespmem:s6+$0x8340] =	vst v6;
	v16 =	vadd.f32 v7, v16;
	v7 =	vld [tilespmem:s6+$0x83B0];
	(pc) =	sbr.rel @p0 .LBB2_2-.Ltmp0, $4  }
0x62: {  	[tilespmem:s6+$0x8350] =	vst v8;
	v11 =	vadd.f32 v11, v17;
	v6 =	vld [tilespmem:s6+$0x83C0]  }
0x63: {  	[tilespmem:s6+$0x8360] =	vst v16;
	v13 =	vadd.f32 v13, v12;
	v8 =	vld [tilespmem:s6+$0x83D0]  }
0x64: {  	[tilespmem:s6+$0x8370] =	vst v11;
	v12 =	vadd.f32 v14, v9;
	v9 =	vld [tilespmem:s6+$0x83E0]  }
0x65: {  	s7 =	sadd.s32 $0x400, s7;
	[tilespmem:s6+$0x8380] =	vst v13;
	v11 =	vadd.f32 v15, v10;
	v10 =	vld [tilespmem:s6+$0x83F0]  }
0x66: {  	[tilespmem:s6+$0x8390] =	vst v12;
	v5 =	vadd.f32 v5, v7;
	v7 =	vld [tilespmem:s6+$0x8400]  }
0x67: {  	[tilespmem:s6+$0x83A0] =	vst v11;
	v4 =	vadd.f32 v4, v6  }
0x68: {  	[tilespmem:s6+$0x83B0] =	vst v5;
	v3 =	vadd.f32 v3, v8  }
0x69: {  	[tilespmem:s6+$0x83C0] =	vst v4;
	v2 =	vadd.f32 v2, v9  }
0x6a: {  	[tilespmem:s6+$0x83D0] =	vst v3;
	v1 =	vadd.f32 v1, v10  }
0x6b: {  	[tilespmem:s6+$0x83E0] =	vst v2;
	v0 =	vadd.f32 v0, v7  }
0x6c: {  	[tilespmem:s6+$0x83F0] =	vst v1  }
0x6d: {  	s12 =	simm.s32 $0x0;
	[tilespmem:s6+$0x8400] =	vst v0  }
0x6e: {  	[hbm4b:s8+s12] =	stream.linear.scatter [tilespmem:s19], [sflag:$0x4], $0x6400, $0x38;
	[tilespmem:$0x1B000] =	vst v63  }
0x6f: {  	s13 =	simm.s32 $0x100  }
0x70: {  	[tilespmem:s29], [sflag:$0x3] =	stream.indirect.gather [hbm4b:s2+s18], $0x80, s13, s18, $0xb8;
	[tilespmem:$0x1B000] =	vst v63  }
0x71: {  	s21 =	simm.s32 $0x500  }
0x72: {  	[tilespmem:s31], [sflag:$0x3] =	stream.indirect.gather [hbm4b:s2+s20], $0x80, s21, s20, $0xb8;
	[tilespmem:$0x1B000] =	vst v63  }
0x73: {  	_ =	swait.ge [sflag:s0], $0x6400  }
0x74: {  	[sflag:s0] =	ssyncset.done $0x0  }
0x75: {  	s6 =	simm.s32 $0x0;
	[sflag:s0] =	ssyncadd.s32 $0xFFFF9C00  }
0x76: {  	v6 =	vld [tilespmem:s6+$0x2000]  }
0x77: {  	v7 =	vld [tilespmem:s6+$0x2010]  }
0x78: {  	v8 =	vld [tilespmem:s6+$0x2020]  }
0x79: {  	v9 =	vld [tilespmem:s6+$0x2030]  }
0x7a: {  	v10 =	vld [tilespmem:s6+$0x2040]  }
0x7b: {  	v11 =	vld [tilespmem:s6+$0x2050]  }
0x7c: {  	v12 =	vld [tilespmem:s6+$0x2060]  }
0x7d: {  	v13 =	vld [tilespmem:s6+$0x2070]  }
0x7e: {  	v14 =	vld [tilespmem:s6+$0x2080]  }
0x7f: {  	v15 =	vld [tilespmem:s6+$0x2090]  }
0x80: {  	v5 =	vld [tilespmem:s6+$0x20A0]  }
0x81: {  	v4 =	vld [tilespmem:s6+$0x20B0]  }
0x82: {  	v3 =	vld [tilespmem:s6+$0x20C0]  }
0x83: {  	v2 =	vld [tilespmem:s6+$0x20D0]  }
0x84: {  	v1 =	vld [tilespmem:s6+$0x20E0]  }
0x85: {  	v0 =	vld [tilespmem:s6+$0x20F0]  }
0x86: {  	v16 =	vld [tilespmem:s6+$0xE800]  }
0x87: {  	v17 =	vld [tilespmem:s6+$0xE810]  }
0x88: {  	v18 =	vld [tilespmem:s6+$0xE820]  }
0x89: {  	v19 =	vld [tilespmem:s6+$0xE830]  }
0x8a: {  	v20 =	vld [tilespmem:s6+$0xE840]  }
0x8b: {  	v60 =	vld [tilespmem:s6+$0xE850];
	v6 =	vadd.f32 v6, v16  }
0x8c: {  	v21 =	vld [tilespmem:s6+$0xE860];
	v7 =	vadd.f32 v7, v17  }
0x8d: {  	v61 =	vld [tilespmem:s6+$0xE870];
	[tilespmem:s6+$0xE800] =	vst v6;
	v6 =	vadd.f32 v8, v18  }
0x8e: {  	v62 =	vld [tilespmem:s6+$0xE880];
	[tilespmem:s6+$0xE810] =	vst v7;
	v7 =	vadd.f32 v9, v19  }
0x8f: {  	v63 =	vld [tilespmem:s6+$0xE890];
	[tilespmem:s6+$0xE820] =	vst v6;
	v6 =	vadd.f32 v10, v20  }
0x90: {  	v8 =	vadd.f32 v11, v60;
	[tilespmem:s6+$0xE830] =	vst v7;
	v7 =	vld [tilespmem:s6+$0xE8A0]  }
0x91: {  	v9 =	vadd.f32 v12, v21;
	[tilespmem:s6+$0xE840] =	vst v6;
	v6 =	vld [tilespmem:s6+$0xE8B0]  }
0x92: {  	[tilespmem:s6+$0xE850] =	vst v8;
	v8 =	vld [tilespmem:s6+$0xE8C0];
	v10 =	vadd.f32 v13, v61  }
0x93: {  	v12 =	vadd.f32 v14, v62;
	[tilespmem:s6+$0xE860] =	vst v9;
	v9 =	vld [tilespmem:s6+$0xE8D0]  }
0x94: {  	s7 =	simm.s32 $0x400;
	v11 =	vadd.f32 v15, v63;
	[tilespmem:s6+$0xE870] =	vst v10;
	v10 =	vld [tilespmem:s6+$0xE8E0]  }
.LBB2_4:
0x95: {  	s9 =	sshra.s32 s7, $0x2;
	p0 =	sne.s32 s7, $0x18C00;
	[tilespmem:s6+$0xE880] =	vst v12;
	v5 =	vadd.f32 v5, v7;
	v7 =	vld [tilespmem:s6+$0xE8F0]  }
0x96: {  	v12 =	vld [tilespmem:s9+$0x2000];
	[tilespmem:s6+$0xE890] =	vst v11;
	v4 =	vadd.f32 v4, v6  }
0x97: {  	v6 =	vld [tilespmem:s9+$0x2010];
	[tilespmem:s6+$0xE8A0] =	vst v5;
	v3 =	vadd.f32 v3, v8  }
0x98: {  	v8 =	vld [tilespmem:s9+$0x2020];
	[tilespmem:s6+$0xE8B0] =	vst v4;
	v2 =	vadd.f32 v2, v9  }
0x99: {  	v9 =	vld [tilespmem:s9+$0x2030];
	[tilespmem:s6+$0xE8C0] =	vst v3;
	v1 =	vadd.f32 v1, v10  }
0x9a: {  	v10 =	vld [tilespmem:s9+$0x2040];
	[tilespmem:s6+$0xE8D0] =	vst v2;
	v0 =	vadd.f32 v0, v7  }
0x9b: {  	v7 =	vld [tilespmem:s9+$0x2050];
	[tilespmem:s6+$0xE8E0] =	vst v1  }
0x9c: {  	v11 =	vld [tilespmem:s9+$0x2060];
	[tilespmem:s6+$0xE8F0] =	vst v0;
	s6 =	smov.u32 s9  }
0x9d: {  	v13 =	vld [tilespmem:s6+$0x2070]  }
0x9e: {  	v14 =	vld [tilespmem:s6+$0x2080]  }
0x9f: {  	v15 =	vld [tilespmem:s6+$0x2090]  }
0xa0: {  	v5 =	vld [tilespmem:s6+$0x20A0]  }
0xa1: {  	v4 =	vld [tilespmem:s6+$0x20B0]  }
0xa2: {  	v3 =	vld [tilespmem:s6+$0x20C0]  }
0xa3: {  	v2 =	vld [tilespmem:s6+$0x20D0]  }
0xa4: {  	v1 =	vld [tilespmem:s6+$0x20E0]  }
0xa5: {  	v0 =	vld [tilespmem:s6+$0x20F0]  }
0xa6: {  	v16 =	vld [tilespmem:s6+$0xE800]  }
0xa7: {  	v17 =	vld [tilespmem:s6+$0xE810]  }
0xa8: {  	v18 =	vld [tilespmem:s6+$0xE820]  }
0xa9: {  	v19 =	vld [tilespmem:s6+$0xE830]  }
0xaa: {  	v20 =	vld [tilespmem:s6+$0xE840]  }
0xab: {  	v12 =	vadd.f32 v12, v16;
	v16 =	vld [tilespmem:s6+$0xE850]  }
0xac: {  	v6 =	vadd.f32 v6, v17;
	v17 =	vld [tilespmem:s6+$0xE860]  }
0xad: {  	[tilespmem:s6+$0xE800] =	vst v12;
	v8 =	vadd.f32 v8, v18;
	v12 =	vld [tilespmem:s6+$0xE870]  }
0xae: {  	[tilespmem:s6+$0xE810] =	vst v6;
	v6 =	vadd.f32 v9, v19;
	v9 =	vld [tilespmem:s6+$0xE880]  }
0xaf: {  	[tilespmem:s6+$0xE820] =	vst v8;
	v8 =	vadd.f32 v10, v20;
	v10 =	vld [tilespmem:s6+$0xE890]  }
.Ltmp1:
0xb0: {  	[tilespmem:s6+$0xE830] =	vst v6;
	v16 =	vadd.f32 v7, v16;
	v7 =	vld [tilespmem:s6+$0xE8A0];
	(pc) =	sbr.rel @p0 .LBB2_4-.Ltmp1, $4  }
0xb1: {  	[tilespmem:s6+$0xE840] =	vst v8;
	v11 =	vadd.f32 v11, v17;
	v6 =	vld [tilespmem:s6+$0xE8B0]  }
0xb2: {  	[tilespmem:s6+$0xE850] =	vst v16;
	v13 =	vadd.f32 v13, v12;
	v8 =	vld [tilespmem:s6+$0xE8C0]  }
0xb3: {  	[tilespmem:s6+$0xE860] =	vst v11;
	v12 =	vadd.f32 v14, v9;
	v9 =	vld [tilespmem:s6+$0xE8D0]  }
0xb4: {  	s7 =	sadd.s32 $0x400, s7;
	[tilespmem:s6+$0xE870] =	vst v13;
	v11 =	vadd.f32 v15, v10;
	v10 =	vld [tilespmem:s6+$0xE8E0]  }
0xb5: {  	[tilespmem:s6+$0xE880] =	vst v12;
	v5 =	vadd.f32 v5, v7;
	v63 =	vld [tilespmem:s6+$0xE8F0]  }
0xb6: {  	[tilespmem:s6+$0xE890] =	vst v11;
	v4 =	vadd.f32 v4, v6  }
0xb7: {  	[tilespmem:s6+$0xE8A0] =	vst v5;
	v3 =	vadd.f32 v3, v8  }
0xb8: {  	[tilespmem:s6+$0xE8B0] =	vst v4;
	v2 =	vadd.f32 v2, v9  }
0xb9: {  	[tilespmem:s6+$0xE8C0] =	vst v3;
	v1 =	vadd.f32 v1, v10  }
0xba: {  	[tilespmem:s6+$0xE8D0] =	vst v2;
	v0 =	vadd.f32 v0, v63  }
0xbb: {  	[tilespmem:s6+$0xE8E0] =	vst v1  }
0xbc: {  	s21 =	simm.s32 $0x0;
	s9 =	rddreg [dreg:$0x6];
	[tilespmem:s6+$0xE8F0] =	vst v0  }
0xbd: {  	[hbm4b:s9+s21] =	stream.linear.scatter [tilespmem:s23], [sflag:$0x5], $0x6400, $0x38;
	[tilespmem:$0x1B000] =	vst v63  }
0xbe: {  	_ =	swait.ge [sflag:s1], $0x6400  }
0xbf: {  	[sflag:s1] =	ssyncset.done $0x0  }
0xc0: {  	s12 =	simm.s32 $0x180;
	[sflag:s1] =	ssyncadd.s32 $0xFFFF9C00  }
0xc1: {  	[tilespmem:s19], [sflag:$0x1] =	stream.indirect.gather [hbm4b:s2+s18], $0x80, s12, s18, $0xb8;
	[tilespmem:$0x1B000] =	vst v63  }
0xc2: {  	s13 =	simm.s32 $0x580  }
0xc3: {  	[tilespmem:s22], [sflag:$0x1] =	stream.indirect.gather [hbm4b:s2+s20], $0x80, s13, s20, $0xb8;
	[tilespmem:$0x1B000] =	vst v63  }
.LBB2_6:
0xc4: {  	_ =	swait.ge [sflag:s24], $0x6400  }
0xc5: {  	[sflag:s24] =	ssyncset.done $0x0  }
0xc6: {  	s7 =	simm.s32 $0x0;
	[sflag:s24] =	ssyncadd.s32 $0xFFFF9C00  }
0xc7: {  	v6 =	vld [tilespmem:s7+$0x2000]  }
0xc8: {  	v7 =	vld [tilespmem:s7+$0x2010]  }
0xc9: {  	v8 =	vld [tilespmem:s7+$0x2020]  }
0xca: {  	v9 =	vld [tilespmem:s7+$0x2030]  }
0xcb: {  	v10 =	vld [tilespmem:s7+$0x2040]  }
0xcc: {  	v11 =	vld [tilespmem:s7+$0x2050]  }
0xcd: {  	v12 =	vld [tilespmem:s7+$0x2060]  }
0xce: {  	v13 =	vld [tilespmem:s7+$0x2070]  }
0xcf: {  	v14 =	vld [tilespmem:s7+$0x2080]  }
0xd0: {  	v15 =	vld [tilespmem:s7+$0x2090]  }
0xd1: {  	v5 =	vld [tilespmem:s7+$0x20A0]  }
0xd2: {  	v4 =	vld [tilespmem:s7+$0x20B0]  }
0xd3: {  	v3 =	vld [tilespmem:s7+$0x20C0]  }
0xd4: {  	v2 =	vld [tilespmem:s7+$0x20D0]  }
0xd5: {  	v1 =	vld [tilespmem:s7+$0x20E0]  }
0xd6: {  	v0 =	vld [tilespmem:s7+$0x20F0]  }
0xd7: {  	v16 =	vld [tilespmem:s7+$0x14C00]  }
0xd8: {  	v17 =	vld [tilespmem:s7+$0x14C10]  }
0xd9: {  	v18 =	vld [tilespmem:s7+$0x14C20]  }
0xda: {  	v19 =	vld [tilespmem:s7+$0x14C30]  }
0xdb: {  	v20 =	vld [tilespmem:s7+$0x14C40]  }
0xdc: {  	v60 =	vld [tilespmem:s7+$0x14C50];
	v6 =	vadd.f32 v6, v16  }
0xdd: {  	v21 =	vld [tilespmem:s7+$0x14C60];
	v7 =	vadd.f32 v7, v17  }
0xde: {  	v61 =	vld [tilespmem:s7+$0x14C70];
	[tilespmem:s7+$0x14C00] =	vst v6;
	v6 =	vadd.f32 v8, v18  }
0xdf: {  	v62 =	vld [tilespmem:s7+$0x14C80];
	[tilespmem:s7+$0x14C10] =	vst v7;
	v7 =	vadd.f32 v9, v19  }
0xe0: {  	v63 =	vld [tilespmem:s7+$0x14C90];
	[tilespmem:s7+$0x14C20] =	vst v6;
	v6 =	vadd.f32 v10, v20  }
0xe1: {  	v8 =	vadd.f32 v11, v60;
	[tilespmem:s7+$0x14C30] =	vst v7;
	v7 =	vld [tilespmem:s7+$0x14CA0]  }
0xe2: {  	v9 =	vadd.f32 v12, v21;
	[tilespmem:s7+$0x14C40] =	vst v6;
	v6 =	vld [tilespmem:s7+$0x14CB0]  }
0xe3: {  	[tilespmem:s7+$0x14C50] =	vst v8;
	v8 =	vld [tilespmem:s7+$0x14CC0];
	v10 =	vadd.f32 v13, v61  }
0xe4: {  	v12 =	vadd.f32 v14, v62;
	[tilespmem:s7+$0x14C60] =	vst v9;
	v9 =	vld [tilespmem:s7+$0x14CD0]  }
0xe5: {  	s6 =	simm.s32 $0x400;
	v11 =	vadd.f32 v15, v63;
	[tilespmem:s7+$0x14C70] =	vst v10;
	v10 =	vld [tilespmem:s7+$0x14CE0]  }
.LBB2_7:
0xe6: {  	s9 =	sshra.s32 s6, $0x2;
	p0 =	sne.s32 s6, $0x18C00;
	[tilespmem:s7+$0x14C80] =	vst v12;
	v5 =	vadd.f32 v5, v7;
	v7 =	vld [tilespmem:s7+$0x14CF0]  }
0xe7: {  	v12 =	vld [tilespmem:s9+$0x2000];
	[tilespmem:s7+$0x14C90] =	vst v11;
	v4 =	vadd.f32 v4, v6  }
0xe8: {  	v6 =	vld [tilespmem:s9+$0x2010];
	[tilespmem:s7+$0x14CA0] =	vst v5;
	v3 =	vadd.f32 v3, v8  }
0xe9: {  	v8 =	vld [tilespmem:s9+$0x2020];
	[tilespmem:s7+$0x14CB0] =	vst v4;
	v2 =	vadd.f32 v2, v9  }
0xea: {  	v9 =	vld [tilespmem:s9+$0x2030];
	[tilespmem:s7+$0x14CC0] =	vst v3;
	v1 =	vadd.f32 v1, v10  }
0xeb: {  	v10 =	vld [tilespmem:s9+$0x2040];
	[tilespmem:s7+$0x14CD0] =	vst v2;
	v0 =	vadd.f32 v0, v7  }
0xec: {  	v7 =	vld [tilespmem:s9+$0x2050];
	[tilespmem:s7+$0x14CE0] =	vst v1  }
0xed: {  	v11 =	vld [tilespmem:s9+$0x2060];
	[tilespmem:s7+$0x14CF0] =	vst v0;
	s7 =	smov.u32 s9  }
0xee: {  	v13 =	vld [tilespmem:s7+$0x2070]  }
0xef: {  	v14 =	vld [tilespmem:s7+$0x2080]  }
0xf0: {  	v15 =	vld [tilespmem:s7+$0x2090]  }
0xf1: {  	v5 =	vld [tilespmem:s7+$0x20A0]  }
0xf2: {  	v4 =	vld [tilespmem:s7+$0x20B0]  }
0xf3: {  	v3 =	vld [tilespmem:s7+$0x20C0]  }
0xf4: {  	v2 =	vld [tilespmem:s7+$0x20D0]  }
0xf5: {  	v1 =	vld [tilespmem:s7+$0x20E0]  }
0xf6: {  	v0 =	vld [tilespmem:s7+$0x20F0]  }
0xf7: {  	v16 =	vld [tilespmem:s7+$0x14C00]  }
0xf8: {  	v17 =	vld [tilespmem:s7+$0x14C10]  }
0xf9: {  	v18 =	vld [tilespmem:s7+$0x14C20]  }
0xfa: {  	v19 =	vld [tilespmem:s7+$0x14C30]  }
0xfb: {  	v20 =	vld [tilespmem:s7+$0x14C40]  }
0xfc: {  	v12 =	vadd.f32 v12, v16;
	v16 =	vld [tilespmem:s7+$0x14C50]  }
0xfd: {  	v6 =	vadd.f32 v6, v17;
	v17 =	vld [tilespmem:s7+$0x14C60]  }
0xfe: {  	[tilespmem:s7+$0x14C00] =	vst v12;
	v8 =	vadd.f32 v8, v18;
	v12 =	vld [tilespmem:s7+$0x14C70]  }
0xff: {  	[tilespmem:s7+$0x14C10] =	vst v6;
	v6 =	vadd.f32 v9, v19;
	v9 =	vld [tilespmem:s7+$0x14C80]  }
0x100: {  	[tilespmem:s7+$0x14C20] =	vst v8;
	v8 =	vadd.f32 v10, v20;
	v10 =	vld [tilespmem:s7+$0x14C90]  }
.Ltmp2:
0x101: {  	[tilespmem:s7+$0x14C30] =	vst v6;
	v16 =	vadd.f32 v7, v16;
	v7 =	vld [tilespmem:s7+$0x14CA0];
	(pc) =	sbr.rel @p0 .LBB2_7-.Ltmp2, $4  }
0x102: {  	[tilespmem:s7+$0x14C40] =	vst v8;
	v11 =	vadd.f32 v11, v17;
	v6 =	vld [tilespmem:s7+$0x14CB0]  }
0x103: {  	[tilespmem:s7+$0x14C50] =	vst v16;
	v13 =	vadd.f32 v13, v12;
	v8 =	vld [tilespmem:s7+$0x14CC0]  }
0x104: {  	[tilespmem:s7+$0x14C60] =	vst v11;
	v12 =	vadd.f32 v14, v9;
	v9 =	vld [tilespmem:s7+$0x14CD0]  }
0x105: {  	s6 =	sadd.s32 $0x400, s6;
	[tilespmem:s7+$0x14C70] =	vst v13;
	v11 =	vadd.f32 v15, v10;
	v10 =	vld [tilespmem:s7+$0x14CE0]  }
0x106: {  	[tilespmem:s7+$0x14C80] =	vst v12;
	v5 =	vadd.f32 v5, v7;
	v7 =	vld [tilespmem:s7+$0x14CF0]  }
0x107: {  	[tilespmem:s7+$0x14C90] =	vst v11;
	v4 =	vadd.f32 v4, v6  }
0x108: {  	s6 =	smul.u32 $0x3, s21;
	[tilespmem:s7+$0x14CA0] =	vst v5;
	v3 =	vadd.f32 v3, v8  }
0x109: {  	[tilespmem:s7+$0x14CB0] =	vst v4;
	v2 =	vadd.f32 v2, v9  }
0x10a: {  	s9 =	sadd.s32 s6, s10;
	[tilespmem:s7+$0x14CC0] =	vst v3;
	v1 =	vadd.f32 v1, v10  }
0x10b: {  	s9 =	smul.u32 $0xC80, s9;
	[tilespmem:s7+$0x14CD0] =	vst v2;
	v0 =	vadd.f32 v0, v7  }
0x10c: {  	[tilespmem:s7+$0x14CE0] =	vst v1  }
0x10d: {  	s12 =	sadd.s32 s3, s9;
	[tilespmem:s7+$0x14CF0] =	vst v0;
	s7 =	sadd.s32 $0x4, s6  }
0x10e: {  	[hbm4b:s12+s4] =	stream.linear.scatter [tilespmem:s29], [sflag:$0x6], $0x6400, $0x38;
	[tilespmem:$0x1B000] =	vst v63  }
0x10f: {  	s13 =	sshll.u32 s7, $0x8;
	s12 =	sshll.u32 s7, $0x7;
	_ =	swait.ge [sflag:s28], $0x6400  }
0x110: {  	s9 =	sand.u32 $0x7800, s13;
	s12 =	sand.u32 $0x380, s12;
	[sflag:s28] =	ssyncset.done $0x0  }
0x111: {  	s9 =	sor.u32 s12, s9;
	[sflag:s28] =	ssyncadd.s32 $0xFFFF9C00  }
0x112: {  	[tilespmem:s23], [sflag:$0x2] =	stream.indirect.gather [hbm4b:s2+s18], $0x80, s9, s18, $0xb8;
	[tilespmem:$0x1B000] =	vst v63  }
0x113: {  	s9 =	sor.u32 $0x400, s9  }
0x114: {  	[tilespmem:s25], [sflag:$0x2] =	stream.indirect.gather [hbm4b:s2+s20], $0x80, s9, s20, $0xb8;
	[tilespmem:$0x1B000] =	vst v63  }
0x115: {  	_ =	swait.ge [sflag:s26], $0x6400  }
0x116: {  	[sflag:s26] =	ssyncset.done $0x0  }
0x117: {  	s9 =	simm.s32 $0xF0;
	[sflag:s26] =	ssyncadd.s32 $0xFFFF9C00  }
0x118: {  	v6 =	vld [tilespmem:s9+$0x1F10]  }
0x119: {  	v7 =	vld [tilespmem:s9+$0x1F20]  }
0x11a: {  	v8 =	vld [tilespmem:s9+$0x1F30]  }
0x11b: {  	v9 =	vld [tilespmem:s9+$0x1F40]  }
0x11c: {  	v10 =	vld [tilespmem:s9+$0x1F50]  }
0x11d: {  	v11 =	vld [tilespmem:s9+$0x1F60]  }
0x11e: {  	v12 =	vld [tilespmem:s9+$0x1F70]  }
0x11f: {  	v13 =	vld [tilespmem:s9+$0x1F80]  }
0x120: {  	v14 =	vld [tilespmem:s9+$0x1F90]  }
0x121: {  	v15 =	vld [tilespmem:s9+$0x1FA0]  }
0x122: {  	v5 =	vld [tilespmem:s9+$0x1FB0]  }
0x123: {  	v4 =	vld [tilespmem:s9+$0x1FC0]  }
0x124: {  	v3 =	vld [tilespmem:s9+$0x1FD0]  }
0x125: {  	v2 =	vld [tilespmem:s9+$0x1FE0]  }
0x126: {  	v1 =	vld [tilespmem:s9+$0x1FF0]  }
0x127: {  	v0 =	vld [tilespmem:s9+$0x2000]  }
0x128: {  	v16 =	vld [tilespmem:s9+$0x8310]  }
0x129: {  	v17 =	vld [tilespmem:s9+$0x8320]  }
0x12a: {  	v18 =	vld [tilespmem:s9+$0x8330]  }
0x12b: {  	v19 =	vld [tilespmem:s9+$0x8340]  }
0x12c: {  	v20 =	vld [tilespmem:s9+$0x8350]  }
0x12d: {  	v60 =	vld [tilespmem:s9+$0x8360];
	v6 =	vadd.f32 v6, v16  }
0x12e: {  	v21 =	vld [tilespmem:s9+$0x8370];
	v7 =	vadd.f32 v7, v17  }
0x12f: {  	v61 =	vld [tilespmem:s9+$0x8380];
	[tilespmem:s9+$0x8310] =	vst v6;
	v6 =	vadd.f32 v8, v18  }
0x130: {  	v62 =	vld [tilespmem:s9+$0x8390];
	[tilespmem:s9+$0x8320] =	vst v7;
	v7 =	vadd.f32 v9, v19  }
0x131: {  	v63 =	vld [tilespmem:s9+$0x83A0];
	[tilespmem:s9+$0x8330] =	vst v6;
	v6 =	vadd.f32 v10, v20  }
0x132: {  	v8 =	vadd.f32 v11, v60;
	[tilespmem:s9+$0x8340] =	vst v7;
	v7 =	vld [tilespmem:s9+$0x83B0]  }
0x133: {  	v9 =	vadd.f32 v12, v21;
	[tilespmem:s9+$0x8350] =	vst v6;
	v6 =	vld [tilespmem:s9+$0x83C0]  }
0x134: {  	[tilespmem:s9+$0x8360] =	vst v8;
	v8 =	vld [tilespmem:s9+$0x83D0];
	v10 =	vadd.f32 v13, v61  }
0x135: {  	v12 =	vadd.f32 v14, v62;
	[tilespmem:s9+$0x8370] =	vst v9;
	v9 =	vld [tilespmem:s9+$0x83E0]  }
0x136: {  	s12 =	simm.s32 $0x7C0;
	v11 =	vadd.f32 v15, v63;
	[tilespmem:s9+$0x8380] =	vst v10;
	v10 =	vld [tilespmem:s9+$0x83F0]  }
.LBB2_9:
0x137: {  	s13 =	sshra.s32 s12, $0x2;
	p0 =	sne.s32 s12, $0x18FC0;
	[tilespmem:s9+$0x8390] =	vst v12;
	v5 =	vadd.f32 v5, v7;
	v7 =	vld [tilespmem:s9+$0x8400]  }
0x138: {  	v12 =	vld [tilespmem:s13+$0x1F10];
	[tilespmem:s9+$0x83A0] =	vst v11;
	v4 =	vadd.f32 v4, v6  }
0x139: {  	v6 =	vld [tilespmem:s13+$0x1F20];
	[tilespmem:s9+$0x83B0] =	vst v5;
	v3 =	vadd.f32 v3, v8  }
0x13a: {  	v8 =	vld [tilespmem:s13+$0x1F30];
	[tilespmem:s9+$0x83C0] =	vst v4;
	v2 =	vadd.f32 v2, v9  }
0x13b: {  	v9 =	vld [tilespmem:s13+$0x1F40];
	[tilespmem:s9+$0x83D0] =	vst v3;
	v1 =	vadd.f32 v1, v10  }
0x13c: {  	v10 =	vld [tilespmem:s13+$0x1F50];
	[tilespmem:s9+$0x83E0] =	vst v2;
	v0 =	vadd.f32 v0, v7  }
0x13d: {  	v7 =	vld [tilespmem:s13+$0x1F60];
	[tilespmem:s9+$0x83F0] =	vst v1  }
0x13e: {  	v11 =	vld [tilespmem:s13+$0x1F70];
	[tilespmem:s9+$0x8400] =	vst v0;
	s9 =	smov.u32 s13  }
0x13f: {  	v13 =	vld [tilespmem:s9+$0x1F80]  }
0x140: {  	v14 =	vld [tilespmem:s9+$0x1F90]  }
0x141: {  	v15 =	vld [tilespmem:s9+$0x1FA0]  }
0x142: {  	v5 =	vld [tilespmem:s9+$0x1FB0]  }
0x143: {  	v4 =	vld [tilespmem:s9+$0x1FC0]  }
0x144: {  	v3 =	vld [tilespmem:s9+$0x1FD0]  }
0x145: {  	v2 =	vld [tilespmem:s9+$0x1FE0]  }
0x146: {  	v1 =	vld [tilespmem:s9+$0x1FF0]  }
0x147: {  	v0 =	vld [tilespmem:s9+$0x2000]  }
0x148: {  	v16 =	vld [tilespmem:s9+$0x8310]  }
0x149: {  	v17 =	vld [tilespmem:s9+$0x8320]  }
0x14a: {  	v18 =	vld [tilespmem:s9+$0x8330]  }
0x14b: {  	v19 =	vld [tilespmem:s9+$0x8340]  }
0x14c: {  	v20 =	vld [tilespmem:s9+$0x8350]  }
0x14d: {  	v12 =	vadd.f32 v12, v16;
	v16 =	vld [tilespmem:s9+$0x8360]  }
0x14e: {  	v6 =	vadd.f32 v6, v17;
	v17 =	vld [tilespmem:s9+$0x8370]  }
0x14f: {  	[tilespmem:s9+$0x8310] =	vst v12;
	v8 =	vadd.f32 v8, v18;
	v12 =	vld [tilespmem:s9+$0x8380]  }
0x150: {  	[tilespmem:s9+$0x8320] =	vst v6;
	v6 =	vadd.f32 v9, v19;
	v9 =	vld [tilespmem:s9+$0x8390]  }
0x151: {  	[tilespmem:s9+$0x8330] =	vst v8;
	v8 =	vadd.f32 v10, v20;
	v10 =	vld [tilespmem:s9+$0x83A0]  }
.Ltmp3:
0x152: {  	[tilespmem:s9+$0x8340] =	vst v6;
	v16 =	vadd.f32 v7, v16;
	v7 =	vld [tilespmem:s9+$0x83B0];
	(pc) =	sbr.rel @p0 .LBB2_9-.Ltmp3, $4  }
0x153: {  	[tilespmem:s9+$0x8350] =	vst v8;
	v11 =	vadd.f32 v11, v17;
	v6 =	vld [tilespmem:s9+$0x83C0]  }
0x154: {  	[tilespmem:s9+$0x8360] =	vst v16;
	v13 =	vadd.f32 v13, v12;
	v8 =	vld [tilespmem:s9+$0x83D0]  }
0x155: {  	[tilespmem:s9+$0x8370] =	vst v11;
	v12 =	vadd.f32 v14, v9;
	v9 =	vld [tilespmem:s9+$0x83E0]  }
0x156: {  	s12 =	sadd.s32 $0x400, s12;
	[tilespmem:s9+$0x8380] =	vst v13;
	v11 =	vadd.f32 v15, v10;
	v10 =	vld [tilespmem:s9+$0x83F0]  }
0x157: {  	[tilespmem:s9+$0x8390] =	vst v12;
	v5 =	vadd.f32 v5, v7;
	v7 =	vld [tilespmem:s9+$0x8400]  }
0x158: {  	[tilespmem:s9+$0x83A0] =	vst v11;
	v4 =	vadd.f32 v4, v6  }
0x159: {  	[tilespmem:s9+$0x83B0] =	vst v5;
	v3 =	vadd.f32 v3, v8  }
0x15a: {  	[tilespmem:s9+$0x83C0] =	vst v4;
	v2 =	vadd.f32 v2, v9  }
0x15b: {  	s12 =	sadd.s32 s6, s11;
	[tilespmem:s9+$0x83D0] =	vst v3;
	v1 =	vadd.f32 v1, v10  }
0x15c: {  	s12 =	smul.u32 $0xC80, s12;
	[tilespmem:s9+$0x83E0] =	vst v2;
	v0 =	vadd.f32 v0, v7  }
0x15d: {  	[tilespmem:s9+$0x83F0] =	vst v1  }
0x15e: {  	s13 =	simm.s32 $0x0;
	s12 =	sadd.s32 s3, s12;
	[tilespmem:s9+$0x8400] =	vst v0  }
0x15f: {  	[hbm4b:s12+s13] =	stream.linear.scatter [tilespmem:s19], [sflag:$0x4], $0x6400, $0x38;
	[tilespmem:$0x1B000] =	vst v63  }
0x160: {  	s12 =	sadd.s32 $0x5, s6  }
0x161: {  	_ =	swait.ge [sflag:s30], $0x6400;
	s13 =	sshll.u32 s12, $0x8;
	s9 =	sshll.u32 s12, $0x7  }
0x162: {  	[sflag:s30] =	ssyncset.done $0x0;
	s12 =	sand.u32 $0x7800, s13;
	s9 =	sand.u32 $0x380, s9  }
0x163: {  	[sflag:s30] =	ssyncadd.s32 $0xFFFF9C00;
	s9 =	sor.u32 s9, s12  }
0x164: {  	[tilespmem:s29], [sflag:$0x3] =	stream.indirect.gather [hbm4b:s2+s18], $0x80, s9, s18, $0xb8;
	[tilespmem:$0x1B000] =	vst v63  }
0x165: {  	s9 =	sor.u32 $0x400, s9  }
0x166: {  	[tilespmem:s31], [sflag:$0x3] =	stream.indirect.gather [hbm4b:s2+s20], $0x80, s9, s20, $0xb8;
	[tilespmem:$0x1B000] =	vst v63  }
0x167: {  	_ =	swait.ge [sflag:s0], $0x6400  }
0x168: {  	[sflag:s0] =	ssyncset.done $0x0  }
0x169: {  	s9 =	simm.s32 $0x0;
	[sflag:s0] =	ssyncadd.s32 $0xFFFF9C00  }
0x16a: {  	v6 =	vld [tilespmem:s9+$0x2000]  }
0x16b: {  	v7 =	vld [tilespmem:s9+$0x2010]  }
0x16c: {  	v8 =	vld [tilespmem:s9+$0x2020]  }
0x16d: {  	v9 =	vld [tilespmem:s9+$0x2030]  }
0x16e: {  	v10 =	vld [tilespmem:s9+$0x2040]  }
0x16f: {  	v11 =	vld [tilespmem:s9+$0x2050]  }
0x170: {  	v12 =	vld [tilespmem:s9+$0x2060]  }
0x171: {  	v13 =	vld [tilespmem:s9+$0x2070]  }
0x172: {  	v14 =	vld [tilespmem:s9+$0x2080]  }
0x173: {  	v15 =	vld [tilespmem:s9+$0x2090]  }
0x174: {  	v5 =	vld [tilespmem:s9+$0x20A0]  }
0x175: {  	v4 =	vld [tilespmem:s9+$0x20B0]  }
0x176: {  	v3 =	vld [tilespmem:s9+$0x20C0]  }
0x177: {  	v2 =	vld [tilespmem:s9+$0x20D0]  }
0x178: {  	v1 =	vld [tilespmem:s9+$0x20E0]  }
0x179: {  	v0 =	vld [tilespmem:s9+$0x20F0]  }
0x17a: {  	v16 =	vld [tilespmem:s9+$0xE800]  }
0x17b: {  	v17 =	vld [tilespmem:s9+$0xE810]  }
0x17c: {  	v18 =	vld [tilespmem:s9+$0xE820]  }
0x17d: {  	v19 =	vld [tilespmem:s9+$0xE830]  }
0x17e: {  	v20 =	vld [tilespmem:s9+$0xE840]  }
0x17f: {  	v60 =	vld [tilespmem:s9+$0xE850];
	v6 =	vadd.f32 v6, v16  }
0x180: {  	v21 =	vld [tilespmem:s9+$0xE860];
	v7 =	vadd.f32 v7, v17  }
0x181: {  	v61 =	vld [tilespmem:s9+$0xE870];
	[tilespmem:s9+$0xE800] =	vst v6;
	v6 =	vadd.f32 v8, v18  }
0x182: {  	v62 =	vld [tilespmem:s9+$0xE880];
	[tilespmem:s9+$0xE810] =	vst v7;
	v7 =	vadd.f32 v9, v19  }
0x183: {  	v63 =	vld [tilespmem:s9+$0xE890];
	[tilespmem:s9+$0xE820] =	vst v6;
	v6 =	vadd.f32 v10, v20  }
0x184: {  	v8 =	vadd.f32 v11, v60;
	[tilespmem:s9+$0xE830] =	vst v7;
	v7 =	vld [tilespmem:s9+$0xE8A0]  }
0x185: {  	v9 =	vadd.f32 v12, v21;
	[tilespmem:s9+$0xE840] =	vst v6;
	v6 =	vld [tilespmem:s9+$0xE8B0]  }
0x186: {  	[tilespmem:s9+$0xE850] =	vst v8;
	v8 =	vld [tilespmem:s9+$0xE8C0];
	v10 =	vadd.f32 v13, v61  }
0x187: {  	v12 =	vadd.f32 v14, v62;
	[tilespmem:s9+$0xE860] =	vst v9;
	v9 =	vld [tilespmem:s9+$0xE8D0]  }
0x188: {  	s12 =	simm.s32 $0x400;
	v11 =	vadd.f32 v15, v63;
	[tilespmem:s9+$0xE870] =	vst v10;
	v10 =	vld [tilespmem:s9+$0xE8E0]  }
.LBB2_11:
0x189: {  	s13 =	sshra.s32 s12, $0x2;
	p0 =	sne.s32 s12, $0x18C00;
	[tilespmem:s9+$0xE880] =	vst v12;
	v5 =	vadd.f32 v5, v7;
	v7 =	vld [tilespmem:s9+$0xE8F0]  }
0x18a: {  	v12 =	vld [tilespmem:s13+$0x2000];
	[tilespmem:s9+$0xE890] =	vst v11;
	v4 =	vadd.f32 v4, v6  }
0x18b: {  	v6 =	vld [tilespmem:s13+$0x2010];
	[tilespmem:s9+$0xE8A0] =	vst v5;
	v3 =	vadd.f32 v3, v8  }
0x18c: {  	v8 =	vld [tilespmem:s13+$0x2020];
	[tilespmem:s9+$0xE8B0] =	vst v4;
	v2 =	vadd.f32 v2, v9  }
0x18d: {  	v9 =	vld [tilespmem:s13+$0x2030];
	[tilespmem:s9+$0xE8C0] =	vst v3;
	v1 =	vadd.f32 v1, v10  }
0x18e: {  	v10 =	vld [tilespmem:s13+$0x2040];
	[tilespmem:s9+$0xE8D0] =	vst v2;
	v0 =	vadd.f32 v0, v7  }
0x18f: {  	v7 =	vld [tilespmem:s13+$0x2050];
	[tilespmem:s9+$0xE8E0] =	vst v1  }
0x190: {  	v11 =	vld [tilespmem:s13+$0x2060];
	[tilespmem:s9+$0xE8F0] =	vst v0;
	s9 =	smov.u32 s13  }
0x191: {  	v13 =	vld [tilespmem:s9+$0x2070]  }
0x192: {  	v14 =	vld [tilespmem:s9+$0x2080]  }
0x193: {  	v15 =	vld [tilespmem:s9+$0x2090]  }
0x194: {  	v5 =	vld [tilespmem:s9+$0x20A0]  }
0x195: {  	v4 =	vld [tilespmem:s9+$0x20B0]  }
0x196: {  	v3 =	vld [tilespmem:s9+$0x20C0]  }
0x197: {  	v2 =	vld [tilespmem:s9+$0x20D0]  }
0x198: {  	v1 =	vld [tilespmem:s9+$0x20E0]  }
0x199: {  	v0 =	vld [tilespmem:s9+$0x20F0]  }
0x19a: {  	v16 =	vld [tilespmem:s9+$0xE800]  }
0x19b: {  	v17 =	vld [tilespmem:s9+$0xE810]  }
0x19c: {  	v18 =	vld [tilespmem:s9+$0xE820]  }
0x19d: {  	v19 =	vld [tilespmem:s9+$0xE830]  }
0x19e: {  	v20 =	vld [tilespmem:s9+$0xE840]  }
0x19f: {  	v12 =	vadd.f32 v12, v16;
	v16 =	vld [tilespmem:s9+$0xE850]  }
0x1a0: {  	v6 =	vadd.f32 v6, v17;
	v17 =	vld [tilespmem:s9+$0xE860]  }
0x1a1: {  	[tilespmem:s9+$0xE800] =	vst v12;
	v8 =	vadd.f32 v8, v18;
	v12 =	vld [tilespmem:s9+$0xE870]  }
0x1a2: {  	[tilespmem:s9+$0xE810] =	vst v6;
	v6 =	vadd.f32 v9, v19;
	v9 =	vld [tilespmem:s9+$0xE880]  }
0x1a3: {  	[tilespmem:s9+$0xE820] =	vst v8;
	v8 =	vadd.f32 v10, v20;
	v10 =	vld [tilespmem:s9+$0xE890]  }
.Ltmp4:
0x1a4: {  	[tilespmem:s9+$0xE830] =	vst v6;
	v16 =	vadd.f32 v7, v16;
	v7 =	vld [tilespmem:s9+$0xE8A0];
	(pc) =	sbr.rel @p0 .LBB2_11-.Ltmp4, $4  }
0x1a5: {  	[tilespmem:s9+$0xE840] =	vst v8;
	v11 =	vadd.f32 v11, v17;
	v6 =	vld [tilespmem:s9+$0xE8B0]  }
0x1a6: {  	[tilespmem:s9+$0xE850] =	vst v16;
	v13 =	vadd.f32 v13, v12;
	v8 =	vld [tilespmem:s9+$0xE8C0]  }
0x1a7: {  	[tilespmem:s9+$0xE860] =	vst v11;
	v12 =	vadd.f32 v14, v9;
	v9 =	vld [tilespmem:s9+$0xE8D0]  }
0x1a8: {  	s12 =	sadd.s32 $0x400, s12;
	[tilespmem:s9+$0xE870] =	vst v13;
	v11 =	vadd.f32 v15, v10;
	v10 =	vld [tilespmem:s9+$0xE8E0]  }
0x1a9: {  	[tilespmem:s9+$0xE880] =	vst v12;
	v5 =	vadd.f32 v5, v7;
	v63 =	vld [tilespmem:s9+$0xE8F0]  }
0x1aa: {  	[tilespmem:s9+$0xE890] =	vst v11;
	v4 =	vadd.f32 v4, v6  }
0x1ab: {  	[tilespmem:s9+$0xE8A0] =	vst v5;
	v3 =	vadd.f32 v3, v8  }
0x1ac: {  	[tilespmem:s9+$0xE8B0] =	vst v4;
	v2 =	vadd.f32 v2, v9  }
0x1ad: {  	s7 =	sadd.s32 s5, s7;
	[tilespmem:s9+$0xE8C0] =	vst v3;
	v1 =	vadd.f32 v1, v10  }
0x1ae: {  	s7 =	smul.u32 $0xC80, s7;
	[tilespmem:s9+$0xE8D0] =	vst v2;
	v0 =	vadd.f32 v0, v63  }
0x1af: {  	s6 =	sadd.s32 $0x6, s6;
	s21 =	sadd.s32 $0x1, s21;
	[tilespmem:s9+$0xE8E0] =	vst v1  }
0x1b0: {  	s13 =	sshll.u32 s6, $0x8;
	s6 =	sshll.u32 s6, $0x7;
	s7 =	sadd.s32 s3, s7;
	[tilespmem:s9+$0xE8F0] =	vst v0  }
0x1b1: {  	[hbm4b:s7+s4] =	stream.linear.scatter [tilespmem:s23], [sflag:$0x5], $0x6400, $0x38;
	[tilespmem:$0x1B000] =	vst v63  }
0x1b2: {  	p0 =	sne.s32 s21, $0x9;
	s6 =	sand.u32 $0x380, s6;
	_ =	swait.ge [sflag:s1], $0x6400  }
.Ltmp5:
0x1b3: {  	s7 =	sand.u32 $0x7800, s13;
	[sflag:s1] =	ssyncset.done $0x0;
	(pc) =	sbr.rel @p0 .LBB2_6-.Ltmp5, $4  }
0x1b4: {  	s6 =	sor.u32 s6, s7;
	[sflag:s1] =	ssyncadd.s32 $0xFFFF9C00  }
0x1b5: {  	[tilespmem:s19], [sflag:$0x1] =	stream.indirect.gather [hbm4b:s2+s18], $0x80, s6, s18, $0xb8;
	[tilespmem:$0x1B000] =	vst v63  }
0x1b6: {  	s6 =	sor.u32 $0x400, s6  }
0x1b7: {  	[tilespmem:s22], [sflag:$0x1] =	stream.indirect.gather [hbm4b:s2+s20], $0x80, s6, s20, $0xb8;
	[tilespmem:$0x1B000] =	vst v63  }
0x1b8: {  	_ =	swait.ge [sflag:s24], $0x6400  }
0x1b9: {  	[sflag:s24] =	ssyncset.done $0x0  }
0x1ba: {  	s6 =	simm.s32 $0x0;
	[sflag:s24] =	ssyncadd.s32 $0xFFFF9C00  }
0x1bb: {  	v6 =	vld [tilespmem:s6+$0x2000]  }
0x1bc: {  	v7 =	vld [tilespmem:s6+$0x2010]  }
0x1bd: {  	v8 =	vld [tilespmem:s6+$0x2020]  }
0x1be: {  	v9 =	vld [tilespmem:s6+$0x2030]  }
0x1bf: {  	v10 =	vld [tilespmem:s6+$0x2040]  }
0x1c0: {  	v11 =	vld [tilespmem:s6+$0x2050]  }
0x1c1: {  	v12 =	vld [tilespmem:s6+$0x2060]  }
0x1c2: {  	v13 =	vld [tilespmem:s6+$0x2070]  }
0x1c3: {  	v14 =	vld [tilespmem:s6+$0x2080]  }
0x1c4: {  	v15 =	vld [tilespmem:s6+$0x2090]  }
0x1c5: {  	v5 =	vld [tilespmem:s6+$0x20A0]  }
0x1c6: {  	v4 =	vld [tilespmem:s6+$0x20B0]  }
0x1c7: {  	v3 =	vld [tilespmem:s6+$0x20C0]  }
0x1c8: {  	v2 =	vld [tilespmem:s6+$0x20D0]  }
0x1c9: {  	v1 =	vld [tilespmem:s6+$0x20E0]  }
0x1ca: {  	v0 =	vld [tilespmem:s6+$0x20F0]  }
0x1cb: {  	v16 =	vld [tilespmem:s6+$0x14C00]  }
0x1cc: {  	v17 =	vld [tilespmem:s6+$0x14C10]  }
0x1cd: {  	v18 =	vld [tilespmem:s6+$0x14C20]  }
0x1ce: {  	v19 =	vld [tilespmem:s6+$0x14C30]  }
0x1cf: {  	v20 =	vld [tilespmem:s6+$0x14C40]  }
0x1d0: {  	v60 =	vld [tilespmem:s6+$0x14C50];
	v6 =	vadd.f32 v6, v16  }
0x1d1: {  	v21 =	vld [tilespmem:s6+$0x14C60];
	v7 =	vadd.f32 v7, v17  }
0x1d2: {  	v61 =	vld [tilespmem:s6+$0x14C70];
	[tilespmem:s6+$0x14C00] =	vst v6;
	v6 =	vadd.f32 v8, v18  }
0x1d3: {  	v62 =	vld [tilespmem:s6+$0x14C80];
	[tilespmem:s6+$0x14C10] =	vst v7;
	v7 =	vadd.f32 v9, v19  }
0x1d4: {  	v63 =	vld [tilespmem:s6+$0x14C90];
	[tilespmem:s6+$0x14C20] =	vst v6;
	v6 =	vadd.f32 v10, v20  }
0x1d5: {  	v8 =	vadd.f32 v11, v60;
	[tilespmem:s6+$0x14C30] =	vst v7;
	v7 =	vld [tilespmem:s6+$0x14CA0]  }
0x1d6: {  	v9 =	vadd.f32 v12, v21;
	[tilespmem:s6+$0x14C40] =	vst v6;
	v6 =	vld [tilespmem:s6+$0x14CB0]  }
0x1d7: {  	[tilespmem:s6+$0x14C50] =	vst v8;
	v8 =	vld [tilespmem:s6+$0x14CC0];
	v10 =	vadd.f32 v13, v61  }
0x1d8: {  	v12 =	vadd.f32 v14, v62;
	[tilespmem:s6+$0x14C60] =	vst v9;
	v9 =	vld [tilespmem:s6+$0x14CD0]  }
0x1d9: {  	s7 =	simm.s32 $0x400;
	v11 =	vadd.f32 v15, v63;
	[tilespmem:s6+$0x14C70] =	vst v10;
	v10 =	vld [tilespmem:s6+$0x14CE0]  }
.LBB2_14:
0x1da: {  	s9 =	sshra.s32 s7, $0x2;
	p0 =	sne.s32 s7, $0x18C00;
	[tilespmem:s6+$0x14C80] =	vst v12;
	v5 =	vadd.f32 v5, v7;
	v7 =	vld [tilespmem:s6+$0x14CF0]  }
0x1db: {  	v12 =	vld [tilespmem:s9+$0x2000];
	[tilespmem:s6+$0x14C90] =	vst v11;
	v4 =	vadd.f32 v4, v6  }
0x1dc: {  	v6 =	vld [tilespmem:s9+$0x2010];
	[tilespmem:s6+$0x14CA0] =	vst v5;
	v3 =	vadd.f32 v3, v8  }
0x1dd: {  	v8 =	vld [tilespmem:s9+$0x2020];
	[tilespmem:s6+$0x14CB0] =	vst v4;
	v2 =	vadd.f32 v2, v9  }
0x1de: {  	v9 =	vld [tilespmem:s9+$0x2030];
	[tilespmem:s6+$0x14CC0] =	vst v3;
	v1 =	vadd.f32 v1, v10  }
0x1df: {  	v10 =	vld [tilespmem:s9+$0x2040];
	[tilespmem:s6+$0x14CD0] =	vst v2;
	v0 =	vadd.f32 v0, v7  }
0x1e0: {  	v7 =	vld [tilespmem:s9+$0x2050];
	[tilespmem:s6+$0x14CE0] =	vst v1  }
0x1e1: {  	v11 =	vld [tilespmem:s9+$0x2060];
	[tilespmem:s6+$0x14CF0] =	vst v0;
	s6 =	smov.u32 s9  }
0x1e2: {  	v13 =	vld [tilespmem:s6+$0x2070]  }
0x1e3: {  	v14 =	vld [tilespmem:s6+$0x2080]  }
0x1e4: {  	v15 =	vld [tilespmem:s6+$0x2090]  }
0x1e5: {  	v5 =	vld [tilespmem:s6+$0x20A0]  }
0x1e6: {  	v4 =	vld [tilespmem:s6+$0x20B0]  }
0x1e7: {  	v3 =	vld [tilespmem:s6+$0x20C0]  }
0x1e8: {  	v2 =	vld [tilespmem:s6+$0x20D0]  }
0x1e9: {  	v1 =	vld [tilespmem:s6+$0x20E0]  }
0x1ea: {  	v0 =	vld [tilespmem:s6+$0x20F0]  }
0x1eb: {  	v16 =	vld [tilespmem:s6+$0x14C00]  }
0x1ec: {  	v17 =	vld [tilespmem:s6+$0x14C10]  }
0x1ed: {  	v18 =	vld [tilespmem:s6+$0x14C20]  }
0x1ee: {  	v19 =	vld [tilespmem:s6+$0x14C30]  }
0x1ef: {  	v20 =	vld [tilespmem:s6+$0x14C40]  }
0x1f0: {  	v12 =	vadd.f32 v12, v16;
	v16 =	vld [tilespmem:s6+$0x14C50]  }
0x1f1: {  	v6 =	vadd.f32 v6, v17;
	v17 =	vld [tilespmem:s6+$0x14C60]  }
0x1f2: {  	[tilespmem:s6+$0x14C00] =	vst v12;
	v8 =	vadd.f32 v8, v18;
	v12 =	vld [tilespmem:s6+$0x14C70]  }
0x1f3: {  	[tilespmem:s6+$0x14C10] =	vst v6;
	v6 =	vadd.f32 v9, v19;
	v9 =	vld [tilespmem:s6+$0x14C80]  }
0x1f4: {  	[tilespmem:s6+$0x14C20] =	vst v8;
	v8 =	vadd.f32 v10, v20;
	v10 =	vld [tilespmem:s6+$0x14C90]  }
.Ltmp6:
0x1f5: {  	[tilespmem:s6+$0x14C30] =	vst v6;
	v16 =	vadd.f32 v7, v16;
	v7 =	vld [tilespmem:s6+$0x14CA0];
	(pc) =	sbr.rel @p0 .LBB2_14-.Ltmp6, $4  }
0x1f6: {  	[tilespmem:s6+$0x14C40] =	vst v8;
	v11 =	vadd.f32 v11, v17;
	v6 =	vld [tilespmem:s6+$0x14CB0]  }
0x1f7: {  	[tilespmem:s6+$0x14C50] =	vst v16;
	v13 =	vadd.f32 v13, v12;
	v8 =	vld [tilespmem:s6+$0x14CC0]  }
0x1f8: {  	[tilespmem:s6+$0x14C60] =	vst v11;
	v12 =	vadd.f32 v14, v9;
	v9 =	vld [tilespmem:s6+$0x14CD0]  }
0x1f9: {  	s7 =	sadd.s32 $0x400, s7;
	[tilespmem:s6+$0x14C70] =	vst v13;
	v11 =	vadd.f32 v15, v10;
	v10 =	vld [tilespmem:s6+$0x14CE0]  }
0x1fa: {  	[tilespmem:s6+$0x14C80] =	vst v12;
	v5 =	vadd.f32 v5, v7;
	v7 =	vld [tilespmem:s6+$0x14CF0]  }
0x1fb: {  	[tilespmem:s6+$0x14C90] =	vst v11;
	v4 =	vadd.f32 v4, v6  }
0x1fc: {  	[tilespmem:s6+$0x14CA0] =	vst v5;
	v3 =	vadd.f32 v3, v8  }
0x1fd: {  	[tilespmem:s6+$0x14CB0] =	vst v4;
	v2 =	vadd.f32 v2, v9  }
0x1fe: {  	[tilespmem:s6+$0x14CC0] =	vst v3;
	v1 =	vadd.f32 v1, v10  }
0x1ff: {  	[tilespmem:s6+$0x14CD0] =	vst v2;
	v0 =	vadd.f32 v0, v7  }
0x200: {  	[tilespmem:s6+$0x14CE0] =	vst v1  }
0x201: {  	s12 =	rddreg [dreg:$0x7];
	[tilespmem:s6+$0x14CF0] =	vst v0  }
0x202: {  	[hbm4b:s12+s4] =	stream.linear.scatter [tilespmem:s29], [sflag:$0x6], $0x6400, $0x38;
	[tilespmem:$0x1B000] =	vst v63  }
0x203: {  	_ =	swait.ge [sflag:s28], $0x6400  }
0x204: {  	[sflag:s28] =	ssyncset.done $0x0  }
0x205: {  	s13 =	simm.s32 $0x1B80;
	[sflag:s28] =	ssyncadd.s32 $0xFFFF9C00  }
0x206: {  	[tilespmem:s23], [sflag:$0x2] =	stream.indirect.gather [hbm4b:s2+s18], $0x80, s13, s18, $0xb8;
	[tilespmem:$0x1B000] =	vst v63  }
0x207: {  	s21 =	simm.s32 $0x1F80  }
0x208: {  	[tilespmem:s25], [sflag:$0x2] =	stream.indirect.gather [hbm4b:s2+s20], $0x80, s21, s20, $0xb8;
	[tilespmem:$0x1B000] =	vst v63  }
0x209: {  	_ =	swait.ge [sflag:s26], $0x6400  }
0x20a: {  	[sflag:s26] =	ssyncset.done $0x0  }
0x20b: {  	s6 =	simm.s32 $0xF0;
	[sflag:s26] =	ssyncadd.s32 $0xFFFF9C00  }
0x20c: {  	v6 =	vld [tilespmem:s6+$0x1F10]  }
0x20d: {  	v7 =	vld [tilespmem:s6+$0x1F20]  }
0x20e: {  	v8 =	vld [tilespmem:s6+$0x1F30]  }
0x20f: {  	v9 =	vld [tilespmem:s6+$0x1F40]  }
0x210: {  	v10 =	vld [tilespmem:s6+$0x1F50]  }
0x211: {  	v11 =	vld [tilespmem:s6+$0x1F60]  }
0x212: {  	v12 =	vld [tilespmem:s6+$0x1F70]  }
0x213: {  	v13 =	vld [tilespmem:s6+$0x1F80]  }
0x214: {  	v14 =	vld [tilespmem:s6+$0x1F90]  }
0x215: {  	v15 =	vld [tilespmem:s6+$0x1FA0]  }
0x216: {  	v5 =	vld [tilespmem:s6+$0x1FB0]  }
0x217: {  	v4 =	vld [tilespmem:s6+$0x1FC0]  }
0x218: {  	v3 =	vld [tilespmem:s6+$0x1FD0]  }
0x219: {  	v2 =	vld [tilespmem:s6+$0x1FE0]  }
0x21a: {  	v1 =	vld [tilespmem:s6+$0x1FF0]  }
0x21b: {  	v0 =	vld [tilespmem:s6+$0x2000]  }
0x21c: {  	v16 =	vld [tilespmem:s6+$0x8310]  }
0x21d: {  	v17 =	vld [tilespmem:s6+$0x8320]  }
0x21e: {  	v18 =	vld [tilespmem:s6+$0x8330]  }
0x21f: {  	v19 =	vld [tilespmem:s6+$0x8340]  }
0x220: {  	v20 =	vld [tilespmem:s6+$0x8350]  }
0x221: {  	v60 =	vld [tilespmem:s6+$0x8360];
	v6 =	vadd.f32 v6, v16  }
0x222: {  	v21 =	vld [tilespmem:s6+$0x8370];
	v7 =	vadd.f32 v7, v17  }
0x223: {  	v61 =	vld [tilespmem:s6+$0x8380];
	[tilespmem:s6+$0x8310] =	vst v6;
	v6 =	vadd.f32 v8, v18  }
0x224: {  	v62 =	vld [tilespmem:s6+$0x8390];
	[tilespmem:s6+$0x8320] =	vst v7;
	v7 =	vadd.f32 v9, v19  }
0x225: {  	v63 =	vld [tilespmem:s6+$0x83A0];
	[tilespmem:s6+$0x8330] =	vst v6;
	v6 =	vadd.f32 v10, v20  }
0x226: {  	v8 =	vadd.f32 v11, v60;
	[tilespmem:s6+$0x8340] =	vst v7;
	v7 =	vld [tilespmem:s6+$0x83B0]  }
0x227: {  	v9 =	vadd.f32 v12, v21;
	[tilespmem:s6+$0x8350] =	vst v6;
	v6 =	vld [tilespmem:s6+$0x83C0]  }
0x228: {  	[tilespmem:s6+$0x8360] =	vst v8;
	v8 =	vld [tilespmem:s6+$0x83D0];
	v10 =	vadd.f32 v13, v61  }
0x229: {  	v12 =	vadd.f32 v14, v62;
	[tilespmem:s6+$0x8370] =	vst v9;
	v9 =	vld [tilespmem:s6+$0x83E0]  }
0x22a: {  	s7 =	simm.s32 $0x7C0;
	v11 =	vadd.f32 v15, v63;
	[tilespmem:s6+$0x8380] =	vst v10;
	v10 =	vld [tilespmem:s6+$0x83F0]  }
.LBB2_16:
0x22b: {  	s9 =	sshra.s32 s7, $0x2;
	p0 =	sne.s32 s7, $0x18FC0;
	[tilespmem:s6+$0x8390] =	vst v12;
	v5 =	vadd.f32 v5, v7;
	v7 =	vld [tilespmem:s6+$0x8400]  }
0x22c: {  	v12 =	vld [tilespmem:s9+$0x1F10];
	[tilespmem:s6+$0x83A0] =	vst v11;
	v4 =	vadd.f32 v4, v6  }
0x22d: {  	v6 =	vld [tilespmem:s9+$0x1F20];
	[tilespmem:s6+$0x83B0] =	vst v5;
	v3 =	vadd.f32 v3, v8  }
0x22e: {  	v8 =	vld [tilespmem:s9+$0x1F30];
	[tilespmem:s6+$0x83C0] =	vst v4;
	v2 =	vadd.f32 v2, v9  }
0x22f: {  	v9 =	vld [tilespmem:s9+$0x1F40];
	[tilespmem:s6+$0x83D0] =	vst v3;
	v1 =	vadd.f32 v1, v10  }
0x230: {  	v10 =	vld [tilespmem:s9+$0x1F50];
	[tilespmem:s6+$0x83E0] =	vst v2;
	v0 =	vadd.f32 v0, v7  }
0x231: {  	v7 =	vld [tilespmem:s9+$0x1F60];
	[tilespmem:s6+$0x83F0] =	vst v1  }
0x232: {  	v11 =	vld [tilespmem:s9+$0x1F70];
	[tilespmem:s6+$0x8400] =	vst v0;
	s6 =	smov.u32 s9  }
0x233: {  	v13 =	vld [tilespmem:s6+$0x1F80]  }
0x234: {  	v14 =	vld [tilespmem:s6+$0x1F90]  }
0x235: {  	v15 =	vld [tilespmem:s6+$0x1FA0]  }
0x236: {  	v5 =	vld [tilespmem:s6+$0x1FB0]  }
0x237: {  	v4 =	vld [tilespmem:s6+$0x1FC0]  }
0x238: {  	v3 =	vld [tilespmem:s6+$0x1FD0]  }
0x239: {  	v2 =	vld [tilespmem:s6+$0x1FE0]  }
0x23a: {  	v1 =	vld [tilespmem:s6+$0x1FF0]  }
0x23b: {  	v0 =	vld [tilespmem:s6+$0x2000]  }
0x23c: {  	v16 =	vld [tilespmem:s6+$0x8310]  }
0x23d: {  	v17 =	vld [tilespmem:s6+$0x8320]  }
0x23e: {  	v18 =	vld [tilespmem:s6+$0x8330]  }
0x23f: {  	v19 =	vld [tilespmem:s6+$0x8340]  }
0x240: {  	v20 =	vld [tilespmem:s6+$0x8350]  }
0x241: {  	v12 =	vadd.f32 v12, v16;
	v16 =	vld [tilespmem:s6+$0x8360]  }
0x242: {  	v6 =	vadd.f32 v6, v17;
	v17 =	vld [tilespmem:s6+$0x8370]  }
0x243: {  	[tilespmem:s6+$0x8310] =	vst v12;
	v8 =	vadd.f32 v8, v18;
	v12 =	vld [tilespmem:s6+$0x8380]  }
0x244: {  	[tilespmem:s6+$0x8320] =	vst v6;
	v6 =	vadd.f32 v9, v19;
	v9 =	vld [tilespmem:s6+$0x8390]  }
0x245: {  	[tilespmem:s6+$0x8330] =	vst v8;
	v8 =	vadd.f32 v10, v20;
	v10 =	vld [tilespmem:s6+$0x83A0]  }
.Ltmp7:
0x246: {  	[tilespmem:s6+$0x8340] =	vst v6;
	v16 =	vadd.f32 v7, v16;
	v7 =	vld [tilespmem:s6+$0x83B0];
	(pc) =	sbr.rel @p0 .LBB2_16-.Ltmp7, $4  }
0x247: {  	[tilespmem:s6+$0x8350] =	vst v8;
	v11 =	vadd.f32 v11, v17;
	v6 =	vld [tilespmem:s6+$0x83C0]  }
0x248: {  	[tilespmem:s6+$0x8360] =	vst v16;
	v13 =	vadd.f32 v13, v12;
	v8 =	vld [tilespmem:s6+$0x83D0]  }
0x249: {  	[tilespmem:s6+$0x8370] =	vst v11;
	v12 =	vadd.f32 v14, v9;
	v9 =	vld [tilespmem:s6+$0x83E0]  }
0x24a: {  	s7 =	sadd.s32 $0x400, s7;
	[tilespmem:s6+$0x8380] =	vst v13;
	v11 =	vadd.f32 v15, v10;
	v10 =	vld [tilespmem:s6+$0x83F0]  }
0x24b: {  	[tilespmem:s6+$0x8390] =	vst v12;
	v5 =	vadd.f32 v5, v7;
	v7 =	vld [tilespmem:s6+$0x8400]  }
0x24c: {  	[tilespmem:s6+$0x83A0] =	vst v11;
	v4 =	vadd.f32 v4, v6  }
0x24d: {  	[tilespmem:s6+$0x83B0] =	vst v5;
	v3 =	vadd.f32 v3, v8  }
0x24e: {  	[tilespmem:s6+$0x83C0] =	vst v4;
	v2 =	vadd.f32 v2, v9  }
0x24f: {  	[tilespmem:s6+$0x83D0] =	vst v3;
	v1 =	vadd.f32 v1, v10  }
0x250: {  	[tilespmem:s6+$0x83E0] =	vst v2;
	v0 =	vadd.f32 v0, v7  }
0x251: {  	[tilespmem:s6+$0x83F0] =	vst v1  }
0x252: {  	s21 =	simm.s32 $0x0;
	s7 =	rddreg [dreg:$0x8];
	[tilespmem:s6+$0x8400] =	vst v0  }
0x253: {  	[hbm4b:s7+s21] =	stream.linear.scatter [tilespmem:s19], [sflag:$0x4], $0x6400, $0x38;
	[tilespmem:$0x1B000] =	vst v63  }
0x254: {  	_ =	swait.ge [sflag:s30], $0x6400  }
0x255: {  	[sflag:s30] =	ssyncset.done $0x0  }
0x256: {  	[sflag:s30] =	ssyncadd.s32 $0xFFFF9C00  }
0x257: {  	_ =	swait.ge [sflag:s0], $0x6400  }
0x258: {  	[sflag:s0] =	ssyncset.done $0x0  }
0x259: {  	s6 =	simm.s32 $0x0;
	[sflag:s0] =	ssyncadd.s32 $0xFFFF9C00  }
0x25a: {  	v6 =	vld [tilespmem:s6+$0x2000]  }
0x25b: {  	v7 =	vld [tilespmem:s6+$0x2010]  }
0x25c: {  	v8 =	vld [tilespmem:s6+$0x2020]  }
0x25d: {  	v9 =	vld [tilespmem:s6+$0x2030]  }
0x25e: {  	v10 =	vld [tilespmem:s6+$0x2040]  }
0x25f: {  	v11 =	vld [tilespmem:s6+$0x2050]  }
0x260: {  	v12 =	vld [tilespmem:s6+$0x2060]  }
0x261: {  	v13 =	vld [tilespmem:s6+$0x2070]  }
0x262: {  	v14 =	vld [tilespmem:s6+$0x2080]  }
0x263: {  	v15 =	vld [tilespmem:s6+$0x2090]  }
0x264: {  	v5 =	vld [tilespmem:s6+$0x20A0]  }
0x265: {  	v4 =	vld [tilespmem:s6+$0x20B0]  }
0x266: {  	v3 =	vld [tilespmem:s6+$0x20C0]  }
0x267: {  	v2 =	vld [tilespmem:s6+$0x20D0]  }
0x268: {  	v1 =	vld [tilespmem:s6+$0x20E0]  }
0x269: {  	v0 =	vld [tilespmem:s6+$0x20F0]  }
0x26a: {  	v16 =	vld [tilespmem:s6+$0xE800]  }
0x26b: {  	v17 =	vld [tilespmem:s6+$0xE810]  }
0x26c: {  	v18 =	vld [tilespmem:s6+$0xE820]  }
0x26d: {  	v19 =	vld [tilespmem:s6+$0xE830]  }
0x26e: {  	v20 =	vld [tilespmem:s6+$0xE840]  }
0x26f: {  	v60 =	vld [tilespmem:s6+$0xE850];
	v6 =	vadd.f32 v6, v16  }
0x270: {  	v21 =	vld [tilespmem:s6+$0xE860];
	v7 =	vadd.f32 v7, v17  }
0x271: {  	v61 =	vld [tilespmem:s6+$0xE870];
	[tilespmem:s6+$0xE800] =	vst v6;
	v6 =	vadd.f32 v8, v18  }
0x272: {  	v62 =	vld [tilespmem:s6+$0xE880];
	[tilespmem:s6+$0xE810] =	vst v7;
	v7 =	vadd.f32 v9, v19  }
0x273: {  	v63 =	vld [tilespmem:s6+$0xE890];
	[tilespmem:s6+$0xE820] =	vst v6;
	v6 =	vadd.f32 v10, v20  }
0x274: {  	v8 =	vadd.f32 v11, v60;
	[tilespmem:s6+$0xE830] =	vst v7;
	v7 =	vld [tilespmem:s6+$0xE8A0]  }
0x275: {  	v9 =	vadd.f32 v12, v21;
	[tilespmem:s6+$0xE840] =	vst v6;
	v6 =	vld [tilespmem:s6+$0xE8B0]  }
0x276: {  	[tilespmem:s6+$0xE850] =	vst v8;
	v8 =	vld [tilespmem:s6+$0xE8C0];
	v10 =	vadd.f32 v13, v61  }
0x277: {  	v12 =	vadd.f32 v14, v62;
	[tilespmem:s6+$0xE860] =	vst v9;
	v9 =	vld [tilespmem:s6+$0xE8D0]  }
0x278: {  	s7 =	simm.s32 $0x400;
	v11 =	vadd.f32 v15, v63;
	[tilespmem:s6+$0xE870] =	vst v10;
	v10 =	vld [tilespmem:s6+$0xE8E0]  }
.LBB2_18:
0x279: {  	s9 =	sshra.s32 s7, $0x2;
	p0 =	sne.s32 s7, $0x18C00;
	[tilespmem:s6+$0xE880] =	vst v12;
	v5 =	vadd.f32 v5, v7;
	v7 =	vld [tilespmem:s6+$0xE8F0]  }
0x27a: {  	v12 =	vld [tilespmem:s9+$0x2000];
	[tilespmem:s6+$0xE890] =	vst v11;
	v4 =	vadd.f32 v4, v6  }
0x27b: {  	v6 =	vld [tilespmem:s9+$0x2010];
	[tilespmem:s6+$0xE8A0] =	vst v5;
	v3 =	vadd.f32 v3, v8  }
0x27c: {  	v8 =	vld [tilespmem:s9+$0x2020];
	[tilespmem:s6+$0xE8B0] =	vst v4;
	v2 =	vadd.f32 v2, v9  }
0x27d: {  	v9 =	vld [tilespmem:s9+$0x2030];
	[tilespmem:s6+$0xE8C0] =	vst v3;
	v1 =	vadd.f32 v1, v10  }
0x27e: {  	v10 =	vld [tilespmem:s9+$0x2040];
	[tilespmem:s6+$0xE8D0] =	vst v2;
	v0 =	vadd.f32 v0, v7  }
0x27f: {  	v7 =	vld [tilespmem:s9+$0x2050];
	[tilespmem:s6+$0xE8E0] =	vst v1  }
0x280: {  	v11 =	vld [tilespmem:s9+$0x2060];
	[tilespmem:s6+$0xE8F0] =	vst v0;
	s6 =	smov.u32 s9  }
0x281: {  	v13 =	vld [tilespmem:s6+$0x2070]  }
0x282: {  	v14 =	vld [tilespmem:s6+$0x2080]  }
0x283: {  	v15 =	vld [tilespmem:s6+$0x2090]  }
0x284: {  	v5 =	vld [tilespmem:s6+$0x20A0]  }
0x285: {  	v4 =	vld [tilespmem:s6+$0x20B0]  }
0x286: {  	v3 =	vld [tilespmem:s6+$0x20C0]  }
0x287: {  	v2 =	vld [tilespmem:s6+$0x20D0]  }
0x288: {  	v1 =	vld [tilespmem:s6+$0x20E0]  }
0x289: {  	v0 =	vld [tilespmem:s6+$0x20F0]  }
0x28a: {  	v16 =	vld [tilespmem:s6+$0xE800]  }
0x28b: {  	v17 =	vld [tilespmem:s6+$0xE810]  }
0x28c: {  	v18 =	vld [tilespmem:s6+$0xE820]  }
0x28d: {  	v19 =	vld [tilespmem:s6+$0xE830]  }
0x28e: {  	v20 =	vld [tilespmem:s6+$0xE840]  }
0x28f: {  	v12 =	vadd.f32 v12, v16;
	v16 =	vld [tilespmem:s6+$0xE850]  }
0x290: {  	v6 =	vadd.f32 v6, v17;
	v17 =	vld [tilespmem:s6+$0xE860]  }
0x291: {  	[tilespmem:s6+$0xE800] =	vst v12;
	v8 =	vadd.f32 v8, v18;
	v12 =	vld [tilespmem:s6+$0xE870]  }
0x292: {  	[tilespmem:s6+$0xE810] =	vst v6;
	v6 =	vadd.f32 v9, v19;
	v9 =	vld [tilespmem:s6+$0xE880]  }
0x293: {  	[tilespmem:s6+$0xE820] =	vst v8;
	v8 =	vadd.f32 v10, v20;
	v10 =	vld [tilespmem:s6+$0xE890]  }
.Ltmp8:
0x294: {  	[tilespmem:s6+$0xE830] =	vst v6;
	v16 =	vadd.f32 v7, v16;
	v7 =	vld [tilespmem:s6+$0xE8A0];
	(pc) =	sbr.rel @p0 .LBB2_18-.Ltmp8, $4  }
0x295: {  	[tilespmem:s6+$0xE840] =	vst v8;
	v11 =	vadd.f32 v11, v17;
	v6 =	vld [tilespmem:s6+$0xE8B0]  }
0x296: {  	[tilespmem:s6+$0xE850] =	vst v16;
	v13 =	vadd.f32 v13, v12;
	v8 =	vld [tilespmem:s6+$0xE8C0]  }
0x297: {  	[tilespmem:s6+$0xE860] =	vst v11;
	v12 =	vadd.f32 v14, v9;
	v9 =	vld [tilespmem:s6+$0xE8D0]  }
0x298: {  	s7 =	sadd.s32 $0x400, s7;
	[tilespmem:s6+$0xE870] =	vst v13;
	v11 =	vadd.f32 v15, v10;
	v10 =	vld [tilespmem:s6+$0xE8E0]  }
0x299: {  	[tilespmem:s6+$0xE880] =	vst v12;
	v5 =	vadd.f32 v5, v7;
	v63 =	vld [tilespmem:s6+$0xE8F0]  }
0x29a: {  	[tilespmem:s6+$0xE890] =	vst v11;
	v4 =	vadd.f32 v4, v6  }
0x29b: {  	[tilespmem:s6+$0xE8A0] =	vst v5;
	v3 =	vadd.f32 v3, v8  }
0x29c: {  	[tilespmem:s6+$0xE8B0] =	vst v4;
	v2 =	vadd.f32 v2, v9  }
0x29d: {  	[tilespmem:s6+$0xE8C0] =	vst v3;
	v1 =	vadd.f32 v1, v10  }
0x29e: {  	[tilespmem:s6+$0xE8D0] =	vst v2;
	v0 =	vadd.f32 v0, v63  }
0x29f: {  	[tilespmem:s6+$0xE8E0] =	vst v1  }
0x2a0: {  	s17 =	sadd.s32 $0x1, s17;
	[tilespmem:s6+$0xE8F0] =	vst v0  }
0x2a1: {  	[hbm4b:s14+s4] =	stream.linear.scatter [tilespmem:s23], [sflag:$0x5], $0x6400, $0x38;
	[tilespmem:$0x1B000] =	vst v63  }
0x2a2: {  	p0 =	sne.s32 s17, s15;
	_ =	swait.ge [sflag:s1], $0x6400  }
.Ltmp9:
0x2a3: {  	[sflag:s1] =	ssyncset.done $0x0;
	(pc) =	sbr.rel @p0 .LBB2_1-.Ltmp9, $4  }
0x2a4: {  	[sflag:s1] =	ssyncadd.s32 $0xFFFF9C00  }
0x2a5: {  	_ =	swait.ge [sflag:s28], $0x6400  }
0x2a6: {  	[sflag:s28] =	ssyncset.done $0x0  }
0x2a7: {  	[sflag:s28] =	ssyncadd.s32 $0xFFFF9C00  }
0x2a8: {  	_ =	sfence.sel $0x180000  }
0x2a9: {  	[bflag:$0x0] =	sbarrier.arrive $0xFFFF  }
0x2aa: {  	_ =	strace $0x90000047  }
0x2ab: {  	s0 =	stileid.u32;
	[bflag:$0x2] =	sbarrier.arrive $0xFFFF  }
0x2ac: {  	p0 =	sne.s32 s0, $0x0;
	s0 =	rddreg [dreg:$0x3]  }
0x2ad: {  	s0 =	sadd.s32 @!p0 $0x100000, s0  }
0x2ae: {  	[sflag:s0] =	ssyncadd.tile.s32 @!p0 $0x1;
	_ =	shalt  }
.Lfunc_end2:
_tile_overlayer_lowered:
.L_overlay_start_2:
0x2af: {  	(tag) =	ssettag $0x2  }
0x2b0: {  	s0 =	rddreg [dreg:$0x0];
	s2 =	stileid.u32  }
0x2b1: {  	s1 =	rddreg [dreg:$0x1];
	p0 =	sne.s32 s2, $0x0  }
0x2b2: {  	s3 =	rddreg [dreg:$0x2];
	[bflag:$0x3] =	sbarrier.arrive $0xFFFF;
	s2 =	simm.s32 @!p0 $0x1C07  }
0x2b3: {  	[timem:s3], [sflag:s2] =	dma.local @!p0 [hbm:s0], s1  }
0x2b4: {  	s0 =	simm.s32 @!p0 $0x7  }
0x2b5: {  	_ =	swait.ge @!p0 [sflag:s0], s1  }
0x2b6: {  	s1 =	ssub.s32 @!p0 $0x0, s1;
	[sflag:s0] =	ssyncset.done @!p0 $0x0  }
0x2b7: {  	[sflag:s0] =	ssyncadd.s32 @!p0 s1  }
0x2b8: {  	[bflag:$0x3] =	sbarrier.arrive $0xFFFF  }
0x2b9: {  	_ =	shalt  }

</sc_bundles>
